<compile_context>
chip_gen: v7x
topology: tpu7x:2x2x1
jax: 0.10.2.dev20260603
libtpu: 0.0.44.dev20260713+nightly
codegen_flags: <defaults>
</compile_context>

<pallas_src>
import functools

import jax
import jax.numpy as jnp
from jax import lax
from jax.experimental import pallas as pl
from jax.experimental.pallas import tpu as pltpu
from jax.experimental.pallas import tpu_sc as plsc

CLS_NUM = 100000
FEATURE_DIM = 64
BATCH = 16384

_NC = 2
_NS = 16
_NW = _NC * _NS
_BPW = BATCH // _NW
_CB = 2048
_QBLK = 13
_Q = _QBLK * _CB

_FPW = _BPW // 2
_FGRP = 16


def _pack_pair(lo, hi):
    ul = lax.bitcast_convert_type(lo.astype(jnp.bfloat16), jnp.uint16)
    uh = lax.bitcast_convert_type(hi.astype(jnp.bfloat16), jnp.uint16)
    w = (uh.astype(jnp.uint32) << 16) | ul.astype(jnp.uint32)
    return lax.bitcast_convert_type(w, jnp.int32)


def _quad_body(x0_ref, x1_ref, x2_ref, x3_ref, out_ref):
    parts = []
    for r in (x0_ref, x1_ref, x2_ref, x3_ref):
        x = r[...]
        parts.append(_pack_pair(x[:32, :], x[32:, :]))
    out_ref[...] = jnp.concatenate(parts, axis=0).T


def _make_quad_table(ct):
    specs = [
        pl.BlockSpec(
            (FEATURE_DIM, _CB),
            functools.partial(
                lambda s, i: (0, jnp.minimum(i + _QBLK * s, 48)), s
            ),
        )
        for s in range(4)
    ]
    return pl.pallas_call(
        _quad_body,
        grid=(_QBLK,),
        in_specs=specs,
        out_specs=pl.BlockSpec((_CB, 128), lambda i: (i, 0)),
        out_shape=jax.ShapeDtypeStruct((_QBLK * _CB, 128), jnp.int32),
    )(ct, ct, ct, ct)


def _fpack_body(x_ref, out_ref):
    x = x_ref[...]
    n2 = jnp.sum(x * x, axis=0, keepdims=True)
    inv = lax.rsqrt(jnp.maximum(n2, 1e-24))
    xh = x * inv
    parts = []
    for a in range(_FGRP):
        xa = xh[:, a * _BPW:(a + 1) * _BPW]
        parts.append(
            jnp.concatenate([xa[:, :_FPW], xa[:, _FPW:]], axis=0).T
        )
    out_ref[...] = jnp.concatenate(parts, axis=0)


def _make_fpack(ft):
    return pl.pallas_call(
        _fpack_body,
        grid=(_NW // _FGRP,),
        in_specs=[pl.BlockSpec((FEATURE_DIM, _FGRP * _BPW), lambda i: (0, i))],
        out_specs=pl.BlockSpec((_FGRP * _FPW, 128), lambda i: (i, 0)),
        out_shape=jax.ShapeDtypeStruct((_NW * _FPW, 128), jnp.float32),
    )(ft)


def _sc_loss_body(labels_hbm, tab_hbm, fpack_hbm, out_hbm,
                  lab_v, jbuf, rows_v, fblk, accbuf, sem):
    wid = lax.axis_index("s") * _NC + lax.axis_index("c")
    base = wid * _BPW
    pltpu.sync_copy(labels_hbm.at[pl.ds(base, _BPW)], lab_v)
    pltpu.sync_copy(fpack_hbm.at[pl.ds(wid * _FPW, _FPW)], fblk)
    for g in range(_BPW // 16):
        lv = lab_v[pl.ds(16 * g, 16)]
        s = (
            jnp.where(lv >= _Q, 1, 0)
            + jnp.where(lv >= 2 * _Q, 1, 0)
            + jnp.where(lv >= 3 * _Q, 1, 0)
        ).astype(jnp.int32)
        jbuf[pl.ds(16 * g, 16)] = 4 * (lv - _Q * s) + s
    pltpu.async_copy(tab_hbm.at[jbuf], rows_v, sem).wait()

    def group(g, acc):
        f_base = 64 * (g // 16)
        for j in range(16):
            crow = 16 * g + j
            frow = 16 * (g % 16) + j
            for m in range(2):
                w = rows_v[crow, pl.ds(16 * m, 16)]
                wu = lax.bitcast_convert_type(w, jnp.uint32)
                clo = lax.bitcast_convert_type(wu << 16, jnp.float32)
                chi = lax.bitcast_convert_type(
                    wu & jnp.uint32(0xFFFF0000), jnp.float32)
                flo = fblk[frow, pl.ds(f_base + 16 * m, 16)]
                fhi = fblk[frow, pl.ds(f_base + 32 + 16 * m, 16)]
                dlo = flo - clo
                dhi = fhi - chi
                acc = acc + dlo * dlo
                acc = acc + dhi * dhi
        return acc

    acc = lax.fori_loop(0, _BPW // 16, group, jnp.zeros((16,), jnp.float32))
    accbuf[...] = acc
    pltpu.sync_copy(accbuf, out_hbm.at[wid])


@functools.cache
def _sc_loss():
    return pl.kernel(
        _sc_loss_body,
        out_type=jax.ShapeDtypeStruct((_NW, 16), jnp.float32),
        mesh=plsc.VectorSubcoreMesh(core_axis_name="c", subcore_axis_name="s"),
        scratch_types=[
            pltpu.VMEM((_BPW,), jnp.int32),
            pltpu.VMEM((_BPW,), jnp.int32),
            pltpu.VMEM((_BPW, 32), jnp.int32),
            pltpu.VMEM((_FPW, 128), jnp.float32),
            pltpu.VMEM((16,), jnp.float32),
            pltpu.SemaphoreType.DMA,
        ],
        compiler_params=pltpu.CompilerParams(use_tc_tiling_on_sc=False),
    )


def kernel(features, labels, centers):
    tab = _make_quad_table(centers.T)
    tab32 = jnp.reshape(tab, (4 * _QBLK * _CB, 32))
    fpack = _make_fpack(features.T)
    partials = _sc_loss()(labels.astype(jnp.int32), tab32, fpack)
    return jnp.sum(partials) * (0.5 / BATCH)

# --- scband reference (transcript-rebuilt; emitter-appended) ---
"""Pipeline reference for scband-center-loss-net-52656299049440 (READ-ONLY COPY).

The authoritative reference and input builder live on the scoring server;
editing this copy changes nothing except your own understanding.
"""

import jax, jax.numpy as jnp
import numpy as np

CLS_NUM = 100000
FEATURE_DIM = 64
BATCH = 16384

def setup_inputs(seed: int = 0) -> dict:
    key = jax.random.key(seed)
    k1, k2, k3 = jax.random.split(key, 3)
    features = jax.random.normal(k1, (BATCH, FEATURE_DIM), dtype=jnp.float32)
    labels = jax.random.randint(k2, (BATCH,), 0, CLS_NUM, dtype=jnp.int64)
    centers = jax.random.normal(k3, (CLS_NUM, FEATURE_DIM), dtype=jnp.float32)
    return {"features": features, "labels": labels, "centers": centers}

def reference(features, labels, centers):
    # F.normalize: x / max(||x||_2, eps) along dim=1, eps=1e-12
    norm = jnp.linalg.norm(features, axis=1, keepdims=True)
    _features = features / jnp.maximum(norm, 1e-12)
    centers_batch = jnp.take(centers, labels, axis=0)
    loss = jnp.sum(jnp.square(_features - centers_batch)) / 2.0 / features.shape[0]
    return loss

if __name__ == "__main__":
    import jax
    _d = setup_inputs()
    print(jax.jit(kernel)(*tuple(_d.values())))

</pallas_src>

<mosaic_0001>
#map = affine_map<(d0, d1) -> (0)>
#map1 = affine_map<(d0, d1) -> (0, 0)>
module attributes {stable_mosaic.version = 14 : i64} {
  func.func @_sc_loss_body(%arg0: i32, %arg1: i32, %arg2: memref<16384xi32, #tpu.memory_space<hbm>>, %arg3: memref<106496x32xi32, #tpu.memory_space<hbm>>, %arg4: memref<8192x128xf32, #tpu.memory_space<hbm>>, %arg5: memref<32x16xf32, #tpu.memory_space<hbm>>, %arg6: memref<512xi32, #tpu.memory_space<vmem>>, %arg7: memref<512xi32, #tpu.memory_space<vmem>>, %arg8: memref<512x32xi32, #tpu.memory_space<vmem>>, %arg9: memref<256x128xf32, #tpu.memory_space<vmem>>, %arg10: memref<16xf32, #tpu.memory_space<vmem>>, %arg11: memref<!tpu.dma_semaphore, #tpu.memory_space<semaphore_mem>>) attributes {dimension_semantics = [#tpu.dimension_semantics<core_parallel>, #tpu.dimension_semantics<subcore_parallel>], iteration_bounds = array<i64: 2, 16>, scalar_prefetch = 0 : i64, scratch_operands = 6 : i64, tpu.core_type = #tpu.core_type<sc_vector_subcore>, window_params = [{transform_indices = #map}, {transform_indices = #map1}, {transform_indices = #map1}, {transform_indices = #map1}]} {
    %mul3A = arith.constant 2 : i32
    %mul3A_0 = arith.muli %arg1, %mul3A : i32
    %add3A = arith.addi %mul3A_0, %arg0 : i32
    %mul3A_1 = arith.constant 512 : i32
    %mul3A_2 = arith.muli %add3A, %mul3A_1 : i32
    "tpu.region"() ({
      %run_scoped3A = tpu.sem_alloc : memref<!tpu.dma_semaphore, #tpu.memory_space<semaphore_mem>>
      %dma_start3A_1325 = tpu.memref_slice %arg2[%mul3A_2] : memref<16384xi32, #tpu.memory_space<hbm>> -> memref<512xi32, #tpu.memory_space<hbm>>
      %dma_start3A_1326 = tpu.memref_slice %arg2[%mul3A_2] : memref<16384xi32, #tpu.memory_space<hbm>> -> memref<512xi32, #tpu.memory_space<hbm>>
      tpu.enqueue_dma source(%dma_start3A_1326 : memref<512xi32, #tpu.memory_space<hbm>>) target(%arg6 : memref<512xi32, #tpu.memory_space<vmem>>) target_semaphore(%run_scoped3A : memref<!tpu.dma_semaphore, #tpu.memory_space<semaphore_mem>>)
      %dma_wait3A_1327 = tpu.memref_slice %arg2[%mul3A_2] : memref<16384xi32, #tpu.memory_space<hbm>> -> memref<512xi32, #tpu.memory_space<hbm>>
      %dma_wait3A_1328 = tpu.memref_slice %arg2[%mul3A_2] : memref<16384xi32, #tpu.memory_space<hbm>> -> memref<512xi32, #tpu.memory_space<hbm>>
      tpu.wait_dma2 semaphore(%run_scoped3A : memref<!tpu.dma_semaphore, #tpu.memory_space<semaphore_mem>>) src(%dma_wait3A_1328 : memref<512xi32, #tpu.memory_space<hbm>>) dst(%arg6 : memref<512xi32, #tpu.memory_space<vmem>>)
      tpu.yield
    }) : () -> ()
    %mul3A_3 = arith.constant 256 : i32
    %mul3A_4 = arith.muli %add3A, %mul3A_3 : i32
    "tpu.region"() ({
      %run_scoped3A = tpu.sem_alloc : memref<!tpu.dma_semaphore, #tpu.memory_space<semaphore_mem>>
      %dma_start3A_1325 = arith.constant 0 : i32
      %dma_start3A_1326 = tpu.memref_slice %arg4[%mul3A_4, %dma_start3A_1325] : memref<8192x128xf32, #tpu.memory_space<hbm>> -> memref<256x128xf32, #tpu.memory_space<hbm>>
      %dma_start3A_1327 = arith.constant 0 : i32
      %dma_start3A_1328 = tpu.memref_slice %arg4[%mul3A_4, %dma_start3A_1327] : memref<8192x128xf32, #tpu.memory_space<hbm>> -> memref<256x128xf32, #tpu.memory_space<hbm>>
      tpu.enqueue_dma source(%dma_start3A_1328 : memref<256x128xf32, #tpu.memory_space<hbm>>) target(%arg9 : memref<256x128xf32, #tpu.memory_space<vmem>>) target_semaphore(%run_scoped3A : memref<!tpu.dma_semaphore, #tpu.memory_space<semaphore_mem>>)
      %dma_wait3A_1329 = arith.constant 0 : i32
      %dma_wait3A_1330 = tpu.memref_slice %arg4[%mul3A_4, %dma_wait3A_1329] : memref<8192x128xf32, #tpu.memory_space<hbm>> -> memref<256x128xf32, #tpu.memory_space<hbm>>
      %dma_wait3A_1331 = arith.constant 0 : i32
      %dma_wait3A_1332 = tpu.memref_slice %arg4[%mul3A_4, %dma_wait3A_1331] : memref<8192x128xf32, #tpu.memory_space<hbm>> -> memref<256x128xf32, #tpu.memory_space<hbm>>
      tpu.wait_dma2 semaphore(%run_scoped3A : memref<!tpu.dma_semaphore, #tpu.memory_space<semaphore_mem>>) src(%dma_wait3A_1332 : memref<256x128xf32, #tpu.memory_space<hbm>>) dst(%arg9 : memref<256x128xf32, #tpu.memory_space<vmem>>)
      tpu.yield
    }) : () -> ()
    %get3A = arith.constant 0 : index
    %get3A_5 = tpu.vector_load %arg6[%get3A] {strides = array<i32>} : memref<512xi32, #tpu.memory_space<vmem>>, vector<16xi32>,
    %get3A_6 = vector.shape_cast %get3A_5 : vector<16xi32> to vector<16xi32>
    %ge3A = arith.constant 26624 : i32
    %ge3A_7 = vector.broadcast %ge3A : i32 to vector<16xi32>
    %ge3A_8 = arith.cmpi sge, %get3A_6, %ge3A_7 : vector<16xi32>
    %jit3A = arith.constant 1 : i32
    %jit3A_9 = arith.constant 0 : i32
    %broadcast_in_dim3A = vector.broadcast %jit3A : i32 to vector<16xi32>
    %broadcast_in_dim3A_10 = vector.broadcast %jit3A_9 : i32 to vector<16xi32>
    %select_n3A = arith.select %ge3A_8, %broadcast_in_dim3A, %broadcast_in_dim3A_10 : vector<16xi1>, vector<16xi32>
    %ge3A_11 = arith.constant 53248 : i32
    %ge3A_12 = vector.broadcast %ge3A_11 : i32 to vector<16xi32>
    %ge3A_13 = arith.cmpi sge, %get3A_6, %ge3A_12 : vector<16xi32>
    %jit3A_14 = arith.constant 1 : i32
    %jit3A_15 = arith.constant 0 : i32
    %broadcast_in_dim3A_16 = vector.broadcast %jit3A_14 : i32 to vector<16xi32>
    %broadcast_in_dim3A_17 = vector.broadcast %jit3A_15 : i32 to vector<16xi32>
    %select_n3A_18 = arith.select %ge3A_13, %broadcast_in_dim3A_16, %broadcast_in_dim3A_17 : vector<16xi1>, vector<16xi32>
    %add3A_19 = arith.addi %select_n3A, %select_n3A_18 : vector<16xi32>
    %ge3A_20 = arith.constant 79872 : i32
    %ge3A_21 = vector.broadcast %ge3A_20 : i32 to vector<16xi32>
    %ge3A_22 = arith.cmpi sge, %get3A_6, %ge3A_21 : vector<16xi32>
    %jit3A_23 = arith.constant 1 : i32
    %jit3A_24 = arith.constant 0 : i32
    %broadcast_in_dim3A_25 = vector.broadcast %jit3A_23 : i32 to vector<16xi32>
    %broadcast_in_dim3A_26 = vector.broadcast %jit3A_24 : i32 to vector<16xi32>
    %select_n3A_27 = arith.select %ge3A_22, %broadcast_in_dim3A_25, %broadcast_in_dim3A_26 : vector<16xi1>, vector<16xi32>
    %add3A_28 = arith.addi %add3A_19, %select_n3A_27 : vector<16xi32>
    %mul3A_29 = arith.constant 26624 : i32
    %mul3A_30 = vector.broadcast %mul3A_29 : i32 to vector<16xi32>
    %mul3A_31 = arith.muli %mul3A_30, %add3A_28 : vector<16xi32>
    %sub3A = arith.subi %get3A_6, %mul3A_31 : vector<16xi32>
    %mul3A_32 = arith.constant 4 : i32
    %mul3A_33 = vector.broadcast %mul3A_32 : i32 to vector<16xi32>
    %mul3A_34 = arith.muli %mul3A_33, %sub3A : vector<16xi32>
    %add3A_35 = arith.addi %mul3A_34, %add3A_28 : vector<16xi32>
    %swap3A = arith.constant 0 : index
    %swap3A_36 = tpu.vector_load %arg7[%swap3A] {strides = array<i32>} : memref<512xi32, #tpu.memory_space<vmem>>, vector<16xi32>,
    %swap3A_37 = vector.shape_cast %swap3A_36 : vector<16xi32> to vector<16xi32>
    %swap3A_38 = vector.shape_cast %add3A_35 : vector<16xi32> to vector<16xi32>
    tpu.vector_store %arg7[%swap3A], %swap3A_38 {strides = array<i32>} : memref<512xi32, #tpu.memory_space<vmem>>, vector<16xi32>,
    %get3A_39 = arith.constant 16 : index
    %get3A_40 = tpu.vector_load %arg6[%get3A_39] {strides = array<i32>} : memref<512xi32, #tpu.memory_space<vmem>>, vector<16xi32>,
    %get3A_41 = vector.shape_cast %get3A_40 : vector<16xi32> to vector<16xi32>
    %ge3A_42 = arith.constant 26624 : i32
    %ge3A_43 = vector.broadcast %ge3A_42 : i32 to vector<16xi32>
    %ge3A_44 = arith.cmpi sge, %get3A_41, %ge3A_43 : vector<16xi32>
    %jit3A_45 = arith.constant 1 : i32
    %jit3A_46 = arith.constant 0 : i32
    %broadcast_in_dim3A_47 = vector.broadcast %jit3A_45 : i32 to vector<16xi32>
    %broadcast_in_dim3A_48 = vector.broadcast %jit3A_46 : i32 to vector<16xi32>
    %select_n3A_49 = arith.select %ge3A_44, %broadcast_in_dim3A_47, %broadcast_in_dim3A_48 : vector<16xi1>, vector<16xi32>
    %ge3A_50 = arith.constant 53248 : i32
    %ge3A_51 = vector.broadcast %ge3A_50 : i32 to vector<16xi32>
    %ge3A_52 = arith.cmpi sge, %get3A_41, %ge3A_51 : vector<16xi32>
    %jit3A_53 = arith.constant 1 : i32
    %jit3A_54 = arith.constant 0 : i32
    %broadcast_in_dim3A_55 = vector.broadcast %jit3A_53 : i32 to vector<16xi32>
    %broadcast_in_dim3A_56 = vector.broadcast %jit3A_54 : i32 to vector<16xi32>
    %select_n3A_57 = arith.select %ge3A_52, %broadcast_in_dim3A_55, %broadcast_in_dim3A_56 : vector<16xi1>, vector<16xi32>
    %add3A_58 = arith.addi %select_n3A_49, %select_n3A_57 : vector<16xi32>
    %ge3A_59 = arith.constant 79872 : i32
    %ge3A_60 = vector.broadcast %ge3A_59 : i32 to vector<16xi32>
    %ge3A_61 = arith.cmpi sge, %get3A_41, %ge3A_60 : vector<16xi32>
    %jit3A_62 = arith.constant 1 : i32
    %jit3A_63 = arith.constant 0 : i32
    %broadcast_in_dim3A_64 = vector.broadcast %jit3A_62 : i32 to vector<16xi32>
    %broadcast_in_dim3A_65 = vector.broadcast %jit3A_63 : i32 to vector<16xi32>
    %select_n3A_66 = arith.select %ge3A_61, %broadcast_in_dim3A_64, %broadcast_in_dim3A_65 : vector<16xi1>, vector<16xi32>
    %add3A_67 = arith.addi %add3A_58, %select_n3A_66 : vector<16xi32>
    %mul3A_68 = arith.constant 26624 : i32
    %mul3A_69 = vector.broadcast %mul3A_68 : i32 to vector<16xi32>
    %mul3A_70 = arith.muli %mul3A_69, %add3A_67 : vector<16xi32>
    %sub3A_71 = arith.subi %get3A_41, %mul3A_70 : vector<16xi32>
    %mul3A_72 = arith.constant 4 : i32
    %mul3A_73 = vector.broadcast %mul3A_72 : i32 to vector<16xi32>
    %mul3A_74 = arith.muli %mul3A_73, %sub3A_71 : vector<16xi32>
    %add3A_75 = arith.addi %mul3A_74, %add3A_67 : vector<16xi32>
    %swap3A_76 = arith.constant 16 : index
    %swap3A_77 = tpu.vector_load %arg7[%swap3A_76] {strides = array<i32>} : memref<512xi32, #tpu.memory_space<vmem>>, vector<16xi32>,
    %swap3A_78 = vector.shape_cast %swap3A_77 : vector<16xi32> to vector<16xi32>
    %swap3A_79 = vector.shape_cast %add3A_75 : vector<16xi32> to vector<16xi32>
    tpu.vector_store %arg7[%swap3A_76], %swap3A_79 {strides = array<i32>} : memref<512xi32, #tpu.memory_space<vmem>>, vector<16xi32>,
    %get3A_80 = arith.constant 32 : index
    %get3A_81 = tpu.vector_load %arg6[%get3A_80] {strides = array<i32>} : memref<512xi32, #tpu.memory_space<vmem>>, vector<16xi32>,
    %get3A_82 = vector.shape_cast %get3A_81 : vector<16xi32> to vector<16xi32>
    %ge3A_83 = arith.constant 26624 : i32
    %ge3A_84 = vector.broadcast %ge3A_83 : i32 to vector<16xi32>
    %ge3A_85 = arith.cmpi sge, %get3A_82, %ge3A_84 : vector<16xi32>
    %jit3A_86 = arith.constant 1 : i32
    %jit3A_87 = arith.constant 0 : i32
    %broadcast_in_dim3A_88 = vector.broadcast %jit3A_86 : i32 to vector<16xi32>
    %broadcast_in_dim3A_89 = vector.broadcast %jit3A_87 : i32 to vector<16xi32>
    %select_n3A_90 = arith.select %ge3A_85, %broadcast_in_dim3A_88, %broadcast_in_dim3A_89 : vector<16xi1>, vector<16xi32>
    %ge3A_91 = arith.constant 53248 : i32
    %ge3A_92 = vector.broadcast %ge3A_91 : i32 to vector<16xi32>
    %ge3A_93 = arith.cmpi sge, %get3A_82, %ge3A_92 : vector<16xi32>
    %jit3A_94 = arith.constant 1 : i32
    %jit3A_95 = arith.constant 0 : i32
    %broadcast_in_dim3A_96 = vector.broadcast %jit3A_94 : i32 to vector<16xi32>
    %broadcast_in_dim3A_97 = vector.broadcast %jit3A_95 : i32 to vector<16xi32>
    %select_n3A_98 = arith.select %ge3A_93, %broadcast_in_dim3A_96, %broadcast_in_dim3A_97 : vector<16xi1>, vector<16xi32>
    %add3A_99 = arith.addi %select_n3A_90, %select_n3A_98 : vector<16xi32>
    %ge3A_100 = arith.constant 79872 : i32
    %ge3A_101 = vector.broadcast %ge3A_100 : i32 to vector<16xi32>
    %ge3A_102 = arith.cmpi sge, %get3A_82, %ge3A_101 : vector<16xi32>
    %jit3A_103 = arith.constant 1 : i32
    %jit3A_104 = arith.constant 0 : i32
    %broadcast_in_dim3A_105 = vector.broadcast %jit3A_103 : i32 to vector<16xi32>
    %broadcast_in_dim3A_106 = vector.broadcast %jit3A_104 : i32 to vector<16xi32>
    %select_n3A_107 = arith.select %ge3A_102, %broadcast_in_dim3A_105, %broadcast_in_dim3A_106 : vector<16xi1>, vector<16xi32>
    %add3A_108 = arith.addi %add3A_99, %select_n3A_107 : vector<16xi32>
    %mul3A_109 = arith.constant 26624 : i32
    %mul3A_110 = vector.broadcast %mul3A_109 : i32 to vector<16xi32>
    %mul3A_111 = arith.muli %mul3A_110, %add3A_108 : vector<16xi32>
    %sub3A_112 = arith.subi %get3A_82, %mul3A_111 : vector<16xi32>
    %mul3A_113 = arith.constant 4 : i32
    %mul3A_114 = vector.broadcast %mul3A_113 : i32 to vector<16xi32>
    %mul3A_115 = arith.muli %mul3A_114, %sub3A_112 : vector<16xi32>
    %add3A_116 = arith.addi %mul3A_115, %add3A_108 : vector<16xi32>
    %swap3A_117 = arith.constant 32 : index
    %swap3A_118 = tpu.vector_load %arg7[%swap3A_117] {strides = array<i32>} : memref<512xi32, #tpu.memory_space<vmem>>, vector<16xi32>,
    %swap3A_119 = vector.shape_cast %swap3A_118 : vector<16xi32> to vector<16xi32>
    %swap3A_120 = vector.shape_cast %add3A_116 : vector<16xi32> to vector<16xi32>
    tpu.vector_store %arg7[%swap3A_117], %swap3A_120 {strides = array<i32>} : memref<512xi32, #tpu.memory_space<vmem>>, vector<16xi32>,
    %get3A_121 = arith.constant 48 : index
    %get3A_122 = tpu.vector_load %arg6[%get3A_121] {strides = array<i32>} : memref<512xi32, #tpu.memory_space<vmem>>, vector<16xi32>,
    %get3A_123 = vector.shape_cast %get3A_122 : vector<16xi32> to vector<16xi32>
    %ge3A_124 = arith.constant 26624 : i32
    %ge3A_125 = vector.broadcast %ge3A_124 : i32 to vector<16xi32>
    %ge3A_126 = arith.cmpi sge, %get3A_123, %ge3A_125 : vector<16xi32>
    %jit3A_127 = arith.constant 1 : i32
    %jit3A_128 = arith.constant 0 : i32
    %broadcast_in_dim3A_129 = vector.broadcast %jit3A_127 : i32 to vector<16xi32>
    %broadcast_in_dim3A_130 = vector.broadcast %jit3A_128 : i32 to vector<16xi32>
    %select_n3A_131 = arith.select %ge3A_126, %broadcast_in_dim3A_129, %broadcast_in_dim3A_130 : vector<16xi1>, vector<16xi32>
    %ge3A_132 = arith.constant 53248 : i32
    %ge3A_133 = vector.broadcast %ge3A_132 : i32 to vector<16xi32>
    %ge3A_134 = arith.cmpi sge, %get3A_123, %ge3A_133 : vector<16xi32>
    %jit3A_135 = arith.constant 1 : i32
    %jit3A_136 = arith.constant 0 : i32
    %broadcast_in_dim3A_137 = vector.broadcast %jit3A_135 : i32 to vector<16xi32>
    %broadcast_in_dim3A_138 = vector.broadcast %jit3A_136 : i32 to vector<16xi32>
    %select_n3A_139 = arith.select %ge3A_134, %broadcast_in_dim3A_137, %broadcast_in_dim3A_138 : vector<16xi1>, vector<16xi32>
    %add3A_140 = arith.addi %select_n3A_131, %select_n3A_139 : vector<16xi32>
    %ge3A_141 = arith.constant 79872 : i32
    %ge3A_142 = vector.broadcast %ge3A_141 : i32 to vector<16xi32>
    %ge3A_143 = arith.cmpi sge, %get3A_123, %ge3A_142 : vector<16xi32>
    %jit3A_144 = arith.constant 1 : i32
    %jit3A_145 = arith.constant 0 : i32
    %broadcast_in_dim3A_146 = vector.broadcast %jit3A_144 : i32 to vector<16xi32>
    %broadcast_in_dim3A_147 = vector.broadcast %jit3A_145 : i32 to vector<16xi32>
    %select_n3A_148 = arith.select %ge3A_143, %broadcast_in_dim3A_146, %broadcast_in_dim3A_147 : vector<16xi1>, vector<16xi32>
    %add3A_149 = arith.addi %add3A_140, %select_n3A_148 : vector<16xi32>
    %mul3A_150 = arith.constant 26624 : i32
    %mul3A_151 = vector.broadcast %mul3A_150 : i32 to vector<16xi32>
    %mul3A_152 = arith.muli %mul3A_151, %add3A_149 : vector<16xi32>
    %sub3A_153 = arith.subi %get3A_123, %mul3A_152 : vector<16xi32>
    %mul3A_154 = arith.constant 4 : i32
    %mul3A_155 = vector.broadcast %mul3A_154 : i32 to vector<16xi32>
    %mul3A_156 = arith.muli %mul3A_155, %sub3A_153 : vector<16xi32>
    %add3A_157 = arith.addi %mul3A_156, %add3A_149 : vector<16xi32>
    %swap3A_158 = arith.constant 48 : index
    %swap3A_159 = tpu.vector_load %arg7[%swap3A_158] {strides = array<i32>} : memref<512xi32, #tpu.memory_space<vmem>>, vector<16xi32>,
    %swap3A_160 = vector.shape_cast %swap3A_159 : vector<16xi32> to vector<16xi32>
    %swap3A_161 = vector.shape_cast %add3A_157 : vector<16xi32> to vector<16xi32>
    tpu.vector_store %arg7[%swap3A_158], %swap3A_161 {strides = array<i32>} : memref<512xi32, #tpu.memory_space<vmem>>, vector<16xi32>,
    %get3A_162 = arith.constant 64 : index
    %get3A_163 = tpu.vector_load %arg6[%get3A_162] {strides = array<i32>} : memref<512xi32, #tpu.memory_space<vmem>>, vector<16xi32>,
    %get3A_164 = vector.shape_cast %get3A_163 : vector<16xi32> to vector<16xi32>
    %ge3A_165 = arith.constant 26624 : i32
    %ge3A_166 = vector.broadcast %ge3A_165 : i32 to vector<16xi32>
    %ge3A_167 = arith.cmpi sge, %get3A_164, %ge3A_166 : vector<16xi32>
    %jit3A_168 = arith.constant 1 : i32
    %jit3A_169 = arith.constant 0 : i32
    %broadcast_in_dim3A_170 = vector.broadcast %jit3A_168 : i32 to vector<16xi32>
    %broadcast_in_dim3A_171 = vector.broadcast %jit3A_169 : i32 to vector<16xi32>
    %select_n3A_172 = arith.select %ge3A_167, %broadcast_in_dim3A_170, %broadcast_in_dim3A_171 : vector<16xi1>, vector<16xi32>
    %ge3A_173 = arith.constant 53248 : i32
    %ge3A_174 = vector.broadcast %ge3A_173 : i32 to vector<16xi32>
    %ge3A_175 = arith.cmpi sge, %get3A_164, %ge3A_174 : vector<16xi32>
    %jit3A_176 = arith.constant 1 : i32
    %jit3A_177 = arith.constant 0 : i32
    %broadcast_in_dim3A_178 = vector.broadcast %jit3A_176 : i32 to vector<16xi32>
    %broadcast_in_dim3A_179 = vector.broadcast %jit3A_177 : i32 to vector<16xi32>
    %select_n3A_180 = arith.select %ge3A_175, %broadcast_in_dim3A_178, %broadcast_in_dim3A_179 : vector<16xi1>, vector<16xi32>
    %add3A_181 = arith.addi %select_n3A_172, %select_n3A_180 : vector<16xi32>
    %ge3A_182 = arith.constant 79872 : i32
    %ge3A_183 = vector.broadcast %ge3A_182 : i32 to vector<16xi32>
    %ge3A_184 = arith.cmpi sge, %get3A_164, %ge3A_183 : vector<16xi32>
    %jit3A_185 = arith.constant 1 : i32
    %jit3A_186 = arith.constant 0 : i32
    %broadcast_in_dim3A_187 = vector.broadcast %jit3A_185 : i32 to vector<16xi32>
    %broadcast_in_dim3A_188 = vector.broadcast %jit3A_186 : i32 to vector<16xi32>
    %select_n3A_189 = arith.select %ge3A_184, %broadcast_in_dim3A_187, %broadcast_in_dim3A_188 : vector<16xi1>, vector<16xi32>
    %add3A_190 = arith.addi %add3A_181, %select_n3A_189 : vector<16xi32>
    %mul3A_191 = arith.constant 26624 : i32
    %mul3A_192 = vector.broadcast %mul3A_191 : i32 to vector<16xi32>
    %mul3A_193 = arith.muli %mul3A_192, %add3A_190 : vector<16xi32>
    %sub3A_194 = arith.subi %get3A_164, %mul3A_193 : vector<16xi32>
    %mul3A_195 = arith.constant 4 : i32
    %mul3A_196 = vector.broadcast %mul3A_195 : i32 to vector<16xi32>
    %mul3A_197 = arith.muli %mul3A_196, %sub3A_194 : vector<16xi32>
    %add3A_198 = arith.addi %mul3A_197, %add3A_190 : vector<16xi32>
    %swap3A_199 = arith.constant 64 : index
    %swap3A_200 = tpu.vector_load %arg7[%swap3A_199] {strides = array<i32>} : memref<512xi32, #tpu.memory_space<vmem>>, vector<16xi32>,
    %swap3A_201 = vector.shape_cast %swap3A_200 : vector<16xi32> to vector<16xi32>
    %swap3A_202 = vector.shape_cast %add3A_198 : vector<16xi32> to vector<16xi32>
    tpu.vector_store %arg7[%swap3A_199], %swap3A_202 {strides = array<i32>} : memref<512xi32, #tpu.memory_space<vmem>>, vector<16xi32>,
    %get3A_203 = arith.constant 80 : index
    %get3A_204 = tpu.vector_load %arg6[%get3A_203] {strides = array<i32>} : memref<512xi32, #tpu.memory_space<vmem>>, vector<16xi32>,
    %get3A_205 = vector.shape_cast %get3A_204 : vector<16xi32> to vector<16xi32>
    %ge3A_206 = arith.constant 26624 : i32
    %ge3A_207 = vector.broadcast %ge3A_206 : i32 to vector<16xi32>
    %ge3A_208 = arith.cmpi sge, %get3A_205, %ge3A_207 : vector<16xi32>
    %jit3A_209 = arith.constant 1 : i32
    %jit3A_210 = arith.constant 0 : i32
    %broadcast_in_dim3A_211 = vector.broadcast %jit3A_209 : i32 to vector<16xi32>
    %broadcast_in_dim3A_212 = vector.broadcast %jit3A_210 : i32 to vector<16xi32>
    %select_n3A_213 = arith.select %ge3A_208, %broadcast_in_dim3A_211, %broadcast_in_dim3A_212 : vector<16xi1>, vector<16xi32>
    %ge3A_214 = arith.constant 53248 : i32
    %ge3A_215 = vector.broadcast %ge3A_214 : i32 to vector<16xi32>
    %ge3A_216 = arith.cmpi sge, %get3A_205, %ge3A_215 : vector<16xi32>
    %jit3A_217 = arith.constant 1 : i32
    %jit3A_218 = arith.constant 0 : i32
    %broadcast_in_dim3A_219 = vector.broadcast %jit3A_217 : i32 to vector<16xi32>
    %broadcast_in_dim3A_220 = vector.broadcast %jit3A_218 : i32 to vector<16xi32>
    %select_n3A_221 = arith.select %ge3A_216, %broadcast_in_dim3A_219, %broadcast_in_dim3A_220 : vector<16xi1>, vector<16xi32>
    %add3A_222 = arith.addi %select_n3A_213, %select_n3A_221 : vector<16xi32>
    %ge3A_223 = arith.constant 79872 : i32
    %ge3A_224 = vector.broadcast %ge3A_223 : i32 to vector<16xi32>
    %ge3A_225 = arith.cmpi sge, %get3A_205, %ge3A_224 : vector<16xi32>
    %jit3A_226 = arith.constant 1 : i32
    %jit3A_227 = arith.constant 0 : i32
    %broadcast_in_dim3A_228 = vector.broadcast %jit3A_226 : i32 to vector<16xi32>
    %broadcast_in_dim3A_229 = vector.broadcast %jit3A_227 : i32 to vector<16xi32>
    %select_n3A_230 = arith.select %ge3A_225, %broadcast_in_dim3A_228, %broadcast_in_dim3A_229 : vector<16xi1>, vector<16xi32>
    %add3A_231 = arith.addi %add3A_222, %select_n3A_230 : vector<16xi32>
    %mul3A_232 = arith.constant 26624 : i32
    %mul3A_233 = vector.broadcast %mul3A_232 : i32 to vector<16xi32>
    %mul3A_234 = arith.muli %mul3A_233, %add3A_231 : vector<16xi32>
    %sub3A_235 = arith.subi %get3A_205, %mul3A_234 : vector<16xi32>
    %mul3A_236 = arith.constant 4 : i32
    %mul3A_237 = vector.broadcast %mul3A_236 : i32 to vector<16xi32>
    %mul3A_238 = arith.muli %mul3A_237, %sub3A_235 : vector<16xi32>
    %add3A_239 = arith.addi %mul3A_238, %add3A_231 : vector<16xi32>
    %swap3A_240 = arith.constant 80 : index
    %swap3A_241 = tpu.vector_load %arg7[%swap3A_240] {strides = array<i32>} : memref<512xi32, #tpu.memory_space<vmem>>, vector<16xi32>,
    %swap3A_242 = vector.shape_cast %swap3A_241 : vector<16xi32> to vector<16xi32>
    %swap3A_243 = vector.shape_cast %add3A_239 : vector<16xi32> to vector<16xi32>
    tpu.vector_store %arg7[%swap3A_240], %swap3A_243 {strides = array<i32>} : memref<512xi32, #tpu.memory_space<vmem>>, vector<16xi32>,
    %get3A_244 = arith.constant 96 : index
    %get3A_245 = tpu.vector_load %arg6[%get3A_244] {strides = array<i32>} : memref<512xi32, #tpu.memory_space<vmem>>, vector<16xi32>,
    %get3A_246 = vector.shape_cast %get3A_245 : vector<16xi32> to vector<16xi32>
    %ge3A_247 = arith.constant 26624 : i32
    %ge3A_248 = vector.broadcast %ge3A_247 : i32 to vector<16xi32>
    %ge3A_249 = arith.cmpi sge, %get3A_246, %ge3A_248 : vector<16xi32>
    %jit3A_250 = arith.constant 1 : i32
    %jit3A_251 = arith.constant 0 : i32
    %broadcast_in_dim3A_252 = vector.broadcast %jit3A_250 : i32 to vector<16xi32>
    %broadcast_in_dim3A_253 = vector.broadcast %jit3A_251 : i32 to vector<16xi32>
    %select_n3A_254 = arith.select %ge3A_249, %broadcast_in_dim3A_252, %broadcast_in_dim3A_253 : vector<16xi1>, vector<16xi32>
    %ge3A_255 = arith.constant 53248 : i32
    %ge3A_256 = vector.broadcast %ge3A_255 : i32 to vector<16xi32>
    %ge3A_257 = arith.cmpi sge, %get3A_246, %ge3A_256 : vector<16xi32>
    %jit3A_258 = arith.constant 1 : i32
    %jit3A_259 = arith.constant 0 : i32
    %broadcast_in_dim3A_260 = vector.broadcast %jit3A_258 : i32 to vector<16xi32>
    %broadcast_in_dim3A_261 = vector.broadcast %jit3A_259 : i32 to vector<16xi32>
    %select_n3A_262 = arith.select %ge3A_257, %broadcast_in_dim3A_260, %broadcast_in_dim3A_261 : vector<16xi1>, vector<16xi32>
    %add3A_263 = arith.addi %select_n3A_254, %select_n3A_262 : vector<16xi32>
    %ge3A_264 = arith.constant 79872 : i32
    %ge3A_265 = vector.broadcast %ge3A_264 : i32 to vector<16xi32>
    %ge3A_266 = arith.cmpi sge, %get3A_246, %ge3A_265 : vector<16xi32>
    %jit3A_267 = arith.constant 1 : i32
    %jit3A_268 = arith.constant 0 : i32
    %broadcast_in_dim3A_269 = vector.broadcast %jit3A_267 : i32 to vector<16xi32>
    %broadcast_in_dim3A_270 = vector.broadcast %jit3A_268 : i32 to vector<16xi32>
    %select_n3A_271 = arith.select %ge3A_266, %broadcast_in_dim3A_269, %broadcast_in_dim3A_270 : vector<16xi1>, vector<16xi32>
    %add3A_272 = arith.addi %add3A_263, %select_n3A_271 : vector<16xi32>
    %mul3A_273 = arith.constant 26624 : i32
    %mul3A_274 = vector.broadcast %mul3A_273 : i32 to vector<16xi32>
    %mul3A_275 = arith.muli %mul3A_274, %add3A_272 : vector<16xi32>
    %sub3A_276 = arith.subi %get3A_246, %mul3A_275 : vector<16xi32>
    %mul3A_277 = arith.constant 4 : i32
    %mul3A_278 = vector.broadcast %mul3A_277 : i32 to vector<16xi32>
    %mul3A_279 = arith.muli %mul3A_278, %sub3A_276 : vector<16xi32>
    %add3A_280 = arith.addi %mul3A_279, %add3A_272 : vector<16xi32>
    %swap3A_281 = arith.constant 96 : index
    %swap3A_282 = tpu.vector_load %arg7[%swap3A_281] {strides = array<i32>} : memref<512xi32, #tpu.memory_space<vmem>>, vector<16xi32>,
    %swap3A_283 = vector.shape_cast %swap3A_282 : vector<16xi32> to vector<16xi32>
    %swap3A_284 = vector.shape_cast %add3A_280 : vector<16xi32> to vector<16xi32>
    tpu.vector_store %arg7[%swap3A_281], %swap3A_284 {strides = array<i32>} : memref<512xi32, #tpu.memory_space<vmem>>, vector<16xi32>,
    %get3A_285 = arith.constant 112 : index
    %get3A_286 = tpu.vector_load %arg6[%get3A_285] {strides = array<i32>} : memref<512xi32, #tpu.memory_space<vmem>>, vector<16xi32>,
    %get3A_287 = vector.shape_cast %get3A_286 : vector<16xi32> to vector<16xi32>
    %ge3A_288 = arith.constant 26624 : i32
    %ge3A_289 = vector.broadcast %ge3A_288 : i32 to vector<16xi32>
    %ge3A_290 = arith.cmpi sge, %get3A_287, %ge3A_289 : vector<16xi32>
    %jit3A_291 = arith.constant 1 : i32
    %jit3A_292 = arith.constant 0 : i32
    %broadcast_in_dim3A_293 = vector.broadcast %jit3A_291 : i32 to vector<16xi32>
    %broadcast_in_dim3A_294 = vector.broadcast %jit3A_292 : i32 to vector<16xi32>
    %select_n3A_295 = arith.select %ge3A_290, %broadcast_in_dim3A_293, %broadcast_in_dim3A_294 : vector<16xi1>, vector<16xi32>
    %ge3A_296 = arith.constant 53248 : i32
    %ge3A_297 = vector.broadcast %ge3A_296 : i32 to vector<16xi32>
    %ge3A_298 = arith.cmpi sge, %get3A_287, %ge3A_297 : vector<16xi32>
    %jit3A_299 = arith.constant 1 : i32
    %jit3A_300 = arith.constant 0 : i32
    %broadcast_in_dim3A_301 = vector.broadcast %jit3A_299 : i32 to vector<16xi32>
    %broadcast_in_dim3A_302 = vector.broadcast %jit3A_300 : i32 to vector<16xi32>
    %select_n3A_303 = arith.select %ge3A_298, %broadcast_in_dim3A_301, %broadcast_in_dim3A_302 : vector<16xi1>, vector<16xi32>
    %add3A_304 = arith.addi %select_n3A_295, %select_n3A_303 : vector<16xi32>
    %ge3A_305 = arith.constant 79872 : i32
    %ge3A_306 = vector.broadcast %ge3A_305 : i32 to vector<16xi32>
    %ge3A_307 = arith.cmpi sge, %get3A_287, %ge3A_306 : vector<16xi32>
    %jit3A_308 = arith.constant 1 : i32
    %jit3A_309 = arith.constant 0 : i32
    %broadcast_in_dim3A_310 = vector.broadcast %jit3A_308 : i32 to vector<16xi32>
    %broadcast_in_dim3A_311 = vector.broadcast %jit3A_309 : i32 to vector<16xi32>
    %select_n3A_312 = arith.select %ge3A_307, %broadcast_in_dim3A_310, %broadcast_in_dim3A_311 : vector<16xi1>, vector<16xi32>
    %add3A_313 = arith.addi %add3A_304, %select_n3A_312 : vector<16xi32>
    %mul3A_314 = arith.constant 26624 : i32
    %mul3A_315 = vector.broadcast %mul3A_314 : i32 to vector<16xi32>
    %mul3A_316 = arith.muli %mul3A_315, %add3A_313 : vector<16xi32>
    %sub3A_317 = arith.subi %get3A_287, %mul3A_316 : vector<16xi32>
    %mul3A_318 = arith.constant 4 : i32
    %mul3A_319 = vector.broadcast %mul3A_318 : i32 to vector<16xi32>
    %mul3A_320 = arith.muli %mul3A_319, %sub3A_317 : vector<16xi32>
    %add3A_321 = arith.addi %mul3A_320, %add3A_313 : vector<16xi32>
    %swap3A_322 = arith.constant 112 : index
    %swap3A_323 = tpu.vector_load %arg7[%swap3A_322] {strides = array<i32>} : memref<512xi32, #tpu.memory_space<vmem>>, vector<16xi32>,
    %swap3A_324 = vector.shape_cast %swap3A_323 : vector<16xi32> to vector<16xi32>
    %swap3A_325 = vector.shape_cast %add3A_321 : vector<16xi32> to vector<16xi32>
    tpu.vector_store %arg7[%swap3A_322], %swap3A_325 {strides = array<i32>} : memref<512xi32, #tpu.memory_space<vmem>>, vector<16xi32>,
    %get3A_326 = arith.constant 128 : index
    %get3A_327 = tpu.vector_load %arg6[%get3A_326] {strides = array<i32>} : memref<512xi32, #tpu.memory_space<vmem>>, vector<16xi32>,
    %get3A_328 = vector.shape_cast %get3A_327 : vector<16xi32> to vector<16xi32>
    %ge3A_329 = arith.constant 26624 : i32
    %ge3A_330 = vector.broadcast %ge3A_329 : i32 to vector<16xi32>
    %ge3A_331 = arith.cmpi sge, %get3A_328, %ge3A_330 : vector<16xi32>
    %jit3A_332 = arith.constant 1 : i32
    %jit3A_333 = arith.constant 0 : i32
    %broadcast_in_dim3A_334 = vector.broadcast %jit3A_332 : i32 to vector<16xi32>
    %broadcast_in_dim3A_335 = vector.broadcast %jit3A_333 : i32 to vector<16xi32>
    %select_n3A_336 = arith.select %ge3A_331, %broadcast_in_dim3A_334, %broadcast_in_dim3A_335 : vector<16xi1>, vector<16xi32>
    %ge3A_337 = arith.constant 53248 : i32
    %ge3A_338 = vector.broadcast %ge3A_337 : i32 to vector<16xi32>
    %ge3A_339 = arith.cmpi sge, %get3A_328, %ge3A_338 : vector<16xi32>
    %jit3A_340 = arith.constant 1 : i32
    %jit3A_341 = arith.constant 0 : i32
    %broadcast_in_dim3A_342 = vector.broadcast %jit3A_340 : i32 to vector<16xi32>
    %broadcast_in_dim3A_343 = vector.broadcast %jit3A_341 : i32 to vector<16xi32>
    %select_n3A_344 = arith.select %ge3A_339, %broadcast_in_dim3A_342, %broadcast_in_dim3A_343 : vector<16xi1>, vector<16xi32>
    %add3A_345 = arith.addi %select_n3A_336, %select_n3A_344 : vector<16xi32>
    %ge3A_346 = arith.constant 79872 : i32
    %ge3A_347 = vector.broadcast %ge3A_346 : i32 to vector<16xi32>
    %ge3A_348 = arith.cmpi sge, %get3A_328, %ge3A_347 : vector<16xi32>
    %jit3A_349 = arith.constant 1 : i32
    %jit3A_350 = arith.constant 0 : i32
    %broadcast_in_dim3A_351 = vector.broadcast %jit3A_349 : i32 to vector<16xi32>
    %broadcast_in_dim3A_352 = vector.broadcast %jit3A_350 : i32 to vector<16xi32>
    %select_n3A_353 = arith.select %ge3A_348, %broadcast_in_dim3A_351, %broadcast_in_dim3A_352 : vector<16xi1>, vector<16xi32>
    %add3A_354 = arith.addi %add3A_345, %select_n3A_353 : vector<16xi32>
    %mul3A_355 = arith.constant 26624 : i32
    %mul3A_356 = vector.broadcast %mul3A_355 : i32 to vector<16xi32>
    %mul3A_357 = arith.muli %mul3A_356, %add3A_354 : vector<16xi32>
    %sub3A_358 = arith.subi %get3A_328, %mul3A_357 : vector<16xi32>
    %mul3A_359 = arith.constant 4 : i32
    %mul3A_360 = vector.broadcast %mul3A_359 : i32 to vector<16xi32>
    %mul3A_361 = arith.muli %mul3A_360, %sub3A_358 : vector<16xi32>
    %add3A_362 = arith.addi %mul3A_361, %add3A_354 : vector<16xi32>
    %swap3A_363 = arith.constant 128 : index
    %swap3A_364 = tpu.vector_load %arg7[%swap3A_363] {strides = array<i32>} : memref<512xi32, #tpu.memory_space<vmem>>, vector<16xi32>,
    %swap3A_365 = vector.shape_cast %swap3A_364 : vector<16xi32> to vector<16xi32>
    %swap3A_366 = vector.shape_cast %add3A_362 : vector<16xi32> to vector<16xi32>
    tpu.vector_store %arg7[%swap3A_363], %swap3A_366 {strides = array<i32>} : memref<512xi32, #tpu.memory_space<vmem>>, vector<16xi32>,
    %get3A_367 = arith.constant 144 : index
    %get3A_368 = tpu.vector_load %arg6[%get3A_367] {strides = array<i32>} : memref<512xi32, #tpu.memory_space<vmem>>, vector<16xi32>,
    %get3A_369 = vector.shape_cast %get3A_368 : vector<16xi32> to vector<16xi32>
    %ge3A_370 = arith.constant 26624 : i32
    %ge3A_371 = vector.broadcast %ge3A_370 : i32 to vector<16xi32>
    %ge3A_372 = arith.cmpi sge, %get3A_369, %ge3A_371 : vector<16xi32>
    %jit3A_373 = arith.constant 1 : i32
    %jit3A_374 = arith.constant 0 : i32
    %broadcast_in_dim3A_375 = vector.broadcast %jit3A_373 : i32 to vector<16xi32>
    %broadcast_in_dim3A_376 = vector.broadcast %jit3A_374 : i32 to vector<16xi32>
    %select_n3A_377 = arith.select %ge3A_372, %broadcast_in_dim3A_375, %broadcast_in_dim3A_376 : vector<16xi1>, vector<16xi32>
    %ge3A_378 = arith.constant 53248 : i32
    %ge3A_379 = vector.broadcast %ge3A_378 : i32 to vector<16xi32>
    %ge3A_380 = arith.cmpi sge, %get3A_369, %ge3A_379 : vector<16xi32>
    %jit3A_381 = arith.constant 1 : i32
    %jit3A_382 = arith.constant 0 : i32
    %broadcast_in_dim3A_383 = vector.broadcast %jit3A_381 : i32 to vector<16xi32>
    %broadcast_in_dim3A_384 = vector.broadcast %jit3A_382 : i32 to vector<16xi32>
    %select_n3A_385 = arith.select %ge3A_380, %broadcast_in_dim3A_383, %broadcast_in_dim3A_384 : vector<16xi1>, vector<16xi32>
    %add3A_386 = arith.addi %select_n3A_377, %select_n3A_385 : vector<16xi32>
    %ge3A_387 = arith.constant 79872 : i32
    %ge3A_388 = vector.broadcast %ge3A_387 : i32 to vector<16xi32>
    %ge3A_389 = arith.cmpi sge, %get3A_369, %ge3A_388 : vector<16xi32>
    %jit3A_390 = arith.constant 1 : i32
    %jit3A_391 = arith.constant 0 : i32
    %broadcast_in_dim3A_392 = vector.broadcast %jit3A_390 : i32 to vector<16xi32>
    %broadcast_in_dim3A_393 = vector.broadcast %jit3A_391 : i32 to vector<16xi32>
    %select_n3A_394 = arith.select %ge3A_389, %broadcast_in_dim3A_392, %broadcast_in_dim3A_393 : vector<16xi1>, vector<16xi32>
    %add3A_395 = arith.addi %add3A_386, %select_n3A_394 : vector<16xi32>
    %mul3A_396 = arith.constant 26624 : i32
    %mul3A_397 = vector.broadcast %mul3A_396 : i32 to vector<16xi32>
    %mul3A_398 = arith.muli %mul3A_397, %add3A_395 : vector<16xi32>
    %sub3A_399 = arith.subi %get3A_369, %mul3A_398 : vector<16xi32>
    %mul3A_400 = arith.constant 4 : i32
    %mul3A_401 = vector.broadcast %mul3A_400 : i32 to vector<16xi32>
    %mul3A_402 = arith.muli %mul3A_401, %sub3A_399 : vector<16xi32>
    %add3A_403 = arith.addi %mul3A_402, %add3A_395 : vector<16xi32>
    %swap3A_404 = arith.constant 144 : index
    %swap3A_405 = tpu.vector_load %arg7[%swap3A_404] {strides = array<i32>} : memref<512xi32, #tpu.memory_space<vmem>>, vector<16xi32>,
    %swap3A_406 = vector.shape_cast %swap3A_405 : vector<16xi32> to vector<16xi32>
    %swap3A_407 = vector.shape_cast %add3A_403 : vector<16xi32> to vector<16xi32>
    tpu.vector_store %arg7[%swap3A_404], %swap3A_407 {strides = array<i32>} : memref<512xi32, #tpu.memory_space<vmem>>, vector<16xi32>,
    %get3A_408 = arith.constant 160 : index
    %get3A_409 = tpu.vector_load %arg6[%get3A_408] {strides = array<i32>} : memref<512xi32, #tpu.memory_space<vmem>>, vector<16xi32>,
    %get3A_410 = vector.shape_cast %get3A_409 : vector<16xi32> to vector<16xi32>
    %ge3A_411 = arith.constant 26624 : i32
    %ge3A_412 = vector.broadcast %ge3A_411 : i32 to vector<16xi32>
    %ge3A_413 = arith.cmpi sge, %get3A_410, %ge3A_412 : vector<16xi32>
    %jit3A_414 = arith.constant 1 : i32
    %jit3A_415 = arith.constant 0 : i32
    %broadcast_in_dim3A_416 = vector.broadcast %jit3A_414 : i32 to vector<16xi32>
    %broadcast_in_dim3A_417 = vector.broadcast %jit3A_415 : i32 to vector<16xi32>
    %select_n3A_418 = arith.select %ge3A_413, %broadcast_in_dim3A_416, %broadcast_in_dim3A_417 : vector<16xi1>, vector<16xi32>
    %ge3A_419 = arith.constant 53248 : i32
    %ge3A_420 = vector.broadcast %ge3A_419 : i32 to vector<16xi32>
    %ge3A_421 = arith.cmpi sge, %get3A_410, %ge3A_420 : vector<16xi32>
    %jit3A_422 = arith.constant 1 : i32
    %jit3A_423 = arith.constant 0 : i32
    %broadcast_in_dim3A_424 = vector.broadcast %jit3A_422 : i32 to vector<16xi32>
    %broadcast_in_dim3A_425 = vector.broadcast %jit3A_423 : i32 to vector<16xi32>
    %select_n3A_426 = arith.select %ge3A_421, %broadcast_in_dim3A_424, %broadcast_in_dim3A_425 : vector<16xi1>, vector<16xi32>
    %add3A_427 = arith.addi %select_n3A_418, %select_n3A_426 : vector<16xi32>
    %ge3A_428 = arith.constant 79872 : i32
    %ge3A_429 = vector.broadcast %ge3A_428 : i32 to vector<16xi32>
    %ge3A_430 = arith.cmpi sge, %get3A_410, %ge3A_429 : vector<16xi32>
    %jit3A_431 = arith.constant 1 : i32
    %jit3A_432 = arith.constant 0 : i32
    %broadcast_in_dim3A_433 = vector.broadcast %jit3A_431 : i32 to vector<16xi32>
    %broadcast_in_dim3A_434 = vector.broadcast %jit3A_432 : i32 to vector<16xi32>
    %select_n3A_435 = arith.select %ge3A_430, %broadcast_in_dim3A_433, %broadcast_in_dim3A_434 : vector<16xi1>, vector<16xi32>
    %add3A_436 = arith.addi %add3A_427, %select_n3A_435 : vector<16xi32>
    %mul3A_437 = arith.constant 26624 : i32
    %mul3A_438 = vector.broadcast %mul3A_437 : i32 to vector<16xi32>
    %mul3A_439 = arith.muli %mul3A_438, %add3A_436 : vector<16xi32>
    %sub3A_440 = arith.subi %get3A_410, %mul3A_439 : vector<16xi32>
    %mul3A_441 = arith.constant 4 : i32
    %mul3A_442 = vector.broadcast %mul3A_441 : i32 to vector<16xi32>
    %mul3A_443 = arith.muli %mul3A_442, %sub3A_440 : vector<16xi32>
    %add3A_444 = arith.addi %mul3A_443, %add3A_436 : vector<16xi32>
    %swap3A_445 = arith.constant 160 : index
    %swap3A_446 = tpu.vector_load %arg7[%swap3A_445] {strides = array<i32>} : memref<512xi32, #tpu.memory_space<vmem>>, vector<16xi32>,
    %swap3A_447 = vector.shape_cast %swap3A_446 : vector<16xi32> to vector<16xi32>
    %swap3A_448 = vector.shape_cast %add3A_444 : vector<16xi32> to vector<16xi32>
    tpu.vector_store %arg7[%swap3A_445], %swap3A_448 {strides = array<i32>} : memref<512xi32, #tpu.memory_space<vmem>>, vector<16xi32>,
    %get3A_449 = arith.constant 176 : index
    %get3A_450 = tpu.vector_load %arg6[%get3A_449] {strides = array<i32>} : memref<512xi32, #tpu.memory_space<vmem>>, vector<16xi32>,
    %get3A_451 = vector.shape_cast %get3A_450 : vector<16xi32> to vector<16xi32>
    %ge3A_452 = arith.constant 26624 : i32
    %ge3A_453 = vector.broadcast %ge3A_452 : i32 to vector<16xi32>
    %ge3A_454 = arith.cmpi sge, %get3A_451, %ge3A_453 : vector<16xi32>
    %jit3A_455 = arith.constant 1 : i32
    %jit3A_456 = arith.constant 0 : i32
    %broadcast_in_dim3A_457 = vector.broadcast %jit3A_455 : i32 to vector<16xi32>
    %broadcast_in_dim3A_458 = vector.broadcast %jit3A_456 : i32 to vector<16xi32>
    %select_n3A_459 = arith.select %ge3A_454, %broadcast_in_dim3A_457, %broadcast_in_dim3A_458 : vector<16xi1>, vector<16xi32>
    %ge3A_460 = arith.constant 53248 : i32
    %ge3A_461 = vector.broadcast %ge3A_460 : i32 to vector<16xi32>
    %ge3A_462 = arith.cmpi sge, %get3A_451, %ge3A_461 : vector<16xi32>
    %jit3A_463 = arith.constant 1 : i32
    %jit3A_464 = arith.constant 0 : i32
    %broadcast_in_dim3A_465 = vector.broadcast %jit3A_463 : i32 to vector<16xi32>
    %broadcast_in_dim3A_466 = vector.broadcast %jit3A_464 : i32 to vector<16xi32>
    %select_n3A_467 = arith.select %ge3A_462, %broadcast_in_dim3A_465, %broadcast_in_dim3A_466 : vector<16xi1>, vector<16xi32>
    %add3A_468 = arith.addi %select_n3A_459, %select_n3A_467 : vector<16xi32>
    %ge3A_469 = arith.constant 79872 : i32
    %ge3A_470 = vector.broadcast %ge3A_469 : i32 to vector<16xi32>
    %ge3A_471 = arith.cmpi sge, %get3A_451, %ge3A_470 : vector<16xi32>
    %jit3A_472 = arith.constant 1 : i32
    %jit3A_473 = arith.constant 0 : i32
    %broadcast_in_dim3A_474 = vector.broadcast %jit3A_472 : i32 to vector<16xi32>
    %broadcast_in_dim3A_475 = vector.broadcast %jit3A_473 : i32 to vector<16xi32>
    %select_n3A_476 = arith.select %ge3A_471, %broadcast_in_dim3A_474, %broadcast_in_dim3A_475 : vector<16xi1>, vector<16xi32>
    %add3A_477 = arith.addi %add3A_468, %select_n3A_476 : vector<16xi32>
    %mul3A_478 = arith.constant 26624 : i32
    %mul3A_479 = vector.broadcast %mul3A_478 : i32 to vector<16xi32>
    %mul3A_480 = arith.muli %mul3A_479, %add3A_477 : vector<16xi32>
    %sub3A_481 = arith.subi %get3A_451, %mul3A_480 : vector<16xi32>
    %mul3A_482 = arith.constant 4 : i32
    %mul3A_483 = vector.broadcast %mul3A_482 : i32 to vector<16xi32>
    %mul3A_484 = arith.muli %mul3A_483, %sub3A_481 : vector<16xi32>
    %add3A_485 = arith.addi %mul3A_484, %add3A_477 : vector<16xi32>
    %swap3A_486 = arith.constant 176 : index
    %swap3A_487 = tpu.vector_load %arg7[%swap3A_486] {strides = array<i32>} : memref<512xi32, #tpu.memory_space<vmem>>, vector<16xi32>,
    %swap3A_488 = vector.shape_cast %swap3A_487 : vector<16xi32> to vector<16xi32>
    %swap3A_489 = vector.shape_cast %add3A_485 : vector<16xi32> to vector<16xi32>
    tpu.vector_store %arg7[%swap3A_486], %swap3A_489 {strides = array<i32>} : memref<512xi32, #tpu.memory_space<vmem>>, vector<16xi32>,
    %get3A_490 = arith.constant 192 : index
    %get3A_491 = tpu.vector_load %arg6[%get3A_490] {strides = array<i32>} : memref<512xi32, #tpu.memory_space<vmem>>, vector<16xi32>,
    %get3A_492 = vector.shape_cast %get3A_491 : vector<16xi32> to vector<16xi32>
    %ge3A_493 = arith.constant 26624 : i32
    %ge3A_494 = vector.broadcast %ge3A_493 : i32 to vector<16xi32>
    %ge3A_495 = arith.cmpi sge, %get3A_492, %ge3A_494 : vector<16xi32>
    %jit3A_496 = arith.constant 1 : i32
    %jit3A_497 = arith.constant 0 : i32
    %broadcast_in_dim3A_498 = vector.broadcast %jit3A_496 : i32 to vector<16xi32>
    %broadcast_in_dim3A_499 = vector.broadcast %jit3A_497 : i32 to vector<16xi32>
    %select_n3A_500 = arith.select %ge3A_495, %broadcast_in_dim3A_498, %broadcast_in_dim3A_499 : vector<16xi1>, vector<16xi32>
    %ge3A_501 = arith.constant 53248 : i32
    %ge3A_502 = vector.broadcast %ge3A_501 : i32 to vector<16xi32>
    %ge3A_503 = arith.cmpi sge, %get3A_492, %ge3A_502 : vector<16xi32>
    %jit3A_504 = arith.constant 1 : i32
    %jit3A_505 = arith.constant 0 : i32
    %broadcast_in_dim3A_506 = vector.broadcast %jit3A_504 : i32 to vector<16xi32>
    %broadcast_in_dim3A_507 = vector.broadcast %jit3A_505 : i32 to vector<16xi32>
    %select_n3A_508 = arith.select %ge3A_503, %broadcast_in_dim3A_506, %broadcast_in_dim3A_507 : vector<16xi1>, vector<16xi32>
    %add3A_509 = arith.addi %select_n3A_500, %select_n3A_508 : vector<16xi32>
    %ge3A_510 = arith.constant 79872 : i32
    %ge3A_511 = vector.broadcast %ge3A_510 : i32 to vector<16xi32>
    %ge3A_512 = arith.cmpi sge, %get3A_492, %ge3A_511 : vector<16xi32>
    %jit3A_513 = arith.constant 1 : i32
    %jit3A_514 = arith.constant 0 : i32
    %broadcast_in_dim3A_515 = vector.broadcast %jit3A_513 : i32 to vector<16xi32>
    %broadcast_in_dim3A_516 = vector.broadcast %jit3A_514 : i32 to vector<16xi32>
    %select_n3A_517 = arith.select %ge3A_512, %broadcast_in_dim3A_515, %broadcast_in_dim3A_516 : vector<16xi1>, vector<16xi32>
    %add3A_518 = arith.addi %add3A_509, %select_n3A_517 : vector<16xi32>
    %mul3A_519 = arith.constant 26624 : i32
    %mul3A_520 = vector.broadcast %mul3A_519 : i32 to vector<16xi32>
    %mul3A_521 = arith.muli %mul3A_520, %add3A_518 : vector<16xi32>
    %sub3A_522 = arith.subi %get3A_492, %mul3A_521 : vector<16xi32>
    %mul3A_523 = arith.constant 4 : i32
    %mul3A_524 = vector.broadcast %mul3A_523 : i32 to vector<16xi32>
    %mul3A_525 = arith.muli %mul3A_524, %sub3A_522 : vector<16xi32>
    %add3A_526 = arith.addi %mul3A_525, %add3A_518 : vector<16xi32>
    %swap3A_527 = arith.constant 192 : index
    %swap3A_528 = tpu.vector_load %arg7[%swap3A_527] {strides = array<i32>} : memref<512xi32, #tpu.memory_space<vmem>>, vector<16xi32>,
    %swap3A_529 = vector.shape_cast %swap3A_528 : vector<16xi32> to vector<16xi32>
    %swap3A_530 = vector.shape_cast %add3A_526 : vector<16xi32> to vector<16xi32>
    tpu.vector_store %arg7[%swap3A_527], %swap3A_530 {strides = array<i32>} : memref<512xi32, #tpu.memory_space<vmem>>, vector<16xi32>,
    %get3A_531 = arith.constant 208 : index
    %get3A_532 = tpu.vector_load %arg6[%get3A_531] {strides = array<i32>} : memref<512xi32, #tpu.memory_space<vmem>>, vector<16xi32>,
    %get3A_533 = vector.shape_cast %get3A_532 : vector<16xi32> to vector<16xi32>
    %ge3A_534 = arith.constant 26624 : i32
    %ge3A_535 = vector.broadcast %ge3A_534 : i32 to vector<16xi32>
    %ge3A_536 = arith.cmpi sge, %get3A_533, %ge3A_535 : vector<16xi32>
    %jit3A_537 = arith.constant 1 : i32
    %jit3A_538 = arith.constant 0 : i32
    %broadcast_in_dim3A_539 = vector.broadcast %jit3A_537 : i32 to vector<16xi32>
    %broadcast_in_dim3A_540 = vector.broadcast %jit3A_538 : i32 to vector<16xi32>
    %select_n3A_541 = arith.select %ge3A_536, %broadcast_in_dim3A_539, %broadcast_in_dim3A_540 : vector<16xi1>, vector<16xi32>
    %ge3A_542 = arith.constant 53248 : i32
    %ge3A_543 = vector.broadcast %ge3A_542 : i32 to vector<16xi32>
    %ge3A_544 = arith.cmpi sge, %get3A_533, %ge3A_543 : vector<16xi32>
    %jit3A_545 = arith.constant 1 : i32
    %jit3A_546 = arith.constant 0 : i32
    %broadcast_in_dim3A_547 = vector.broadcast %jit3A_545 : i32 to vector<16xi32>
    %broadcast_in_dim3A_548 = vector.broadcast %jit3A_546 : i32 to vector<16xi32>
    %select_n3A_549 = arith.select %ge3A_544, %broadcast_in_dim3A_547, %broadcast_in_dim3A_548 : vector<16xi1>, vector<16xi32>
    %add3A_550 = arith.addi %select_n3A_541, %select_n3A_549 : vector<16xi32>
    %ge3A_551 = arith.constant 79872 : i32
    %ge3A_552 = vector.broadcast %ge3A_551 : i32 to vector<16xi32>
    %ge3A_553 = arith.cmpi sge, %get3A_533, %ge3A_552 : vector<16xi32>
    %jit3A_554 = arith.constant 1 : i32
    %jit3A_555 = arith.constant 0 : i32
    %broadcast_in_dim3A_556 = vector.broadcast %jit3A_554 : i32 to vector<16xi32>
    %broadcast_in_dim3A_557 = vector.broadcast %jit3A_555 : i32 to vector<16xi32>
    %select_n3A_558 = arith.select %ge3A_553, %broadcast_in_dim3A_556, %broadcast_in_dim3A_557 : vector<16xi1>, vector<16xi32>
    %add3A_559 = arith.addi %add3A_550, %select_n3A_558 : vector<16xi32>
    %mul3A_560 = arith.constant 26624 : i32
    %mul3A_561 = vector.broadcast %mul3A_560 : i32 to vector<16xi32>
    %mul3A_562 = arith.muli %mul3A_561, %add3A_559 : vector<16xi32>
    %sub3A_563 = arith.subi %get3A_533, %mul3A_562 : vector<16xi32>
    %mul3A_564 = arith.constant 4 : i32
    %mul3A_565 = vector.broadcast %mul3A_564 : i32 to vector<16xi32>
    %mul3A_566 = arith.muli %mul3A_565, %sub3A_563 : vector<16xi32>
    %add3A_567 = arith.addi %mul3A_566, %add3A_559 : vector<16xi32>
    %swap3A_568 = arith.constant 208 : index
    %swap3A_569 = tpu.vector_load %arg7[%swap3A_568] {strides = array<i32>} : memref<512xi32, #tpu.memory_space<vmem>>, vector<16xi32>,
    %swap3A_570 = vector.shape_cast %swap3A_569 : vector<16xi32> to vector<16xi32>
    %swap3A_571 = vector.shape_cast %add3A_567 : vector<16xi32> to vector<16xi32>
    tpu.vector_store %arg7[%swap3A_568], %swap3A_571 {strides = array<i32>} : memref<512xi32, #tpu.memory_space<vmem>>, vector<16xi32>,
    %get3A_572 = arith.constant 224 : index
    %get3A_573 = tpu.vector_load %arg6[%get3A_572] {strides = array<i32>} : memref<512xi32, #tpu.memory_space<vmem>>, vector<16xi32>,
    %get3A_574 = vector.shape_cast %get3A_573 : vector<16xi32> to vector<16xi32>
    %ge3A_575 = arith.constant 26624 : i32
    %ge3A_576 = vector.broadcast %ge3A_575 : i32 to vector<16xi32>
    %ge3A_577 = arith.cmpi sge, %get3A_574, %ge3A_576 : vector<16xi32>
    %jit3A_578 = arith.constant 1 : i32
    %jit3A_579 = arith.constant 0 : i32
    %broadcast_in_dim3A_580 = vector.broadcast %jit3A_578 : i32 to vector<16xi32>
    %broadcast_in_dim3A_581 = vector.broadcast %jit3A_579 : i32 to vector<16xi32>
    %select_n3A_582 = arith.select %ge3A_577, %broadcast_in_dim3A_580, %broadcast_in_dim3A_581 : vector<16xi1>, vector<16xi32>
    %ge3A_583 = arith.constant 53248 : i32
    %ge3A_584 = vector.broadcast %ge3A_583 : i32 to vector<16xi32>
    %ge3A_585 = arith.cmpi sge, %get3A_574, %ge3A_584 : vector<16xi32>
    %jit3A_586 = arith.constant 1 : i32
    %jit3A_587 = arith.constant 0 : i32
    %broadcast_in_dim3A_588 = vector.broadcast %jit3A_586 : i32 to vector<16xi32>
    %broadcast_in_dim3A_589 = vector.broadcast %jit3A_587 : i32 to vector<16xi32>
    %select_n3A_590 = arith.select %ge3A_585, %broadcast_in_dim3A_588, %broadcast_in_dim3A_589 : vector<16xi1>, vector<16xi32>
    %add3A_591 = arith.addi %select_n3A_582, %select_n3A_590 : vector<16xi32>
    %ge3A_592 = arith.constant 79872 : i32
    %ge3A_593 = vector.broadcast %ge3A_592 : i32 to vector<16xi32>
    %ge3A_594 = arith.cmpi sge, %get3A_574, %ge3A_593 : vector<16xi32>
    %jit3A_595 = arith.constant 1 : i32
    %jit3A_596 = arith.constant 0 : i32
    %broadcast_in_dim3A_597 = vector.broadcast %jit3A_595 : i32 to vector<16xi32>
    %broadcast_in_dim3A_598 = vector.broadcast %jit3A_596 : i32 to vector<16xi32>
    %select_n3A_599 = arith.select %ge3A_594, %broadcast_in_dim3A_597, %broadcast_in_dim3A_598 : vector<16xi1>, vector<16xi32>
    %add3A_600 = arith.addi %add3A_591, %select_n3A_599 : vector<16xi32>
    %mul3A_601 = arith.constant 26624 : i32
    %mul3A_602 = vector.broadcast %mul3A_601 : i32 to vector<16xi32>
    %mul3A_603 = arith.muli %mul3A_602, %add3A_600 : vector<16xi32>
    %sub3A_604 = arith.subi %get3A_574, %mul3A_603 : vector<16xi32>
    %mul3A_605 = arith.constant 4 : i32
    %mul3A_606 = vector.broadcast %mul3A_605 : i32 to vector<16xi32>
    %mul3A_607 = arith.muli %mul3A_606, %sub3A_604 : vector<16xi32>
    %add3A_608 = arith.addi %mul3A_607, %add3A_600 : vector<16xi32>
    %swap3A_609 = arith.constant 224 : index
    %swap3A_610 = tpu.vector_load %arg7[%swap3A_609] {strides = array<i32>} : memref<512xi32, #tpu.memory_space<vmem>>, vector<16xi32>,
    %swap3A_611 = vector.shape_cast %swap3A_610 : vector<16xi32> to vector<16xi32>
    %swap3A_612 = vector.shape_cast %add3A_608 : vector<16xi32> to vector<16xi32>
    tpu.vector_store %arg7[%swap3A_609], %swap3A_612 {strides = array<i32>} : memref<512xi32, #tpu.memory_space<vmem>>, vector<16xi32>,
    %get3A_613 = arith.constant 240 : index
    %get3A_614 = tpu.vector_load %arg6[%get3A_613] {strides = array<i32>} : memref<512xi32, #tpu.memory_space<vmem>>, vector<16xi32>,
    %get3A_615 = vector.shape_cast %get3A_614 : vector<16xi32> to vector<16xi32>
    %ge3A_616 = arith.constant 26624 : i32
    %ge3A_617 = vector.broadcast %ge3A_616 : i32 to vector<16xi32>
    %ge3A_618 = arith.cmpi sge, %get3A_615, %ge3A_617 : vector<16xi32>
    %jit3A_619 = arith.constant 1 : i32
    %jit3A_620 = arith.constant 0 : i32
    %broadcast_in_dim3A_621 = vector.broadcast %jit3A_619 : i32 to vector<16xi32>
    %broadcast_in_dim3A_622 = vector.broadcast %jit3A_620 : i32 to vector<16xi32>
    %select_n3A_623 = arith.select %ge3A_618, %broadcast_in_dim3A_621, %broadcast_in_dim3A_622 : vector<16xi1>, vector<16xi32>
    %ge3A_624 = arith.constant 53248 : i32
    %ge3A_625 = vector.broadcast %ge3A_624 : i32 to vector<16xi32>
    %ge3A_626 = arith.cmpi sge, %get3A_615, %ge3A_625 : vector<16xi32>
    %jit3A_627 = arith.constant 1 : i32
    %jit3A_628 = arith.constant 0 : i32
    %broadcast_in_dim3A_629 = vector.broadcast %jit3A_627 : i32 to vector<16xi32>
    %broadcast_in_dim3A_630 = vector.broadcast %jit3A_628 : i32 to vector<16xi32>
    %select_n3A_631 = arith.select %ge3A_626, %broadcast_in_dim3A_629, %broadcast_in_dim3A_630 : vector<16xi1>, vector<16xi32>
    %add3A_632 = arith.addi %select_n3A_623, %select_n3A_631 : vector<16xi32>
    %ge3A_633 = arith.constant 79872 : i32
    %ge3A_634 = vector.broadcast %ge3A_633 : i32 to vector<16xi32>
    %ge3A_635 = arith.cmpi sge, %get3A_615, %ge3A_634 : vector<16xi32>
    %jit3A_636 = arith.constant 1 : i32
    %jit3A_637 = arith.constant 0 : i32
    %broadcast_in_dim3A_638 = vector.broadcast %jit3A_636 : i32 to vector<16xi32>
    %broadcast_in_dim3A_639 = vector.broadcast %jit3A_637 : i32 to vector<16xi32>
    %select_n3A_640 = arith.select %ge3A_635, %broadcast_in_dim3A_638, %broadcast_in_dim3A_639 : vector<16xi1>, vector<16xi32>
    %add3A_641 = arith.addi %add3A_632, %select_n3A_640 : vector<16xi32>
    %mul3A_642 = arith.constant 26624 : i32
    %mul3A_643 = vector.broadcast %mul3A_642 : i32 to vector<16xi32>
    %mul3A_644 = arith.muli %mul3A_643, %add3A_641 : vector<16xi32>
    %sub3A_645 = arith.subi %get3A_615, %mul3A_644 : vector<16xi32>
    %mul3A_646 = arith.constant 4 : i32
    %mul3A_647 = vector.broadcast %mul3A_646 : i32 to vector<16xi32>
    %mul3A_648 = arith.muli %mul3A_647, %sub3A_645 : vector<16xi32>
    %add3A_649 = arith.addi %mul3A_648, %add3A_641 : vector<16xi32>
    %swap3A_650 = arith.constant 240 : index
    %swap3A_651 = tpu.vector_load %arg7[%swap3A_650] {strides = array<i32>} : memref<512xi32, #tpu.memory_space<vmem>>, vector<16xi32>,
    %swap3A_652 = vector.shape_cast %swap3A_651 : vector<16xi32> to vector<16xi32>
    %swap3A_653 = vector.shape_cast %add3A_649 : vector<16xi32> to vector<16xi32>
    tpu.vector_store %arg7[%swap3A_650], %swap3A_653 {strides = array<i32>} : memref<512xi32, #tpu.memory_space<vmem>>, vector<16xi32>,
    %get3A_654 = arith.constant 256 : index
    %get3A_655 = tpu.vector_load %arg6[%get3A_654] {strides = array<i32>} : memref<512xi32, #tpu.memory_space<vmem>>, vector<16xi32>,
    %get3A_656 = vector.shape_cast %get3A_655 : vector<16xi32> to vector<16xi32>
    %ge3A_657 = arith.constant 26624 : i32
    %ge3A_658 = vector.broadcast %ge3A_657 : i32 to vector<16xi32>
    %ge3A_659 = arith.cmpi sge, %get3A_656, %ge3A_658 : vector<16xi32>
    %jit3A_660 = arith.constant 1 : i32
    %jit3A_661 = arith.constant 0 : i32
    %broadcast_in_dim3A_662 = vector.broadcast %jit3A_660 : i32 to vector<16xi32>
    %broadcast_in_dim3A_663 = vector.broadcast %jit3A_661 : i32 to vector<16xi32>
    %select_n3A_664 = arith.select %ge3A_659, %broadcast_in_dim3A_662, %broadcast_in_dim3A_663 : vector<16xi1>, vector<16xi32>
    %ge3A_665 = arith.constant 53248 : i32
    %ge3A_666 = vector.broadcast %ge3A_665 : i32 to vector<16xi32>
    %ge3A_667 = arith.cmpi sge, %get3A_656, %ge3A_666 : vector<16xi32>
    %jit3A_668 = arith.constant 1 : i32
    %jit3A_669 = arith.constant 0 : i32
    %broadcast_in_dim3A_670 = vector.broadcast %jit3A_668 : i32 to vector<16xi32>
    %broadcast_in_dim3A_671 = vector.broadcast %jit3A_669 : i32 to vector<16xi32>
    %select_n3A_672 = arith.select %ge3A_667, %broadcast_in_dim3A_670, %broadcast_in_dim3A_671 : vector<16xi1>, vector<16xi32>
    %add3A_673 = arith.addi %select_n3A_664, %select_n3A_672 : vector<16xi32>
    %ge3A_674 = arith.constant 79872 : i32
    %ge3A_675 = vector.broadcast %ge3A_674 : i32 to vector<16xi32>
    %ge3A_676 = arith.cmpi sge, %get3A_656, %ge3A_675 : vector<16xi32>
    %jit3A_677 = arith.constant 1 : i32
    %jit3A_678 = arith.constant 0 : i32
    %broadcast_in_dim3A_679 = vector.broadcast %jit3A_677 : i32 to vector<16xi32>
    %broadcast_in_dim3A_680 = vector.broadcast %jit3A_678 : i32 to vector<16xi32>
    %select_n3A_681 = arith.select %ge3A_676, %broadcast_in_dim3A_679, %broadcast_in_dim3A_680 : vector<16xi1>, vector<16xi32>
    %add3A_682 = arith.addi %add3A_673, %select_n3A_681 : vector<16xi32>
    %mul3A_683 = arith.constant 26624 : i32
    %mul3A_684 = vector.broadcast %mul3A_683 : i32 to vector<16xi32>
    %mul3A_685 = arith.muli %mul3A_684, %add3A_682 : vector<16xi32>
    %sub3A_686 = arith.subi %get3A_656, %mul3A_685 : vector<16xi32>
    %mul3A_687 = arith.constant 4 : i32
    %mul3A_688 = vector.broadcast %mul3A_687 : i32 to vector<16xi32>
    %mul3A_689 = arith.muli %mul3A_688, %sub3A_686 : vector<16xi32>
    %add3A_690 = arith.addi %mul3A_689, %add3A_682 : vector<16xi32>
    %swap3A_691 = arith.constant 256 : index
    %swap3A_692 = tpu.vector_load %arg7[%swap3A_691] {strides = array<i32>} : memref<512xi32, #tpu.memory_space<vmem>>, vector<16xi32>,
    %swap3A_693 = vector.shape_cast %swap3A_692 : vector<16xi32> to vector<16xi32>
    %swap3A_694 = vector.shape_cast %add3A_690 : vector<16xi32> to vector<16xi32>
    tpu.vector_store %arg7[%swap3A_691], %swap3A_694 {strides = array<i32>} : memref<512xi32, #tpu.memory_space<vmem>>, vector<16xi32>,
    %get3A_695 = arith.constant 272 : index
    %get3A_696 = tpu.vector_load %arg6[%get3A_695] {strides = array<i32>} : memref<512xi32, #tpu.memory_space<vmem>>, vector<16xi32>,
    %get3A_697 = vector.shape_cast %get3A_696 : vector<16xi32> to vector<16xi32>
    %ge3A_698 = arith.constant 26624 : i32
    %ge3A_699 = vector.broadcast %ge3A_698 : i32 to vector<16xi32>
    %ge3A_700 = arith.cmpi sge, %get3A_697, %ge3A_699 : vector<16xi32>
    %jit3A_701 = arith.constant 1 : i32
    %jit3A_702 = arith.constant 0 : i32
    %broadcast_in_dim3A_703 = vector.broadcast %jit3A_701 : i32 to vector<16xi32>
    %broadcast_in_dim3A_704 = vector.broadcast %jit3A_702 : i32 to vector<16xi32>
    %select_n3A_705 = arith.select %ge3A_700, %broadcast_in_dim3A_703, %broadcast_in_dim3A_704 : vector<16xi1>, vector<16xi32>
    %ge3A_706 = arith.constant 53248 : i32
    %ge3A_707 = vector.broadcast %ge3A_706 : i32 to vector<16xi32>
    %ge3A_708 = arith.cmpi sge, %get3A_697, %ge3A_707 : vector<16xi32>
    %jit3A_709 = arith.constant 1 : i32
    %jit3A_710 = arith.constant 0 : i32
    %broadcast_in_dim3A_711 = vector.broadcast %jit3A_709 : i32 to vector<16xi32>
    %broadcast_in_dim3A_712 = vector.broadcast %jit3A_710 : i32 to vector<16xi32>
    %select_n3A_713 = arith.select %ge3A_708, %broadcast_in_dim3A_711, %broadcast_in_dim3A_712 : vector<16xi1>, vector<16xi32>
    %add3A_714 = arith.addi %select_n3A_705, %select_n3A_713 : vector<16xi32>
    %ge3A_715 = arith.constant 79872 : i32
    %ge3A_716 = vector.broadcast %ge3A_715 : i32 to vector<16xi32>
    %ge3A_717 = arith.cmpi sge, %get3A_697, %ge3A_716 : vector<16xi32>
    %jit3A_718 = arith.constant 1 : i32
    %jit3A_719 = arith.constant 0 : i32
    %broadcast_in_dim3A_720 = vector.broadcast %jit3A_718 : i32 to vector<16xi32>
    %broadcast_in_dim3A_721 = vector.broadcast %jit3A_719 : i32 to vector<16xi32>
    %select_n3A_722 = arith.select %ge3A_717, %broadcast_in_dim3A_720, %broadcast_in_dim3A_721 : vector<16xi1>, vector<16xi32>
    %add3A_723 = arith.addi %add3A_714, %select_n3A_722 : vector<16xi32>
    %mul3A_724 = arith.constant 26624 : i32
    %mul3A_725 = vector.broadcast %mul3A_724 : i32 to vector<16xi32>
    %mul3A_726 = arith.muli %mul3A_725, %add3A_723 : vector<16xi32>
    %sub3A_727 = arith.subi %get3A_697, %mul3A_726 : vector<16xi32>
    %mul3A_728 = arith.constant 4 : i32
    %mul3A_729 = vector.broadcast %mul3A_728 : i32 to vector<16xi32>
    %mul3A_730 = arith.muli %mul3A_729, %sub3A_727 : vector<16xi32>
    %add3A_731 = arith.addi %mul3A_730, %add3A_723 : vector<16xi32>
    %swap3A_732 = arith.constant 272 : index
    %swap3A_733 = tpu.vector_load %arg7[%swap3A_732] {strides = array<i32>} : memref<512xi32, #tpu.memory_space<vmem>>, vector<16xi32>,
    %swap3A_734 = vector.shape_cast %swap3A_733 : vector<16xi32> to vector<16xi32>
    %swap3A_735 = vector.shape_cast %add3A_731 : vector<16xi32> to vector<16xi32>
    tpu.vector_store %arg7[%swap3A_732], %swap3A_735 {strides = array<i32>} : memref<512xi32, #tpu.memory_space<vmem>>, vector<16xi32>,
    %get3A_736 = arith.constant 288 : index
    %get3A_737 = tpu.vector_load %arg6[%get3A_736] {strides = array<i32>} : memref<512xi32, #tpu.memory_space<vmem>>, vector<16xi32>,
    %get3A_738 = vector.shape_cast %get3A_737 : vector<16xi32> to vector<16xi32>
    %ge3A_739 = arith.constant 26624 : i32
    %ge3A_740 = vector.broadcast %ge3A_739 : i32 to vector<16xi32>
    %ge3A_741 = arith.cmpi sge, %get3A_738, %ge3A_740 : vector<16xi32>
    %jit3A_742 = arith.constant 1 : i32
    %jit3A_743 = arith.constant 0 : i32
    %broadcast_in_dim3A_744 = vector.broadcast %jit3A_742 : i32 to vector<16xi32>
    %broadcast_in_dim3A_745 = vector.broadcast %jit3A_743 : i32 to vector<16xi32>
    %select_n3A_746 = arith.select %ge3A_741, %broadcast_in_dim3A_744, %broadcast_in_dim3A_745 : vector<16xi1>, vector<16xi32>
    %ge3A_747 = arith.constant 53248 : i32
    %ge3A_748 = vector.broadcast %ge3A_747 : i32 to vector<16xi32>
    %ge3A_749 = arith.cmpi sge, %get3A_738, %ge3A_748 : vector<16xi32>
    %jit3A_750 = arith.constant 1 : i32
    %jit3A_751 = arith.constant 0 : i32
    %broadcast_in_dim3A_752 = vector.broadcast %jit3A_750 : i32 to vector<16xi32>
    %broadcast_in_dim3A_753 = vector.broadcast %jit3A_751 : i32 to vector<16xi32>
    %select_n3A_754 = arith.select %ge3A_749, %broadcast_in_dim3A_752, %broadcast_in_dim3A_753 : vector<16xi1>, vector<16xi32>
    %add3A_755 = arith.addi %select_n3A_746, %select_n3A_754 : vector<16xi32>
    %ge3A_756 = arith.constant 79872 : i32
    %ge3A_757 = vector.broadcast %ge3A_756 : i32 to vector<16xi32>
    %ge3A_758 = arith.cmpi sge, %get3A_738, %ge3A_757 : vector<16xi32>
    %jit3A_759 = arith.constant 1 : i32
    %jit3A_760 = arith.constant 0 : i32
    %broadcast_in_dim3A_761 = vector.broadcast %jit3A_759 : i32 to vector<16xi32>
    %broadcast_in_dim3A_762 = vector.broadcast %jit3A_760 : i32 to vector<16xi32>
    %select_n3A_763 = arith.select %ge3A_758, %broadcast_in_dim3A_761, %broadcast_in_dim3A_762 : vector<16xi1>, vector<16xi32>
    %add3A_764 = arith.addi %add3A_755, %select_n3A_763 : vector<16xi32>
    %mul3A_765 = arith.constant 26624 : i32
    %mul3A_766 = vector.broadcast %mul3A_765 : i32 to vector<16xi32>
    %mul3A_767 = arith.muli %mul3A_766, %add3A_764 : vector<16xi32>
    %sub3A_768 = arith.subi %get3A_738, %mul3A_767 : vector<16xi32>
    %mul3A_769 = arith.constant 4 : i32
    %mul3A_770 = vector.broadcast %mul3A_769 : i32 to vector<16xi32>
    %mul3A_771 = arith.muli %mul3A_770, %sub3A_768 : vector<16xi32>
    %add3A_772 = arith.addi %mul3A_771, %add3A_764 : vector<16xi32>
    %swap3A_773 = arith.constant 288 : index
    %swap3A_774 = tpu.vector_load %arg7[%swap3A_773] {strides = array<i32>} : memref<512xi32, #tpu.memory_space<vmem>>, vector<16xi32>,
    %swap3A_775 = vector.shape_cast %swap3A_774 : vector<16xi32> to vector<16xi32>
    %swap3A_776 = vector.shape_cast %add3A_772 : vector<16xi32> to vector<16xi32>
    tpu.vector_store %arg7[%swap3A_773], %swap3A_776 {strides = array<i32>} : memref<512xi32, #tpu.memory_space<vmem>>, vector<16xi32>,
    %get3A_777 = arith.constant 304 : index
    %get3A_778 = tpu.vector_load %arg6[%get3A_777] {strides = array<i32>} : memref<512xi32, #tpu.memory_space<vmem>>, vector<16xi32>,
    %get3A_779 = vector.shape_cast %get3A_778 : vector<16xi32> to vector<16xi32>
    %ge3A_780 = arith.constant 26624 : i32
    %ge3A_781 = vector.broadcast %ge3A_780 : i32 to vector<16xi32>
    %ge3A_782 = arith.cmpi sge, %get3A_779, %ge3A_781 : vector<16xi32>
    %jit3A_783 = arith.constant 1 : i32
    %jit3A_784 = arith.constant 0 : i32
    %broadcast_in_dim3A_785 = vector.broadcast %jit3A_783 : i32 to vector<16xi32>
    %broadcast_in_dim3A_786 = vector.broadcast %jit3A_784 : i32 to vector<16xi32>
    %select_n3A_787 = arith.select %ge3A_782, %broadcast_in_dim3A_785, %broadcast_in_dim3A_786 : vector<16xi1>, vector<16xi32>
    %ge3A_788 = arith.constant 53248 : i32
    %ge3A_789 = vector.broadcast %ge3A_788 : i32 to vector<16xi32>
    %ge3A_790 = arith.cmpi sge, %get3A_779, %ge3A_789 : vector<16xi32>
    %jit3A_791 = arith.constant 1 : i32
    %jit3A_792 = arith.constant 0 : i32
    %broadcast_in_dim3A_793 = vector.broadcast %jit3A_791 : i32 to vector<16xi32>
    %broadcast_in_dim3A_794 = vector.broadcast %jit3A_792 : i32 to vector<16xi32>
    %select_n3A_795 = arith.select %ge3A_790, %broadcast_in_dim3A_793, %broadcast_in_dim3A_794 : vector<16xi1>, vector<16xi32>
    %add3A_796 = arith.addi %select_n3A_787, %select_n3A_795 : vector<16xi32>
    %ge3A_797 = arith.constant 79872 : i32
    %ge3A_798 = vector.broadcast %ge3A_797 : i32 to vector<16xi32>
    %ge3A_799 = arith.cmpi sge, %get3A_779, %ge3A_798 : vector<16xi32>
    %jit3A_800 = arith.constant 1 : i32
    %jit3A_801 = arith.constant 0 : i32
    %broadcast_in_dim3A_802 = vector.broadcast %jit3A_800 : i32 to vector<16xi32>
    %broadcast_in_dim3A_803 = vector.broadcast %jit3A_801 : i32 to vector<16xi32>
    %select_n3A_804 = arith.select %ge3A_799, %broadcast_in_dim3A_802, %broadcast_in_dim3A_803 : vector<16xi1>, vector<16xi32>
    %add3A_805 = arith.addi %add3A_796, %select_n3A_804 : vector<16xi32>
    %mul3A_806 = arith.constant 26624 : i32
    %mul3A_807 = vector.broadcast %mul3A_806 : i32 to vector<16xi32>
    %mul3A_808 = arith.muli %mul3A_807, %add3A_805 : vector<16xi32>
    %sub3A_809 = arith.subi %get3A_779, %mul3A_808 : vector<16xi32>
    %mul3A_810 = arith.constant 4 : i32
    %mul3A_811 = vector.broadcast %mul3A_810 : i32 to vector<16xi32>
    %mul3A_812 = arith.muli %mul3A_811, %sub3A_809 : vector<16xi32>
    %add3A_813 = arith.addi %mul3A_812, %add3A_805 : vector<16xi32>
    %swap3A_814 = arith.constant 304 : index
    %swap3A_815 = tpu.vector_load %arg7[%swap3A_814] {strides = array<i32>} : memref<512xi32, #tpu.memory_space<vmem>>, vector<16xi32>,
    %swap3A_816 = vector.shape_cast %swap3A_815 : vector<16xi32> to vector<16xi32>
    %swap3A_817 = vector.shape_cast %add3A_813 : vector<16xi32> to vector<16xi32>
    tpu.vector_store %arg7[%swap3A_814], %swap3A_817 {strides = array<i32>} : memref<512xi32, #tpu.memory_space<vmem>>, vector<16xi32>,
    %get3A_818 = arith.constant 320 : index
    %get3A_819 = tpu.vector_load %arg6[%get3A_818] {strides = array<i32>} : memref<512xi32, #tpu.memory_space<vmem>>, vector<16xi32>,
    %get3A_820 = vector.shape_cast %get3A_819 : vector<16xi32> to vector<16xi32>
    %ge3A_821 = arith.constant 26624 : i32
    %ge3A_822 = vector.broadcast %ge3A_821 : i32 to vector<16xi32>
    %ge3A_823 = arith.cmpi sge, %get3A_820, %ge3A_822 : vector<16xi32>
    %jit3A_824 = arith.constant 1 : i32
    %jit3A_825 = arith.constant 0 : i32
    %broadcast_in_dim3A_826 = vector.broadcast %jit3A_824 : i32 to vector<16xi32>
    %broadcast_in_dim3A_827 = vector.broadcast %jit3A_825 : i32 to vector<16xi32>
    %select_n3A_828 = arith.select %ge3A_823, %broadcast_in_dim3A_826, %broadcast_in_dim3A_827 : vector<16xi1>, vector<16xi32>
    %ge3A_829 = arith.constant 53248 : i32
    %ge3A_830 = vector.broadcast %ge3A_829 : i32 to vector<16xi32>
    %ge3A_831 = arith.cmpi sge, %get3A_820, %ge3A_830 : vector<16xi32>
    %jit3A_832 = arith.constant 1 : i32
    %jit3A_833 = arith.constant 0 : i32
    %broadcast_in_dim3A_834 = vector.broadcast %jit3A_832 : i32 to vector<16xi32>
    %broadcast_in_dim3A_835 = vector.broadcast %jit3A_833 : i32 to vector<16xi32>
    %select_n3A_836 = arith.select %ge3A_831, %broadcast_in_dim3A_834, %broadcast_in_dim3A_835 : vector<16xi1>, vector<16xi32>
    %add3A_837 = arith.addi %select_n3A_828, %select_n3A_836 : vector<16xi32>
    %ge3A_838 = arith.constant 79872 : i32
    %ge3A_839 = vector.broadcast %ge3A_838 : i32 to vector<16xi32>
    %ge3A_840 = arith.cmpi sge, %get3A_820, %ge3A_839 : vector<16xi32>
    %jit3A_841 = arith.constant 1 : i32
    %jit3A_842 = arith.constant 0 : i32
    %broadcast_in_dim3A_843 = vector.broadcast %jit3A_841 : i32 to vector<16xi32>
    %broadcast_in_dim3A_844 = vector.broadcast %jit3A_842 : i32 to vector<16xi32>
    %select_n3A_845 = arith.select %ge3A_840, %broadcast_in_dim3A_843, %broadcast_in_dim3A_844 : vector<16xi1>, vector<16xi32>
    %add3A_846 = arith.addi %add3A_837, %select_n3A_845 : vector<16xi32>
    %mul3A_847 = arith.constant 26624 : i32
    %mul3A_848 = vector.broadcast %mul3A_847 : i32 to vector<16xi32>
    %mul3A_849 = arith.muli %mul3A_848, %add3A_846 : vector<16xi32>
    %sub3A_850 = arith.subi %get3A_820, %mul3A_849 : vector<16xi32>
    %mul3A_851 = arith.constant 4 : i32
    %mul3A_852 = vector.broadcast %mul3A_851 : i32 to vector<16xi32>
    %mul3A_853 = arith.muli %mul3A_852, %sub3A_850 : vector<16xi32>
    %add3A_854 = arith.addi %mul3A_853, %add3A_846 : vector<16xi32>
    %swap3A_855 = arith.constant 320 : index
    %swap3A_856 = tpu.vector_load %arg7[%swap3A_855] {strides = array<i32>} : memref<512xi32, #tpu.memory_space<vmem>>, vector<16xi32>,
    %swap3A_857 = vector.shape_cast %swap3A_856 : vector<16xi32> to vector<16xi32>
    %swap3A_858 = vector.shape_cast %add3A_854 : vector<16xi32> to vector<16xi32>
    tpu.vector_store %arg7[%swap3A_855], %swap3A_858 {strides = array<i32>} : memref<512xi32, #tpu.memory_space<vmem>>, vector<16xi32>,
    %get3A_859 = arith.constant 336 : index
    %get3A_860 = tpu.vector_load %arg6[%get3A_859] {strides = array<i32>} : memref<512xi32, #tpu.memory_space<vmem>>, vector<16xi32>,
    %get3A_861 = vector.shape_cast %get3A_860 : vector<16xi32> to vector<16xi32>
    %ge3A_862 = arith.constant 26624 : i32
    %ge3A_863 = vector.broadcast %ge3A_862 : i32 to vector<16xi32>
    %ge3A_864 = arith.cmpi sge, %get3A_861, %ge3A_863 : vector<16xi32>
    %jit3A_865 = arith.constant 1 : i32
    %jit3A_866 = arith.constant 0 : i32
    %broadcast_in_dim3A_867 = vector.broadcast %jit3A_865 : i32 to vector<16xi32>
    %broadcast_in_dim3A_868 = vector.broadcast %jit3A_866 : i32 to vector<16xi32>
    %select_n3A_869 = arith.select %ge3A_864, %broadcast_in_dim3A_867, %broadcast_in_dim3A_868 : vector<16xi1>, vector<16xi32>
    %ge3A_870 = arith.constant 53248 : i32
    %ge3A_871 = vector.broadcast %ge3A_870 : i32 to vector<16xi32>
    %ge3A_872 = arith.cmpi sge, %get3A_861, %ge3A_871 : vector<16xi32>
    %jit3A_873 = arith.constant 1 : i32
    %jit3A_874 = arith.constant 0 : i32
    %broadcast_in_dim3A_875 = vector.broadcast %jit3A_873 : i32 to vector<16xi32>
    %broadcast_in_dim3A_876 = vector.broadcast %jit3A_874 : i32 to vector<16xi32>
    %select_n3A_877 = arith.select %ge3A_872, %broadcast_in_dim3A_875, %broadcast_in_dim3A_876 : vector<16xi1>, vector<16xi32>
    %add3A_878 = arith.addi %select_n3A_869, %select_n3A_877 : vector<16xi32>
    %ge3A_879 = arith.constant 79872 : i32
    %ge3A_880 = vector.broadcast %ge3A_879 : i32 to vector<16xi32>
    %ge3A_881 = arith.cmpi sge, %get3A_861, %ge3A_880 : vector<16xi32>
    %jit3A_882 = arith.constant 1 : i32
    %jit3A_883 = arith.constant 0 : i32
    %broadcast_in_dim3A_884 = vector.broadcast %jit3A_882 : i32 to vector<16xi32>
    %broadcast_in_dim3A_885 = vector.broadcast %jit3A_883 : i32 to vector<16xi32>
    %select_n3A_886 = arith.select %ge3A_881, %broadcast_in_dim3A_884, %broadcast_in_dim3A_885 : vector<16xi1>, vector<16xi32>
    %add3A_887 = arith.addi %add3A_878, %select_n3A_886 : vector<16xi32>
    %mul3A_888 = arith.constant 26624 : i32
    %mul3A_889 = vector.broadcast %mul3A_888 : i32 to vector<16xi32>
    %mul3A_890 = arith.muli %mul3A_889, %add3A_887 : vector<16xi32>
    %sub3A_891 = arith.subi %get3A_861, %mul3A_890 : vector<16xi32>
    %mul3A_892 = arith.constant 4 : i32
    %mul3A_893 = vector.broadcast %mul3A_892 : i32 to vector<16xi32>
    %mul3A_894 = arith.muli %mul3A_893, %sub3A_891 : vector<16xi32>
    %add3A_895 = arith.addi %mul3A_894, %add3A_887 : vector<16xi32>
    %swap3A_896 = arith.constant 336 : index
    %swap3A_897 = tpu.vector_load %arg7[%swap3A_896] {strides = array<i32>} : memref<512xi32, #tpu.memory_space<vmem>>, vector<16xi32>,
    %swap3A_898 = vector.shape_cast %swap3A_897 : vector<16xi32> to vector<16xi32>
    %swap3A_899 = vector.shape_cast %add3A_895 : vector<16xi32> to vector<16xi32>
    tpu.vector_store %arg7[%swap3A_896], %swap3A_899 {strides = array<i32>} : memref<512xi32, #tpu.memory_space<vmem>>, vector<16xi32>,
    %get3A_900 = arith.constant 352 : index
    %get3A_901 = tpu.vector_load %arg6[%get3A_900] {strides = array<i32>} : memref<512xi32, #tpu.memory_space<vmem>>, vector<16xi32>,
    %get3A_902 = vector.shape_cast %get3A_901 : vector<16xi32> to vector<16xi32>
    %ge3A_903 = arith.constant 26624 : i32
    %ge3A_904 = vector.broadcast %ge3A_903 : i32 to vector<16xi32>
    %ge3A_905 = arith.cmpi sge, %get3A_902, %ge3A_904 : vector<16xi32>
    %jit3A_906 = arith.constant 1 : i32
    %jit3A_907 = arith.constant 0 : i32
    %broadcast_in_dim3A_908 = vector.broadcast %jit3A_906 : i32 to vector<16xi32>
    %broadcast_in_dim3A_909 = vector.broadcast %jit3A_907 : i32 to vector<16xi32>
    %select_n3A_910 = arith.select %ge3A_905, %broadcast_in_dim3A_908, %broadcast_in_dim3A_909 : vector<16xi1>, vector<16xi32>
    %ge3A_911 = arith.constant 53248 : i32
    %ge3A_912 = vector.broadcast %ge3A_911 : i32 to vector<16xi32>
    %ge3A_913 = arith.cmpi sge, %get3A_902, %ge3A_912 : vector<16xi32>
    %jit3A_914 = arith.constant 1 : i32
    %jit3A_915 = arith.constant 0 : i32
    %broadcast_in_dim3A_916 = vector.broadcast %jit3A_914 : i32 to vector<16xi32>
    %broadcast_in_dim3A_917 = vector.broadcast %jit3A_915 : i32 to vector<16xi32>
    %select_n3A_918 = arith.select %ge3A_913, %broadcast_in_dim3A_916, %broadcast_in_dim3A_917 : vector<16xi1>, vector<16xi32>
    %add3A_919 = arith.addi %select_n3A_910, %select_n3A_918 : vector<16xi32>
    %ge3A_920 = arith.constant 79872 : i32
    %ge3A_921 = vector.broadcast %ge3A_920 : i32 to vector<16xi32>
    %ge3A_922 = arith.cmpi sge, %get3A_902, %ge3A_921 : vector<16xi32>
    %jit3A_923 = arith.constant 1 : i32
    %jit3A_924 = arith.constant 0 : i32
    %broadcast_in_dim3A_925 = vector.broadcast %jit3A_923 : i32 to vector<16xi32>
    %broadcast_in_dim3A_926 = vector.broadcast %jit3A_924 : i32 to vector<16xi32>
    %select_n3A_927 = arith.select %ge3A_922, %broadcast_in_dim3A_925, %broadcast_in_dim3A_926 : vector<16xi1>, vector<16xi32>
    %add3A_928 = arith.addi %add3A_919, %select_n3A_927 : vector<16xi32>
    %mul3A_929 = arith.constant 26624 : i32
    %mul3A_930 = vector.broadcast %mul3A_929 : i32 to vector<16xi32>
    %mul3A_931 = arith.muli %mul3A_930, %add3A_928 : vector<16xi32>
    %sub3A_932 = arith.subi %get3A_902, %mul3A_931 : vector<16xi32>
    %mul3A_933 = arith.constant 4 : i32
    %mul3A_934 = vector.broadcast %mul3A_933 : i32 to vector<16xi32>
    %mul3A_935 = arith.muli %mul3A_934, %sub3A_932 : vector<16xi32>
    %add3A_936 = arith.addi %mul3A_935, %add3A_928 : vector<16xi32>
    %swap3A_937 = arith.constant 352 : index
    %swap3A_938 = tpu.vector_load %arg7[%swap3A_937] {strides = array<i32>} : memref<512xi32, #tpu.memory_space<vmem>>, vector<16xi32>,
    %swap3A_939 = vector.shape_cast %swap3A_938 : vector<16xi32> to vector<16xi32>
    %swap3A_940 = vector.shape_cast %add3A_936 : vector<16xi32> to vector<16xi32>
    tpu.vector_store %arg7[%swap3A_937], %swap3A_940 {strides = array<i32>} : memref<512xi32, #tpu.memory_space<vmem>>, vector<16xi32>,
    %get3A_941 = arith.constant 368 : index
    %get3A_942 = tpu.vector_load %arg6[%get3A_941] {strides = array<i32>} : memref<512xi32, #tpu.memory_space<vmem>>, vector<16xi32>,
    %get3A_943 = vector.shape_cast %get3A_942 : vector<16xi32> to vector<16xi32>
    %ge3A_944 = arith.constant 26624 : i32
    %ge3A_945 = vector.broadcast %ge3A_944 : i32 to vector<16xi32>
    %ge3A_946 = arith.cmpi sge, %get3A_943, %ge3A_945 : vector<16xi32>
    %jit3A_947 = arith.constant 1 : i32
    %jit3A_948 = arith.constant 0 : i32
    %broadcast_in_dim3A_949 = vector.broadcast %jit3A_947 : i32 to vector<16xi32>
    %broadcast_in_dim3A_950 = vector.broadcast %jit3A_948 : i32 to vector<16xi32>
    %select_n3A_951 = arith.select %ge3A_946, %broadcast_in_dim3A_949, %broadcast_in_dim3A_950 : vector<16xi1>, vector<16xi32>
    %ge3A_952 = arith.constant 53248 : i32
    %ge3A_953 = vector.broadcast %ge3A_952 : i32 to vector<16xi32>
    %ge3A_954 = arith.cmpi sge, %get3A_943, %ge3A_953 : vector<16xi32>
    %jit3A_955 = arith.constant 1 : i32
    %jit3A_956 = arith.constant 0 : i32
    %broadcast_in_dim3A_957 = vector.broadcast %jit3A_955 : i32 to vector<16xi32>
    %broadcast_in_dim3A_958 = vector.broadcast %jit3A_956 : i32 to vector<16xi32>
    %select_n3A_959 = arith.select %ge3A_954, %broadcast_in_dim3A_957, %broadcast_in_dim3A_958 : vector<16xi1>, vector<16xi32>
    %add3A_960 = arith.addi %select_n3A_951, %select_n3A_959 : vector<16xi32>
    %ge3A_961 = arith.constant 79872 : i32
    %ge3A_962 = vector.broadcast %ge3A_961 : i32 to vector<16xi32>
    %ge3A_963 = arith.cmpi sge, %get3A_943, %ge3A_962 : vector<16xi32>
    %jit3A_964 = arith.constant 1 : i32
    %jit3A_965 = arith.constant 0 : i32
    %broadcast_in_dim3A_966 = vector.broadcast %jit3A_964 : i32 to vector<16xi32>
    %broadcast_in_dim3A_967 = vector.broadcast %jit3A_965 : i32 to vector<16xi32>
    %select_n3A_968 = arith.select %ge3A_963, %broadcast_in_dim3A_966, %broadcast_in_dim3A_967 : vector<16xi1>, vector<16xi32>
    %add3A_969 = arith.addi %add3A_960, %select_n3A_968 : vector<16xi32>
    %mul3A_970 = arith.constant 26624 : i32
    %mul3A_971 = vector.broadcast %mul3A_970 : i32 to vector<16xi32>
    %mul3A_972 = arith.muli %mul3A_971, %add3A_969 : vector<16xi32>
    %sub3A_973 = arith.subi %get3A_943, %mul3A_972 : vector<16xi32>
    %mul3A_974 = arith.constant 4 : i32
    %mul3A_975 = vector.broadcast %mul3A_974 : i32 to vector<16xi32>
    %mul3A_976 = arith.muli %mul3A_975, %sub3A_973 : vector<16xi32>
    %add3A_977 = arith.addi %mul3A_976, %add3A_969 : vector<16xi32>
    %swap3A_978 = arith.constant 368 : index
    %swap3A_979 = tpu.vector_load %arg7[%swap3A_978] {strides = array<i32>} : memref<512xi32, #tpu.memory_space<vmem>>, vector<16xi32>,
    %swap3A_980 = vector.shape_cast %swap3A_979 : vector<16xi32> to vector<16xi32>
    %swap3A_981 = vector.shape_cast %add3A_977 : vector<16xi32> to vector<16xi32>
    tpu.vector_store %arg7[%swap3A_978], %swap3A_981 {strides = array<i32>} : memref<512xi32, #tpu.memory_space<vmem>>, vector<16xi32>,
    %get3A_982 = arith.constant 384 : index
    %get3A_983 = tpu.vector_load %arg6[%get3A_982] {strides = array<i32>} : memref<512xi32, #tpu.memory_space<vmem>>, vector<16xi32>,
    %get3A_984 = vector.shape_cast %get3A_983 : vector<16xi32> to vector<16xi32>
    %ge3A_985 = arith.constant 26624 : i32
    %ge3A_986 = vector.broadcast %ge3A_985 : i32 to vector<16xi32>
    %ge3A_987 = arith.cmpi sge, %get3A_984, %ge3A_986 : vector<16xi32>
    %jit3A_988 = arith.constant 1 : i32
    %jit3A_989 = arith.constant 0 : i32
    %broadcast_in_dim3A_990 = vector.broadcast %jit3A_988 : i32 to vector<16xi32>
    %broadcast_in_dim3A_991 = vector.broadcast %jit3A_989 : i32 to vector<16xi32>
    %select_n3A_992 = arith.select %ge3A_987, %broadcast_in_dim3A_990, %broadcast_in_dim3A_991 : vector<16xi1>, vector<16xi32>
    %ge3A_993 = arith.constant 53248 : i32
    %ge3A_994 = vector.broadcast %ge3A_993 : i32 to vector<16xi32>
    %ge3A_995 = arith.cmpi sge, %get3A_984, %ge3A_994 : vector<16xi32>
    %jit3A_996 = arith.constant 1 : i32
    %jit3A_997 = arith.constant 0 : i32
    %broadcast_in_dim3A_998 = vector.broadcast %jit3A_996 : i32 to vector<16xi32>
    %broadcast_in_dim3A_999 = vector.broadcast %jit3A_997 : i32 to vector<16xi32>
    %select_n3A_1000 = arith.select %ge3A_995, %broadcast_in_dim3A_998, %broadcast_in_dim3A_999 : vector<16xi1>, vector<16xi32>
    %add3A_1001 = arith.addi %select_n3A_992, %select_n3A_1000 : vector<16xi32>
    %ge3A_1002 = arith.constant 79872 : i32
    %ge3A_1003 = vector.broadcast %ge3A_1002 : i32 to vector<16xi32>
    %ge3A_1004 = arith.cmpi sge, %get3A_984, %ge3A_1003 : vector<16xi32>
    %jit3A_1005 = arith.constant 1 : i32
    %jit3A_1006 = arith.constant 0 : i32
    %broadcast_in_dim3A_1007 = vector.broadcast %jit3A_1005 : i32 to vector<16xi32>
    %broadcast_in_dim3A_1008 = vector.broadcast %jit3A_1006 : i32 to vector<16xi32>
    %select_n3A_1009 = arith.select %ge3A_1004, %broadcast_in_dim3A_1007, %broadcast_in_dim3A_1008 : vector<16xi1>, vector<16xi32>
    %add3A_1010 = arith.addi %add3A_1001, %select_n3A_1009 : vector<16xi32>
    %mul3A_1011 = arith.constant 26624 : i32
    %mul3A_1012 = vector.broadcast %mul3A_1011 : i32 to vector<16xi32>
    %mul3A_1013 = arith.muli %mul3A_1012, %add3A_1010 : vector<16xi32>
    %sub3A_1014 = arith.subi %get3A_984, %mul3A_1013 : vector<16xi32>
    %mul3A_1015 = arith.constant 4 : i32
    %mul3A_1016 = vector.broadcast %mul3A_1015 : i32 to vector<16xi32>
    %mul3A_1017 = arith.muli %mul3A_1016, %sub3A_1014 : vector<16xi32>
    %add3A_1018 = arith.addi %mul3A_1017, %add3A_1010 : vector<16xi32>
    %swap3A_1019 = arith.constant 384 : index
    %swap3A_1020 = tpu.vector_load %arg7[%swap3A_1019] {strides = array<i32>} : memref<512xi32, #tpu.memory_space<vmem>>, vector<16xi32>,
    %swap3A_1021 = vector.shape_cast %swap3A_1020 : vector<16xi32> to vector<16xi32>
    %swap3A_1022 = vector.shape_cast %add3A_1018 : vector<16xi32> to vector<16xi32>
    tpu.vector_store %arg7[%swap3A_1019], %swap3A_1022 {strides = array<i32>} : memref<512xi32, #tpu.memory_space<vmem>>, vector<16xi32>,
    %get3A_1023 = arith.constant 400 : index
    %get3A_1024 = tpu.vector_load %arg6[%get3A_1023] {strides = array<i32>} : memref<512xi32, #tpu.memory_space<vmem>>, vector<16xi32>,
    %get3A_1025 = vector.shape_cast %get3A_1024 : vector<16xi32> to vector<16xi32>
    %ge3A_1026 = arith.constant 26624 : i32
    %ge3A_1027 = vector.broadcast %ge3A_1026 : i32 to vector<16xi32>
    %ge3A_1028 = arith.cmpi sge, %get3A_1025, %ge3A_1027 : vector<16xi32>
    %jit3A_1029 = arith.constant 1 : i32
    %jit3A_1030 = arith.constant 0 : i32
    %broadcast_in_dim3A_1031 = vector.broadcast %jit3A_1029 : i32 to vector<16xi32>
    %broadcast_in_dim3A_1032 = vector.broadcast %jit3A_1030 : i32 to vector<16xi32>
    %select_n3A_1033 = arith.select %ge3A_1028, %broadcast_in_dim3A_1031, %broadcast_in_dim3A_1032 : vector<16xi1>, vector<16xi32>
    %ge3A_1034 = arith.constant 53248 : i32
    %ge3A_1035 = vector.broadcast %ge3A_1034 : i32 to vector<16xi32>
    %ge3A_1036 = arith.cmpi sge, %get3A_1025, %ge3A_1035 : vector<16xi32>
    %jit3A_1037 = arith.constant 1 : i32
    %jit3A_1038 = arith.constant 0 : i32
    %broadcast_in_dim3A_1039 = vector.broadcast %jit3A_1037 : i32 to vector<16xi32>
    %broadcast_in_dim3A_1040 = vector.broadcast %jit3A_1038 : i32 to vector<16xi32>
    %select_n3A_1041 = arith.select %ge3A_1036, %broadcast_in_dim3A_1039, %broadcast_in_dim3A_1040 : vector<16xi1>, vector<16xi32>
    %add3A_1042 = arith.addi %select_n3A_1033, %select_n3A_1041 : vector<16xi32>
    %ge3A_1043 = arith.constant 79872 : i32
    %ge3A_1044 = vector.broadcast %ge3A_1043 : i32 to vector<16xi32>
    %ge3A_1045 = arith.cmpi sge, %get3A_1025, %ge3A_1044 : vector<16xi32>
    %jit3A_1046 = arith.constant 1 : i32
    %jit3A_1047 = arith.constant 0 : i32
    %broadcast_in_dim3A_1048 = vector.broadcast %jit3A_1046 : i32 to vector<16xi32>
    %broadcast_in_dim3A_1049 = vector.broadcast %jit3A_1047 : i32 to vector<16xi32>
    %select_n3A_1050 = arith.select %ge3A_1045, %broadcast_in_dim3A_1048, %broadcast_in_dim3A_1049 : vector<16xi1>, vector<16xi32>
    %add3A_1051 = arith.addi %add3A_1042, %select_n3A_1050 : vector<16xi32>
    %mul3A_1052 = arith.constant 26624 : i32
    %mul3A_1053 = vector.broadcast %mul3A_1052 : i32 to vector<16xi32>
    %mul3A_1054 = arith.muli %mul3A_1053, %add3A_1051 : vector<16xi32>
    %sub3A_1055 = arith.subi %get3A_1025, %mul3A_1054 : vector<16xi32>
    %mul3A_1056 = arith.constant 4 : i32
    %mul3A_1057 = vector.broadcast %mul3A_1056 : i32 to vector<16xi32>
    %mul3A_1058 = arith.muli %mul3A_1057, %sub3A_1055 : vector<16xi32>
    %add3A_1059 = arith.addi %mul3A_1058, %add3A_1051 : vector<16xi32>
    %swap3A_1060 = arith.constant 400 : index
    %swap3A_1061 = tpu.vector_load %arg7[%swap3A_1060] {strides = array<i32>} : memref<512xi32, #tpu.memory_space<vmem>>, vector<16xi32>,
    %swap3A_1062 = vector.shape_cast %swap3A_1061 : vector<16xi32> to vector<16xi32>
    %swap3A_1063 = vector.shape_cast %add3A_1059 : vector<16xi32> to vector<16xi32>
    tpu.vector_store %arg7[%swap3A_1060], %swap3A_1063 {strides = array<i32>} : memref<512xi32, #tpu.memory_space<vmem>>, vector<16xi32>,
    %get3A_1064 = arith.constant 416 : index
    %get3A_1065 = tpu.vector_load %arg6[%get3A_1064] {strides = array<i32>} : memref<512xi32, #tpu.memory_space<vmem>>, vector<16xi32>,
    %get3A_1066 = vector.shape_cast %get3A_1065 : vector<16xi32> to vector<16xi32>
    %ge3A_1067 = arith.constant 26624 : i32
    %ge3A_1068 = vector.broadcast %ge3A_1067 : i32 to vector<16xi32>
    %ge3A_1069 = arith.cmpi sge, %get3A_1066, %ge3A_1068 : vector<16xi32>
    %jit3A_1070 = arith.constant 1 : i32
    %jit3A_1071 = arith.constant 0 : i32
    %broadcast_in_dim3A_1072 = vector.broadcast %jit3A_1070 : i32 to vector<16xi32>
    %broadcast_in_dim3A_1073 = vector.broadcast %jit3A_1071 : i32 to vector<16xi32>
    %select_n3A_1074 = arith.select %ge3A_1069, %broadcast_in_dim3A_1072, %broadcast_in_dim3A_1073 : vector<16xi1>, vector<16xi32>
    %ge3A_1075 = arith.constant 53248 : i32
    %ge3A_1076 = vector.broadcast %ge3A_1075 : i32 to vector<16xi32>
    %ge3A_1077 = arith.cmpi sge, %get3A_1066, %ge3A_1076 : vector<16xi32>
    %jit3A_1078 = arith.constant 1 : i32
    %jit3A_1079 = arith.constant 0 : i32
    %broadcast_in_dim3A_1080 = vector.broadcast %jit3A_1078 : i32 to vector<16xi32>
    %broadcast_in_dim3A_1081 = vector.broadcast %jit3A_1079 : i32 to vector<16xi32>
    %select_n3A_1082 = arith.select %ge3A_1077, %broadcast_in_dim3A_1080, %broadcast_in_dim3A_1081 : vector<16xi1>, vector<16xi32>
    %add3A_1083 = arith.addi %select_n3A_1074, %select_n3A_1082 : vector<16xi32>
    %ge3A_1084 = arith.constant 79872 : i32
    %ge3A_1085 = vector.broadcast %ge3A_1084 : i32 to vector<16xi32>
    %ge3A_1086 = arith.cmpi sge, %get3A_1066, %ge3A_1085 : vector<16xi32>
    %jit3A_1087 = arith.constant 1 : i32
    %jit3A_1088 = arith.constant 0 : i32
    %broadcast_in_dim3A_1089 = vector.broadcast %jit3A_1087 : i32 to vector<16xi32>
    %broadcast_in_dim3A_1090 = vector.broadcast %jit3A_1088 : i32 to vector<16xi32>
    %select_n3A_1091 = arith.select %ge3A_1086, %broadcast_in_dim3A_1089, %broadcast_in_dim3A_1090 : vector<16xi1>, vector<16xi32>
    %add3A_1092 = arith.addi %add3A_1083, %select_n3A_1091 : vector<16xi32>
    %mul3A_1093 = arith.constant 26624 : i32
    %mul3A_1094 = vector.broadcast %mul3A_1093 : i32 to vector<16xi32>
    %mul3A_1095 = arith.muli %mul3A_1094, %add3A_1092 : vector<16xi32>
    %sub3A_1096 = arith.subi %get3A_1066, %mul3A_1095 : vector<16xi32>
    %mul3A_1097 = arith.constant 4 : i32
    %mul3A_1098 = vector.broadcast %mul3A_1097 : i32 to vector<16xi32>
    %mul3A_1099 = arith.muli %mul3A_1098, %sub3A_1096 : vector<16xi32>
    %add3A_1100 = arith.addi %mul3A_1099, %add3A_1092 : vector<16xi32>
    %swap3A_1101 = arith.constant 416 : index
    %swap3A_1102 = tpu.vector_load %arg7[%swap3A_1101] {strides = array<i32>} : memref<512xi32, #tpu.memory_space<vmem>>, vector<16xi32>,
    %swap3A_1103 = vector.shape_cast %swap3A_1102 : vector<16xi32> to vector<16xi32>
    %swap3A_1104 = vector.shape_cast %add3A_1100 : vector<16xi32> to vector<16xi32>
    tpu.vector_store %arg7[%swap3A_1101], %swap3A_1104 {strides = array<i32>} : memref<512xi32, #tpu.memory_space<vmem>>, vector<16xi32>,
    %get3A_1105 = arith.constant 432 : index
    %get3A_1106 = tpu.vector_load %arg6[%get3A_1105] {strides = array<i32>} : memref<512xi32, #tpu.memory_space<vmem>>, vector<16xi32>,
    %get3A_1107 = vector.shape_cast %get3A_1106 : vector<16xi32> to vector<16xi32>
    %ge3A_1108 = arith.constant 26624 : i32
    %ge3A_1109 = vector.broadcast %ge3A_1108 : i32 to vector<16xi32>
    %ge3A_1110 = arith.cmpi sge, %get3A_1107, %ge3A_1109 : vector<16xi32>
    %jit3A_1111 = arith.constant 1 : i32
    %jit3A_1112 = arith.constant 0 : i32
    %broadcast_in_dim3A_1113 = vector.broadcast %jit3A_1111 : i32 to vector<16xi32>
    %broadcast_in_dim3A_1114 = vector.broadcast %jit3A_1112 : i32 to vector<16xi32>
    %select_n3A_1115 = arith.select %ge3A_1110, %broadcast_in_dim3A_1113, %broadcast_in_dim3A_1114 : vector<16xi1>, vector<16xi32>
    %ge3A_1116 = arith.constant 53248 : i32
    %ge3A_1117 = vector.broadcast %ge3A_1116 : i32 to vector<16xi32>
    %ge3A_1118 = arith.cmpi sge, %get3A_1107, %ge3A_1117 : vector<16xi32>
    %jit3A_1119 = arith.constant 1 : i32
    %jit3A_1120 = arith.constant 0 : i32
    %broadcast_in_dim3A_1121 = vector.broadcast %jit3A_1119 : i32 to vector<16xi32>
    %broadcast_in_dim3A_1122 = vector.broadcast %jit3A_1120 : i32 to vector<16xi32>
    %select_n3A_1123 = arith.select %ge3A_1118, %broadcast_in_dim3A_1121, %broadcast_in_dim3A_1122 : vector<16xi1>, vector<16xi32>
    %add3A_1124 = arith.addi %select_n3A_1115, %select_n3A_1123 : vector<16xi32>
    %ge3A_1125 = arith.constant 79872 : i32
    %ge3A_1126 = vector.broadcast %ge3A_1125 : i32 to vector<16xi32>
    %ge3A_1127 = arith.cmpi sge, %get3A_1107, %ge3A_1126 : vector<16xi32>
    %jit3A_1128 = arith.constant 1 : i32
    %jit3A_1129 = arith.constant 0 : i32
    %broadcast_in_dim3A_1130 = vector.broadcast %jit3A_1128 : i32 to vector<16xi32>
    %broadcast_in_dim3A_1131 = vector.broadcast %jit3A_1129 : i32 to vector<16xi32>
    %select_n3A_1132 = arith.select %ge3A_1127, %broadcast_in_dim3A_1130, %broadcast_in_dim3A_1131 : vector<16xi1>, vector<16xi32>
    %add3A_1133 = arith.addi %add3A_1124, %select_n3A_1132 : vector<16xi32>
    %mul3A_1134 = arith.constant 26624 : i32
    %mul3A_1135 = vector.broadcast %mul3A_1134 : i32 to vector<16xi32>
    %mul3A_1136 = arith.muli %mul3A_1135, %add3A_1133 : vector<16xi32>
    %sub3A_1137 = arith.subi %get3A_1107, %mul3A_1136 : vector<16xi32>
    %mul3A_1138 = arith.constant 4 : i32
    %mul3A_1139 = vector.broadcast %mul3A_1138 : i32 to vector<16xi32>
    %mul3A_1140 = arith.muli %mul3A_1139, %sub3A_1137 : vector<16xi32>
    %add3A_1141 = arith.addi %mul3A_1140, %add3A_1133 : vector<16xi32>
    %swap3A_1142 = arith.constant 432 : index
    %swap3A_1143 = tpu.vector_load %arg7[%swap3A_1142] {strides = array<i32>} : memref<512xi32, #tpu.memory_space<vmem>>, vector<16xi32>,
    %swap3A_1144 = vector.shape_cast %swap3A_1143 : vector<16xi32> to vector<16xi32>
    %swap3A_1145 = vector.shape_cast %add3A_1141 : vector<16xi32> to vector<16xi32>
    tpu.vector_store %arg7[%swap3A_1142], %swap3A_1145 {strides = array<i32>} : memref<512xi32, #tpu.memory_space<vmem>>, vector<16xi32>,
    %get3A_1146 = arith.constant 448 : index
    %get3A_1147 = tpu.vector_load %arg6[%get3A_1146] {strides = array<i32>} : memref<512xi32, #tpu.memory_space<vmem>>, vector<16xi32>,
    %get3A_1148 = vector.shape_cast %get3A_1147 : vector<16xi32> to vector<16xi32>
    %ge3A_1149 = arith.constant 26624 : i32
    %ge3A_1150 = vector.broadcast %ge3A_1149 : i32 to vector<16xi32>
    %ge3A_1151 = arith.cmpi sge, %get3A_1148, %ge3A_1150 : vector<16xi32>
    %jit3A_1152 = arith.constant 1 : i32
    %jit3A_1153 = arith.constant 0 : i32
    %broadcast_in_dim3A_1154 = vector.broadcast %jit3A_1152 : i32 to vector<16xi32>
    %broadcast_in_dim3A_1155 = vector.broadcast %jit3A_1153 : i32 to vector<16xi32>
    %select_n3A_1156 = arith.select %ge3A_1151, %broadcast_in_dim3A_1154, %broadcast_in_dim3A_1155 : vector<16xi1>, vector<16xi32>
    %ge3A_1157 = arith.constant 53248 : i32
    %ge3A_1158 = vector.broadcast %ge3A_1157 : i32 to vector<16xi32>
    %ge3A_1159 = arith.cmpi sge, %get3A_1148, %ge3A_1158 : vector<16xi32>
    %jit3A_1160 = arith.constant 1 : i32
    %jit3A_1161 = arith.constant 0 : i32
    %broadcast_in_dim3A_1162 = vector.broadcast %jit3A_1160 : i32 to vector<16xi32>
    %broadcast_in_dim3A_1163 = vector.broadcast %jit3A_1161 : i32 to vector<16xi32>
    %select_n3A_1164 = arith.select %ge3A_1159, %broadcast_in_dim3A_1162, %broadcast_in_dim3A_1163 : vector<16xi1>, vector<16xi32>
    %add3A_1165 = arith.addi %select_n3A_1156, %select_n3A_1164 : vector<16xi32>
    %ge3A_1166 = arith.constant 79872 : i32
    %ge3A_1167 = vector.broadcast %ge3A_1166 : i32 to vector<16xi32>
    %ge3A_1168 = arith.cmpi sge, %get3A_1148, %ge3A_1167 : vector<16xi32>
    %jit3A_1169 = arith.constant 1 : i32
    %jit3A_1170 = arith.constant 0 : i32
    %broadcast_in_dim3A_1171 = vector.broadcast %jit3A_1169 : i32 to vector<16xi32>
    %broadcast_in_dim3A_1172 = vector.broadcast %jit3A_1170 : i32 to vector<16xi32>
    %select_n3A_1173 = arith.select %ge3A_1168, %broadcast_in_dim3A_1171, %broadcast_in_dim3A_1172 : vector<16xi1>, vector<16xi32>
    %add3A_1174 = arith.addi %add3A_1165, %select_n3A_1173 : vector<16xi32>
    %mul3A_1175 = arith.constant 26624 : i32
    %mul3A_1176 = vector.broadcast %mul3A_1175 : i32 to vector<16xi32>
    %mul3A_1177 = arith.muli %mul3A_1176, %add3A_1174 : vector<16xi32>
    %sub3A_1178 = arith.subi %get3A_1148, %mul3A_1177 : vector<16xi32>
    %mul3A_1179 = arith.constant 4 : i32
    %mul3A_1180 = vector.broadcast %mul3A_1179 : i32 to vector<16xi32>
    %mul3A_1181 = arith.muli %mul3A_1180, %sub3A_1178 : vector<16xi32>
    %add3A_1182 = arith.addi %mul3A_1181, %add3A_1174 : vector<16xi32>
    %swap3A_1183 = arith.constant 448 : index
    %swap3A_1184 = tpu.vector_load %arg7[%swap3A_1183] {strides = array<i32>} : memref<512xi32, #tpu.memory_space<vmem>>, vector<16xi32>,
    %swap3A_1185 = vector.shape_cast %swap3A_1184 : vector<16xi32> to vector<16xi32>
    %swap3A_1186 = vector.shape_cast %add3A_1182 : vector<16xi32> to vector<16xi32>
    tpu.vector_store %arg7[%swap3A_1183], %swap3A_1186 {strides = array<i32>} : memref<512xi32, #tpu.memory_space<vmem>>, vector<16xi32>,
    %get3A_1187 = arith.constant 464 : index
    %get3A_1188 = tpu.vector_load %arg6[%get3A_1187] {strides = array<i32>} : memref<512xi32, #tpu.memory_space<vmem>>, vector<16xi32>,
    %get3A_1189 = vector.shape_cast %get3A_1188 : vector<16xi32> to vector<16xi32>
    %ge3A_1190 = arith.constant 26624 : i32
    %ge3A_1191 = vector.broadcast %ge3A_1190 : i32 to vector<16xi32>
    %ge3A_1192 = arith.cmpi sge, %get3A_1189, %ge3A_1191 : vector<16xi32>
    %jit3A_1193 = arith.constant 1 : i32
    %jit3A_1194 = arith.constant 0 : i32
    %broadcast_in_dim3A_1195 = vector.broadcast %jit3A_1193 : i32 to vector<16xi32>
    %broadcast_in_dim3A_1196 = vector.broadcast %jit3A_1194 : i32 to vector<16xi32>
    %select_n3A_1197 = arith.select %ge3A_1192, %broadcast_in_dim3A_1195, %broadcast_in_dim3A_1196 : vector<16xi1>, vector<16xi32>
    %ge3A_1198 = arith.constant 53248 : i32
    %ge3A_1199 = vector.broadcast %ge3A_1198 : i32 to vector<16xi32>
    %ge3A_1200 = arith.cmpi sge, %get3A_1189, %ge3A_1199 : vector<16xi32>
    %jit3A_1201 = arith.constant 1 : i32
    %jit3A_1202 = arith.constant 0 : i32
    %broadcast_in_dim3A_1203 = vector.broadcast %jit3A_1201 : i32 to vector<16xi32>
    %broadcast_in_dim3A_1204 = vector.broadcast %jit3A_1202 : i32 to vector<16xi32>
    %select_n3A_1205 = arith.select %ge3A_1200, %broadcast_in_dim3A_1203, %broadcast_in_dim3A_1204 : vector<16xi1>, vector<16xi32>
    %add3A_1206 = arith.addi %select_n3A_1197, %select_n3A_1205 : vector<16xi32>
    %ge3A_1207 = arith.constant 79872 : i32
    %ge3A_1208 = vector.broadcast %ge3A_1207 : i32 to vector<16xi32>
    %ge3A_1209 = arith.cmpi sge, %get3A_1189, %ge3A_1208 : vector<16xi32>
    %jit3A_1210 = arith.constant 1 : i32
    %jit3A_1211 = arith.constant 0 : i32
    %broadcast_in_dim3A_1212 = vector.broadcast %jit3A_1210 : i32 to vector<16xi32>
    %broadcast_in_dim3A_1213 = vector.broadcast %jit3A_1211 : i32 to vector<16xi32>
    %select_n3A_1214 = arith.select %ge3A_1209, %broadcast_in_dim3A_1212, %broadcast_in_dim3A_1213 : vector<16xi1>, vector<16xi32>
    %add3A_1215 = arith.addi %add3A_1206, %select_n3A_1214 : vector<16xi32>
    %mul3A_1216 = arith.constant 26624 : i32
    %mul3A_1217 = vector.broadcast %mul3A_1216 : i32 to vector<16xi32>
    %mul3A_1218 = arith.muli %mul3A_1217, %add3A_1215 : vector<16xi32>
    %sub3A_1219 = arith.subi %get3A_1189, %mul3A_1218 : vector<16xi32>
    %mul3A_1220 = arith.constant 4 : i32
    %mul3A_1221 = vector.broadcast %mul3A_1220 : i32 to vector<16xi32>
    %mul3A_1222 = arith.muli %mul3A_1221, %sub3A_1219 : vector<16xi32>
    %add3A_1223 = arith.addi %mul3A_1222, %add3A_1215 : vector<16xi32>
    %swap3A_1224 = arith.constant 464 : index
    %swap3A_1225 = tpu.vector_load %arg7[%swap3A_1224] {strides = array<i32>} : memref<512xi32, #tpu.memory_space<vmem>>, vector<16xi32>,
    %swap3A_1226 = vector.shape_cast %swap3A_1225 : vector<16xi32> to vector<16xi32>
    %swap3A_1227 = vector.shape_cast %add3A_1223 : vector<16xi32> to vector<16xi32>
    tpu.vector_store %arg7[%swap3A_1224], %swap3A_1227 {strides = array<i32>} : memref<512xi32, #tpu.memory_space<vmem>>, vector<16xi32>,
    %get3A_1228 = arith.constant 480 : index
    %get3A_1229 = tpu.vector_load %arg6[%get3A_1228] {strides = array<i32>} : memref<512xi32, #tpu.memory_space<vmem>>, vector<16xi32>,
    %get3A_1230 = vector.shape_cast %get3A_1229 : vector<16xi32> to vector<16xi32>
    %ge3A_1231 = arith.constant 26624 : i32
    %ge3A_1232 = vector.broadcast %ge3A_1231 : i32 to vector<16xi32>
    %ge3A_1233 = arith.cmpi sge, %get3A_1230, %ge3A_1232 : vector<16xi32>
    %jit3A_1234 = arith.constant 1 : i32
    %jit3A_1235 = arith.constant 0 : i32
    %broadcast_in_dim3A_1236 = vector.broadcast %jit3A_1234 : i32 to vector<16xi32>
    %broadcast_in_dim3A_1237 = vector.broadcast %jit3A_1235 : i32 to vector<16xi32>
    %select_n3A_1238 = arith.select %ge3A_1233, %broadcast_in_dim3A_1236, %broadcast_in_dim3A_1237 : vector<16xi1>, vector<16xi32>
    %ge3A_1239 = arith.constant 53248 : i32
    %ge3A_1240 = vector.broadcast %ge3A_1239 : i32 to vector<16xi32>
    %ge3A_1241 = arith.cmpi sge, %get3A_1230, %ge3A_1240 : vector<16xi32>
    %jit3A_1242 = arith.constant 1 : i32
    %jit3A_1243 = arith.constant 0 : i32
    %broadcast_in_dim3A_1244 = vector.broadcast %jit3A_1242 : i32 to vector<16xi32>
    %broadcast_in_dim3A_1245 = vector.broadcast %jit3A_1243 : i32 to vector<16xi32>
    %select_n3A_1246 = arith.select %ge3A_1241, %broadcast_in_dim3A_1244, %broadcast_in_dim3A_1245 : vector<16xi1>, vector<16xi32>
    %add3A_1247 = arith.addi %select_n3A_1238, %select_n3A_1246 : vector<16xi32>
    %ge3A_1248 = arith.constant 79872 : i32
    %ge3A_1249 = vector.broadcast %ge3A_1248 : i32 to vector<16xi32>
    %ge3A_1250 = arith.cmpi sge, %get3A_1230, %ge3A_1249 : vector<16xi32>
    %jit3A_1251 = arith.constant 1 : i32
    %jit3A_1252 = arith.constant 0 : i32
    %broadcast_in_dim3A_1253 = vector.broadcast %jit3A_1251 : i32 to vector<16xi32>
    %broadcast_in_dim3A_1254 = vector.broadcast %jit3A_1252 : i32 to vector<16xi32>
    %select_n3A_1255 = arith.select %ge3A_1250, %broadcast_in_dim3A_1253, %broadcast_in_dim3A_1254 : vector<16xi1>, vector<16xi32>
    %add3A_1256 = arith.addi %add3A_1247, %select_n3A_1255 : vector<16xi32>
    %mul3A_1257 = arith.constant 26624 : i32
    %mul3A_1258 = vector.broadcast %mul3A_1257 : i32 to vector<16xi32>
    %mul3A_1259 = arith.muli %mul3A_1258, %add3A_1256 : vector<16xi32>
    %sub3A_1260 = arith.subi %get3A_1230, %mul3A_1259 : vector<16xi32>
    %mul3A_1261 = arith.constant 4 : i32
    %mul3A_1262 = vector.broadcast %mul3A_1261 : i32 to vector<16xi32>
    %mul3A_1263 = arith.muli %mul3A_1262, %sub3A_1260 : vector<16xi32>
    %add3A_1264 = arith.addi %mul3A_1263, %add3A_1256 : vector<16xi32>
    %swap3A_1265 = arith.constant 480 : index
    %swap3A_1266 = tpu.vector_load %arg7[%swap3A_1265] {strides = array<i32>} : memref<512xi32, #tpu.memory_space<vmem>>, vector<16xi32>,
    %swap3A_1267 = vector.shape_cast %swap3A_1266 : vector<16xi32> to vector<16xi32>
    %swap3A_1268 = vector.shape_cast %add3A_1264 : vector<16xi32> to vector<16xi32>
    tpu.vector_store %arg7[%swap3A_1265], %swap3A_1268 {strides = array<i32>} : memref<512xi32, #tpu.memory_space<vmem>>, vector<16xi32>,
    %get3A_1269 = arith.constant 496 : index
    %get3A_1270 = tpu.vector_load %arg6[%get3A_1269] {strides = array<i32>} : memref<512xi32, #tpu.memory_space<vmem>>, vector<16xi32>,
    %get3A_1271 = vector.shape_cast %get3A_1270 : vector<16xi32> to vector<16xi32>
    %ge3A_1272 = arith.constant 26624 : i32
    %ge3A_1273 = vector.broadcast %ge3A_1272 : i32 to vector<16xi32>
    %ge3A_1274 = arith.cmpi sge, %get3A_1271, %ge3A_1273 : vector<16xi32>
    %jit3A_1275 = arith.constant 1 : i32
    %jit3A_1276 = arith.constant 0 : i32
    %broadcast_in_dim3A_1277 = vector.broadcast %jit3A_1275 : i32 to vector<16xi32>
    %broadcast_in_dim3A_1278 = vector.broadcast %jit3A_1276 : i32 to vector<16xi32>
    %select_n3A_1279 = arith.select %ge3A_1274, %broadcast_in_dim3A_1277, %broadcast_in_dim3A_1278 : vector<16xi1>, vector<16xi32>
    %ge3A_1280 = arith.constant 53248 : i32
    %ge3A_1281 = vector.broadcast %ge3A_1280 : i32 to vector<16xi32>
    %ge3A_1282 = arith.cmpi sge, %get3A_1271, %ge3A_1281 : vector<16xi32>
    %jit3A_1283 = arith.constant 1 : i32
    %jit3A_1284 = arith.constant 0 : i32
    %broadcast_in_dim3A_1285 = vector.broadcast %jit3A_1283 : i32 to vector<16xi32>
    %broadcast_in_dim3A_1286 = vector.broadcast %jit3A_1284 : i32 to vector<16xi32>
    %select_n3A_1287 = arith.select %ge3A_1282, %broadcast_in_dim3A_1285, %broadcast_in_dim3A_1286 : vector<16xi1>, vector<16xi32>
    %add3A_1288 = arith.addi %select_n3A_1279, %select_n3A_1287 : vector<16xi32>
    %ge3A_1289 = arith.constant 79872 : i32
    %ge3A_1290 = vector.broadcast %ge3A_1289 : i32 to vector<16xi32>
    %ge3A_1291 = arith.cmpi sge, %get3A_1271, %ge3A_1290 : vector<16xi32>
    %jit3A_1292 = arith.constant 1 : i32
    %jit3A_1293 = arith.constant 0 : i32
    %broadcast_in_dim3A_1294 = vector.broadcast %jit3A_1292 : i32 to vector<16xi32>
    %broadcast_in_dim3A_1295 = vector.broadcast %jit3A_1293 : i32 to vector<16xi32>
    %select_n3A_1296 = arith.select %ge3A_1291, %broadcast_in_dim3A_1294, %broadcast_in_dim3A_1295 : vector<16xi1>, vector<16xi32>
    %add3A_1297 = arith.addi %add3A_1288, %select_n3A_1296 : vector<16xi32>
    %mul3A_1298 = arith.constant 26624 : i32
    %mul3A_1299 = vector.broadcast %mul3A_1298 : i32 to vector<16xi32>
    %mul3A_1300 = arith.muli %mul3A_1299, %add3A_1297 : vector<16xi32>
    %sub3A_1301 = arith.subi %get3A_1271, %mul3A_1300 : vector<16xi32>
    %mul3A_1302 = arith.constant 4 : i32
    %mul3A_1303 = vector.broadcast %mul3A_1302 : i32 to vector<16xi32>
    %mul3A_1304 = arith.muli %mul3A_1303, %sub3A_1301 : vector<16xi32>
    %add3A_1305 = arith.addi %mul3A_1304, %add3A_1297 : vector<16xi32>
    %swap3A_1306 = arith.constant 496 : index
    %swap3A_1307 = tpu.vector_load %arg7[%swap3A_1306] {strides = array<i32>} : memref<512xi32, #tpu.memory_space<vmem>>, vector<16xi32>,
    %swap3A_1308 = vector.shape_cast %swap3A_1307 : vector<16xi32> to vector<16xi32>
    %swap3A_1309 = vector.shape_cast %add3A_1305 : vector<16xi32> to vector<16xi32>
    tpu.vector_store %arg7[%swap3A_1306], %swap3A_1309 {strides = array<i32>} : memref<512xi32, #tpu.memory_space<vmem>>, vector<16xi32>,
    %dma_start3A = arith.constant 0 : i32
    %dma_start3A_1310 = arith.constant 0 : i32
    %dma_start3A_1311 = tpu.memref_slice %arg3[%dma_start3A, %dma_start3A_1310] : memref<106496x32xi32, #tpu.memory_space<hbm>> -> memref<106496x32xi32, #tpu.memory_space<hbm>>
    tpu.enqueue_indirect_dma source(%dma_start3A_1311 : memref<106496x32xi32, #tpu.memory_space<hbm>>) target(%arg8 : memref<512x32xi32, #tpu.memory_space<vmem>>) offsets(%arg7 : memref<512xi32, #tpu.memory_space<vmem>>) semaphore(%arg11 : memref<!tpu.dma_semaphore, #tpu.memory_space<semaphore_mem>>)
    %dma_wait3A = arith.constant 0 : i32
    %dma_wait3A_1312 = arith.constant 0 : i32
    %dma_wait3A_1313 = tpu.memref_slice %arg3[%dma_wait3A, %dma_wait3A_1312] : memref<106496x32xi32, #tpu.memory_space<hbm>> -> memref<106496x32xi32, #tpu.memory_space<hbm>>
    tpu.wait_indirect_dma semaphore(%arg11 : memref<!tpu.dma_semaphore, #tpu.memory_space<semaphore_mem>>) src(%dma_wait3A_1313 : memref<106496x32xi32, #tpu.memory_space<hbm>>) dst(%arg8 : memref<512x32xi32, #tpu.memory_space<vmem>>)
    %broadcast_in_dim3A_1314 = arith.constant 0.000000e+00 : f32
    %broadcast_in_dim3A_1315 = vector.broadcast %broadcast_in_dim3A_1314 : f32 to vector<16xf32>
    %scan3A = arith.constant 0 : i32
    %scan3A_1316 = arith.constant 32 : i32
    %scan3A_1317 = arith.addi %scan3A, %scan3A_1316 : i32
    %scan3A_1318 = arith.constant 1 : i32
    %scan3A_1319 = scf.for %scan3A_1325 = %scan3A to %scan3A_1317 step %scan3A_1318 iter_args(%scan3A_1326 = %broadcast_in_dim3A_1315) -> (vector<16xf32>)  : i32 {
      %jit3A_1327 = arith.constant 16 : i32
      %div3A = arith.divsi %scan3A_1325, %jit3A_1327 : i32
      %sign3A = arith.constant 0 : i32
      %sign3A_1328 = arith.cmpi sgt, %scan3A_1325, %sign3A : i32
      %sign3A_1329 = arith.extui %sign3A_1328 : i1 to i32
      %sign3A_1330 = arith.constant 0 : i32
      %sign3A_1331 = arith.cmpi slt, %scan3A_1325, %sign3A_1330 : i32
      %sign3A_1332 = arith.extui %sign3A_1331 : i1 to i32
      %sign3A_1333 = arith.subi %sign3A_1329, %sign3A_1332 : i32
      %sign3A_1334 = arith.constant 0 : i32
      %sign3A_1335 = arith.cmpi sgt, %jit3A_1327, %sign3A_1334 : i32
      %sign3A_1336 = arith.extui %sign3A_1335 : i1 to i32
      %sign3A_1337 = arith.constant 0 : i32
      %sign3A_1338 = arith.cmpi slt, %jit3A_1327, %sign3A_1337 : i32
      %sign3A_1339 = arith.extui %sign3A_1338 : i1 to i32
      %sign3A_1340 = arith.subi %sign3A_1336, %sign3A_1339 : i32
      %ne3A = arith.cmpi ne, %sign3A_1333, %sign3A_1340 : i32
      %rem3A = arith.remsi %scan3A_1325, %jit3A_1327 : i32
      %ne3A_1341 = arith.constant 0 : i32
      %ne3A_1342 = arith.cmpi ne, %rem3A, %ne3A_1341 : i32
      %and3A = arith.andi %ne3A, %ne3A_1342 : i1
      %sub3A_1343 = arith.constant 1 : i32
      %sub3A_1344 = arith.subi %div3A, %sub3A_1343 : i32
      %select_n3A_1345 = arith.select %and3A, %sub3A_1344, %div3A : i32
      %mul3A_1346 = arith.constant 64 : i32
      %mul3A_1347 = arith.muli %mul3A_1346, %select_n3A_1345 : i32
      %mul3A_1348 = arith.constant 16 : i32
      %mul3A_1349 = arith.muli %mul3A_1348, %scan3A_1325 : i32
      %add3A_1350 = arith.constant 0 : i32
      %add3A_1351 = arith.addi %mul3A_1349, %add3A_1350 : i32
      %jit3A_1352 = arith.constant 16 : i32
      %eq3A = arith.constant 0 : i32
      %eq3A_1353 = arith.cmpi eq, %jit3A_1352, %eq3A : i32
      %jit3A_1354 = arith.constant 1 : i32
      %select_n3A_1355 = arith.select %eq3A_1353, %jit3A_1354, %jit3A_1352 : i32
      %rem3A_1356 = arith.remsi %scan3A_1325, %select_n3A_1355 : i32
      %ne3A_1357 = arith.constant 0 : i32
      %ne3A_1358 = arith.cmpi ne, %rem3A_1356, %ne3A_1357 : i32
      %lt3A = arith.constant 0 : i32
      %lt3A_1359 = arith.cmpi slt, %rem3A_1356, %lt3A : i32
      %lt3A_1360 = arith.constant 0 : i32
      %lt3A_1361 = arith.cmpi slt, %select_n3A_1355, %lt3A_1360 : i32
      %ne3A_1362 = arith.xori %lt3A_1359, %lt3A_1361 : i1
      %and3A_1363 = arith.andi %ne3A_1362, %ne3A_1358 : i1
      %add3A_1364 = arith.addi %rem3A_1356, %select_n3A_1355 : i32
      %select_n3A_1365 = arith.select %and3A_1363, %add3A_1364, %rem3A_1356 : i32
      %mul3A_1366 = arith.constant 16 : i32
      %mul3A_1367 = arith.muli %mul3A_1366, %select_n3A_1365 : i32
      %add3A_1368 = arith.constant 0 : i32
      %add3A_1369 = arith.addi %mul3A_1367, %add3A_1368 : i32
      %get3A_1370 = arith.index_cast %add3A_1351 : i32 to index
      %get3A_1371 = arith.constant 0 : index
      %get3A_1372 = tpu.vector_load %arg8[%get3A_1370, %get3A_1371] {strides = array<i32>} : memref<512x32xi32, #tpu.memory_space<vmem>>, vector<1x16xi32>,
      %get3A_1373 = vector.shape_cast %get3A_1372 : vector<1x16xi32> to vector<16xi32>
      %bitcast_convert_type3A = tpu.bitcast %get3A_1373 : vector<16xi32> -> vector<16xi32>
      %shift_left3A = arith.constant 16 : i32
      %shift_left3A_1374 = vector.broadcast %shift_left3A : i32 to vector<16xi32>
      %shift_left3A_1375 = arith.shli %bitcast_convert_type3A, %shift_left3A_1374 : vector<16xi32>
      %bitcast_convert_type3A_1376 = tpu.bitcast %shift_left3A_1375 : vector<16xi32> -> vector<16xf32>
      %and3A_1377 = arith.constant -65536 : i32
      %and3A_1378 = vector.broadcast %and3A_1377 : i32 to vector<16xi32>
      %and3A_1379 = arith.andi %bitcast_convert_type3A, %and3A_1378 : vector<16xi32>
      %bitcast_convert_type3A_1380 = tpu.bitcast %and3A_1379 : vector<16xi32> -> vector<16xf32>
      %add3A_1381 = arith.constant 0 : i32
      %add3A_1382 = arith.addi %mul3A_1347, %add3A_1381 : i32
      %get3A_1383 = arith.index_cast %add3A_1369 : i32 to index
      %get3A_1384 = arith.index_cast %add3A_1382 : i32 to index
      %get3A_1385 = tpu.vector_load %arg9[%get3A_1383, %get3A_1384] {strides = array<i32>} : memref<256x128xf32, #tpu.memory_space<vmem>>, vector<1x16xf32>,
      %get3A_1386 = vector.shape_cast %get3A_1385 : vector<1x16xf32> to vector<16xf32>
      %add3A_1387 = arith.constant 32 : i32
      %add3A_1388 = arith.addi %mul3A_1347, %add3A_1387 : i32
      %add3A_1389 = arith.constant 0 : i32
      %add3A_1390 = arith.addi %add3A_1388, %add3A_1389 : i32
      %get3A_1391 = arith.index_cast %add3A_1369 : i32 to index
      %get3A_1392 = arith.index_cast %add3A_1390 : i32 to index
      %get3A_1393 = tpu.vector_load %arg9[%get3A_1391, %get3A_1392] {strides = array<i32>} : memref<256x128xf32, #tpu.memory_space<vmem>>, vector<1x16xf32>,
      %get3A_1394 = vector.shape_cast %get3A_1393 : vector<1x16xf32> to vector<16xf32>
      %sub3A_1395 = arith.subf %get3A_1386, %bitcast_convert_type3A_1376 : vector<16xf32>
      %sub3A_1396 = arith.subf %get3A_1394, %bitcast_convert_type3A_1380 : vector<16xf32>
      %mul3A_1397 = arith.mulf %sub3A_1395, %sub3A_1395 : vector<16xf32>
      %add3A_1398 = arith.addf %scan3A_1326, %mul3A_1397 : vector<16xf32>
      %mul3A_1399 = arith.mulf %sub3A_1396, %sub3A_1396 : vector<16xf32>
      %add3A_1400 = arith.addf %add3A_1398, %mul3A_1399 : vector<16xf32>
      %get3A_1401 = arith.index_cast %add3A_1351 : i32 to index
      %get3A_1402 = arith.constant 16 : index
      %get3A_1403 = tpu.vector_load %arg8[%get3A_1401, %get3A_1402] {strides = array<i32>} : memref<512x32xi32, #tpu.memory_space<vmem>>, vector<1x16xi32>,
      %get3A_1404 = vector.shape_cast %get3A_1403 : vector<1x16xi32> to vector<16xi32>
      %bitcast_convert_type3A_1405 = tpu.bitcast %get3A_1404 : vector<16xi32> -> vector<16xi32>
      %shift_left3A_1406 = arith.constant 16 : i32
      %shift_left3A_1407 = vector.broadcast %shift_left3A_1406 : i32 to vector<16xi32>
      %shift_left3A_1408 = arith.shli %bitcast_convert_type3A_1405, %shift_left3A_1407 : vector<16xi32>
      %bitcast_convert_type3A_1409 = tpu.bitcast %shift_left3A_1408 : vector<16xi32> -> vector<16xf32>
      %and3A_1410 = arith.constant -65536 : i32
      %and3A_1411 = vector.broadcast %and3A_1410 : i32 to vector<16xi32>
      %and3A_1412 = arith.andi %bitcast_convert_type3A_1405, %and3A_1411 : vector<16xi32>
      %bitcast_convert_type3A_1413 = tpu.bitcast %and3A_1412 : vector<16xi32> -> vector<16xf32>
      %add3A_1414 = arith.constant 16 : i32
      %add3A_1415 = arith.addi %mul3A_1347, %add3A_1414 : i32
      %get3A_1416 = arith.index_cast %add3A_1369 : i32 to index
      %get3A_1417 = arith.index_cast %add3A_1415 : i32 to index
      %get3A_1418 = tpu.vector_load %arg9[%get3A_1416, %get3A_1417] {strides = array<i32>} : memref<256x128xf32, #tpu.memory_space<vmem>>, vector<1x16xf32>,
      %get3A_1419 = vector.shape_cast %get3A_1418 : vector<1x16xf32> to vector<16xf32>
      %add3A_1420 = arith.constant 32 : i32
      %add3A_1421 = arith.addi %mul3A_1347, %add3A_1420 : i32
      %add3A_1422 = arith.constant 16 : i32
      %add3A_1423 = arith.addi %add3A_1421, %add3A_1422 : i32
      %get3A_1424 = arith.index_cast %add3A_1369 : i32 to index
      %get3A_1425 = arith.index_cast %add3A_1423 : i32 to index
      %get3A_1426 = tpu.vector_load %arg9[%get3A_1424, %get3A_1425] {strides = array<i32>} : memref<256x128xf32, #tpu.memory_space<vmem>>, vector<1x16xf32>,
      %get3A_1427 = vector.shape_cast %get3A_1426 : vector<1x16xf32> to vector<16xf32>
      %sub3A_1428 = arith.subf %get3A_1419, %bitcast_convert_type3A_1409 : vector<16xf32>
      %sub3A_1429 = arith.subf %get3A_1427, %bitcast_convert_type3A_1413 : vector<16xf32>
      %mul3A_1430 = arith.mulf %sub3A_1428, %sub3A_1428 : vector<16xf32>
      %add3A_1431 = arith.addf %add3A_1400, %mul3A_1430 : vector<16xf32>
      %mul3A_1432 = arith.mulf %sub3A_1429, %sub3A_1429 : vector<16xf32>
      %add3A_1433 = arith.addf %add3A_1431, %mul3A_1432 : vector<16xf32>
      %mul3A_1434 = arith.constant 16 : i32
      %mul3A_1435 = arith.muli %mul3A_1434, %scan3A_1325 : i32
      %add3A_1436 = arith.constant 1 : i32
      %add3A_1437 = arith.addi %mul3A_1435, %add3A_1436 : i32
      %jit3A_1438 = arith.constant 16 : i32
      %eq3A_1439 = arith.constant 0 : i32
      %eq3A_1440 = arith.cmpi eq, %jit3A_1438, %eq3A_1439 : i32
      %jit3A_1441 = arith.constant 1 : i32
      %select_n3A_1442 = arith.select %eq3A_1440, %jit3A_1441, %jit3A_1438 : i32
      %rem3A_1443 = arith.remsi %scan3A_1325, %select_n3A_1442 : i32
      %ne3A_1444 = arith.constant 0 : i32
      %ne3A_1445 = arith.cmpi ne, %rem3A_1443, %ne3A_1444 : i32
      %lt3A_1446 = arith.constant 0 : i32
      %lt3A_1447 = arith.cmpi slt, %rem3A_1443, %lt3A_1446 : i32
      %lt3A_1448 = arith.constant 0 : i32
      %lt3A_1449 = arith.cmpi slt, %select_n3A_1442, %lt3A_1448 : i32
      %ne3A_1450 = arith.xori %lt3A_1447, %lt3A_1449 : i1
      %and3A_1451 = arith.andi %ne3A_1450, %ne3A_1445 : i1
      %add3A_1452 = arith.addi %rem3A_1443, %select_n3A_1442 : i32
      %select_n3A_1453 = arith.select %and3A_1451, %add3A_1452, %rem3A_1443 : i32
      %mul3A_1454 = arith.constant 16 : i32
      %mul3A_1455 = arith.muli %mul3A_1454, %select_n3A_1453 : i32
      %add3A_1456 = arith.constant 1 : i32
      %add3A_1457 = arith.addi %mul3A_1455, %add3A_1456 : i32
      %get3A_1458 = arith.index_cast %add3A_1437 : i32 to index
      %get3A_1459 = arith.constant 0 : index
      %get3A_1460 = tpu.vector_load %arg8[%get3A_1458, %get3A_1459] {strides = array<i32>} : memref<512x32xi32, #tpu.memory_space<vmem>>, vector<1x16xi32>,
      %get3A_1461 = vector.shape_cast %get3A_1460 : vector<1x16xi32> to vector<16xi32>
      %bitcast_convert_type3A_1462 = tpu.bitcast %get3A_1461 : vector<16xi32> -> vector<16xi32>
      %shift_left3A_1463 = arith.constant 16 : i32
      %shift_left3A_1464 = vector.broadcast %shift_left3A_1463 : i32 to vector<16xi32>
      %shift_left3A_1465 = arith.shli %bitcast_convert_type3A_1462, %shift_left3A_1464 : vector<16xi32>
      %bitcast_convert_type3A_1466 = tpu.bitcast %shift_left3A_1465 : vector<16xi32> -> vector<16xf32>
      %and3A_1467 = arith.constant -65536 : i32
      %and3A_1468 = vector.broadcast %and3A_1467 : i32 to vector<16xi32>
      %and3A_1469 = arith.andi %bitcast_convert_type3A_1462, %and3A_1468 : vector<16xi32>
      %bitcast_convert_type3A_1470 = tpu.bitcast %and3A_1469 : vector<16xi32> -> vector<16xf32>
      %add3A_1471 = arith.constant 0 : i32
      %add3A_1472 = arith.addi %mul3A_1347, %add3A_1471 : i32
      %get3A_1473 = arith.index_cast %add3A_1457 : i32 to index
      %get3A_1474 = arith.index_cast %add3A_1472 : i32 to index
      %get3A_1475 = tpu.vector_load %arg9[%get3A_1473, %get3A_1474] {strides = array<i32>} : memref<256x128xf32, #tpu.memory_space<vmem>>, vector<1x16xf32>,
      %get3A_1476 = vector.shape_cast %get3A_1475 : vector<1x16xf32> to vector<16xf32>
      %add3A_1477 = arith.constant 32 : i32
      %add3A_1478 = arith.addi %mul3A_1347, %add3A_1477 : i32
      %add3A_1479 = arith.constant 0 : i32
      %add3A_1480 = arith.addi %add3A_1478, %add3A_1479 : i32
      %get3A_1481 = arith.index_cast %add3A_1457 : i32 to index
      %get3A_1482 = arith.index_cast %add3A_1480 : i32 to index
      %get3A_1483 = tpu.vector_load %arg9[%get3A_1481, %get3A_1482] {strides = array<i32>} : memref<256x128xf32, #tpu.memory_space<vmem>>, vector<1x16xf32>,
      %get3A_1484 = vector.shape_cast %get3A_1483 : vector<1x16xf32> to vector<16xf32>
      %sub3A_1485 = arith.subf %get3A_1476, %bitcast_convert_type3A_1466 : vector<16xf32>
      %sub3A_1486 = arith.subf %get3A_1484, %bitcast_convert_type3A_1470 : vector<16xf32>
      %mul3A_1487 = arith.mulf %sub3A_1485, %sub3A_1485 : vector<16xf32>
      %add3A_1488 = arith.addf %add3A_1433, %mul3A_1487 : vector<16xf32>
      %mul3A_1489 = arith.mulf %sub3A_1486, %sub3A_1486 : vector<16xf32>
      %add3A_1490 = arith.addf %add3A_1488, %mul3A_1489 : vector<16xf32>
      %get3A_1491 = arith.index_cast %add3A_1437 : i32 to index
      %get3A_1492 = arith.constant 16 : index
      %get3A_1493 = tpu.vector_load %arg8[%get3A_1491, %get3A_1492] {strides = array<i32>} : memref<512x32xi32, #tpu.memory_space<vmem>>, vector<1x16xi32>,
      %get3A_1494 = vector.shape_cast %get3A_1493 : vector<1x16xi32> to vector<16xi32>
      %bitcast_convert_type3A_1495 = tpu.bitcast %get3A_1494 : vector<16xi32> -> vector<16xi32>
      %shift_left3A_1496 = arith.constant 16 : i32
      %shift_left3A_1497 = vector.broadcast %shift_left3A_1496 : i32 to vector<16xi32>
      %shift_left3A_1498 = arith.shli %bitcast_convert_type3A_1495, %shift_left3A_1497 : vector<16xi32>
      %bitcast_convert_type3A_1499 = tpu.bitcast %shift_left3A_1498 : vector<16xi32> -> vector<16xf32>
      %and3A_1500 = arith.constant -65536 : i32
      %and3A_1501 = vector.broadcast %and3A_1500 : i32 to vector<16xi32>
      %and3A_1502 = arith.andi %bitcast_convert_type3A_1495, %and3A_1501 : vector<16xi32>
      %bitcast_convert_type3A_1503 = tpu.bitcast %and3A_1502 : vector<16xi32> -> vector<16xf32>
      %add3A_1504 = arith.constant 16 : i32
      %add3A_1505 = arith.addi %mul3A_1347, %add3A_1504 : i32
      %get3A_1506 = arith.index_cast %add3A_1457 : i32 to index
      %get3A_1507 = arith.index_cast %add3A_1505 : i32 to index
      %get3A_1508 = tpu.vector_load %arg9[%get3A_1506, %get3A_1507] {strides = array<i32>} : memref<256x128xf32, #tpu.memory_space<vmem>>, vector<1x16xf32>,
      %get3A_1509 = vector.shape_cast %get3A_1508 : vector<1x16xf32> to vector<16xf32>
      %add3A_1510 = arith.constant 32 : i32
      %add3A_1511 = arith.addi %mul3A_1347, %add3A_1510 : i32
      %add3A_1512 = arith.constant 16 : i32
      %add3A_1513 = arith.addi %add3A_1511, %add3A_1512 : i32
      %get3A_1514 = arith.index_cast %add3A_1457 : i32 to index
      %get3A_1515 = arith.index_cast %add3A_1513 : i32 to index
      %get3A_1516 = tpu.vector_load %arg9[%get3A_1514, %get3A_1515] {strides = array<i32>} : memref<256x128xf32, #tpu.memory_space<vmem>>, vector<1x16xf32>,
      %get3A_1517 = vector.shape_cast %get3A_1516 : vector<1x16xf32> to vector<16xf32>
      %sub3A_1518 = arith.subf %get3A_1509, %bitcast_convert_type3A_1499 : vector<16xf32>
      %sub3A_1519 = arith.subf %get3A_1517, %bitcast_convert_type3A_1503 : vector<16xf32>
      %mul3A_1520 = arith.mulf %sub3A_1518, %sub3A_1518 : vector<16xf32>
      %add3A_1521 = arith.addf %add3A_1490, %mul3A_1520 : vector<16xf32>
      %mul3A_1522 = arith.mulf %sub3A_1519, %sub3A_1519 : vector<16xf32>
      %add3A_1523 = arith.addf %add3A_1521, %mul3A_1522 : vector<16xf32>
      %mul3A_1524 = arith.constant 16 : i32
      %mul3A_1525 = arith.muli %mul3A_1524, %scan3A_1325 : i32
      %add3A_1526 = arith.constant 2 : i32
      %add3A_1527 = arith.addi %mul3A_1525, %add3A_1526 : i32
      %jit3A_1528 = arith.constant 16 : i32
      %eq3A_1529 = arith.constant 0 : i32
      %eq3A_1530 = arith.cmpi eq, %jit3A_1528, %eq3A_1529 : i32
      %jit3A_1531 = arith.constant 1 : i32
      %select_n3A_1532 = arith.select %eq3A_1530, %jit3A_1531, %jit3A_1528 : i32
      %rem3A_1533 = arith.remsi %scan3A_1325, %select_n3A_1532 : i32
      %ne3A_1534 = arith.constant 0 : i32
      %ne3A_1535 = arith.cmpi ne, %rem3A_1533, %ne3A_1534 : i32
      %lt3A_1536 = arith.constant 0 : i32
      %lt3A_1537 = arith.cmpi slt, %rem3A_1533, %lt3A_1536 : i32
      %lt3A_1538 = arith.constant 0 : i32
      %lt3A_1539 = arith.cmpi slt, %select_n3A_1532, %lt3A_1538 : i32
      %ne3A_1540 = arith.xori %lt3A_1537, %lt3A_1539 : i1
      %and3A_1541 = arith.andi %ne3A_1540, %ne3A_1535 : i1
      %add3A_1542 = arith.addi %rem3A_1533, %select_n3A_1532 : i32
      %select_n3A_1543 = arith.select %and3A_1541, %add3A_1542, %rem3A_1533 : i32
      %mul3A_1544 = arith.constant 16 : i32
      %mul3A_1545 = arith.muli %mul3A_1544, %select_n3A_1543 : i32
      %add3A_1546 = arith.constant 2 : i32
      %add3A_1547 = arith.addi %mul3A_1545, %add3A_1546 : i32
      %get3A_1548 = arith.index_cast %add3A_1527 : i32 to index
      %get3A_1549 = arith.constant 0 : index
      %get3A_1550 = tpu.vector_load %arg8[%get3A_1548, %get3A_1549] {strides = array<i32>} : memref<512x32xi32, #tpu.memory_space<vmem>>, vector<1x16xi32>,
      %get3A_1551 = vector.shape_cast %get3A_1550 : vector<1x16xi32> to vector<16xi32>
      %bitcast_convert_type3A_1552 = tpu.bitcast %get3A_1551 : vector<16xi32> -> vector<16xi32>
      %shift_left3A_1553 = arith.constant 16 : i32
      %shift_left3A_1554 = vector.broadcast %shift_left3A_1553 : i32 to vector<16xi32>
      %shift_left3A_1555 = arith.shli %bitcast_convert_type3A_1552, %shift_left3A_1554 : vector<16xi32>
      %bitcast_convert_type3A_1556 = tpu.bitcast %shift_left3A_1555 : vector<16xi32> -> vector<16xf32>
      %and3A_1557 = arith.constant -65536 : i32
      %and3A_1558 = vector.broadcast %and3A_1557 : i32 to vector<16xi32>
      %and3A_1559 = arith.andi %bitcast_convert_type3A_1552, %and3A_1558 : vector<16xi32>
      %bitcast_convert_type3A_1560 = tpu.bitcast %and3A_1559 : vector<16xi32> -> vector<16xf32>
      %add3A_1561 = arith.constant 0 : i32
      %add3A_1562 = arith.addi %mul3A_1347, %add3A_1561 : i32
      %get3A_1563 = arith.index_cast %add3A_1547 : i32 to index
      %get3A_1564 = arith.index_cast %add3A_1562 : i32 to index
      %get3A_1565 = tpu.vector_load %arg9[%get3A_1563, %get3A_1564] {strides = array<i32>} : memref<256x128xf32, #tpu.memory_space<vmem>>, vector<1x16xf32>,
      %get3A_1566 = vector.shape_cast %get3A_1565 : vector<1x16xf32> to vector<16xf32>
      %add3A_1567 = arith.constant 32 : i32
      %add3A_1568 = arith.addi %mul3A_1347, %add3A_1567 : i32
      %add3A_1569 = arith.constant 0 : i32
      %add3A_1570 = arith.addi %add3A_1568, %add3A_1569 : i32
      %get3A_1571 = arith.index_cast %add3A_1547 : i32 to index
      %get3A_1572 = arith.index_cast %add3A_1570 : i32 to index
      %get3A_1573 = tpu.vector_load %arg9[%get3A_1571, %get3A_1572] {strides = array<i32>} : memref<256x128xf32, #tpu.memory_space<vmem>>, vector<1x16xf32>,
      %get3A_1574 = vector.shape_cast %get3A_1573 : vector<1x16xf32> to vector<16xf32>
      %sub3A_1575 = arith.subf %get3A_1566, %bitcast_convert_type3A_1556 : vector<16xf32>
      %sub3A_1576 = arith.subf %get3A_1574, %bitcast_convert_type3A_1560 : vector<16xf32>
      %mul3A_1577 = arith.mulf %sub3A_1575, %sub3A_1575 : vector<16xf32>
      %add3A_1578 = arith.addf %add3A_1523, %mul3A_1577 : vector<16xf32>
      %mul3A_1579 = arith.mulf %sub3A_1576, %sub3A_1576 : vector<16xf32>
      %add3A_1580 = arith.addf %add3A_1578, %mul3A_1579 : vector<16xf32>
      %get3A_1581 = arith.index_cast %add3A_1527 : i32 to index
      %get3A_1582 = arith.constant 16 : index
      %get3A_1583 = tpu.vector_load %arg8[%get3A_1581, %get3A_1582] {strides = array<i32>} : memref<512x32xi32, #tpu.memory_space<vmem>>, vector<1x16xi32>,
      %get3A_1584 = vector.shape_cast %get3A_1583 : vector<1x16xi32> to vector<16xi32>
      %bitcast_convert_type3A_1585 = tpu.bitcast %get3A_1584 : vector<16xi32> -> vector<16xi32>
      %shift_left3A_1586 = arith.constant 16 : i32
      %shift_left3A_1587 = vector.broadcast %shift_left3A_1586 : i32 to vector<16xi32>
      %shift_left3A_1588 = arith.shli %bitcast_convert_type3A_1585, %shift_left3A_1587 : vector<16xi32>
      %bitcast_convert_type3A_1589 = tpu.bitcast %shift_left3A_1588 : vector<16xi32> -> vector<16xf32>
      %and3A_1590 = arith.constant -65536 : i32
      %and3A_1591 = vector.broadcast %and3A_1590 : i32 to vector<16xi32>
      %and3A_1592 = arith.andi %bitcast_convert_type3A_1585, %and3A_1591 : vector<16xi32>
      %bitcast_convert_type3A_1593 = tpu.bitcast %and3A_1592 : vector<16xi32> -> vector<16xf32>
      %add3A_1594 = arith.constant 16 : i32
      %add3A_1595 = arith.addi %mul3A_1347, %add3A_1594 : i32
      %get3A_1596 = arith.index_cast %add3A_1547 : i32 to index
      %get3A_1597 = arith.index_cast %add3A_1595 : i32 to index
      %get3A_1598 = tpu.vector_load %arg9[%get3A_1596, %get3A_1597] {strides = array<i32>} : memref<256x128xf32, #tpu.memory_space<vmem>>, vector<1x16xf32>,
      %get3A_1599 = vector.shape_cast %get3A_1598 : vector<1x16xf32> to vector<16xf32>
      %add3A_1600 = arith.constant 32 : i32
      %add3A_1601 = arith.addi %mul3A_1347, %add3A_1600 : i32
      %add3A_1602 = arith.constant 16 : i32
      %add3A_1603 = arith.addi %add3A_1601, %add3A_1602 : i32
      %get3A_1604 = arith.index_cast %add3A_1547 : i32 to index
      %get3A_1605 = arith.index_cast %add3A_1603 : i32 to index
      %get3A_1606 = tpu.vector_load %arg9[%get3A_1604, %get3A_1605] {strides = array<i32>} : memref<256x128xf32, #tpu.memory_space<vmem>>, vector<1x16xf32>,
      %get3A_1607 = vector.shape_cast %get3A_1606 : vector<1x16xf32> to vector<16xf32>
      %sub3A_1608 = arith.subf %get3A_1599, %bitcast_convert_type3A_1589 : vector<16xf32>
      %sub3A_1609 = arith.subf %get3A_1607, %bitcast_convert_type3A_1593 : vector<16xf32>
      %mul3A_1610 = arith.mulf %sub3A_1608, %sub3A_1608 : vector<16xf32>
      %add3A_1611 = arith.addf %add3A_1580, %mul3A_1610 : vector<16xf32>
      %mul3A_1612 = arith.mulf %sub3A_1609, %sub3A_1609 : vector<16xf32>
      %add3A_1613 = arith.addf %add3A_1611, %mul3A_1612 : vector<16xf32>
      %mul3A_1614 = arith.constant 16 : i32
      %mul3A_1615 = arith.muli %mul3A_1614, %scan3A_1325 : i32
      %add3A_1616 = arith.constant 3 : i32
      %add3A_1617 = arith.addi %mul3A_1615, %add3A_1616 : i32
      %jit3A_1618 = arith.constant 16 : i32
      %eq3A_1619 = arith.constant 0 : i32
      %eq3A_1620 = arith.cmpi eq, %jit3A_1618, %eq3A_1619 : i32
      %jit3A_1621 = arith.constant 1 : i32
      %select_n3A_1622 = arith.select %eq3A_1620, %jit3A_1621, %jit3A_1618 : i32
      %rem3A_1623 = arith.remsi %scan3A_1325, %select_n3A_1622 : i32
      %ne3A_1624 = arith.constant 0 : i32
      %ne3A_1625 = arith.cmpi ne, %rem3A_1623, %ne3A_1624 : i32
      %lt3A_1626 = arith.constant 0 : i32
      %lt3A_1627 = arith.cmpi slt, %rem3A_1623, %lt3A_1626 : i32
      %lt3A_1628 = arith.constant 0 : i32
      %lt3A_1629 = arith.cmpi slt, %select_n3A_1622, %lt3A_1628 : i32
      %ne3A_1630 = arith.xori %lt3A_1627, %lt3A_1629 : i1
      %and3A_1631 = arith.andi %ne3A_1630, %ne3A_1625 : i1
      %add3A_1632 = arith.addi %rem3A_1623, %select_n3A_1622 : i32
      %select_n3A_1633 = arith.select %and3A_1631, %add3A_1632, %rem3A_1623 : i32
      %mul3A_1634 = arith.constant 16 : i32
      %mul3A_1635 = arith.muli %mul3A_1634, %select_n3A_1633 : i32
      %add3A_1636 = arith.constant 3 : i32
      %add3A_1637 = arith.addi %mul3A_1635, %add3A_1636 : i32
      %get3A_1638 = arith.index_cast %add3A_1617 : i32 to index
      %get3A_1639 = arith.constant 0 : index
      %get3A_1640 = tpu.vector_load %arg8[%get3A_1638, %get3A_1639] {strides = array<i32>} : memref<512x32xi32, #tpu.memory_space<vmem>>, vector<1x16xi32>,
      %get3A_1641 = vector.shape_cast %get3A_1640 : vector<1x16xi32> to vector<16xi32>
      %bitcast_convert_type3A_1642 = tpu.bitcast %get3A_1641 : vector<16xi32> -> vector<16xi32>
      %shift_left3A_1643 = arith.constant 16 : i32
      %shift_left3A_1644 = vector.broadcast %shift_left3A_1643 : i32 to vector<16xi32>
      %shift_left3A_1645 = arith.shli %bitcast_convert_type3A_1642, %shift_left3A_1644 : vector<16xi32>
      %bitcast_convert_type3A_1646 = tpu.bitcast %shift_left3A_1645 : vector<16xi32> -> vector<16xf32>
      %and3A_1647 = arith.constant -65536 : i32
      %and3A_1648 = vector.broadcast %and3A_1647 : i32 to vector<16xi32>
      %and3A_1649 = arith.andi %bitcast_convert_type3A_1642, %and3A_1648 : vector<16xi32>
      %bitcast_convert_type3A_1650 = tpu.bitcast %and3A_1649 : vector<16xi32> -> vector<16xf32>
      %add3A_1651 = arith.constant 0 : i32
      %add3A_1652 = arith.addi %mul3A_1347, %add3A_1651 : i32
      %get3A_1653 = arith.index_cast %add3A_1637 : i32 to index
      %get3A_1654 = arith.index_cast %add3A_1652 : i32 to index
      %get3A_1655 = tpu.vector_load %arg9[%get3A_1653, %get3A_1654] {strides = array<i32>} : memref<256x128xf32, #tpu.memory_space<vmem>>, vector<1x16xf32>,
      %get3A_1656 = vector.shape_cast %get3A_1655 : vector<1x16xf32> to vector<16xf32>
      %add3A_1657 = arith.constant 32 : i32
      %add3A_1658 = arith.addi %mul3A_1347, %add3A_1657 : i32
      %add3A_1659 = arith.constant 0 : i32
      %add3A_1660 = arith.addi %add3A_1658, %add3A_1659 : i32
      %get3A_1661 = arith.index_cast %add3A_1637 : i32 to index
      %get3A_1662 = arith.index_cast %add3A_1660 : i32 to index
      %get3A_1663 = tpu.vector_load %arg9[%get3A_1661, %get3A_1662] {strides = array<i32>} : memref<256x128xf32, #tpu.memory_space<vmem>>, vector<1x16xf32>,
      %get3A_1664 = vector.shape_cast %get3A_1663 : vector<1x16xf32> to vector<16xf32>
      %sub3A_1665 = arith.subf %get3A_1656, %bitcast_convert_type3A_1646 : vector<16xf32>
      %sub3A_1666 = arith.subf %get3A_1664, %bitcast_convert_type3A_1650 : vector<16xf32>
      %mul3A_1667 = arith.mulf %sub3A_1665, %sub3A_1665 : vector<16xf32>
      %add3A_1668 = arith.addf %add3A_1613, %mul3A_1667 : vector<16xf32>
      %mul3A_1669 = arith.mulf %sub3A_1666, %sub3A_1666 : vector<16xf32>
      %add3A_1670 = arith.addf %add3A_1668, %mul3A_1669 : vector<16xf32>
      %get3A_1671 = arith.index_cast %add3A_1617 : i32 to index
      %get3A_1672 = arith.constant 16 : index
      %get3A_1673 = tpu.vector_load %arg8[%get3A_1671, %get3A_1672] {strides = array<i32>} : memref<512x32xi32, #tpu.memory_space<vmem>>, vector<1x16xi32>,
      %get3A_1674 = vector.shape_cast %get3A_1673 : vector<1x16xi32> to vector<16xi32>
      %bitcast_convert_type3A_1675 = tpu.bitcast %get3A_1674 : vector<16xi32> -> vector<16xi32>
      %shift_left3A_1676 = arith.constant 16 : i32
      %shift_left3A_1677 = vector.broadcast %shift_left3A_1676 : i32 to vector<16xi32>
      %shift_left3A_1678 = arith.shli %bitcast_convert_type3A_1675, %shift_left3A_1677 : vector<16xi32>
      %bitcast_convert_type3A_1679 = tpu.bitcast %shift_left3A_1678 : vector<16xi32> -> vector<16xf32>
      %and3A_1680 = arith.constant -65536 : i32
      %and3A_1681 = vector.broadcast %and3A_1680 : i32 to vector<16xi32>
      %and3A_1682 = arith.andi %bitcast_convert_type3A_1675, %and3A_1681 : vector<16xi32>
      %bitcast_convert_type3A_1683 = tpu.bitcast %and3A_1682 : vector<16xi32> -> vector<16xf32>
      %add3A_1684 = arith.constant 16 : i32
      %add3A_1685 = arith.addi %mul3A_1347, %add3A_1684 : i32
      %get3A_1686 = arith.index_cast %add3A_1637 : i32 to index
      %get3A_1687 = arith.index_cast %add3A_1685 : i32 to index
      %get3A_1688 = tpu.vector_load %arg9[%get3A_1686, %get3A_1687] {strides = array<i32>} : memref<256x128xf32, #tpu.memory_space<vmem>>, vector<1x16xf32>,
      %get3A_1689 = vector.shape_cast %get3A_1688 : vector<1x16xf32> to vector<16xf32>
      %add3A_1690 = arith.constant 32 : i32
      %add3A_1691 = arith.addi %mul3A_1347, %add3A_1690 : i32
      %add3A_1692 = arith.constant 16 : i32
      %add3A_1693 = arith.addi %add3A_1691, %add3A_1692 : i32
      %get3A_1694 = arith.index_cast %add3A_1637 : i32 to index
      %get3A_1695 = arith.index_cast %add3A_1693 : i32 to index
      %get3A_1696 = tpu.vector_load %arg9[%get3A_1694, %get3A_1695] {strides = array<i32>} : memref<256x128xf32, #tpu.memory_space<vmem>>, vector<1x16xf32>,
      %get3A_1697 = vector.shape_cast %get3A_1696 : vector<1x16xf32> to vector<16xf32>
      %sub3A_1698 = arith.subf %get3A_1689, %bitcast_convert_type3A_1679 : vector<16xf32>
      %sub3A_1699 = arith.subf %get3A_1697, %bitcast_convert_type3A_1683 : vector<16xf32>
      %mul3A_1700 = arith.mulf %sub3A_1698, %sub3A_1698 : vector<16xf32>
      %add3A_1701 = arith.addf %add3A_1670, %mul3A_1700 : vector<16xf32>
      %mul3A_1702 = arith.mulf %sub3A_1699, %sub3A_1699 : vector<16xf32>
      %add3A_1703 = arith.addf %add3A_1701, %mul3A_1702 : vector<16xf32>
      %mul3A_1704 = arith.constant 16 : i32
      %mul3A_1705 = arith.muli %mul3A_1704, %scan3A_1325 : i32
      %add3A_1706 = arith.constant 4 : i32
      %add3A_1707 = arith.addi %mul3A_1705, %add3A_1706 : i32
      %jit3A_1708 = arith.constant 16 : i32
      %eq3A_1709 = arith.constant 0 : i32
      %eq3A_1710 = arith.cmpi eq, %jit3A_1708, %eq3A_1709 : i32
      %jit3A_1711 = arith.constant 1 : i32
      %select_n3A_1712 = arith.select %eq3A_1710, %jit3A_1711, %jit3A_1708 : i32
      %rem3A_1713 = arith.remsi %scan3A_1325, %select_n3A_1712 : i32
      %ne3A_1714 = arith.constant 0 : i32
      %ne3A_1715 = arith.cmpi ne, %rem3A_1713, %ne3A_1714 : i32
      %lt3A_1716 = arith.constant 0 : i32
      %lt3A_1717 = arith.cmpi slt, %rem3A_1713, %lt3A_1716 : i32
      %lt3A_1718 = arith.constant 0 : i32
      %lt3A_1719 = arith.cmpi slt, %select_n3A_1712, %lt3A_1718 : i32
      %ne3A_1720 = arith.xori %lt3A_1717, %lt3A_1719 : i1
      %and3A_1721 = arith.andi %ne3A_1720, %ne3A_1715 : i1
      %add3A_1722 = arith.addi %rem3A_1713, %select_n3A_1712 : i32
      %select_n3A_1723 = arith.select %and3A_1721, %add3A_1722, %rem3A_1713 : i32
      %mul3A_1724 = arith.constant 16 : i32
      %mul3A_1725 = arith.muli %mul3A_1724, %select_n3A_1723 : i32
      %add3A_1726 = arith.constant 4 : i32
      %add3A_1727 = arith.addi %mul3A_1725, %add3A_1726 : i32
      %get3A_1728 = arith.index_cast %add3A_1707 : i32 to index
      %get3A_1729 = arith.constant 0 : index
      %get3A_1730 = tpu.vector_load %arg8[%get3A_1728, %get3A_1729] {strides = array<i32>} : memref<512x32xi32, #tpu.memory_space<vmem>>, vector<1x16xi32>,
      %get3A_1731 = vector.shape_cast %get3A_1730 : vector<1x16xi32> to vector<16xi32>
      %bitcast_convert_type3A_1732 = tpu.bitcast %get3A_1731 : vector<16xi32> -> vector<16xi32>
      %shift_left3A_1733 = arith.constant 16 : i32
      %shift_left3A_1734 = vector.broadcast %shift_left3A_1733 : i32 to vector<16xi32>
      %shift_left3A_1735 = arith.shli %bitcast_convert_type3A_1732, %shift_left3A_1734 : vector<16xi32>
      %bitcast_convert_type3A_1736 = tpu.bitcast %shift_left3A_1735 : vector<16xi32> -> vector<16xf32>
      %and3A_1737 = arith.constant -65536 : i32
      %and3A_1738 = vector.broadcast %and3A_1737 : i32 to vector<16xi32>
      %and3A_1739 = arith.andi %bitcast_convert_type3A_1732, %and3A_1738 : vector<16xi32>
      %bitcast_convert_type3A_1740 = tpu.bitcast %and3A_1739 : vector<16xi32> -> vector<16xf32>
      %add3A_1741 = arith.constant 0 : i32
      %add3A_1742 = arith.addi %mul3A_1347, %add3A_1741 : i32
      %get3A_1743 = arith.index_cast %add3A_1727 : i32 to index
      %get3A_1744 = arith.index_cast %add3A_1742 : i32 to index
      %get3A_1745 = tpu.vector_load %arg9[%get3A_1743, %get3A_1744] {strides = array<i32>} : memref<256x128xf32, #tpu.memory_space<vmem>>, vector<1x16xf32>,
      %get3A_1746 = vector.shape_cast %get3A_1745 : vector<1x16xf32> to vector<16xf32>
      %add3A_1747 = arith.constant 32 : i32
      %add3A_1748 = arith.addi %mul3A_1347, %add3A_1747 : i32
      %add3A_1749 = arith.constant 0 : i32
      %add3A_1750 = arith.addi %add3A_1748, %add3A_1749 : i32
      %get3A_1751 = arith.index_cast %add3A_1727 : i32 to index
      %get3A_1752 = arith.index_cast %add3A_1750 : i32 to index
      %get3A_1753 = tpu.vector_load %arg9[%get3A_1751, %get3A_1752] {strides = array<i32>} : memref<256x128xf32, #tpu.memory_space<vmem>>, vector<1x16xf32>,
      %get3A_1754 = vector.shape_cast %get3A_1753 : vector<1x16xf32> to vector<16xf32>
      %sub3A_1755 = arith.subf %get3A_1746, %bitcast_convert_type3A_1736 : vector<16xf32>
      %sub3A_1756 = arith.subf %get3A_1754, %bitcast_convert_type3A_1740 : vector<16xf32>
      %mul3A_1757 = arith.mulf %sub3A_1755, %sub3A_1755 : vector<16xf32>
      %add3A_1758 = arith.addf %add3A_1703, %mul3A_1757 : vector<16xf32>
      %mul3A_1759 = arith.mulf %sub3A_1756, %sub3A_1756 : vector<16xf32>
      %add3A_1760 = arith.addf %add3A_1758, %mul3A_1759 : vector<16xf32>
      %get3A_1761 = arith.index_cast %add3A_1707 : i32 to index
      %get3A_1762 = arith.constant 16 : index
      %get3A_1763 = tpu.vector_load %arg8[%get3A_1761, %get3A_1762] {strides = array<i32>} : memref<512x32xi32, #tpu.memory_space<vmem>>, vector<1x16xi32>,
      %get3A_1764 = vector.shape_cast %get3A_1763 : vector<1x16xi32> to vector<16xi32>
      %bitcast_convert_type3A_1765 = tpu.bitcast %get3A_1764 : vector<16xi32> -> vector<16xi32>
      %shift_left3A_1766 = arith.constant 16 : i32
      %shift_left3A_1767 = vector.broadcast %shift_left3A_1766 : i32 to vector<16xi32>
      %shift_left3A_1768 = arith.shli %bitcast_convert_type3A_1765, %shift_left3A_1767 : vector<16xi32>
      %bitcast_convert_type3A_1769 = tpu.bitcast %shift_left3A_1768 : vector<16xi32> -> vector<16xf32>
      %and3A_1770 = arith.constant -65536 : i32
      %and3A_1771 = vector.broadcast %and3A_1770 : i32 to vector<16xi32>
      %and3A_1772 = arith.andi %bitcast_convert_type3A_1765, %and3A_1771 : vector<16xi32>
      %bitcast_convert_type3A_1773 = tpu.bitcast %and3A_1772 : vector<16xi32> -> vector<16xf32>
      %add3A_1774 = arith.constant 16 : i32
      %add3A_1775 = arith.addi %mul3A_1347, %add3A_1774 : i32
      %get3A_1776 = arith.index_cast %add3A_1727 : i32 to index
      %get3A_1777 = arith.index_cast %add3A_1775 : i32 to index
      %get3A_1778 = tpu.vector_load %arg9[%get3A_1776, %get3A_1777] {strides = array<i32>} : memref<256x128xf32, #tpu.memory_space<vmem>>, vector<1x16xf32>,
      %get3A_1779 = vector.shape_cast %get3A_1778 : vector<1x16xf32> to vector<16xf32>
      %add3A_1780 = arith.constant 32 : i32
      %add3A_1781 = arith.addi %mul3A_1347, %add3A_1780 : i32
      %add3A_1782 = arith.constant 16 : i32
      %add3A_1783 = arith.addi %add3A_1781, %add3A_1782 : i32
      %get3A_1784 = arith.index_cast %add3A_1727 : i32 to index
      %get3A_1785 = arith.index_cast %add3A_1783 : i32 to index
      %get3A_1786 = tpu.vector_load %arg9[%get3A_1784, %get3A_1785] {strides = array<i32>} : memref<256x128xf32, #tpu.memory_space<vmem>>, vector<1x16xf32>,
      %get3A_1787 = vector.shape_cast %get3A_1786 : vector<1x16xf32> to vector<16xf32>
      %sub3A_1788 = arith.subf %get3A_1779, %bitcast_convert_type3A_1769 : vector<16xf32>
      %sub3A_1789 = arith.subf %get3A_1787, %bitcast_convert_type3A_1773 : vector<16xf32>
      %mul3A_1790 = arith.mulf %sub3A_1788, %sub3A_1788 : vector<16xf32>
      %add3A_1791 = arith.addf %add3A_1760, %mul3A_1790 : vector<16xf32>
      %mul3A_1792 = arith.mulf %sub3A_1789, %sub3A_1789 : vector<16xf32>
      %add3A_1793 = arith.addf %add3A_1791, %mul3A_1792 : vector<16xf32>
      %mul3A_1794 = arith.constant 16 : i32
      %mul3A_1795 = arith.muli %mul3A_1794, %scan3A_1325 : i32
      %add3A_1796 = arith.constant 5 : i32
      %add3A_1797 = arith.addi %mul3A_1795, %add3A_1796 : i32
      %jit3A_1798 = arith.constant 16 : i32
      %eq3A_1799 = arith.constant 0 : i32
      %eq3A_1800 = arith.cmpi eq, %jit3A_1798, %eq3A_1799 : i32
      %jit3A_1801 = arith.constant 1 : i32
      %select_n3A_1802 = arith.select %eq3A_1800, %jit3A_1801, %jit3A_1798 : i32
      %rem3A_1803 = arith.remsi %scan3A_1325, %select_n3A_1802 : i32
      %ne3A_1804 = arith.constant 0 : i32
      %ne3A_1805 = arith.cmpi ne, %rem3A_1803, %ne3A_1804 : i32
      %lt3A_1806 = arith.constant 0 : i32
      %lt3A_1807 = arith.cmpi slt, %rem3A_1803, %lt3A_1806 : i32
      %lt3A_1808 = arith.constant 0 : i32
      %lt3A_1809 = arith.cmpi slt, %select_n3A_1802, %lt3A_1808 : i32
      %ne3A_1810 = arith.xori %lt3A_1807, %lt3A_1809 : i1
      %and3A_1811 = arith.andi %ne3A_1810, %ne3A_1805 : i1
      %add3A_1812 = arith.addi %rem3A_1803, %select_n3A_1802 : i32
      %select_n3A_1813 = arith.select %and3A_1811, %add3A_1812, %rem3A_1803 : i32
      %mul3A_1814 = arith.constant 16 : i32
      %mul3A_1815 = arith.muli %mul3A_1814, %select_n3A_1813 : i32
      %add3A_1816 = arith.constant 5 : i32
      %add3A_1817 = arith.addi %mul3A_1815, %add3A_1816 : i32
      %get3A_1818 = arith.index_cast %add3A_1797 : i32 to index
      %get3A_1819 = arith.constant 0 : index
      %get3A_1820 = tpu.vector_load %arg8[%get3A_1818, %get3A_1819] {strides = array<i32>} : memref<512x32xi32, #tpu.memory_space<vmem>>, vector<1x16xi32>,
      %get3A_1821 = vector.shape_cast %get3A_1820 : vector<1x16xi32> to vector<16xi32>
      %bitcast_convert_type3A_1822 = tpu.bitcast %get3A_1821 : vector<16xi32> -> vector<16xi32>
      %shift_left3A_1823 = arith.constant 16 : i32
      %shift_left3A_1824 = vector.broadcast %shift_left3A_1823 : i32 to vector<16xi32>
      %shift_left3A_1825 = arith.shli %bitcast_convert_type3A_1822, %shift_left3A_1824 : vector<16xi32>
      %bitcast_convert_type3A_1826 = tpu.bitcast %shift_left3A_1825 : vector<16xi32> -> vector<16xf32>
      %and3A_1827 = arith.constant -65536 : i32
      %and3A_1828 = vector.broadcast %and3A_1827 : i32 to vector<16xi32>
      %and3A_1829 = arith.andi %bitcast_convert_type3A_1822, %and3A_1828 : vector<16xi32>
      %bitcast_convert_type3A_1830 = tpu.bitcast %and3A_1829 : vector<16xi32> -> vector<16xf32>
      %add3A_1831 = arith.constant 0 : i32
      %add3A_1832 = arith.addi %mul3A_1347, %add3A_1831 : i32
      %get3A_1833 = arith.index_cast %add3A_1817 : i32 to index
      %get3A_1834 = arith.index_cast %add3A_1832 : i32 to index
      %get3A_1835 = tpu.vector_load %arg9[%get3A_1833, %get3A_1834] {strides = array<i32>} : memref<256x128xf32, #tpu.memory_space<vmem>>, vector<1x16xf32>,
      %get3A_1836 = vector.shape_cast %get3A_1835 : vector<1x16xf32> to vector<16xf32>
      %add3A_1837 = arith.constant 32 : i32
      %add3A_1838 = arith.addi %mul3A_1347, %add3A_1837 : i32
      %add3A_1839 = arith.constant 0 : i32
      %add3A_1840 = arith.addi %add3A_1838, %add3A_1839 : i32
      %get3A_1841 = arith.index_cast %add3A_1817 : i32 to index
      %get3A_1842 = arith.index_cast %add3A_1840 : i32 to index
      %get3A_1843 = tpu.vector_load %arg9[%get3A_1841, %get3A_1842] {strides = array<i32>} : memref<256x128xf32, #tpu.memory_space<vmem>>, vector<1x16xf32>,
      %get3A_1844 = vector.shape_cast %get3A_1843 : vector<1x16xf32> to vector<16xf32>
      %sub3A_1845 = arith.subf %get3A_1836, %bitcast_convert_type3A_1826 : vector<16xf32>
      %sub3A_1846 = arith.subf %get3A_1844, %bitcast_convert_type3A_1830 : vector<16xf32>
      %mul3A_1847 = arith.mulf %sub3A_1845, %sub3A_1845 : vector<16xf32>
      %add3A_1848 = arith.addf %add3A_1793, %mul3A_1847 : vector<16xf32>
      %mul3A_1849 = arith.mulf %sub3A_1846, %sub3A_1846 : vector<16xf32>
      %add3A_1850 = arith.addf %add3A_1848, %mul3A_1849 : vector<16xf32>
      %get3A_1851 = arith.index_cast %add3A_1797 : i32 to index
      %get3A_1852 = arith.constant 16 : index
      %get3A_1853 = tpu.vector_load %arg8[%get3A_1851, %get3A_1852] {strides = array<i32>} : memref<512x32xi32, #tpu.memory_space<vmem>>, vector<1x16xi32>,
      %get3A_1854 = vector.shape_cast %get3A_1853 : vector<1x16xi32> to vector<16xi32>
      %bitcast_convert_type3A_1855 = tpu.bitcast %get3A_1854 : vector<16xi32> -> vector<16xi32>
      %shift_left3A_1856 = arith.constant 16 : i32
      %shift_left3A_1857 = vector.broadcast %shift_left3A_1856 : i32 to vector<16xi32>
      %shift_left3A_1858 = arith.shli %bitcast_convert_type3A_1855, %shift_left3A_1857 : vector<16xi32>
      %bitcast_convert_type3A_1859 = tpu.bitcast %shift_left3A_1858 : vector<16xi32> -> vector<16xf32>
      %and3A_1860 = arith.constant -65536 : i32
      %and3A_1861 = vector.broadcast %and3A_1860 : i32 to vector<16xi32>
      %and3A_1862 = arith.andi %bitcast_convert_type3A_1855, %and3A_1861 : vector<16xi32>
      %bitcast_convert_type3A_1863 = tpu.bitcast %and3A_1862 : vector<16xi32> -> vector<16xf32>
      %add3A_1864 = arith.constant 16 : i32
      %add3A_1865 = arith.addi %mul3A_1347, %add3A_1864 : i32
      %get3A_1866 = arith.index_cast %add3A_1817 : i32 to index
      %get3A_1867 = arith.index_cast %add3A_1865 : i32 to index
      %get3A_1868 = tpu.vector_load %arg9[%get3A_1866, %get3A_1867] {strides = array<i32>} : memref<256x128xf32, #tpu.memory_space<vmem>>, vector<1x16xf32>,
      %get3A_1869 = vector.shape_cast %get3A_1868 : vector<1x16xf32> to vector<16xf32>
      %add3A_1870 = arith.constant 32 : i32
      %add3A_1871 = arith.addi %mul3A_1347, %add3A_1870 : i32
      %add3A_1872 = arith.constant 16 : i32
      %add3A_1873 = arith.addi %add3A_1871, %add3A_1872 : i32
      %get3A_1874 = arith.index_cast %add3A_1817 : i32 to index
      %get3A_1875 = arith.index_cast %add3A_1873 : i32 to index
      %get3A_1876 = tpu.vector_load %arg9[%get3A_1874, %get3A_1875] {strides = array<i32>} : memref<256x128xf32, #tpu.memory_space<vmem>>, vector<1x16xf32>,
      %get3A_1877 = vector.shape_cast %get3A_1876 : vector<1x16xf32> to vector<16xf32>
      %sub3A_1878 = arith.subf %get3A_1869, %bitcast_convert_type3A_1859 : vector<16xf32>
      %sub3A_1879 = arith.subf %get3A_1877, %bitcast_convert_type3A_1863 : vector<16xf32>
      %mul3A_1880 = arith.mulf %sub3A_1878, %sub3A_1878 : vector<16xf32>
      %add3A_1881 = arith.addf %add3A_1850, %mul3A_1880 : vector<16xf32>
      %mul3A_1882 = arith.mulf %sub3A_1879, %sub3A_1879 : vector<16xf32>
      %add3A_1883 = arith.addf %add3A_1881, %mul3A_1882 : vector<16xf32>
      %mul3A_1884 = arith.constant 16 : i32
      %mul3A_1885 = arith.muli %mul3A_1884, %scan3A_1325 : i32
      %add3A_1886 = arith.constant 6 : i32
      %add3A_1887 = arith.addi %mul3A_1885, %add3A_1886 : i32
      %jit3A_1888 = arith.constant 16 : i32
      %eq3A_1889 = arith.constant 0 : i32
      %eq3A_1890 = arith.cmpi eq, %jit3A_1888, %eq3A_1889 : i32
      %jit3A_1891 = arith.constant 1 : i32
      %select_n3A_1892 = arith.select %eq3A_1890, %jit3A_1891, %jit3A_1888 : i32
      %rem3A_1893 = arith.remsi %scan3A_1325, %select_n3A_1892 : i32
      %ne3A_1894 = arith.constant 0 : i32
      %ne3A_1895 = arith.cmpi ne, %rem3A_1893, %ne3A_1894 : i32
      %lt3A_1896 = arith.constant 0 : i32
      %lt3A_1897 = arith.cmpi slt, %rem3A_1893, %lt3A_1896 : i32
      %lt3A_1898 = arith.constant 0 : i32
      %lt3A_1899 = arith.cmpi slt, %select_n3A_1892, %lt3A_1898 : i32
      %ne3A_1900 = arith.xori %lt3A_1897, %lt3A_1899 : i1
      %and3A_1901 = arith.andi %ne3A_1900, %ne3A_1895 : i1
      %add3A_1902 = arith.addi %rem3A_1893, %select_n3A_1892 : i32
      %select_n3A_1903 = arith.select %and3A_1901, %add3A_1902, %rem3A_1893 : i32
      %mul3A_1904 = arith.constant 16 : i32
      %mul3A_1905 = arith.muli %mul3A_1904, %select_n3A_1903 : i32
      %add3A_1906 = arith.constant 6 : i32
      %add3A_1907 = arith.addi %mul3A_1905, %add3A_1906 : i32
      %get3A_1908 = arith.index_cast %add3A_1887 : i32 to index
      %get3A_1909 = arith.constant 0 : index
      %get3A_1910 = tpu.vector_load %arg8[%get3A_1908, %get3A_1909] {strides = array<i32>} : memref<512x32xi32, #tpu.memory_space<vmem>>, vector<1x16xi32>,
      %get3A_1911 = vector.shape_cast %get3A_1910 : vector<1x16xi32> to vector<16xi32>
      %bitcast_convert_type3A_1912 = tpu.bitcast %get3A_1911 : vector<16xi32> -> vector<16xi32>
      %shift_left3A_1913 = arith.constant 16 : i32
      %shift_left3A_1914 = vector.broadcast %shift_left3A_1913 : i32 to vector<16xi32>
      %shift_left3A_1915 = arith.shli %bitcast_convert_type3A_1912, %shift_left3A_1914 : vector<16xi32>
      %bitcast_convert_type3A_1916 = tpu.bitcast %shift_left3A_1915 : vector<16xi32> -> vector<16xf32>
      %and3A_1917 = arith.constant -65536 : i32
      %and3A_1918 = vector.broadcast %and3A_1917 : i32 to vector<16xi32>
      %and3A_1919 = arith.andi %bitcast_convert_type3A_1912, %and3A_1918 : vector<16xi32>
      %bitcast_convert_type3A_1920 = tpu.bitcast %and3A_1919 : vector<16xi32> -> vector<16xf32>
      %add3A_1921 = arith.constant 0 : i32
      %add3A_1922 = arith.addi %mul3A_1347, %add3A_1921 : i32
      %get3A_1923 = arith.index_cast %add3A_1907 : i32 to index
      %get3A_1924 = arith.index_cast %add3A_1922 : i32 to index
      %get3A_1925 = tpu.vector_load %arg9[%get3A_1923, %get3A_1924] {strides = array<i32>} : memref<256x128xf32, #tpu.memory_space<vmem>>, vector<1x16xf32>,
      %get3A_1926 = vector.shape_cast %get3A_1925 : vector<1x16xf32> to vector<16xf32>
      %add3A_1927 = arith.constant 32 : i32
      %add3A_1928 = arith.addi %mul3A_1347, %add3A_1927 : i32
      %add3A_1929 = arith.constant 0 : i32
      %add3A_1930 = arith.addi %add3A_1928, %add3A_1929 : i32
      %get3A_1931 = arith.index_cast %add3A_1907 : i32 to index
      %get3A_1932 = arith.index_cast %add3A_1930 : i32 to index
      %get3A_1933 = tpu.vector_load %arg9[%get3A_1931, %get3A_1932] {strides = array<i32>} : memref<256x128xf32, #tpu.memory_space<vmem>>, vector<1x16xf32>,
      %get3A_1934 = vector.shape_cast %get3A_1933 : vector<1x16xf32> to vector<16xf32>
      %sub3A_1935 = arith.subf %get3A_1926, %bitcast_convert_type3A_1916 : vector<16xf32>
      %sub3A_1936 = arith.subf %get3A_1934, %bitcast_convert_type3A_1920 : vector<16xf32>
      %mul3A_1937 = arith.mulf %sub3A_1935, %sub3A_1935 : vector<16xf32>
      %add3A_1938 = arith.addf %add3A_1883, %mul3A_1937 : vector<16xf32>
      %mul3A_1939 = arith.mulf %sub3A_1936, %sub3A_1936 : vector<16xf32>
      %add3A_1940 = arith.addf %add3A_1938, %mul3A_1939 : vector<16xf32>
      %get3A_1941 = arith.index_cast %add3A_1887 : i32 to index
      %get3A_1942 = arith.constant 16 : index
      %get3A_1943 = tpu.vector_load %arg8[%get3A_1941, %get3A_1942] {strides = array<i32>} : memref<512x32xi32, #tpu.memory_space<vmem>>, vector<1x16xi32>,
      %get3A_1944 = vector.shape_cast %get3A_1943 : vector<1x16xi32> to vector<16xi32>
      %bitcast_convert_type3A_1945 = tpu.bitcast %get3A_1944 : vector<16xi32> -> vector<16xi32>
      %shift_left3A_1946 = arith.constant 16 : i32
      %shift_left3A_1947 = vector.broadcast %shift_left3A_1946 : i32 to vector<16xi32>
      %shift_left3A_1948 = arith.shli %bitcast_convert_type3A_1945, %shift_left3A_1947 : vector<16xi32>
      %bitcast_convert_type3A_1949 = tpu.bitcast %shift_left3A_1948 : vector<16xi32> -> vector<16xf32>
      %and3A_1950 = arith.constant -65536 : i32
      %and3A_1951 = vector.broadcast %and3A_1950 : i32 to vector<16xi32>
      %and3A_1952 = arith.andi %bitcast_convert_type3A_1945, %and3A_1951 : vector<16xi32>
      %bitcast_convert_type3A_1953 = tpu.bitcast %and3A_1952 : vector<16xi32> -> vector<16xf32>
      %add3A_1954 = arith.constant 16 : i32
      %add3A_1955 = arith.addi %mul3A_1347, %add3A_1954 : i32
      %get3A_1956 = arith.index_cast %add3A_1907 : i32 to index
      %get3A_1957 = arith.index_cast %add3A_1955 : i32 to index
      %get3A_1958 = tpu.vector_load %arg9[%get3A_1956, %get3A_1957] {strides = array<i32>} : memref<256x128xf32, #tpu.memory_space<vmem>>, vector<1x16xf32>,
      %get3A_1959 = vector.shape_cast %get3A_1958 : vector<1x16xf32> to vector<16xf32>
      %add3A_1960 = arith.constant 32 : i32
      %add3A_1961 = arith.addi %mul3A_1347, %add3A_1960 : i32
      %add3A_1962 = arith.constant 16 : i32
      %add3A_1963 = arith.addi %add3A_1961, %add3A_1962 : i32
      %get3A_1964 = arith.index_cast %add3A_1907 : i32 to index
      %get3A_1965 = arith.index_cast %add3A_1963 : i32 to index
      %get3A_1966 = tpu.vector_load %arg9[%get3A_1964, %get3A_1965] {strides = array<i32>} : memref<256x128xf32, #tpu.memory_space<vmem>>, vector<1x16xf32>,
      %get3A_1967 = vector.shape_cast %get3A_1966 : vector<1x16xf32> to vector<16xf32>
      %sub3A_1968 = arith.subf %get3A_1959, %bitcast_convert_type3A_1949 : vector<16xf32>
      %sub3A_1969 = arith.subf %get3A_1967, %bitcast_convert_type3A_1953 : vector<16xf32>
      %mul3A_1970 = arith.mulf %sub3A_1968, %sub3A_1968 : vector<16xf32>
      %add3A_1971 = arith.addf %add3A_1940, %mul3A_1970 : vector<16xf32>
      %mul3A_1972 = arith.mulf %sub3A_1969, %sub3A_1969 : vector<16xf32>
      %add3A_1973 = arith.addf %add3A_1971, %mul3A_1972 : vector<16xf32>
      %mul3A_1974 = arith.constant 16 : i32
      %mul3A_1975 = arith.muli %mul3A_1974, %scan3A_1325 : i32
      %add3A_1976 = arith.constant 7 : i32
      %add3A_1977 = arith.addi %mul3A_1975, %add3A_1976 : i32
      %jit3A_1978 = arith.constant 16 : i32
      %eq3A_1979 = arith.constant 0 : i32
      %eq3A_1980 = arith.cmpi eq, %jit3A_1978, %eq3A_1979 : i32
      %jit3A_1981 = arith.constant 1 : i32
      %select_n3A_1982 = arith.select %eq3A_1980, %jit3A_1981, %jit3A_1978 : i32
      %rem3A_1983 = arith.remsi %scan3A_1325, %select_n3A_1982 : i32
      %ne3A_1984 = arith.constant 0 : i32
      %ne3A_1985 = arith.cmpi ne, %rem3A_1983, %ne3A_1984 : i32
      %lt3A_1986 = arith.constant 0 : i32
      %lt3A_1987 = arith.cmpi slt, %rem3A_1983, %lt3A_1986 : i32
      %lt3A_1988 = arith.constant 0 : i32
      %lt3A_1989 = arith.cmpi slt, %select_n3A_1982, %lt3A_1988 : i32
      %ne3A_1990 = arith.xori %lt3A_1987, %lt3A_1989 : i1
      %and3A_1991 = arith.andi %ne3A_1990, %ne3A_1985 : i1
      %add3A_1992 = arith.addi %rem3A_1983, %select_n3A_1982 : i32
      %select_n3A_1993 = arith.select %and3A_1991, %add3A_1992, %rem3A_1983 : i32
      %mul3A_1994 = arith.constant 16 : i32
      %mul3A_1995 = arith.muli %mul3A_1994, %select_n3A_1993 : i32
      %add3A_1996 = arith.constant 7 : i32
      %add3A_1997 = arith.addi %mul3A_1995, %add3A_1996 : i32
      %get3A_1998 = arith.index_cast %add3A_1977 : i32 to index
      %get3A_1999 = arith.constant 0 : index
      %get3A_2000 = tpu.vector_load %arg8[%get3A_1998, %get3A_1999] {strides = array<i32>} : memref<512x32xi32, #tpu.memory_space<vmem>>, vector<1x16xi32>,
      %get3A_2001 = vector.shape_cast %get3A_2000 : vector<1x16xi32> to vector<16xi32>
      %bitcast_convert_type3A_2002 = tpu.bitcast %get3A_2001 : vector<16xi32> -> vector<16xi32>
      %shift_left3A_2003 = arith.constant 16 : i32
      %shift_left3A_2004 = vector.broadcast %shift_left3A_2003 : i32 to vector<16xi32>
      %shift_left3A_2005 = arith.shli %bitcast_convert_type3A_2002, %shift_left3A_2004 : vector<16xi32>
      %bitcast_convert_type3A_2006 = tpu.bitcast %shift_left3A_2005 : vector<16xi32> -> vector<16xf32>
      %and3A_2007 = arith.constant -65536 : i32
      %and3A_2008 = vector.broadcast %and3A_2007 : i32 to vector<16xi32>
      %and3A_2009 = arith.andi %bitcast_convert_type3A_2002, %and3A_2008 : vector<16xi32>
      %bitcast_convert_type3A_2010 = tpu.bitcast %and3A_2009 : vector<16xi32> -> vector<16xf32>
      %add3A_2011 = arith.constant 0 : i32
      %add3A_2012 = arith.addi %mul3A_1347, %add3A_2011 : i32
      %get3A_2013 = arith.index_cast %add3A_1997 : i32 to index
      %get3A_2014 = arith.index_cast %add3A_2012 : i32 to index
      %get3A_2015 = tpu.vector_load %arg9[%get3A_2013, %get3A_2014] {strides = array<i32>} : memref<256x128xf32, #tpu.memory_space<vmem>>, vector<1x16xf32>,
      %get3A_2016 = vector.shape_cast %get3A_2015 : vector<1x16xf32> to vector<16xf32>
      %add3A_2017 = arith.constant 32 : i32
      %add3A_2018 = arith.addi %mul3A_1347, %add3A_2017 : i32
      %add3A_2019 = arith.constant 0 : i32
      %add3A_2020 = arith.addi %add3A_2018, %add3A_2019 : i32
      %get3A_2021 = arith.index_cast %add3A_1997 : i32 to index
      %get3A_2022 = arith.index_cast %add3A_2020 : i32 to index
      %get3A_2023 = tpu.vector_load %arg9[%get3A_2021, %get3A_2022] {strides = array<i32>} : memref<256x128xf32, #tpu.memory_space<vmem>>, vector<1x16xf32>,
      %get3A_2024 = vector.shape_cast %get3A_2023 : vector<1x16xf32> to vector<16xf32>
      %sub3A_2025 = arith.subf %get3A_2016, %bitcast_convert_type3A_2006 : vector<16xf32>
      %sub3A_2026 = arith.subf %get3A_2024, %bitcast_convert_type3A_2010 : vector<16xf32>
      %mul3A_2027 = arith.mulf %sub3A_2025, %sub3A_2025 : vector<16xf32>
      %add3A_2028 = arith.addf %add3A_1973, %mul3A_2027 : vector<16xf32>
      %mul3A_2029 = arith.mulf %sub3A_2026, %sub3A_2026 : vector<16xf32>
      %add3A_2030 = arith.addf %add3A_2028, %mul3A_2029 : vector<16xf32>
      %get3A_2031 = arith.index_cast %add3A_1977 : i32 to index
      %get3A_2032 = arith.constant 16 : index
      %get3A_2033 = tpu.vector_load %arg8[%get3A_2031, %get3A_2032] {strides = array<i32>} : memref<512x32xi32, #tpu.memory_space<vmem>>, vector<1x16xi32>,
      %get3A_2034 = vector.shape_cast %get3A_2033 : vector<1x16xi32> to vector<16xi32>
      %bitcast_convert_type3A_2035 = tpu.bitcast %get3A_2034 : vector<16xi32> -> vector<16xi32>
      %shift_left3A_2036 = arith.constant 16 : i32
      %shift_left3A_2037 = vector.broadcast %shift_left3A_2036 : i32 to vector<16xi32>
      %shift_left3A_2038 = arith.shli %bitcast_convert_type3A_2035, %shift_left3A_2037 : vector<16xi32>
      %bitcast_convert_type3A_2039 = tpu.bitcast %shift_left3A_2038 : vector<16xi32> -> vector<16xf32>
      %and3A_2040 = arith.constant -65536 : i32
      %and3A_2041 = vector.broadcast %and3A_2040 : i32 to vector<16xi32>
      %and3A_2042 = arith.andi %bitcast_convert_type3A_2035, %and3A_2041 : vector<16xi32>
      %bitcast_convert_type3A_2043 = tpu.bitcast %and3A_2042 : vector<16xi32> -> vector<16xf32>
      %add3A_2044 = arith.constant 16 : i32
      %add3A_2045 = arith.addi %mul3A_1347, %add3A_2044 : i32
      %get3A_2046 = arith.index_cast %add3A_1997 : i32 to index
      %get3A_2047 = arith.index_cast %add3A_2045 : i32 to index
      %get3A_2048 = tpu.vector_load %arg9[%get3A_2046, %get3A_2047] {strides = array<i32>} : memref<256x128xf32, #tpu.memory_space<vmem>>, vector<1x16xf32>,
      %get3A_2049 = vector.shape_cast %get3A_2048 : vector<1x16xf32> to vector<16xf32>
      %add3A_2050 = arith.constant 32 : i32
      %add3A_2051 = arith.addi %mul3A_1347, %add3A_2050 : i32
      %add3A_2052 = arith.constant 16 : i32
      %add3A_2053 = arith.addi %add3A_2051, %add3A_2052 : i32
      %get3A_2054 = arith.index_cast %add3A_1997 : i32 to index
      %get3A_2055 = arith.index_cast %add3A_2053 : i32 to index
      %get3A_2056 = tpu.vector_load %arg9[%get3A_2054, %get3A_2055] {strides = array<i32>} : memref<256x128xf32, #tpu.memory_space<vmem>>, vector<1x16xf32>,
      %get3A_2057 = vector.shape_cast %get3A_2056 : vector<1x16xf32> to vector<16xf32>
      %sub3A_2058 = arith.subf %get3A_2049, %bitcast_convert_type3A_2039 : vector<16xf32>
      %sub3A_2059 = arith.subf %get3A_2057, %bitcast_convert_type3A_2043 : vector<16xf32>
      %mul3A_2060 = arith.mulf %sub3A_2058, %sub3A_2058 : vector<16xf32>
      %add3A_2061 = arith.addf %add3A_2030, %mul3A_2060 : vector<16xf32>
      %mul3A_2062 = arith.mulf %sub3A_2059, %sub3A_2059 : vector<16xf32>
      %add3A_2063 = arith.addf %add3A_2061, %mul3A_2062 : vector<16xf32>
      %mul3A_2064 = arith.constant 16 : i32
      %mul3A_2065 = arith.muli %mul3A_2064, %scan3A_1325 : i32
      %add3A_2066 = arith.constant 8 : i32
      %add3A_2067 = arith.addi %mul3A_2065, %add3A_2066 : i32
      %jit3A_2068 = arith.constant 16 : i32
      %eq3A_2069 = arith.constant 0 : i32
      %eq3A_2070 = arith.cmpi eq, %jit3A_2068, %eq3A_2069 : i32
      %jit3A_2071 = arith.constant 1 : i32
      %select_n3A_2072 = arith.select %eq3A_2070, %jit3A_2071, %jit3A_2068 : i32
      %rem3A_2073 = arith.remsi %scan3A_1325, %select_n3A_2072 : i32
      %ne3A_2074 = arith.constant 0 : i32
      %ne3A_2075 = arith.cmpi ne, %rem3A_2073, %ne3A_2074 : i32
      %lt3A_2076 = arith.constant 0 : i32
      %lt3A_2077 = arith.cmpi slt, %rem3A_2073, %lt3A_2076 : i32
      %lt3A_2078 = arith.constant 0 : i32
      %lt3A_2079 = arith.cmpi slt, %select_n3A_2072, %lt3A_2078 : i32
      %ne3A_2080 = arith.xori %lt3A_2077, %lt3A_2079 : i1
      %and3A_2081 = arith.andi %ne3A_2080, %ne3A_2075 : i1
      %add3A_2082 = arith.addi %rem3A_2073, %select_n3A_2072 : i32
      %select_n3A_2083 = arith.select %and3A_2081, %add3A_2082, %rem3A_2073 : i32
      %mul3A_2084 = arith.constant 16 : i32
      %mul3A_2085 = arith.muli %mul3A_2084, %select_n3A_2083 : i32
      %add3A_2086 = arith.constant 8 : i32
      %add3A_2087 = arith.addi %mul3A_2085, %add3A_2086 : i32
      %get3A_2088 = arith.index_cast %add3A_2067 : i32 to index
      %get3A_2089 = arith.constant 0 : index
      %get3A_2090 = tpu.vector_load %arg8[%get3A_2088, %get3A_2089] {strides = array<i32>} : memref<512x32xi32, #tpu.memory_space<vmem>>, vector<1x16xi32>,
      %get3A_2091 = vector.shape_cast %get3A_2090 : vector<1x16xi32> to vector<16xi32>
      %bitcast_convert_type3A_2092 = tpu.bitcast %get3A_2091 : vector<16xi32> -> vector<16xi32>
      %shift_left3A_2093 = arith.constant 16 : i32
      %shift_left3A_2094 = vector.broadcast %shift_left3A_2093 : i32 to vector<16xi32>
      %shift_left3A_2095 = arith.shli %bitcast_convert_type3A_2092, %shift_left3A_2094 : vector<16xi32>
      %bitcast_convert_type3A_2096 = tpu.bitcast %shift_left3A_2095 : vector<16xi32> -> vector<16xf32>
      %and3A_2097 = arith.constant -65536 : i32
      %and3A_2098 = vector.broadcast %and3A_2097 : i32 to vector<16xi32>
      %and3A_2099 = arith.andi %bitcast_convert_type3A_2092, %and3A_2098 : vector<16xi32>
      %bitcast_convert_type3A_2100 = tpu.bitcast %and3A_2099 : vector<16xi32> -> vector<16xf32>
      %add3A_2101 = arith.constant 0 : i32
      %add3A_2102 = arith.addi %mul3A_1347, %add3A_2101 : i32
      %get3A_2103 = arith.index_cast %add3A_2087 : i32 to index
      %get3A_2104 = arith.index_cast %add3A_2102 : i32 to index
      %get3A_2105 = tpu.vector_load %arg9[%get3A_2103, %get3A_2104] {strides = array<i32>} : memref<256x128xf32, #tpu.memory_space<vmem>>, vector<1x16xf32>,
      %get3A_2106 = vector.shape_cast %get3A_2105 : vector<1x16xf32> to vector<16xf32>
      %add3A_2107 = arith.constant 32 : i32
      %add3A_2108 = arith.addi %mul3A_1347, %add3A_2107 : i32
      %add3A_2109 = arith.constant 0 : i32
      %add3A_2110 = arith.addi %add3A_2108, %add3A_2109 : i32
      %get3A_2111 = arith.index_cast %add3A_2087 : i32 to index
      %get3A_2112 = arith.index_cast %add3A_2110 : i32 to index
      %get3A_2113 = tpu.vector_load %arg9[%get3A_2111, %get3A_2112] {strides = array<i32>} : memref<256x128xf32, #tpu.memory_space<vmem>>, vector<1x16xf32>,
      %get3A_2114 = vector.shape_cast %get3A_2113 : vector<1x16xf32> to vector<16xf32>
      %sub3A_2115 = arith.subf %get3A_2106, %bitcast_convert_type3A_2096 : vector<16xf32>
      %sub3A_2116 = arith.subf %get3A_2114, %bitcast_convert_type3A_2100 : vector<16xf32>
      %mul3A_2117 = arith.mulf %sub3A_2115, %sub3A_2115 : vector<16xf32>
      %add3A_2118 = arith.addf %add3A_2063, %mul3A_2117 : vector<16xf32>
      %mul3A_2119 = arith.mulf %sub3A_2116, %sub3A_2116 : vector<16xf32>
      %add3A_2120 = arith.addf %add3A_2118, %mul3A_2119 : vector<16xf32>
      %get3A_2121 = arith.index_cast %add3A_2067 : i32 to index
      %get3A_2122 = arith.constant 16 : index
      %get3A_2123 = tpu.vector_load %arg8[%get3A_2121, %get3A_2122] {strides = array<i32>} : memref<512x32xi32, #tpu.memory_space<vmem>>, vector<1x16xi32>,
      %get3A_2124 = vector.shape_cast %get3A_2123 : vector<1x16xi32> to vector<16xi32>
      %bitcast_convert_type3A_2125 = tpu.bitcast %get3A_2124 : vector<16xi32> -> vector<16xi32>
      %shift_left3A_2126 = arith.constant 16 : i32
      %shift_left3A_2127 = vector.broadcast %shift_left3A_2126 : i32 to vector<16xi32>
      %shift_left3A_2128 = arith.shli %bitcast_convert_type3A_2125, %shift_left3A_2127 : vector<16xi32>
      %bitcast_convert_type3A_2129 = tpu.bitcast %shift_left3A_2128 : vector<16xi32> -> vector<16xf32>
      %and3A_2130 = arith.constant -65536 : i32
      %and3A_2131 = vector.broadcast %and3A_2130 : i32 to vector<16xi32>
      %and3A_2132 = arith.andi %bitcast_convert_type3A_2125, %and3A_2131 : vector<16xi32>
      %bitcast_convert_type3A_2133 = tpu.bitcast %and3A_2132 : vector<16xi32> -> vector<16xf32>
      %add3A_2134 = arith.constant 16 : i32
      %add3A_2135 = arith.addi %mul3A_1347, %add3A_2134 : i32
      %get3A_2136 = arith.index_cast %add3A_2087 : i32 to index
      %get3A_2137 = arith.index_cast %add3A_2135 : i32 to index
      %get3A_2138 = tpu.vector_load %arg9[%get3A_2136, %get3A_2137] {strides = array<i32>} : memref<256x128xf32, #tpu.memory_space<vmem>>, vector<1x16xf32>,
      %get3A_2139 = vector.shape_cast %get3A_2138 : vector<1x16xf32> to vector<16xf32>
      %add3A_2140 = arith.constant 32 : i32
      %add3A_2141 = arith.addi %mul3A_1347, %add3A_2140 : i32
      %add3A_2142 = arith.constant 16 : i32
      %add3A_2143 = arith.addi %add3A_2141, %add3A_2142 : i32
      %get3A_2144 = arith.index_cast %add3A_2087 : i32 to index
      %get3A_2145 = arith.index_cast %add3A_2143 : i32 to index
      %get3A_2146 = tpu.vector_load %arg9[%get3A_2144, %get3A_2145] {strides = array<i32>} : memref<256x128xf32, #tpu.memory_space<vmem>>, vector<1x16xf32>,
      %get3A_2147 = vector.shape_cast %get3A_2146 : vector<1x16xf32> to vector<16xf32>
      %sub3A_2148 = arith.subf %get3A_2139, %bitcast_convert_type3A_2129 : vector<16xf32>
      %sub3A_2149 = arith.subf %get3A_2147, %bitcast_convert_type3A_2133 : vector<16xf32>
      %mul3A_2150 = arith.mulf %sub3A_2148, %sub3A_2148 : vector<16xf32>
      %add3A_2151 = arith.addf %add3A_2120, %mul3A_2150 : vector<16xf32>
      %mul3A_2152 = arith.mulf %sub3A_2149, %sub3A_2149 : vector<16xf32>
      %add3A_2153 = arith.addf %add3A_2151, %mul3A_2152 : vector<16xf32>
      %mul3A_2154 = arith.constant 16 : i32
      %mul3A_2155 = arith.muli %mul3A_2154, %scan3A_1325 : i32
      %add3A_2156 = arith.constant 9 : i32
      %add3A_2157 = arith.addi %mul3A_2155, %add3A_2156 : i32
      %jit3A_2158 = arith.constant 16 : i32
      %eq3A_2159 = arith.constant 0 : i32
      %eq3A_2160 = arith.cmpi eq, %jit3A_2158, %eq3A_2159 : i32
      %jit3A_2161 = arith.constant 1 : i32
      %select_n3A_2162 = arith.select %eq3A_2160, %jit3A_2161, %jit3A_2158 : i32
      %rem3A_2163 = arith.remsi %scan3A_1325, %select_n3A_2162 : i32
      %ne3A_2164 = arith.constant 0 : i32
      %ne3A_2165 = arith.cmpi ne, %rem3A_2163, %ne3A_2164 : i32
      %lt3A_2166 = arith.constant 0 : i32
      %lt3A_2167 = arith.cmpi slt, %rem3A_2163, %lt3A_2166 : i32
      %lt3A_2168 = arith.constant 0 : i32
      %lt3A_2169 = arith.cmpi slt, %select_n3A_2162, %lt3A_2168 : i32
      %ne3A_2170 = arith.xori %lt3A_2167, %lt3A_2169 : i1
      %and3A_2171 = arith.andi %ne3A_2170, %ne3A_2165 : i1
      %add3A_2172 = arith.addi %rem3A_2163, %select_n3A_2162 : i32
      %select_n3A_2173 = arith.select %and3A_2171, %add3A_2172, %rem3A_2163 : i32
      %mul3A_2174 = arith.constant 16 : i32
      %mul3A_2175 = arith.muli %mul3A_2174, %select_n3A_2173 : i32
      %add3A_2176 = arith.constant 9 : i32
      %add3A_2177 = arith.addi %mul3A_2175, %add3A_2176 : i32
      %get3A_2178 = arith.index_cast %add3A_2157 : i32 to index
      %get3A_2179 = arith.constant 0 : index
      %get3A_2180 = tpu.vector_load %arg8[%get3A_2178, %get3A_2179] {strides = array<i32>} : memref<512x32xi32, #tpu.memory_space<vmem>>, vector<1x16xi32>,
      %get3A_2181 = vector.shape_cast %get3A_2180 : vector<1x16xi32> to vector<16xi32>
      %bitcast_convert_type3A_2182 = tpu.bitcast %get3A_2181 : vector<16xi32> -> vector<16xi32>
      %shift_left3A_2183 = arith.constant 16 : i32
      %shift_left3A_2184 = vector.broadcast %shift_left3A_2183 : i32 to vector<16xi32>
      %shift_left3A_2185 = arith.shli %bitcast_convert_type3A_2182, %shift_left3A_2184 : vector<16xi32>
      %bitcast_convert_type3A_2186 = tpu.bitcast %shift_left3A_2185 : vector<16xi32> -> vector<16xf32>
      %and3A_2187 = arith.constant -65536 : i32
      %and3A_2188 = vector.broadcast %and3A_2187 : i32 to vector<16xi32>
      %and3A_2189 = arith.andi %bitcast_convert_type3A_2182, %and3A_2188 : vector<16xi32>
      %bitcast_convert_type3A_2190 = tpu.bitcast %and3A_2189 : vector<16xi32> -> vector<16xf32>
      %add3A_2191 = arith.constant 0 : i32
      %add3A_2192 = arith.addi %mul3A_1347, %add3A_2191 : i32
      %get3A_2193 = arith.index_cast %add3A_2177 : i32 to index
      %get3A_2194 = arith.index_cast %add3A_2192 : i32 to index
      %get3A_2195 = tpu.vector_load %arg9[%get3A_2193, %get3A_2194] {strides = array<i32>} : memref<256x128xf32, #tpu.memory_space<vmem>>, vector<1x16xf32>,
      %get3A_2196 = vector.shape_cast %get3A_2195 : vector<1x16xf32> to vector<16xf32>
      %add3A_2197 = arith.constant 32 : i32
      %add3A_2198 = arith.addi %mul3A_1347, %add3A_2197 : i32
      %add3A_2199 = arith.constant 0 : i32
      %add3A_2200 = arith.addi %add3A_2198, %add3A_2199 : i32
      %get3A_2201 = arith.index_cast %add3A_2177 : i32 to index
      %get3A_2202 = arith.index_cast %add3A_2200 : i32 to index
      %get3A_2203 = tpu.vector_load %arg9[%get3A_2201, %get3A_2202] {strides = array<i32>} : memref<256x128xf32, #tpu.memory_space<vmem>>, vector<1x16xf32>,
      %get3A_2204 = vector.shape_cast %get3A_2203 : vector<1x16xf32> to vector<16xf32>
      %sub3A_2205 = arith.subf %get3A_2196, %bitcast_convert_type3A_2186 : vector<16xf32>
      %sub3A_2206 = arith.subf %get3A_2204, %bitcast_convert_type3A_2190 : vector<16xf32>
      %mul3A_2207 = arith.mulf %sub3A_2205, %sub3A_2205 : vector<16xf32>
      %add3A_2208 = arith.addf %add3A_2153, %mul3A_2207 : vector<16xf32>
      %mul3A_2209 = arith.mulf %sub3A_2206, %sub3A_2206 : vector<16xf32>
      %add3A_2210 = arith.addf %add3A_2208, %mul3A_2209 : vector<16xf32>
      %get3A_2211 = arith.index_cast %add3A_2157 : i32 to index
      %get3A_2212 = arith.constant 16 : index
      %get3A_2213 = tpu.vector_load %arg8[%get3A_2211, %get3A_2212] {strides = array<i32>} : memref<512x32xi32, #tpu.memory_space<vmem>>, vector<1x16xi32>,
      %get3A_2214 = vector.shape_cast %get3A_2213 : vector<1x16xi32> to vector<16xi32>
      %bitcast_convert_type3A_2215 = tpu.bitcast %get3A_2214 : vector<16xi32> -> vector<16xi32>
      %shift_left3A_2216 = arith.constant 16 : i32
      %shift_left3A_2217 = vector.broadcast %shift_left3A_2216 : i32 to vector<16xi32>
      %shift_left3A_2218 = arith.shli %bitcast_convert_type3A_2215, %shift_left3A_2217 : vector<16xi32>
      %bitcast_convert_type3A_2219 = tpu.bitcast %shift_left3A_2218 : vector<16xi32> -> vector<16xf32>
      %and3A_2220 = arith.constant -65536 : i32
      %and3A_2221 = vector.broadcast %and3A_2220 : i32 to vector<16xi32>
      %and3A_2222 = arith.andi %bitcast_convert_type3A_2215, %and3A_2221 : vector<16xi32>
      %bitcast_convert_type3A_2223 = tpu.bitcast %and3A_2222 : vector<16xi32> -> vector<16xf32>
      %add3A_2224 = arith.constant 16 : i32
      %add3A_2225 = arith.addi %mul3A_1347, %add3A_2224 : i32
      %get3A_2226 = arith.index_cast %add3A_2177 : i32 to index
      %get3A_2227 = arith.index_cast %add3A_2225 : i32 to index
      %get3A_2228 = tpu.vector_load %arg9[%get3A_2226, %get3A_2227] {strides = array<i32>} : memref<256x128xf32, #tpu.memory_space<vmem>>, vector<1x16xf32>,
      %get3A_2229 = vector.shape_cast %get3A_2228 : vector<1x16xf32> to vector<16xf32>
      %add3A_2230 = arith.constant 32 : i32
      %add3A_2231 = arith.addi %mul3A_1347, %add3A_2230 : i32
      %add3A_2232 = arith.constant 16 : i32
      %add3A_2233 = arith.addi %add3A_2231, %add3A_2232 : i32
      %get3A_2234 = arith.index_cast %add3A_2177 : i32 to index
      %get3A_2235 = arith.index_cast %add3A_2233 : i32 to index
      %get3A_2236 = tpu.vector_load %arg9[%get3A_2234, %get3A_2235] {strides = array<i32>} : memref<256x128xf32, #tpu.memory_space<vmem>>, vector<1x16xf32>,
      %get3A_2237 = vector.shape_cast %get3A_2236 : vector<1x16xf32> to vector<16xf32>
      %sub3A_2238 = arith.subf %get3A_2229, %bitcast_convert_type3A_2219 : vector<16xf32>
      %sub3A_2239 = arith.subf %get3A_2237, %bitcast_convert_type3A_2223 : vector<16xf32>
      %mul3A_2240 = arith.mulf %sub3A_2238, %sub3A_2238 : vector<16xf32>
      %add3A_2241 = arith.addf %add3A_2210, %mul3A_2240 : vector<16xf32>
      %mul3A_2242 = arith.mulf %sub3A_2239, %sub3A_2239 : vector<16xf32>
      %add3A_2243 = arith.addf %add3A_2241, %mul3A_2242 : vector<16xf32>
      %mul3A_2244 = arith.constant 16 : i32
      %mul3A_2245 = arith.muli %mul3A_2244, %scan3A_1325 : i32
      %add3A_2246 = arith.constant 10 : i32
      %add3A_2247 = arith.addi %mul3A_2245, %add3A_2246 : i32
      %jit3A_2248 = arith.constant 16 : i32
      %eq3A_2249 = arith.constant 0 : i32
      %eq3A_2250 = arith.cmpi eq, %jit3A_2248, %eq3A_2249 : i32
      %jit3A_2251 = arith.constant 1 : i32
      %select_n3A_2252 = arith.select %eq3A_2250, %jit3A_2251, %jit3A_2248 : i32
      %rem3A_2253 = arith.remsi %scan3A_1325, %select_n3A_2252 : i32
      %ne3A_2254 = arith.constant 0 : i32
      %ne3A_2255 = arith.cmpi ne, %rem3A_2253, %ne3A_2254 : i32
      %lt3A_2256 = arith.constant 0 : i32
      %lt3A_2257 = arith.cmpi slt, %rem3A_2253, %lt3A_2256 : i32
      %lt3A_2258 = arith.constant 0 : i32
      %lt3A_2259 = arith.cmpi slt, %select_n3A_2252, %lt3A_2258 : i32
      %ne3A_2260 = arith.xori %lt3A_2257, %lt3A_2259 : i1
      %and3A_2261 = arith.andi %ne3A_2260, %ne3A_2255 : i1
      %add3A_2262 = arith.addi %rem3A_2253, %select_n3A_2252 : i32
      %select_n3A_2263 = arith.select %and3A_2261, %add3A_2262, %rem3A_2253 : i32
      %mul3A_2264 = arith.constant 16 : i32
      %mul3A_2265 = arith.muli %mul3A_2264, %select_n3A_2263 : i32
      %add3A_2266 = arith.constant 10 : i32
      %add3A_2267 = arith.addi %mul3A_2265, %add3A_2266 : i32
      %get3A_2268 = arith.index_cast %add3A_2247 : i32 to index
      %get3A_2269 = arith.constant 0 : index
      %get3A_2270 = tpu.vector_load %arg8[%get3A_2268, %get3A_2269] {strides = array<i32>} : memref<512x32xi32, #tpu.memory_space<vmem>>, vector<1x16xi32>,
      %get3A_2271 = vector.shape_cast %get3A_2270 : vector<1x16xi32> to vector<16xi32>
      %bitcast_convert_type3A_2272 = tpu.bitcast %get3A_2271 : vector<16xi32> -> vector<16xi32>
      %shift_left3A_2273 = arith.constant 16 : i32
      %shift_left3A_2274 = vector.broadcast %shift_left3A_2273 : i32 to vector<16xi32>
      %shift_left3A_2275 = arith.shli %bitcast_convert_type3A_2272, %shift_left3A_2274 : vector<16xi32>
      %bitcast_convert_type3A_2276 = tpu.bitcast %shift_left3A_2275 : vector<16xi32> -> vector<16xf32>
      %and3A_2277 = arith.constant -65536 : i32
      %and3A_2278 = vector.broadcast %and3A_2277 : i32 to vector<16xi32>
      %and3A_2279 = arith.andi %bitcast_convert_type3A_2272, %and3A_2278 : vector<16xi32>
      %bitcast_convert_type3A_2280 = tpu.bitcast %and3A_2279 : vector<16xi32> -> vector<16xf32>
      %add3A_2281 = arith.constant 0 : i32
      %add3A_2282 = arith.addi %mul3A_1347, %add3A_2281 : i32
      %get3A_2283 = arith.index_cast %add3A_2267 : i32 to index
      %get3A_2284 = arith.index_cast %add3A_2282 : i32 to index
      %get3A_2285 = tpu.vector_load %arg9[%get3A_2283, %get3A_2284] {strides = array<i32>} : memref<256x128xf32, #tpu.memory_space<vmem>>, vector<1x16xf32>,
      %get3A_2286 = vector.shape_cast %get3A_2285 : vector<1x16xf32> to vector<16xf32>
      %add3A_2287 = arith.constant 32 : i32
      %add3A_2288 = arith.addi %mul3A_1347, %add3A_2287 : i32
      %add3A_2289 = arith.constant 0 : i32
      %add3A_2290 = arith.addi %add3A_2288, %add3A_2289 : i32
      %get3A_2291 = arith.index_cast %add3A_2267 : i32 to index
      %get3A_2292 = arith.index_cast %add3A_2290 : i32 to index
      %get3A_2293 = tpu.vector_load %arg9[%get3A_2291, %get3A_2292] {strides = array<i32>} : memref<256x128xf32, #tpu.memory_space<vmem>>, vector<1x16xf32>,
      %get3A_2294 = vector.shape_cast %get3A_2293 : vector<1x16xf32> to vector<16xf32>
      %sub3A_2295 = arith.subf %get3A_2286, %bitcast_convert_type3A_2276 : vector<16xf32>
      %sub3A_2296 = arith.subf %get3A_2294, %bitcast_convert_type3A_2280 : vector<16xf32>
      %mul3A_2297 = arith.mulf %sub3A_2295, %sub3A_2295 : vector<16xf32>
      %add3A_2298 = arith.addf %add3A_2243, %mul3A_2297 : vector<16xf32>
      %mul3A_2299 = arith.mulf %sub3A_2296, %sub3A_2296 : vector<16xf32>
      %add3A_2300 = arith.addf %add3A_2298, %mul3A_2299 : vector<16xf32>
      %get3A_2301 = arith.index_cast %add3A_2247 : i32 to index
      %get3A_2302 = arith.constant 16 : index
      %get3A_2303 = tpu.vector_load %arg8[%get3A_2301, %get3A_2302] {strides = array<i32>} : memref<512x32xi32, #tpu.memory_space<vmem>>, vector<1x16xi32>,
      %get3A_2304 = vector.shape_cast %get3A_2303 : vector<1x16xi32> to vector<16xi32>
      %bitcast_convert_type3A_2305 = tpu.bitcast %get3A_2304 : vector<16xi32> -> vector<16xi32>
      %shift_left3A_2306 = arith.constant 16 : i32
      %shift_left3A_2307 = vector.broadcast %shift_left3A_2306 : i32 to vector<16xi32>
      %shift_left3A_2308 = arith.shli %bitcast_convert_type3A_2305, %shift_left3A_2307 : vector<16xi32>
      %bitcast_convert_type3A_2309 = tpu.bitcast %shift_left3A_2308 : vector<16xi32> -> vector<16xf32>
      %and3A_2310 = arith.constant -65536 : i32
      %and3A_2311 = vector.broadcast %and3A_2310 : i32 to vector<16xi32>
      %and3A_2312 = arith.andi %bitcast_convert_type3A_2305, %and3A_2311 : vector<16xi32>
      %bitcast_convert_type3A_2313 = tpu.bitcast %and3A_2312 : vector<16xi32> -> vector<16xf32>
      %add3A_2314 = arith.constant 16 : i32
      %add3A_2315 = arith.addi %mul3A_1347, %add3A_2314 : i32
      %get3A_2316 = arith.index_cast %add3A_2267 : i32 to index
      %get3A_2317 = arith.index_cast %add3A_2315 : i32 to index
      %get3A_2318 = tpu.vector_load %arg9[%get3A_2316, %get3A_2317] {strides = array<i32>} : memref<256x128xf32, #tpu.memory_space<vmem>>, vector<1x16xf32>,
      %get3A_2319 = vector.shape_cast %get3A_2318 : vector<1x16xf32> to vector<16xf32>
      %add3A_2320 = arith.constant 32 : i32
      %add3A_2321 = arith.addi %mul3A_1347, %add3A_2320 : i32
      %add3A_2322 = arith.constant 16 : i32
      %add3A_2323 = arith.addi %add3A_2321, %add3A_2322 : i32
      %get3A_2324 = arith.index_cast %add3A_2267 : i32 to index
      %get3A_2325 = arith.index_cast %add3A_2323 : i32 to index
      %get3A_2326 = tpu.vector_load %arg9[%get3A_2324, %get3A_2325] {strides = array<i32>} : memref<256x128xf32, #tpu.memory_space<vmem>>, vector<1x16xf32>,
      %get3A_2327 = vector.shape_cast %get3A_2326 : vector<1x16xf32> to vector<16xf32>
      %sub3A_2328 = arith.subf %get3A_2319, %bitcast_convert_type3A_2309 : vector<16xf32>
      %sub3A_2329 = arith.subf %get3A_2327, %bitcast_convert_type3A_2313 : vector<16xf32>
      %mul3A_2330 = arith.mulf %sub3A_2328, %sub3A_2328 : vector<16xf32>
      %add3A_2331 = arith.addf %add3A_2300, %mul3A_2330 : vector<16xf32>
      %mul3A_2332 = arith.mulf %sub3A_2329, %sub3A_2329 : vector<16xf32>
      %add3A_2333 = arith.addf %add3A_2331, %mul3A_2332 : vector<16xf32>
      %mul3A_2334 = arith.constant 16 : i32
      %mul3A_2335 = arith.muli %mul3A_2334, %scan3A_1325 : i32
      %add3A_2336 = arith.constant 11 : i32
      %add3A_2337 = arith.addi %mul3A_2335, %add3A_2336 : i32
      %jit3A_2338 = arith.constant 16 : i32
      %eq3A_2339 = arith.constant 0 : i32
      %eq3A_2340 = arith.cmpi eq, %jit3A_2338, %eq3A_2339 : i32
      %jit3A_2341 = arith.constant 1 : i32
      %select_n3A_2342 = arith.select %eq3A_2340, %jit3A_2341, %jit3A_2338 : i32
      %rem3A_2343 = arith.remsi %scan3A_1325, %select_n3A_2342 : i32
      %ne3A_2344 = arith.constant 0 : i32
      %ne3A_2345 = arith.cmpi ne, %rem3A_2343, %ne3A_2344 : i32
      %lt3A_2346 = arith.constant 0 : i32
      %lt3A_2347 = arith.cmpi slt, %rem3A_2343, %lt3A_2346 : i32
      %lt3A_2348 = arith.constant 0 : i32
      %lt3A_2349 = arith.cmpi slt, %select_n3A_2342, %lt3A_2348 : i32
      %ne3A_2350 = arith.xori %lt3A_2347, %lt3A_2349 : i1
      %and3A_2351 = arith.andi %ne3A_2350, %ne3A_2345 : i1
      %add3A_2352 = arith.addi %rem3A_2343, %select_n3A_2342 : i32
      %select_n3A_2353 = arith.select %and3A_2351, %add3A_2352, %rem3A_2343 : i32
      %mul3A_2354 = arith.constant 16 : i32
      %mul3A_2355 = arith.muli %mul3A_2354, %select_n3A_2353 : i32
      %add3A_2356 = arith.constant 11 : i32
      %add3A_2357 = arith.addi %mul3A_2355, %add3A_2356 : i32
      %get3A_2358 = arith.index_cast %add3A_2337 : i32 to index
      %get3A_2359 = arith.constant 0 : index
      %get3A_2360 = tpu.vector_load %arg8[%get3A_2358, %get3A_2359] {strides = array<i32>} : memref<512x32xi32, #tpu.memory_space<vmem>>, vector<1x16xi32>,
      %get3A_2361 = vector.shape_cast %get3A_2360 : vector<1x16xi32> to vector<16xi32>
      %bitcast_convert_type3A_2362 = tpu.bitcast %get3A_2361 : vector<16xi32> -> vector<16xi32>
      %shift_left3A_2363 = arith.constant 16 : i32
      %shift_left3A_2364 = vector.broadcast %shift_left3A_2363 : i32 to vector<16xi32>
      %shift_left3A_2365 = arith.shli %bitcast_convert_type3A_2362, %shift_left3A_2364 : vector<16xi32>
      %bitcast_convert_type3A_2366 = tpu.bitcast %shift_left3A_2365 : vector<16xi32> -> vector<16xf32>
      %and3A_2367 = arith.constant -65536 : i32
      %and3A_2368 = vector.broadcast %and3A_2367 : i32 to vector<16xi32>
      %and3A_2369 = arith.andi %bitcast_convert_type3A_2362, %and3A_2368 : vector<16xi32>
      %bitcast_convert_type3A_2370 = tpu.bitcast %and3A_2369 : vector<16xi32> -> vector<16xf32>
      %add3A_2371 = arith.constant 0 : i32
      %add3A_2372 = arith.addi %mul3A_1347, %add3A_2371 : i32
      %get3A_2373 = arith.index_cast %add3A_2357 : i32 to index
      %get3A_2374 = arith.index_cast %add3A_2372 : i32 to index
      %get3A_2375 = tpu.vector_load %arg9[%get3A_2373, %get3A_2374] {strides = array<i32>} : memref<256x128xf32, #tpu.memory_space<vmem>>, vector<1x16xf32>,
      %get3A_2376 = vector.shape_cast %get3A_2375 : vector<1x16xf32> to vector<16xf32>
      %add3A_2377 = arith.constant 32 : i32
      %add3A_2378 = arith.addi %mul3A_1347, %add3A_2377 : i32
      %add3A_2379 = arith.constant 0 : i32
      %add3A_2380 = arith.addi %add3A_2378, %add3A_2379 : i32
      %get3A_2381 = arith.index_cast %add3A_2357 : i32 to index
      %get3A_2382 = arith.index_cast %add3A_2380 : i32 to index
      %get3A_2383 = tpu.vector_load %arg9[%get3A_2381, %get3A_2382] {strides = array<i32>} : memref<256x128xf32, #tpu.memory_space<vmem>>, vector<1x16xf32>,
      %get3A_2384 = vector.shape_cast %get3A_2383 : vector<1x16xf32> to vector<16xf32>
      %sub3A_2385 = arith.subf %get3A_2376, %bitcast_convert_type3A_2366 : vector<16xf32>
      %sub3A_2386 = arith.subf %get3A_2384, %bitcast_convert_type3A_2370 : vector<16xf32>
      %mul3A_2387 = arith.mulf %sub3A_2385, %sub3A_2385 : vector<16xf32>
      %add3A_2388 = arith.addf %add3A_2333, %mul3A_2387 : vector<16xf32>
      %mul3A_2389 = arith.mulf %sub3A_2386, %sub3A_2386 : vector<16xf32>
      %add3A_2390 = arith.addf %add3A_2388, %mul3A_2389 : vector<16xf32>
      %get3A_2391 = arith.index_cast %add3A_2337 : i32 to index
      %get3A_2392 = arith.constant 16 : index
      %get3A_2393 = tpu.vector_load %arg8[%get3A_2391, %get3A_2392] {strides = array<i32>} : memref<512x32xi32, #tpu.memory_space<vmem>>, vector<1x16xi32>,
      %get3A_2394 = vector.shape_cast %get3A_2393 : vector<1x16xi32> to vector<16xi32>
      %bitcast_convert_type3A_2395 = tpu.bitcast %get3A_2394 : vector<16xi32> -> vector<16xi32>
      %shift_left3A_2396 = arith.constant 16 : i32
      %shift_left3A_2397 = vector.broadcast %shift_left3A_2396 : i32 to vector<16xi32>
      %shift_left3A_2398 = arith.shli %bitcast_convert_type3A_2395, %shift_left3A_2397 : vector<16xi32>
      %bitcast_convert_type3A_2399 = tpu.bitcast %shift_left3A_2398 : vector<16xi32> -> vector<16xf32>
      %and3A_2400 = arith.constant -65536 : i32
      %and3A_2401 = vector.broadcast %and3A_2400 : i32 to vector<16xi32>
      %and3A_2402 = arith.andi %bitcast_convert_type3A_2395, %and3A_2401 : vector<16xi32>
      %bitcast_convert_type3A_2403 = tpu.bitcast %and3A_2402 : vector<16xi32> -> vector<16xf32>
      %add3A_2404 = arith.constant 16 : i32
      %add3A_2405 = arith.addi %mul3A_1347, %add3A_2404 : i32
      %get3A_2406 = arith.index_cast %add3A_2357 : i32 to index
      %get3A_2407 = arith.index_cast %add3A_2405 : i32 to index
      %get3A_2408 = tpu.vector_load %arg9[%get3A_2406, %get3A_2407] {strides = array<i32>} : memref<256x128xf32, #tpu.memory_space<vmem>>, vector<1x16xf32>,
      %get3A_2409 = vector.shape_cast %get3A_2408 : vector<1x16xf32> to vector<16xf32>
      %add3A_2410 = arith.constant 32 : i32
      %add3A_2411 = arith.addi %mul3A_1347, %add3A_2410 : i32
      %add3A_2412 = arith.constant 16 : i32
      %add3A_2413 = arith.addi %add3A_2411, %add3A_2412 : i32
      %get3A_2414 = arith.index_cast %add3A_2357 : i32 to index
      %get3A_2415 = arith.index_cast %add3A_2413 : i32 to index
      %get3A_2416 = tpu.vector_load %arg9[%get3A_2414, %get3A_2415] {strides = array<i32>} : memref<256x128xf32, #tpu.memory_space<vmem>>, vector<1x16xf32>,
      %get3A_2417 = vector.shape_cast %get3A_2416 : vector<1x16xf32> to vector<16xf32>
      %sub3A_2418 = arith.subf %get3A_2409, %bitcast_convert_type3A_2399 : vector<16xf32>
      %sub3A_2419 = arith.subf %get3A_2417, %bitcast_convert_type3A_2403 : vector<16xf32>
      %mul3A_2420 = arith.mulf %sub3A_2418, %sub3A_2418 : vector<16xf32>
      %add3A_2421 = arith.addf %add3A_2390, %mul3A_2420 : vector<16xf32>
      %mul3A_2422 = arith.mulf %sub3A_2419, %sub3A_2419 : vector<16xf32>
      %add3A_2423 = arith.addf %add3A_2421, %mul3A_2422 : vector<16xf32>
      %mul3A_2424 = arith.constant 16 : i32
      %mul3A_2425 = arith.muli %mul3A_2424, %scan3A_1325 : i32
      %add3A_2426 = arith.constant 12 : i32
      %add3A_2427 = arith.addi %mul3A_2425, %add3A_2426 : i32
      %jit3A_2428 = arith.constant 16 : i32
      %eq3A_2429 = arith.constant 0 : i32
      %eq3A_2430 = arith.cmpi eq, %jit3A_2428, %eq3A_2429 : i32
      %jit3A_2431 = arith.constant 1 : i32
      %select_n3A_2432 = arith.select %eq3A_2430, %jit3A_2431, %jit3A_2428 : i32
      %rem3A_2433 = arith.remsi %scan3A_1325, %select_n3A_2432 : i32
      %ne3A_2434 = arith.constant 0 : i32
      %ne3A_2435 = arith.cmpi ne, %rem3A_2433, %ne3A_2434 : i32
      %lt3A_2436 = arith.constant 0 : i32
      %lt3A_2437 = arith.cmpi slt, %rem3A_2433, %lt3A_2436 : i32
      %lt3A_2438 = arith.constant 0 : i32
      %lt3A_2439 = arith.cmpi slt, %select_n3A_2432, %lt3A_2438 : i32
      %ne3A_2440 = arith.xori %lt3A_2437, %lt3A_2439 : i1
      %and3A_2441 = arith.andi %ne3A_2440, %ne3A_2435 : i1
      %add3A_2442 = arith.addi %rem3A_2433, %select_n3A_2432 : i32
      %select_n3A_2443 = arith.select %and3A_2441, %add3A_2442, %rem3A_2433 : i32
      %mul3A_2444 = arith.constant 16 : i32
      %mul3A_2445 = arith.muli %mul3A_2444, %select_n3A_2443 : i32
      %add3A_2446 = arith.constant 12 : i32
      %add3A_2447 = arith.addi %mul3A_2445, %add3A_2446 : i32
      %get3A_2448 = arith.index_cast %add3A_2427 : i32 to index
      %get3A_2449 = arith.constant 0 : index
      %get3A_2450 = tpu.vector_load %arg8[%get3A_2448, %get3A_2449] {strides = array<i32>} : memref<512x32xi32, #tpu.memory_space<vmem>>, vector<1x16xi32>,
      %get3A_2451 = vector.shape_cast %get3A_2450 : vector<1x16xi32> to vector<16xi32>
      %bitcast_convert_type3A_2452 = tpu.bitcast %get3A_2451 : vector<16xi32> -> vector<16xi32>
      %shift_left3A_2453 = arith.constant 16 : i32
      %shift_left3A_2454 = vector.broadcast %shift_left3A_2453 : i32 to vector<16xi32>
      %shift_left3A_2455 = arith.shli %bitcast_convert_type3A_2452, %shift_left3A_2454 : vector<16xi32>
      %bitcast_convert_type3A_2456 = tpu.bitcast %shift_left3A_2455 : vector<16xi32> -> vector<16xf32>
      %and3A_2457 = arith.constant -65536 : i32
      %and3A_2458 = vector.broadcast %and3A_2457 : i32 to vector<16xi32>
      %and3A_2459 = arith.andi %bitcast_convert_type3A_2452, %and3A_2458 : vector<16xi32>
      %bitcast_convert_type3A_2460 = tpu.bitcast %and3A_2459 : vector<16xi32> -> vector<16xf32>
      %add3A_2461 = arith.constant 0 : i32
      %add3A_2462 = arith.addi %mul3A_1347, %add3A_2461 : i32
      %get3A_2463 = arith.index_cast %add3A_2447 : i32 to index
      %get3A_2464 = arith.index_cast %add3A_2462 : i32 to index
      %get3A_2465 = tpu.vector_load %arg9[%get3A_2463, %get3A_2464] {strides = array<i32>} : memref<256x128xf32, #tpu.memory_space<vmem>>, vector<1x16xf32>,
      %get3A_2466 = vector.shape_cast %get3A_2465 : vector<1x16xf32> to vector<16xf32>
      %add3A_2467 = arith.constant 32 : i32
      %add3A_2468 = arith.addi %mul3A_1347, %add3A_2467 : i32
      %add3A_2469 = arith.constant 0 : i32
      %add3A_2470 = arith.addi %add3A_2468, %add3A_2469 : i32
      %get3A_2471 = arith.index_cast %add3A_2447 : i32 to index
      %get3A_2472 = arith.index_cast %add3A_2470 : i32 to index
      %get3A_2473 = tpu.vector_load %arg9[%get3A_2471, %get3A_2472] {strides = array<i32>} : memref<256x128xf32, #tpu.memory_space<vmem>>, vector<1x16xf32>,
      %get3A_2474 = vector.shape_cast %get3A_2473 : vector<1x16xf32> to vector<16xf32>
      %sub3A_2475 = arith.subf %get3A_2466, %bitcast_convert_type3A_2456 : vector<16xf32>
      %sub3A_2476 = arith.subf %get3A_2474, %bitcast_convert_type3A_2460 : vector<16xf32>
      %mul3A_2477 = arith.mulf %sub3A_2475, %sub3A_2475 : vector<16xf32>
      %add3A_2478 = arith.addf %add3A_2423, %mul3A_2477 : vector<16xf32>
      %mul3A_2479 = arith.mulf %sub3A_2476, %sub3A_2476 : vector<16xf32>
      %add3A_2480 = arith.addf %add3A_2478, %mul3A_2479 : vector<16xf32>
      %get3A_2481 = arith.index_cast %add3A_2427 : i32 to index
      %get3A_2482 = arith.constant 16 : index
      %get3A_2483 = tpu.vector_load %arg8[%get3A_2481, %get3A_2482] {strides = array<i32>} : memref<512x32xi32, #tpu.memory_space<vmem>>, vector<1x16xi32>,
      %get3A_2484 = vector.shape_cast %get3A_2483 : vector<1x16xi32> to vector<16xi32>
      %bitcast_convert_type3A_2485 = tpu.bitcast %get3A_2484 : vector<16xi32> -> vector<16xi32>
      %shift_left3A_2486 = arith.constant 16 : i32
      %shift_left3A_2487 = vector.broadcast %shift_left3A_2486 : i32 to vector<16xi32>
      %shift_left3A_2488 = arith.shli %bitcast_convert_type3A_2485, %shift_left3A_2487 : vector<16xi32>
      %bitcast_convert_type3A_2489 = tpu.bitcast %shift_left3A_2488 : vector<16xi32> -> vector<16xf32>
      %and3A_2490 = arith.constant -65536 : i32
      %and3A_2491 = vector.broadcast %and3A_2490 : i32 to vector<16xi32>
      %and3A_2492 = arith.andi %bitcast_convert_type3A_2485, %and3A_2491 : vector<16xi32>
      %bitcast_convert_type3A_2493 = tpu.bitcast %and3A_2492 : vector<16xi32> -> vector<16xf32>
      %add3A_2494 = arith.constant 16 : i32
      %add3A_2495 = arith.addi %mul3A_1347, %add3A_2494 : i32
      %get3A_2496 = arith.index_cast %add3A_2447 : i32 to index
      %get3A_2497 = arith.index_cast %add3A_2495 : i32 to index
      %get3A_2498 = tpu.vector_load %arg9[%get3A_2496, %get3A_2497] {strides = array<i32>} : memref<256x128xf32, #tpu.memory_space<vmem>>, vector<1x16xf32>,
      %get3A_2499 = vector.shape_cast %get3A_2498 : vector<1x16xf32> to vector<16xf32>
      %add3A_2500 = arith.constant 32 : i32
      %add3A_2501 = arith.addi %mul3A_1347, %add3A_2500 : i32
      %add3A_2502 = arith.constant 16 : i32
      %add3A_2503 = arith.addi %add3A_2501, %add3A_2502 : i32
      %get3A_2504 = arith.index_cast %add3A_2447 : i32 to index
      %get3A_2505 = arith.index_cast %add3A_2503 : i32 to index
      %get3A_2506 = tpu.vector_load %arg9[%get3A_2504, %get3A_2505] {strides = array<i32>} : memref<256x128xf32, #tpu.memory_space<vmem>>, vector<1x16xf32>,
      %get3A_2507 = vector.shape_cast %get3A_2506 : vector<1x16xf32> to vector<16xf32>
      %sub3A_2508 = arith.subf %get3A_2499, %bitcast_convert_type3A_2489 : vector<16xf32>
      %sub3A_2509 = arith.subf %get3A_2507, %bitcast_convert_type3A_2493 : vector<16xf32>
      %mul3A_2510 = arith.mulf %sub3A_2508, %sub3A_2508 : vector<16xf32>
      %add3A_2511 = arith.addf %add3A_2480, %mul3A_2510 : vector<16xf32>
      %mul3A_2512 = arith.mulf %sub3A_2509, %sub3A_2509 : vector<16xf32>
      %add3A_2513 = arith.addf %add3A_2511, %mul3A_2512 : vector<16xf32>
      %mul3A_2514 = arith.constant 16 : i32
      %mul3A_2515 = arith.muli %mul3A_2514, %scan3A_1325 : i32
      %add3A_2516 = arith.constant 13 : i32
      %add3A_2517 = arith.addi %mul3A_2515, %add3A_2516 : i32
      %jit3A_2518 = arith.constant 16 : i32
      %eq3A_2519 = arith.constant 0 : i32
      %eq3A_2520 = arith.cmpi eq, %jit3A_2518, %eq3A_2519 : i32
      %jit3A_2521 = arith.constant 1 : i32
      %select_n3A_2522 = arith.select %eq3A_2520, %jit3A_2521, %jit3A_2518 : i32
      %rem3A_2523 = arith.remsi %scan3A_1325, %select_n3A_2522 : i32
      %ne3A_2524 = arith.constant 0 : i32
      %ne3A_2525 = arith.cmpi ne, %rem3A_2523, %ne3A_2524 : i32
      %lt3A_2526 = arith.constant 0 : i32
      %lt3A_2527 = arith.cmpi slt, %rem3A_2523, %lt3A_2526 : i32
      %lt3A_2528 = arith.constant 0 : i32
      %lt3A_2529 = arith.cmpi slt, %select_n3A_2522, %lt3A_2528 : i32
      %ne3A_2530 = arith.xori %lt3A_2527, %lt3A_2529 : i1
      %and3A_2531 = arith.andi %ne3A_2530, %ne3A_2525 : i1
      %add3A_2532 = arith.addi %rem3A_2523, %select_n3A_2522 : i32
      %select_n3A_2533 = arith.select %and3A_2531, %add3A_2532, %rem3A_2523 : i32
      %mul3A_2534 = arith.constant 16 : i32
      %mul3A_2535 = arith.muli %mul3A_2534, %select_n3A_2533 : i32
      %add3A_2536 = arith.constant 13 : i32
      %add3A_2537 = arith.addi %mul3A_2535, %add3A_2536 : i32
      %get3A_2538 = arith.index_cast %add3A_2517 : i32 to index
      %get3A_2539 = arith.constant 0 : index
      %get3A_2540 = tpu.vector_load %arg8[%get3A_2538, %get3A_2539] {strides = array<i32>} : memref<512x32xi32, #tpu.memory_space<vmem>>, vector<1x16xi32>,
      %get3A_2541 = vector.shape_cast %get3A_2540 : vector<1x16xi32> to vector<16xi32>
      %bitcast_convert_type3A_2542 = tpu.bitcast %get3A_2541 : vector<16xi32> -> vector<16xi32>
      %shift_left3A_2543 = arith.constant 16 : i32
      %shift_left3A_2544 = vector.broadcast %shift_left3A_2543 : i32 to vector<16xi32>
      %shift_left3A_2545 = arith.shli %bitcast_convert_type3A_2542, %shift_left3A_2544 : vector<16xi32>
      %bitcast_convert_type3A_2546 = tpu.bitcast %shift_left3A_2545 : vector<16xi32> -> vector<16xf32>
      %and3A_2547 = arith.constant -65536 : i32
      %and3A_2548 = vector.broadcast %and3A_2547 : i32 to vector<16xi32>
      %and3A_2549 = arith.andi %bitcast_convert_type3A_2542, %and3A_2548 : vector<16xi32>
      %bitcast_convert_type3A_2550 = tpu.bitcast %and3A_2549 : vector<16xi32> -> vector<16xf32>
      %add3A_2551 = arith.constant 0 : i32
      %add3A_2552 = arith.addi %mul3A_1347, %add3A_2551 : i32
      %get3A_2553 = arith.index_cast %add3A_2537 : i32 to index
      %get3A_2554 = arith.index_cast %add3A_2552 : i32 to index
      %get3A_2555 = tpu.vector_load %arg9[%get3A_2553, %get3A_2554] {strides = array<i32>} : memref<256x128xf32, #tpu.memory_space<vmem>>, vector<1x16xf32>,
      %get3A_2556 = vector.shape_cast %get3A_2555 : vector<1x16xf32> to vector<16xf32>
      %add3A_2557 = arith.constant 32 : i32
      %add3A_2558 = arith.addi %mul3A_1347, %add3A_2557 : i32
      %add3A_2559 = arith.constant 0 : i32
      %add3A_2560 = arith.addi %add3A_2558, %add3A_2559 : i32
      %get3A_2561 = arith.index_cast %add3A_2537 : i32 to index
      %get3A_2562 = arith.index_cast %add3A_2560 : i32 to index
      %get3A_2563 = tpu.vector_load %arg9[%get3A_2561, %get3A_2562] {strides = array<i32>} : memref<256x128xf32, #tpu.memory_space<vmem>>, vector<1x16xf32>,
      %get3A_2564 = vector.shape_cast %get3A_2563 : vector<1x16xf32> to vector<16xf32>
      %sub3A_2565 = arith.subf %get3A_2556, %bitcast_convert_type3A_2546 : vector<16xf32>
      %sub3A_2566 = arith.subf %get3A_2564, %bitcast_convert_type3A_2550 : vector<16xf32>
      %mul3A_2567 = arith.mulf %sub3A_2565, %sub3A_2565 : vector<16xf32>
      %add3A_2568 = arith.addf %add3A_2513, %mul3A_2567 : vector<16xf32>
      %mul3A_2569 = arith.mulf %sub3A_2566, %sub3A_2566 : vector<16xf32>
      %add3A_2570 = arith.addf %add3A_2568, %mul3A_2569 : vector<16xf32>
      %get3A_2571 = arith.index_cast %add3A_2517 : i32 to index
      %get3A_2572 = arith.constant 16 : index
      %get3A_2573 = tpu.vector_load %arg8[%get3A_2571, %get3A_2572] {strides = array<i32>} : memref<512x32xi32, #tpu.memory_space<vmem>>, vector<1x16xi32>,
      %get3A_2574 = vector.shape_cast %get3A_2573 : vector<1x16xi32> to vector<16xi32>
      %bitcast_convert_type3A_2575 = tpu.bitcast %get3A_2574 : vector<16xi32> -> vector<16xi32>
      %shift_left3A_2576 = arith.constant 16 : i32
      %shift_left3A_2577 = vector.broadcast %shift_left3A_2576 : i32 to vector<16xi32>
      %shift_left3A_2578 = arith.shli %bitcast_convert_type3A_2575, %shift_left3A_2577 : vector<16xi32>
      %bitcast_convert_type3A_2579 = tpu.bitcast %shift_left3A_2578 : vector<16xi32> -> vector<16xf32>
      %and3A_2580 = arith.constant -65536 : i32
      %and3A_2581 = vector.broadcast %and3A_2580 : i32 to vector<16xi32>
      %and3A_2582 = arith.andi %bitcast_convert_type3A_2575, %and3A_2581 : vector<16xi32>
      %bitcast_convert_type3A_2583 = tpu.bitcast %and3A_2582 : vector<16xi32> -> vector<16xf32>
      %add3A_2584 = arith.constant 16 : i32
      %add3A_2585 = arith.addi %mul3A_1347, %add3A_2584 : i32
      %get3A_2586 = arith.index_cast %add3A_2537 : i32 to index
      %get3A_2587 = arith.index_cast %add3A_2585 : i32 to index
      %get3A_2588 = tpu.vector_load %arg9[%get3A_2586, %get3A_2587] {strides = array<i32>} : memref<256x128xf32, #tpu.memory_space<vmem>>, vector<1x16xf32>,
      %get3A_2589 = vector.shape_cast %get3A_2588 : vector<1x16xf32> to vector<16xf32>
      %add3A_2590 = arith.constant 32 : i32
      %add3A_2591 = arith.addi %mul3A_1347, %add3A_2590 : i32
      %add3A_2592 = arith.constant 16 : i32
      %add3A_2593 = arith.addi %add3A_2591, %add3A_2592 : i32
      %get3A_2594 = arith.index_cast %add3A_2537 : i32 to index
      %get3A_2595 = arith.index_cast %add3A_2593 : i32 to index
      %get3A_2596 = tpu.vector_load %arg9[%get3A_2594, %get3A_2595] {strides = array<i32>} : memref<256x128xf32, #tpu.memory_space<vmem>>, vector<1x16xf32>,
      %get3A_2597 = vector.shape_cast %get3A_2596 : vector<1x16xf32> to vector<16xf32>
      %sub3A_2598 = arith.subf %get3A_2589, %bitcast_convert_type3A_2579 : vector<16xf32>
      %sub3A_2599 = arith.subf %get3A_2597, %bitcast_convert_type3A_2583 : vector<16xf32>
      %mul3A_2600 = arith.mulf %sub3A_2598, %sub3A_2598 : vector<16xf32>
      %add3A_2601 = arith.addf %add3A_2570, %mul3A_2600 : vector<16xf32>
      %mul3A_2602 = arith.mulf %sub3A_2599, %sub3A_2599 : vector<16xf32>
      %add3A_2603 = arith.addf %add3A_2601, %mul3A_2602 : vector<16xf32>
      %mul3A_2604 = arith.constant 16 : i32
      %mul3A_2605 = arith.muli %mul3A_2604, %scan3A_1325 : i32
      %add3A_2606 = arith.constant 14 : i32
      %add3A_2607 = arith.addi %mul3A_2605, %add3A_2606 : i32
      %jit3A_2608 = arith.constant 16 : i32
      %eq3A_2609 = arith.constant 0 : i32
      %eq3A_2610 = arith.cmpi eq, %jit3A_2608, %eq3A_2609 : i32
      %jit3A_2611 = arith.constant 1 : i32
      %select_n3A_2612 = arith.select %eq3A_2610, %jit3A_2611, %jit3A_2608 : i32
      %rem3A_2613 = arith.remsi %scan3A_1325, %select_n3A_2612 : i32
      %ne3A_2614 = arith.constant 0 : i32
      %ne3A_2615 = arith.cmpi ne, %rem3A_2613, %ne3A_2614 : i32
      %lt3A_2616 = arith.constant 0 : i32
      %lt3A_2617 = arith.cmpi slt, %rem3A_2613, %lt3A_2616 : i32
      %lt3A_2618 = arith.constant 0 : i32
      %lt3A_2619 = arith.cmpi slt, %select_n3A_2612, %lt3A_2618 : i32
      %ne3A_2620 = arith.xori %lt3A_2617, %lt3A_2619 : i1
      %and3A_2621 = arith.andi %ne3A_2620, %ne3A_2615 : i1
      %add3A_2622 = arith.addi %rem3A_2613, %select_n3A_2612 : i32
      %select_n3A_2623 = arith.select %and3A_2621, %add3A_2622, %rem3A_2613 : i32
      %mul3A_2624 = arith.constant 16 : i32
      %mul3A_2625 = arith.muli %mul3A_2624, %select_n3A_2623 : i32
      %add3A_2626 = arith.constant 14 : i32
      %add3A_2627 = arith.addi %mul3A_2625, %add3A_2626 : i32
      %get3A_2628 = arith.index_cast %add3A_2607 : i32 to index
      %get3A_2629 = arith.constant 0 : index
      %get3A_2630 = tpu.vector_load %arg8[%get3A_2628, %get3A_2629] {strides = array<i32>} : memref<512x32xi32, #tpu.memory_space<vmem>>, vector<1x16xi32>,
      %get3A_2631 = vector.shape_cast %get3A_2630 : vector<1x16xi32> to vector<16xi32>
      %bitcast_convert_type3A_2632 = tpu.bitcast %get3A_2631 : vector<16xi32> -> vector<16xi32>
      %shift_left3A_2633 = arith.constant 16 : i32
      %shift_left3A_2634 = vector.broadcast %shift_left3A_2633 : i32 to vector<16xi32>
      %shift_left3A_2635 = arith.shli %bitcast_convert_type3A_2632, %shift_left3A_2634 : vector<16xi32>
      %bitcast_convert_type3A_2636 = tpu.bitcast %shift_left3A_2635 : vector<16xi32> -> vector<16xf32>
      %and3A_2637 = arith.constant -65536 : i32
      %and3A_2638 = vector.broadcast %and3A_2637 : i32 to vector<16xi32>
      %and3A_2639 = arith.andi %bitcast_convert_type3A_2632, %and3A_2638 : vector<16xi32>
      %bitcast_convert_type3A_2640 = tpu.bitcast %and3A_2639 : vector<16xi32> -> vector<16xf32>
      %add3A_2641 = arith.constant 0 : i32
      %add3A_2642 = arith.addi %mul3A_1347, %add3A_2641 : i32
      %get3A_2643 = arith.index_cast %add3A_2627 : i32 to index
      %get3A_2644 = arith.index_cast %add3A_2642 : i32 to index
      %get3A_2645 = tpu.vector_load %arg9[%get3A_2643, %get3A_2644] {strides = array<i32>} : memref<256x128xf32, #tpu.memory_space<vmem>>, vector<1x16xf32>,
      %get3A_2646 = vector.shape_cast %get3A_2645 : vector<1x16xf32> to vector<16xf32>
      %add3A_2647 = arith.constant 32 : i32
      %add3A_2648 = arith.addi %mul3A_1347, %add3A_2647 : i32
      %add3A_2649 = arith.constant 0 : i32
      %add3A_2650 = arith.addi %add3A_2648, %add3A_2649 : i32
      %get3A_2651 = arith.index_cast %add3A_2627 : i32 to index
      %get3A_2652 = arith.index_cast %add3A_2650 : i32 to index
      %get3A_2653 = tpu.vector_load %arg9[%get3A_2651, %get3A_2652] {strides = array<i32>} : memref<256x128xf32, #tpu.memory_space<vmem>>, vector<1x16xf32>,
      %get3A_2654 = vector.shape_cast %get3A_2653 : vector<1x16xf32> to vector<16xf32>
      %sub3A_2655 = arith.subf %get3A_2646, %bitcast_convert_type3A_2636 : vector<16xf32>
      %sub3A_2656 = arith.subf %get3A_2654, %bitcast_convert_type3A_2640 : vector<16xf32>
      %mul3A_2657 = arith.mulf %sub3A_2655, %sub3A_2655 : vector<16xf32>
      %add3A_2658 = arith.addf %add3A_2603, %mul3A_2657 : vector<16xf32>
      %mul3A_2659 = arith.mulf %sub3A_2656, %sub3A_2656 : vector<16xf32>
      %add3A_2660 = arith.addf %add3A_2658, %mul3A_2659 : vector<16xf32>
      %get3A_2661 = arith.index_cast %add3A_2607 : i32 to index
      %get3A_2662 = arith.constant 16 : index
      %get3A_2663 = tpu.vector_load %arg8[%get3A_2661, %get3A_2662] {strides = array<i32>} : memref<512x32xi32, #tpu.memory_space<vmem>>, vector<1x16xi32>,
      %get3A_2664 = vector.shape_cast %get3A_2663 : vector<1x16xi32> to vector<16xi32>
      %bitcast_convert_type3A_2665 = tpu.bitcast %get3A_2664 : vector<16xi32> -> vector<16xi32>
      %shift_left3A_2666 = arith.constant 16 : i32
      %shift_left3A_2667 = vector.broadcast %shift_left3A_2666 : i32 to vector<16xi32>
      %shift_left3A_2668 = arith.shli %bitcast_convert_type3A_2665, %shift_left3A_2667 : vector<16xi32>
      %bitcast_convert_type3A_2669 = tpu.bitcast %shift_left3A_2668 : vector<16xi32> -> vector<16xf32>
      %and3A_2670 = arith.constant -65536 : i32
      %and3A_2671 = vector.broadcast %and3A_2670 : i32 to vector<16xi32>
      %and3A_2672 = arith.andi %bitcast_convert_type3A_2665, %and3A_2671 : vector<16xi32>
      %bitcast_convert_type3A_2673 = tpu.bitcast %and3A_2672 : vector<16xi32> -> vector<16xf32>
      %add3A_2674 = arith.constant 16 : i32
      %add3A_2675 = arith.addi %mul3A_1347, %add3A_2674 : i32
      %get3A_2676 = arith.index_cast %add3A_2627 : i32 to index
      %get3A_2677 = arith.index_cast %add3A_2675 : i32 to index
      %get3A_2678 = tpu.vector_load %arg9[%get3A_2676, %get3A_2677] {strides = array<i32>} : memref<256x128xf32, #tpu.memory_space<vmem>>, vector<1x16xf32>,
      %get3A_2679 = vector.shape_cast %get3A_2678 : vector<1x16xf32> to vector<16xf32>
      %add3A_2680 = arith.constant 32 : i32
      %add3A_2681 = arith.addi %mul3A_1347, %add3A_2680 : i32
      %add3A_2682 = arith.constant 16 : i32
      %add3A_2683 = arith.addi %add3A_2681, %add3A_2682 : i32
      %get3A_2684 = arith.index_cast %add3A_2627 : i32 to index
      %get3A_2685 = arith.index_cast %add3A_2683 : i32 to index
      %get3A_2686 = tpu.vector_load %arg9[%get3A_2684, %get3A_2685] {strides = array<i32>} : memref<256x128xf32, #tpu.memory_space<vmem>>, vector<1x16xf32>,
      %get3A_2687 = vector.shape_cast %get3A_2686 : vector<1x16xf32> to vector<16xf32>
      %sub3A_2688 = arith.subf %get3A_2679, %bitcast_convert_type3A_2669 : vector<16xf32>
      %sub3A_2689 = arith.subf %get3A_2687, %bitcast_convert_type3A_2673 : vector<16xf32>
      %mul3A_2690 = arith.mulf %sub3A_2688, %sub3A_2688 : vector<16xf32>
      %add3A_2691 = arith.addf %add3A_2660, %mul3A_2690 : vector<16xf32>
      %mul3A_2692 = arith.mulf %sub3A_2689, %sub3A_2689 : vector<16xf32>
      %add3A_2693 = arith.addf %add3A_2691, %mul3A_2692 : vector<16xf32>
      %mul3A_2694 = arith.constant 16 : i32
      %mul3A_2695 = arith.muli %mul3A_2694, %scan3A_1325 : i32
      %add3A_2696 = arith.constant 15 : i32
      %add3A_2697 = arith.addi %mul3A_2695, %add3A_2696 : i32
      %jit3A_2698 = arith.constant 16 : i32
      %eq3A_2699 = arith.constant 0 : i32
      %eq3A_2700 = arith.cmpi eq, %jit3A_2698, %eq3A_2699 : i32
      %jit3A_2701 = arith.constant 1 : i32
      %select_n3A_2702 = arith.select %eq3A_2700, %jit3A_2701, %jit3A_2698 : i32
      %rem3A_2703 = arith.remsi %scan3A_1325, %select_n3A_2702 : i32
      %ne3A_2704 = arith.constant 0 : i32
      %ne3A_2705 = arith.cmpi ne, %rem3A_2703, %ne3A_2704 : i32
      %lt3A_2706 = arith.constant 0 : i32
      %lt3A_2707 = arith.cmpi slt, %rem3A_2703, %lt3A_2706 : i32
      %lt3A_2708 = arith.constant 0 : i32
      %lt3A_2709 = arith.cmpi slt, %select_n3A_2702, %lt3A_2708 : i32
      %ne3A_2710 = arith.xori %lt3A_2707, %lt3A_2709 : i1
      %and3A_2711 = arith.andi %ne3A_2710, %ne3A_2705 : i1
      %add3A_2712 = arith.addi %rem3A_2703, %select_n3A_2702 : i32
      %select_n3A_2713 = arith.select %and3A_2711, %add3A_2712, %rem3A_2703 : i32
      %mul3A_2714 = arith.constant 16 : i32
      %mul3A_2715 = arith.muli %mul3A_2714, %select_n3A_2713 : i32
      %add3A_2716 = arith.constant 15 : i32
      %add3A_2717 = arith.addi %mul3A_2715, %add3A_2716 : i32
      %get3A_2718 = arith.index_cast %add3A_2697 : i32 to index
      %get3A_2719 = arith.constant 0 : index
      %get3A_2720 = tpu.vector_load %arg8[%get3A_2718, %get3A_2719] {strides = array<i32>} : memref<512x32xi32, #tpu.memory_space<vmem>>, vector<1x16xi32>,
      %get3A_2721 = vector.shape_cast %get3A_2720 : vector<1x16xi32> to vector<16xi32>
      %bitcast_convert_type3A_2722 = tpu.bitcast %get3A_2721 : vector<16xi32> -> vector<16xi32>
      %shift_left3A_2723 = arith.constant 16 : i32
      %shift_left3A_2724 = vector.broadcast %shift_left3A_2723 : i32 to vector<16xi32>
      %shift_left3A_2725 = arith.shli %bitcast_convert_type3A_2722, %shift_left3A_2724 : vector<16xi32>
      %bitcast_convert_type3A_2726 = tpu.bitcast %shift_left3A_2725 : vector<16xi32> -> vector<16xf32>
      %and3A_2727 = arith.constant -65536 : i32
      %and3A_2728 = vector.broadcast %and3A_2727 : i32 to vector<16xi32>
      %and3A_2729 = arith.andi %bitcast_convert_type3A_2722, %and3A_2728 : vector<16xi32>
      %bitcast_convert_type3A_2730 = tpu.bitcast %and3A_2729 : vector<16xi32> -> vector<16xf32>
      %add3A_2731 = arith.constant 0 : i32
      %add3A_2732 = arith.addi %mul3A_1347, %add3A_2731 : i32
      %get3A_2733 = arith.index_cast %add3A_2717 : i32 to index
      %get3A_2734 = arith.index_cast %add3A_2732 : i32 to index
      %get3A_2735 = tpu.vector_load %arg9[%get3A_2733, %get3A_2734] {strides = array<i32>} : memref<256x128xf32, #tpu.memory_space<vmem>>, vector<1x16xf32>,
      %get3A_2736 = vector.shape_cast %get3A_2735 : vector<1x16xf32> to vector<16xf32>
      %add3A_2737 = arith.constant 32 : i32
      %add3A_2738 = arith.addi %mul3A_1347, %add3A_2737 : i32
      %add3A_2739 = arith.constant 0 : i32
      %add3A_2740 = arith.addi %add3A_2738, %add3A_2739 : i32
      %get3A_2741 = arith.index_cast %add3A_2717 : i32 to index
      %get3A_2742 = arith.index_cast %add3A_2740 : i32 to index
      %get3A_2743 = tpu.vector_load %arg9[%get3A_2741, %get3A_2742] {strides = array<i32>} : memref<256x128xf32, #tpu.memory_space<vmem>>, vector<1x16xf32>,
      %get3A_2744 = vector.shape_cast %get3A_2743 : vector<1x16xf32> to vector<16xf32>
      %sub3A_2745 = arith.subf %get3A_2736, %bitcast_convert_type3A_2726 : vector<16xf32>
      %sub3A_2746 = arith.subf %get3A_2744, %bitcast_convert_type3A_2730 : vector<16xf32>
      %mul3A_2747 = arith.mulf %sub3A_2745, %sub3A_2745 : vector<16xf32>
      %add3A_2748 = arith.addf %add3A_2693, %mul3A_2747 : vector<16xf32>
      %mul3A_2749 = arith.mulf %sub3A_2746, %sub3A_2746 : vector<16xf32>
      %add3A_2750 = arith.addf %add3A_2748, %mul3A_2749 : vector<16xf32>
      %get3A_2751 = arith.index_cast %add3A_2697 : i32 to index
      %get3A_2752 = arith.constant 16 : index
      %get3A_2753 = tpu.vector_load %arg8[%get3A_2751, %get3A_2752] {strides = array<i32>} : memref<512x32xi32, #tpu.memory_space<vmem>>, vector<1x16xi32>,
      %get3A_2754 = vector.shape_cast %get3A_2753 : vector<1x16xi32> to vector<16xi32>
      %bitcast_convert_type3A_2755 = tpu.bitcast %get3A_2754 : vector<16xi32> -> vector<16xi32>
      %shift_left3A_2756 = arith.constant 16 : i32
      %shift_left3A_2757 = vector.broadcast %shift_left3A_2756 : i32 to vector<16xi32>
      %shift_left3A_2758 = arith.shli %bitcast_convert_type3A_2755, %shift_left3A_2757 : vector<16xi32>
      %bitcast_convert_type3A_2759 = tpu.bitcast %shift_left3A_2758 : vector<16xi32> -> vector<16xf32>
      %and3A_2760 = arith.constant -65536 : i32
      %and3A_2761 = vector.broadcast %and3A_2760 : i32 to vector<16xi32>
      %and3A_2762 = arith.andi %bitcast_convert_type3A_2755, %and3A_2761 : vector<16xi32>
      %bitcast_convert_type3A_2763 = tpu.bitcast %and3A_2762 : vector<16xi32> -> vector<16xf32>
      %add3A_2764 = arith.constant 16 : i32
      %add3A_2765 = arith.addi %mul3A_1347, %add3A_2764 : i32
      %get3A_2766 = arith.index_cast %add3A_2717 : i32 to index
      %get3A_2767 = arith.index_cast %add3A_2765 : i32 to index
      %get3A_2768 = tpu.vector_load %arg9[%get3A_2766, %get3A_2767] {strides = array<i32>} : memref<256x128xf32, #tpu.memory_space<vmem>>, vector<1x16xf32>,
      %get3A_2769 = vector.shape_cast %get3A_2768 : vector<1x16xf32> to vector<16xf32>
      %add3A_2770 = arith.constant 32 : i32
      %add3A_2771 = arith.addi %mul3A_1347, %add3A_2770 : i32
      %add3A_2772 = arith.constant 16 : i32
      %add3A_2773 = arith.addi %add3A_2771, %add3A_2772 : i32
      %get3A_2774 = arith.index_cast %add3A_2717 : i32 to index
      %get3A_2775 = arith.index_cast %add3A_2773 : i32 to index
      %get3A_2776 = tpu.vector_load %arg9[%get3A_2774, %get3A_2775] {strides = array<i32>} : memref<256x128xf32, #tpu.memory_space<vmem>>, vector<1x16xf32>,
      %get3A_2777 = vector.shape_cast %get3A_2776 : vector<1x16xf32> to vector<16xf32>
      %sub3A_2778 = arith.subf %get3A_2769, %bitcast_convert_type3A_2759 : vector<16xf32>
      %sub3A_2779 = arith.subf %get3A_2777, %bitcast_convert_type3A_2763 : vector<16xf32>
      %mul3A_2780 = arith.mulf %sub3A_2778, %sub3A_2778 : vector<16xf32>
      %add3A_2781 = arith.addf %add3A_2750, %mul3A_2780 : vector<16xf32>
      %mul3A_2782 = arith.mulf %sub3A_2779, %sub3A_2779 : vector<16xf32>
      %add3A_2783 = arith.addf %add3A_2781, %mul3A_2782 : vector<16xf32>
      scf.yield %add3A_2783 : vector<16xf32>
    }
    %scan3A_1320 = arith.constant 32 : i32
    %swap3A_1321 = arith.constant 0 : index
    %swap3A_1322 = tpu.vector_load %arg10[%swap3A_1321] {strides = array<i32>} : memref<16xf32, #tpu.memory_space<vmem>>, vector<16xf32>,
    %swap3A_1323 = vector.shape_cast %swap3A_1322 : vector<16xf32> to vector<16xf32>
    %swap3A_1324 = vector.shape_cast %scan3A_1319 : vector<16xf32> to vector<16xf32>
    tpu.vector_store %arg10[%swap3A_1321], %swap3A_1324 {strides = array<i32>} : memref<16xf32, #tpu.memory_space<vmem>>, vector<16xf32>,
    "tpu.region"() ({
      %run_scoped3A = tpu.sem_alloc : memref<!tpu.dma_semaphore, #tpu.memory_space<semaphore_mem>>
      %dma_start3A_1325 = arith.constant 0 : i32
      %dma_start3A_1326 = tpu.memref_slice %arg5[%add3A, %dma_start3A_1325] : memref<32x16xf32, #tpu.memory_space<hbm>> -> memref<1x16xf32, #tpu.memory_space<hbm>>
      %dma_start3A_1327 = tpu.memref_squeeze %dma_start3A_1326 : memref<1x16xf32, #tpu.memory_space<hbm>> -> memref<16xf32, #tpu.memory_space<hbm>>
      %dma_start3A_1328 = arith.constant 0 : i32
      %dma_start3A_1329 = tpu.memref_slice %arg5[%add3A, %dma_start3A_1328] : memref<32x16xf32, #tpu.memory_space<hbm>> -> memref<1x16xf32, #tpu.memory_space<hbm>>
      %dma_start3A_1330 = tpu.memref_squeeze %dma_start3A_1329 : memref<1x16xf32, #tpu.memory_space<hbm>> -> memref<16xf32, #tpu.memory_space<hbm>>
      tpu.enqueue_dma source(%arg10 : memref<16xf32, #tpu.memory_space<vmem>>) target(%dma_start3A_1330 : memref<16xf32, #tpu.memory_space<hbm>>) target_semaphore(%run_scoped3A : memref<!tpu.dma_semaphore, #tpu.memory_space<semaphore_mem>>)
      %dma_wait3A_1331 = arith.constant 0 : i32
      %dma_wait3A_1332 = tpu.memref_slice %arg5[%add3A, %dma_wait3A_1331] : memref<32x16xf32, #tpu.memory_space<hbm>> -> memref<1x16xf32, #tpu.memory_space<hbm>>
      %dma_wait3A_1333 = tpu.memref_squeeze %dma_wait3A_1332 : memref<1x16xf32, #tpu.memory_space<hbm>> -> memref<16xf32, #tpu.memory_space<hbm>>
      %dma_wait3A_1334 = arith.constant 0 : i32
      %dma_wait3A_1335 = tpu.memref_slice %arg5[%add3A, %dma_wait3A_1334] : memref<32x16xf32, #tpu.memory_space<hbm>> -> memref<1x16xf32, #tpu.memory_space<hbm>>
      %dma_wait3A_1336 = tpu.memref_squeeze %dma_wait3A_1335 : memref<1x16xf32, #tpu.memory_space<hbm>> -> memref<16xf32, #tpu.memory_space<hbm>>
      tpu.wait_dma2 semaphore(%run_scoped3A : memref<!tpu.dma_semaphore, #tpu.memory_space<semaphore_mem>>) src(%arg10 : memref<16xf32, #tpu.memory_space<vmem>>) dst(%dma_wait3A_1336 : memref<16xf32, #tpu.memory_space<hbm>>)
      tpu.yield
    }) : () -> ()
    return
  }
}

module attributes {stable_mosaic.version = 14 : i64} {
  func.func @_fpack_body(%arg0: i32, %arg1: memref<64x8192xf32, #tpu.memory_space<vmem>>, %arg2: memref<4096x128xf32, #tpu.memory_space<vmem>>) attributes {dimension_semantics = [#tpu.dimension_semantics<arbitrary>], iteration_bounds = array<i64: 2>, scalar_prefetch = 0 : i64, scratch_operands = 0 : i64, tpu.core_type = #tpu.core_type<tc>, window_params = [{transform_indices = @transform_0, window_bounds = array<i64: 64, 8192>}, {transform_indices = @transform_1, window_bounds = array<i64: 4096, 128>}]} {
    %get3A = arith.constant 0 : index
    %get3A_0 = arith.constant 0 : index
    %get3A_1 = vector.load %arg1[%get3A, %get3A_0] : memref<64x8192xf32, #tpu.memory_space<vmem>>, vector<64x8192xf32>
    %mul3A = arith.mulf %get3A_1, %get3A_1 : vector<64x8192xf32>
    %reduce_sum3A = arith.constant dense<0.000000e+00> : vector<8192xf32>
    %reduce_sum3A_2 = vector.multi_reduction <add>, %mul3A, %reduce_sum3A [0] : vector<64x8192xf32> to vector<8192xf32>
    %broadcast_in_dim3A = vector.shape_cast %reduce_sum3A_2 : vector<8192xf32> to vector<1x8192xf32>
    %max3A = arith.constant 1.000000e-24 : f32
    %max3A_3 = vector.broadcast %max3A : f32 to vector<1x8192xf32>
    %max3A_4 = arith.maximumf %broadcast_in_dim3A, %max3A_3 : vector<1x8192xf32>
    %rsqrt3A = math.rsqrt %max3A_4 : vector<1x8192xf32>
    %mul3A_5 = vector.broadcast %rsqrt3A : vector<1x8192xf32> to vector<64x8192xf32>
    %mul3A_6 = arith.mulf %get3A_1, %mul3A_5 : vector<64x8192xf32>
    %slice3A = vector.extract_strided_slice %mul3A_6 {offsets = [0, 0], sizes = [64, 512], strides = [1, 1]} : vector<64x8192xf32> to vector<64x512xf32>
    %slice3A_7 = vector.extract_strided_slice %slice3A {offsets = [0, 0], sizes = [64, 256], strides = [1, 1]} : vector<64x512xf32> to vector<64x256xf32>
    %slice3A_8 = vector.extract_strided_slice %slice3A {offsets = [0, 256], sizes = [64, 256], strides = [1, 1]} : vector<64x512xf32> to vector<64x256xf32>
    %concatenate3A = tpu.concatenate %slice3A_7, %slice3A_8 in 0 : vector<64x256xf32>, vector<64x256xf32> -> vector<128x256xf32>
    %transpose3A = tpu.transpose %concatenate3A, [1, 0] : vector<128x256xf32> -> vector<256x128xf32>
    %slice3A_9 = vector.extract_strided_slice %mul3A_6 {offsets = [0, 512], sizes = [64, 512], strides = [1, 1]} : vector<64x8192xf32> to vector<64x512xf32>
    %slice3A_10 = vector.extract_strided_slice %slice3A_9 {offsets = [0, 0], sizes = [64, 256], strides = [1, 1]} : vector<64x512xf32> to vector<64x256xf32>
    %slice3A_11 = vector.extract_strided_slice %slice3A_9 {offsets = [0, 256], sizes = [64, 256], strides = [1, 1]} : vector<64x512xf32> to vector<64x256xf32>
    %concatenate3A_12 = tpu.concatenate %slice3A_10, %slice3A_11 in 0 : vector<64x256xf32>, vector<64x256xf32> -> vector<128x256xf32>
    %transpose3A_13 = tpu.transpose %concatenate3A_12, [1, 0] : vector<128x256xf32> -> vector<256x128xf32>
    %slice3A_14 = vector.extract_strided_slice %mul3A_6 {offsets = [0, 1024], sizes = [64, 512], strides = [1, 1]} : vector<64x8192xf32> to vector<64x512xf32>
    %slice3A_15 = vector.extract_strided_slice %slice3A_14 {offsets = [0, 0], sizes = [64, 256], strides = [1, 1]} : vector<64x512xf32> to vector<64x256xf32>
    %slice3A_16 = vector.extract_strided_slice %slice3A_14 {offsets = [0, 256], sizes = [64, 256], strides = [1, 1]} : vector<64x512xf32> to vector<64x256xf32>
    %concatenate3A_17 = tpu.concatenate %slice3A_15, %slice3A_16 in 0 : vector<64x256xf32>, vector<64x256xf32> -> vector<128x256xf32>
    %transpose3A_18 = tpu.transpose %concatenate3A_17, [1, 0] : vector<128x256xf32> -> vector<256x128xf32>
    %slice3A_19 = vector.extract_strided_slice %mul3A_6 {offsets = [0, 1536], sizes = [64, 512], strides = [1, 1]} : vector<64x8192xf32> to vector<64x512xf32>
    %slice3A_20 = vector.extract_strided_slice %slice3A_19 {offsets = [0, 0], sizes = [64, 256], strides = [1, 1]} : vector<64x512xf32> to vector<64x256xf32>
    %slice3A_21 = vector.extract_strided_slice %slice3A_19 {offsets = [0, 256], sizes = [64, 256], strides = [1, 1]} : vector<64x512xf32> to vector<64x256xf32>
    %concatenate3A_22 = tpu.concatenate %slice3A_20, %slice3A_21 in 0 : vector<64x256xf32>, vector<64x256xf32> -> vector<128x256xf32>
    %transpose3A_23 = tpu.transpose %concatenate3A_22, [1, 0] : vector<128x256xf32> -> vector<256x128xf32>
    %slice3A_24 = vector.extract_strided_slice %mul3A_6 {offsets = [0, 2048], sizes = [64, 512], strides = [1, 1]} : vector<64x8192xf32> to vector<64x512xf32>
    %slice3A_25 = vector.extract_strided_slice %slice3A_24 {offsets = [0, 0], sizes = [64, 256], strides = [1, 1]} : vector<64x512xf32> to vector<64x256xf32>
    %slice3A_26 = vector.extract_strided_slice %slice3A_24 {offsets = [0, 256], sizes = [64, 256], strides = [1, 1]} : vector<64x512xf32> to vector<64x256xf32>
    %concatenate3A_27 = tpu.concatenate %slice3A_25, %slice3A_26 in 0 : vector<64x256xf32>, vector<64x256xf32> -> vector<128x256xf32>
    %transpose3A_28 = tpu.transpose %concatenate3A_27, [1, 0] : vector<128x256xf32> -> vector<256x128xf32>
    %slice3A_29 = vector.extract_strided_slice %mul3A_6 {offsets = [0, 2560], sizes = [64, 512], strides = [1, 1]} : vector<64x8192xf32> to vector<64x512xf32>
    %slice3A_30 = vector.extract_strided_slice %slice3A_29 {offsets = [0, 0], sizes = [64, 256], strides = [1, 1]} : vector<64x512xf32> to vector<64x256xf32>
    %slice3A_31 = vector.extract_strided_slice %slice3A_29 {offsets = [0, 256], sizes = [64, 256], strides = [1, 1]} : vector<64x512xf32> to vector<64x256xf32>
    %concatenate3A_32 = tpu.concatenate %slice3A_30, %slice3A_31 in 0 : vector<64x256xf32>, vector<64x256xf32> -> vector<128x256xf32>
    %transpose3A_33 = tpu.transpose %concatenate3A_32, [1, 0] : vector<128x256xf32> -> vector<256x128xf32>
    %slice3A_34 = vector.extract_strided_slice %mul3A_6 {offsets = [0, 3072], sizes = [64, 512], strides = [1, 1]} : vector<64x8192xf32> to vector<64x512xf32>
    %slice3A_35 = vector.extract_strided_slice %slice3A_34 {offsets = [0, 0], sizes = [64, 256], strides = [1, 1]} : vector<64x512xf32> to vector<64x256xf32>
    %slice3A_36 = vector.extract_strided_slice %slice3A_34 {offsets = [0, 256], sizes = [64, 256], strides = [1, 1]} : vector<64x512xf32> to vector<64x256xf32>
    %concatenate3A_37 = tpu.concatenate %slice3A_35, %slice3A_36 in 0 : vector<64x256xf32>, vector<64x256xf32> -> vector<128x256xf32>
    %transpose3A_38 = tpu.transpose %concatenate3A_37, [1, 0] : vector<128x256xf32> -> vector<256x128xf32>
    %slice3A_39 = vector.extract_strided_slice %mul3A_6 {offsets = [0, 3584], sizes = [64, 512], strides = [1, 1]} : vector<64x8192xf32> to vector<64x512xf32>
    %slice3A_40 = vector.extract_strided_slice %slice3A_39 {offsets = [0, 0], sizes = [64, 256], strides = [1, 1]} : vector<64x512xf32> to vector<64x256xf32>
    %slice3A_41 = vector.extract_strided_slice %slice3A_39 {offsets = [0, 256], sizes = [64, 256], strides = [1, 1]} : vector<64x512xf32> to vector<64x256xf32>
    %concatenate3A_42 = tpu.concatenate %slice3A_40, %slice3A_41 in 0 : vector<64x256xf32>, vector<64x256xf32> -> vector<128x256xf32>
    %transpose3A_43 = tpu.transpose %concatenate3A_42, [1, 0] : vector<128x256xf32> -> vector<256x128xf32>
    %slice3A_44 = vector.extract_strided_slice %mul3A_6 {offsets = [0, 4096], sizes = [64, 512], strides = [1, 1]} : vector<64x8192xf32> to vector<64x512xf32>
    %slice3A_45 = vector.extract_strided_slice %slice3A_44 {offsets = [0, 0], sizes = [64, 256], strides = [1, 1]} : vector<64x512xf32> to vector<64x256xf32>
    %slice3A_46 = vector.extract_strided_slice %slice3A_44 {offsets = [0, 256], sizes = [64, 256], strides = [1, 1]} : vector<64x512xf32> to vector<64x256xf32>
    %concatenate3A_47 = tpu.concatenate %slice3A_45, %slice3A_46 in 0 : vector<64x256xf32>, vector<64x256xf32> -> vector<128x256xf32>
    %transpose3A_48 = tpu.transpose %concatenate3A_47, [1, 0] : vector<128x256xf32> -> vector<256x128xf32>
    %slice3A_49 = vector.extract_strided_slice %mul3A_6 {offsets = [0, 4608], sizes = [64, 512], strides = [1, 1]} : vector<64x8192xf32> to vector<64x512xf32>
    %slice3A_50 = vector.extract_strided_slice %slice3A_49 {offsets = [0, 0], sizes = [64, 256], strides = [1, 1]} : vector<64x512xf32> to vector<64x256xf32>
    %slice3A_51 = vector.extract_strided_slice %slice3A_49 {offsets = [0, 256], sizes = [64, 256], strides = [1, 1]} : vector<64x512xf32> to vector<64x256xf32>
    %concatenate3A_52 = tpu.concatenate %slice3A_50, %slice3A_51 in 0 : vector<64x256xf32>, vector<64x256xf32> -> vector<128x256xf32>
    %transpose3A_53 = tpu.transpose %concatenate3A_52, [1, 0] : vector<128x256xf32> -> vector<256x128xf32>
    %slice3A_54 = vector.extract_strided_slice %mul3A_6 {offsets = [0, 5120], sizes = [64, 512], strides = [1, 1]} : vector<64x8192xf32> to vector<64x512xf32>
    %slice3A_55 = vector.extract_strided_slice %slice3A_54 {offsets = [0, 0], sizes = [64, 256], strides = [1, 1]} : vector<64x512xf32> to vector<64x256xf32>
    %slice3A_56 = vector.extract_strided_slice %slice3A_54 {offsets = [0, 256], sizes = [64, 256], strides = [1, 1]} : vector<64x512xf32> to vector<64x256xf32>
    %concatenate3A_57 = tpu.concatenate %slice3A_55, %slice3A_56 in 0 : vector<64x256xf32>, vector<64x256xf32> -> vector<128x256xf32>
    %transpose3A_58 = tpu.transpose %concatenate3A_57, [1, 0] : vector<128x256xf32> -> vector<256x128xf32>
    %slice3A_59 = vector.extract_strided_slice %mul3A_6 {offsets = [0, 5632], sizes = [64, 512], strides = [1, 1]} : vector<64x8192xf32> to vector<64x512xf32>
    %slice3A_60 = vector.extract_strided_slice %slice3A_59 {offsets = [0, 0], sizes = [64, 256], strides = [1, 1]} : vector<64x512xf32> to vector<64x256xf32>
    %slice3A_61 = vector.extract_strided_slice %slice3A_59 {offsets = [0, 256], sizes = [64, 256], strides = [1, 1]} : vector<64x512xf32> to vector<64x256xf32>
    %concatenate3A_62 = tpu.concatenate %slice3A_60, %slice3A_61 in 0 : vector<64x256xf32>, vector<64x256xf32> -> vector<128x256xf32>
    %transpose3A_63 = tpu.transpose %concatenate3A_62, [1, 0] : vector<128x256xf32> -> vector<256x128xf32>
    %slice3A_64 = vector.extract_strided_slice %mul3A_6 {offsets = [0, 6144], sizes = [64, 512], strides = [1, 1]} : vector<64x8192xf32> to vector<64x512xf32>
    %slice3A_65 = vector.extract_strided_slice %slice3A_64 {offsets = [0, 0], sizes = [64, 256], strides = [1, 1]} : vector<64x512xf32> to vector<64x256xf32>
    %slice3A_66 = vector.extract_strided_slice %slice3A_64 {offsets = [0, 256], sizes = [64, 256], strides = [1, 1]} : vector<64x512xf32> to vector<64x256xf32>
    %concatenate3A_67 = tpu.concatenate %slice3A_65, %slice3A_66 in 0 : vector<64x256xf32>, vector<64x256xf32> -> vector<128x256xf32>
    %transpose3A_68 = tpu.transpose %concatenate3A_67, [1, 0] : vector<128x256xf32> -> vector<256x128xf32>
    %slice3A_69 = vector.extract_strided_slice %mul3A_6 {offsets = [0, 6656], sizes = [64, 512], strides = [1, 1]} : vector<64x8192xf32> to vector<64x512xf32>
    %slice3A_70 = vector.extract_strided_slice %slice3A_69 {offsets = [0, 0], sizes = [64, 256], strides = [1, 1]} : vector<64x512xf32> to vector<64x256xf32>
    %slice3A_71 = vector.extract_strided_slice %slice3A_69 {offsets = [0, 256], sizes = [64, 256], strides = [1, 1]} : vector<64x512xf32> to vector<64x256xf32>
    %concatenate3A_72 = tpu.concatenate %slice3A_70, %slice3A_71 in 0 : vector<64x256xf32>, vector<64x256xf32> -> vector<128x256xf32>
    %transpose3A_73 = tpu.transpose %concatenate3A_72, [1, 0] : vector<128x256xf32> -> vector<256x128xf32>
    %slice3A_74 = vector.extract_strided_slice %mul3A_6 {offsets = [0, 7168], sizes = [64, 512], strides = [1, 1]} : vector<64x8192xf32> to vector<64x512xf32>
    %slice3A_75 = vector.extract_strided_slice %slice3A_74 {offsets = [0, 0], sizes = [64, 256], strides = [1, 1]} : vector<64x512xf32> to vector<64x256xf32>
    %slice3A_76 = vector.extract_strided_slice %slice3A_74 {offsets = [0, 256], sizes = [64, 256], strides = [1, 1]} : vector<64x512xf32> to vector<64x256xf32>
    %concatenate3A_77 = tpu.concatenate %slice3A_75, %slice3A_76 in 0 : vector<64x256xf32>, vector<64x256xf32> -> vector<128x256xf32>
    %transpose3A_78 = tpu.transpose %concatenate3A_77, [1, 0] : vector<128x256xf32> -> vector<256x128xf32>
    %slice3A_79 = vector.extract_strided_slice %mul3A_6 {offsets = [0, 7680], sizes = [64, 512], strides = [1, 1]} : vector<64x8192xf32> to vector<64x512xf32>
    %slice3A_80 = vector.extract_strided_slice %slice3A_79 {offsets = [0, 0], sizes = [64, 256], strides = [1, 1]} : vector<64x512xf32> to vector<64x256xf32>
    %slice3A_81 = vector.extract_strided_slice %slice3A_79 {offsets = [0, 256], sizes = [64, 256], strides = [1, 1]} : vector<64x512xf32> to vector<64x256xf32>
    %concatenate3A_82 = tpu.concatenate %slice3A_80, %slice3A_81 in 0 : vector<64x256xf32>, vector<64x256xf32> -> vector<128x256xf32>
    %transpose3A_83 = tpu.transpose %concatenate3A_82, [1, 0] : vector<128x256xf32> -> vector<256x128xf32>
    %concatenate3A_84 = tpu.concatenate %transpose3A, %transpose3A_13, %transpose3A_18, %transpose3A_23, %transpose3A_28, %transpose3A_33, %transpose3A_38, %transpose3A_43, %transpose3A_48, %transpose3A_53, %transpose3A_58, %transpose3A_63, %transpose3A_68, %transpose3A_73, %transpose3A_78, %transpose3A_83 in 0 : vector<256x128xf32>, vector<256x128xf32>, vector<256x128xf32>, vector<256x128xf32>, vector<256x128xf32>, vector<256x128xf32>, vector<256x128xf32>, vector<256x128xf32>, vector<256x128xf32>, vector<256x128xf32>, vector<256x128xf32>, vector<256x128xf32>, vector<256x128xf32>, vector<256x128xf32>, vector<256x128xf32>, vector<256x128xf32> -> vector<4096x128xf32>
    %swap3A = arith.constant 0 : index
    %swap3A_85 = arith.constant 0 : index
    %swap3A_86 = vector.load %arg2[%swap3A, %swap3A_85] : memref<4096x128xf32, #tpu.memory_space<vmem>>, vector<4096x128xf32>
    tpu.vector_store %arg2[%swap3A, %swap3A_85], %concatenate3A_84 {strides = array<i32>} : memref<4096x128xf32, #tpu.memory_space<vmem>>, vector<4096x128xf32>,
    return
  }
  func.func @transform_0(%arg0: i32) -> (i32, i32) {
    %c0_i32 = arith.constant 0 : i32
    %c0_i32_0 = arith.constant 0 : i32
    return %c0_i32, %arg0 : i32, i32
  }
  func.func @transform_1(%arg0: i32) -> (i32, i32) {
    %c0_i32 = arith.constant 0 : i32
    %c0_i32_0 = arith.constant 0 : i32
    return %arg0, %c0_i32 : i32, i32
  }
}

module attributes {stable_mosaic.version = 14 : i64} {
  func.func @_quad_body(%arg0: i32, %arg1: memref<64x2048xf32, #tpu.memory_space<vmem>>, %arg2: memref<64x2048xf32, #tpu.memory_space<vmem>>, %arg3: memref<64x2048xf32, #tpu.memory_space<vmem>>, %arg4: memref<64x2048xf32, #tpu.memory_space<vmem>>, %arg5: memref<2048x128xi32, #tpu.memory_space<vmem>>) attributes {dimension_semantics = [#tpu.dimension_semantics<arbitrary>], iteration_bounds = array<i64: 13>, scalar_prefetch = 0 : i64, scratch_operands = 0 : i64, tpu.core_type = #tpu.core_type<tc>, window_params = [{transform_indices = @transform_0, window_bounds = array<i64: 64, 2048>}, {transform_indices = @transform_1, window_bounds = array<i64: 64, 2048>}, {transform_indices = @transform_2, window_bounds = array<i64: 64, 2048>}, {transform_indices = @transform_3, window_bounds = array<i64: 64, 2048>}, {transform_indices = @transform_4, window_bounds = array<i64: 2048, 128>}]} {
    %get3A = arith.constant 0 : index
    %get3A_0 = arith.constant 0 : index
    %get3A_1 = vector.load %arg1[%get3A, %get3A_0] : memref<64x2048xf32, #tpu.memory_space<vmem>>, vector<64x2048xf32>
    %slice3A = vector.extract_strided_slice %get3A_1 {offsets = [0, 0], sizes = [32, 2048], strides = [1, 1]} : vector<64x2048xf32> to vector<32x2048xf32>
    %slice3A_2 = vector.extract_strided_slice %get3A_1 {offsets = [32, 0], sizes = [32, 2048], strides = [1, 1]} : vector<64x2048xf32> to vector<32x2048xf32>
    %convert_element_type3A = arith.truncf %slice3A : vector<32x2048xf32> to vector<32x2048xbf16>
    %bitcast_convert_type3A = tpu.bitcast %convert_element_type3A : vector<32x2048xbf16> -> vector<32x2048xi16>
    %convert_element_type3A_3 = arith.truncf %slice3A_2 : vector<32x2048xf32> to vector<32x2048xbf16>
    %bitcast_convert_type3A_4 = tpu.bitcast %convert_element_type3A_3 : vector<32x2048xbf16> -> vector<32x2048xi16>
    %convert_element_type3A_5 = arith.extui %bitcast_convert_type3A_4 : vector<32x2048xi16> to vector<32x2048xi32>
    %shift_left3A = arith.constant 16 : i32
    %shift_left3A_6 = vector.broadcast %shift_left3A : i32 to vector<32x2048xi32>
    %shift_left3A_7 = arith.shli %convert_element_type3A_5, %shift_left3A_6 : vector<32x2048xi32>
    %convert_element_type3A_8 = arith.extui %bitcast_convert_type3A : vector<32x2048xi16> to vector<32x2048xi32>
    %or3A = arith.ori %shift_left3A_7, %convert_element_type3A_8 : vector<32x2048xi32>
    %bitcast_convert_type3A_9 = tpu.bitcast %or3A : vector<32x2048xi32> -> vector<32x2048xi32>
    %get3A_10 = arith.constant 0 : index
    %get3A_11 = arith.constant 0 : index
    %get3A_12 = vector.load %arg2[%get3A_10, %get3A_11] : memref<64x2048xf32, #tpu.memory_space<vmem>>, vector<64x2048xf32>
    %slice3A_13 = vector.extract_strided_slice %get3A_12 {offsets = [0, 0], sizes = [32, 2048], strides = [1, 1]} : vector<64x2048xf32> to vector<32x2048xf32>
    %slice3A_14 = vector.extract_strided_slice %get3A_12 {offsets = [32, 0], sizes = [32, 2048], strides = [1, 1]} : vector<64x2048xf32> to vector<32x2048xf32>
    %convert_element_type3A_15 = arith.truncf %slice3A_13 : vector<32x2048xf32> to vector<32x2048xbf16>
    %bitcast_convert_type3A_16 = tpu.bitcast %convert_element_type3A_15 : vector<32x2048xbf16> -> vector<32x2048xi16>
    %convert_element_type3A_17 = arith.truncf %slice3A_14 : vector<32x2048xf32> to vector<32x2048xbf16>
    %bitcast_convert_type3A_18 = tpu.bitcast %convert_element_type3A_17 : vector<32x2048xbf16> -> vector<32x2048xi16>
    %convert_element_type3A_19 = arith.extui %bitcast_convert_type3A_18 : vector<32x2048xi16> to vector<32x2048xi32>
    %shift_left3A_20 = arith.constant 16 : i32
    %shift_left3A_21 = vector.broadcast %shift_left3A_20 : i32 to vector<32x2048xi32>
    %shift_left3A_22 = arith.shli %convert_element_type3A_19, %shift_left3A_21 : vector<32x2048xi32>
    %convert_element_type3A_23 = arith.extui %bitcast_convert_type3A_16 : vector<32x2048xi16> to vector<32x2048xi32>
    %or3A_24 = arith.ori %shift_left3A_22, %convert_element_type3A_23 : vector<32x2048xi32>
    %bitcast_convert_type3A_25 = tpu.bitcast %or3A_24 : vector<32x2048xi32> -> vector<32x2048xi32>
    %get3A_26 = arith.constant 0 : index
    %get3A_27 = arith.constant 0 : index
    %get3A_28 = vector.load %arg3[%get3A_26, %get3A_27] : memref<64x2048xf32, #tpu.memory_space<vmem>>, vector<64x2048xf32>
    %slice3A_29 = vector.extract_strided_slice %get3A_28 {offsets = [0, 0], sizes = [32, 2048], strides = [1, 1]} : vector<64x2048xf32> to vector<32x2048xf32>
    %slice3A_30 = vector.extract_strided_slice %get3A_28 {offsets = [32, 0], sizes = [32, 2048], strides = [1, 1]} : vector<64x2048xf32> to vector<32x2048xf32>
    %convert_element_type3A_31 = arith.truncf %slice3A_29 : vector<32x2048xf32> to vector<32x2048xbf16>
    %bitcast_convert_type3A_32 = tpu.bitcast %convert_element_type3A_31 : vector<32x2048xbf16> -> vector<32x2048xi16>
    %convert_element_type3A_33 = arith.truncf %slice3A_30 : vector<32x2048xf32> to vector<32x2048xbf16>
    %bitcast_convert_type3A_34 = tpu.bitcast %convert_element_type3A_33 : vector<32x2048xbf16> -> vector<32x2048xi16>
    %convert_element_type3A_35 = arith.extui %bitcast_convert_type3A_34 : vector<32x2048xi16> to vector<32x2048xi32>
    %shift_left3A_36 = arith.constant 16 : i32
    %shift_left3A_37 = vector.broadcast %shift_left3A_36 : i32 to vector<32x2048xi32>
    %shift_left3A_38 = arith.shli %convert_element_type3A_35, %shift_left3A_37 : vector<32x2048xi32>
    %convert_element_type3A_39 = arith.extui %bitcast_convert_type3A_32 : vector<32x2048xi16> to vector<32x2048xi32>
    %or3A_40 = arith.ori %shift_left3A_38, %convert_element_type3A_39 : vector<32x2048xi32>
    %bitcast_convert_type3A_41 = tpu.bitcast %or3A_40 : vector<32x2048xi32> -> vector<32x2048xi32>
    %get3A_42 = arith.constant 0 : index
    %get3A_43 = arith.constant 0 : index
    %get3A_44 = vector.load %arg4[%get3A_42, %get3A_43] : memref<64x2048xf32, #tpu.memory_space<vmem>>, vector<64x2048xf32>
    %slice3A_45 = vector.extract_strided_slice %get3A_44 {offsets = [0, 0], sizes = [32, 2048], strides = [1, 1]} : vector<64x2048xf32> to vector<32x2048xf32>
    %slice3A_46 = vector.extract_strided_slice %get3A_44 {offsets = [32, 0], sizes = [32, 2048], strides = [1, 1]} : vector<64x2048xf32> to vector<32x2048xf32>
    %convert_element_type3A_47 = arith.truncf %slice3A_45 : vector<32x2048xf32> to vector<32x2048xbf16>
    %bitcast_convert_type3A_48 = tpu.bitcast %convert_element_type3A_47 : vector<32x2048xbf16> -> vector<32x2048xi16>
    %convert_element_type3A_49 = arith.truncf %slice3A_46 : vector<32x2048xf32> to vector<32x2048xbf16>
    %bitcast_convert_type3A_50 = tpu.bitcast %convert_element_type3A_49 : vector<32x2048xbf16> -> vector<32x2048xi16>
    %convert_element_type3A_51 = arith.extui %bitcast_convert_type3A_50 : vector<32x2048xi16> to vector<32x2048xi32>
    %shift_left3A_52 = arith.constant 16 : i32
    %shift_left3A_53 = vector.broadcast %shift_left3A_52 : i32 to vector<32x2048xi32>
    %shift_left3A_54 = arith.shli %convert_element_type3A_51, %shift_left3A_53 : vector<32x2048xi32>
    %convert_element_type3A_55 = arith.extui %bitcast_convert_type3A_48 : vector<32x2048xi16> to vector<32x2048xi32>
    %or3A_56 = arith.ori %shift_left3A_54, %convert_element_type3A_55 : vector<32x2048xi32>
    %bitcast_convert_type3A_57 = tpu.bitcast %or3A_56 : vector<32x2048xi32> -> vector<32x2048xi32>
    %concatenate3A = tpu.concatenate %bitcast_convert_type3A_9, %bitcast_convert_type3A_25, %bitcast_convert_type3A_41, %bitcast_convert_type3A_57 in 0 : vector<32x2048xi32>, vector<32x2048xi32>, vector<32x2048xi32>, vector<32x2048xi32> -> vector<128x2048xi32>
    %transpose3A = tpu.transpose %concatenate3A, [1, 0] : vector<128x2048xi32> -> vector<2048x128xi32>
    %swap3A = arith.constant 0 : index
    %swap3A_58 = arith.constant 0 : index
    %swap3A_59 = vector.load %arg5[%swap3A, %swap3A_58] : memref<2048x128xi32, #tpu.memory_space<vmem>>, vector<2048x128xi32>
    tpu.vector_store %arg5[%swap3A, %swap3A_58], %transpose3A {strides = array<i32>} : memref<2048x128xi32, #tpu.memory_space<vmem>>, vector<2048x128xi32>,
    return
  }
  func.func @transform_0(%arg0: i32) -> (i32, i32) {
    %add3A = arith.constant 0 : i32
    %add3A_0 = arith.addi %arg0, %add3A : i32
    %min3A = arith.constant 48 : i32
    %min3A_1 = arith.minsi %add3A_0, %min3A : i32
    %c0_i32 = arith.constant 0 : i32
    %c0_i32_2 = arith.constant 0 : i32
    return %c0_i32, %min3A_1 : i32, i32
  }
  func.func @transform_1(%arg0: i32) -> (i32, i32) {
    %add3A = arith.constant 13 : i32
    %add3A_0 = arith.addi %arg0, %add3A : i32
    %min3A = arith.constant 48 : i32
    %min3A_1 = arith.minsi %add3A_0, %min3A : i32
    %c0_i32 = arith.constant 0 : i32
    %c0_i32_2 = arith.constant 0 : i32
    return %c0_i32, %min3A_1 : i32, i32
  }
  func.func @transform_2(%arg0: i32) -> (i32, i32) {
    %add3A = arith.constant 26 : i32
    %add3A_0 = arith.addi %arg0, %add3A : i32
    %min3A = arith.constant 48 : i32
    %min3A_1 = arith.minsi %add3A_0, %min3A : i32
    %c0_i32 = arith.constant 0 : i32
    %c0_i32_2 = arith.constant 0 : i32
    return %c0_i32, %min3A_1 : i32, i32
  }
  func.func @transform_3(%arg0: i32) -> (i32, i32) {
    %add3A = arith.constant 39 : i32
    %add3A_0 = arith.addi %arg0, %add3A : i32
    %min3A = arith.constant 48 : i32
    %min3A_1 = arith.minsi %add3A_0, %min3A : i32
    %c0_i32 = arith.constant 0 : i32
    %c0_i32_2 = arith.constant 0 : i32
    return %c0_i32, %min3A_1 : i32, i32
  }
  func.func @transform_4(%arg0: i32) -> (i32, i32) {
    %c0_i32 = arith.constant 0 : i32
    %c0_i32_0 = arith.constant 0 : i32
    return %arg0, %c0_i32 : i32, i32
  }
}

</mosaic_0001>

<sc_bundles>
// kernel: kernel.5.cloned.1.call-start
scs
__scs_entry_jumppad:
0x0: {  	(pc) =	sbr.rel $0x88, $3  }
0x1: {  	(tag) =	ssettag $0x0;
	lr =	simm.s32 $0x1  }
0x2: {  	[smem:$0x3F9E] =	sst lr;
	_ =	strace $0xD0000000  }
0x3: {  	_ = 	snop  }
0x4: {  	_ = 	snop  }
0x5: {  	_ = 	snop  }
0x6: {  	_ = 	snop  }
0x7: {  	_ = 	snop  }
__scs_overlays_trampoline_lowered:
0x8: {  	[smem:$0x3FAD] =	sst s0  }
0x9: {  	[smem:$0x3FAE] =	sst s1  }
0xa: {  	[smem:$0x3FAF] =	sst s2  }
0xb: {  	[smem:$0x3FB0] =	sst s3  }
0xc: {  	[smem:$0x3FB1] =	sst s4  }
0xd: {  	[smem:$0x3FB2] =	sst s5  }
0xe: {  	[smem:$0x3FB3] =	sst s6  }
0xf: {  	[smem:$0x3FB4] =	sst s7  }
0x10: {  	[smem:$0x3FB5] =	sst s8  }
0x11: {  	[smem:$0x3FB6] =	sst s9;
	s0 =	simm.s32 @!p0 $0x0  }
0x12: {  	s1 =	sld [smem:$0x3F9C];
	s0 =	simm.s32 @p0 $0x1  }
0x13: {  	[smem:$0x3FB7] =	sst s0;
	s0 =	simm.s32 @!p1 $0x0  }
0x14: {  	s2 =	sld [smem:$0x3F9B];
	s0 =	simm.s32 @p1 $0x1  }
0x15: {  	[smem:$0x3FB8] =	sst s0;
	s0 =	simm.s32 @!p2 $0x0  }
0x16: {  	s3 =	sld [smem:$0x3FDB];
	s0 =	simm.s32 @p2 $0x1  }
0x17: {  	s4 =	simm.s32 $0x1BF5;
	[smem:$0x3FBA] =	sst s0  }
0x18: {  	s0 =	sld [smem:$0x3F9D];
	_ =	swait.ge [sflag:s4], $0x0  }
0x19: {  	s7 =	sld [smem:$0x3F9E]  }
0x1a: {  	s8 =	sadd.s32 $0xFFFFE003, lr  }
0x1b: {  	s9 =	sadd.s32 $0xFFFFFEF7, lr;
	s5 =	simm.s32 $0xFFFFFFFF;
	p2 =	slt.u32 s8, $0xFFFFF086  }
0x1c: {  	p1 =	slt.u32 s9, $0xF7A;
	s5 =	simm.s32 @!p2 $0x0  }
0x1d: {  	s5 =	simm.s32 @p1 $0x1;
	p0 =	seq.s32 s7, s2  }
0x1e: {  	s7 =	smul.u32 @!p0 $0xF7A, s2;
	p2 =	seq.s32 @!p0 s5, $0x0  }
0x1f: {  	s9 =	smul.u32 $0xF7A, s1;
	s8 =	simm.s32 @!p0 $0x1BF5;
	p2 =	por !p2, p0  }
0x20: {  	[sflag:s8] =	ssyncset.s32 @!p0 $0xFFFFF086;
	s6 =	sadd.s32 @!p0 s3, s7;
	s7 =	simm.s32 @!p0 $0x108  }
0x21: {  	s3 =	sadd.s32 s3, s9;
	s6 =	sadd.s32 @!p0 $0x88, s6;
	s7 =	simm.s32 @p2 $0x1082  }
0x22: {  	[simem:s7], [sflag:s8] =	dma.local @!p0 [hbm:s6], $0xF7A  }
0x23: {  	s9 =	sor.u32 $0xD0000000, s2;
	s6 =	simm.s32 $0x108;
	_ =	swait.ge @!p0 [sflag:s8], $0x0  }
0x24: {  	s3 =	sadd.s32 $0x88, s3;
	s6 =	simm.s32 @!p1 $0x1082;
	[sflag:s4] =	ssyncset.s32 $0xFFFFF086  }
0x25: {  	[simem:s6], [sflag:s4] =	dma.local [hbm:s3], $0xF7A  }
0x26: {  	[smem:$0x3F9E] =	sst s1;
	(tag) =	ssettag s2;
	_ =	strace s9  }
0x27: {  	s1 =	sld [smem:$0x3FAE]  }
0x28: {  	s2 =	sld [smem:$0x3FAF]  }
0x29: {  	s4 =	sld [smem:$0x3FB1]  }
0x2a: {  	p0 =	seq.s32 s5, $0x0;
	s5 =	sld [smem:$0x3FB2]  }
0x2b: {  	s6 =	sld [smem:$0x3FB3]  }
0x2c: {  	s7 =	sld [smem:$0x3FB4]  }
0x2d: {  	s3 =	simm.s32 $0x108;
	s8 =	sld [smem:$0x3FB5]  }
0x2e: {  	s3 =	simm.s32 @!p0 $0x1082;
	s9 =	sld [smem:$0x3FB6]  }
0x2f: {  	lr =	sadd.s32 s0, s3;
	s0 =	sld [smem:$0x3FAD]  }
0x30: {  	s3 =	sld [smem:$0x3FB0]  }
0x31: {  	[smem:$0x3FB9] =	sst s10  }
0x32: {  	s10 =	sld [smem:$0x3FB7];
	_ =	sdelay $0x3  }
0x33: {  	p0 =	seq.s32 s10, $0x1;
	s10 =	sld [smem:$0x3FB9];
	_ =	sdelay $0x3  }
0x34: {  	[smem:$0x3FB9] =	sst s10  }
0x35: {  	s10 =	sld [smem:$0x3FB8];
	_ =	sdelay $0x3  }
0x36: {  	p1 =	seq.s32 s10, $0x1;
	s10 =	sld [smem:$0x3FB9];
	_ =	sdelay $0x3  }
0x37: {  	[smem:$0x3FB9] =	sst s10  }
0x38: {  	s10 =	sld [smem:$0x3FBA]  }
0x39: {  	_ = 	snop;
	(pc) =	sbr.ind lr, $3  }
0x3a: {  	_ = 	snop  }
0x3b: {  	_ = 	snop  }
0x3c: {  	p2 =	seq.s32 s10, $0x1;
	s10 =	sld [smem:$0x3FB9]  }
0x3d: {  	_ =	shalt  }
0x3e: {  	_ =	shalt  }
0x3f: {  	_ =	shalt  }
0x40: {  	_ =	shalt  }
0x41: {  	_ =	shalt  }
0x42: {  	_ =	shalt  }
0x43: {  	_ =	shalt  }
0x44: {  	_ =	shalt  }
0x45: {  	_ =	shalt  }
0x46: {  	_ =	shalt  }
0x47: {  	_ =	shalt  }
0x48: {  	_ =	shalt  }
0x49: {  	_ =	shalt  }
0x4a: {  	_ =	shalt  }
0x4b: {  	_ =	shalt  }
0x4c: {  	_ =	shalt  }
0x4d: {  	_ =	shalt  }
0x4e: {  	_ =	shalt  }
0x4f: {  	_ =	shalt  }
0x50: {  	_ =	shalt  }
0x51: {  	_ =	shalt  }
0x52: {  	_ =	shalt  }
0x53: {  	_ =	shalt  }
0x54: {  	_ =	shalt  }
0x55: {  	_ =	shalt  }
0x56: {  	_ =	shalt  }
0x57: {  	_ =	shalt  }
0x58: {  	_ =	shalt  }
0x59: {  	_ =	shalt  }
0x5a: {  	_ =	shalt  }
0x5b: {  	_ =	shalt  }
0x5c: {  	_ =	shalt  }
0x5d: {  	_ =	shalt  }
0x5e: {  	_ =	shalt  }
0x5f: {  	_ =	shalt  }
0x60: {  	_ =	shalt  }
0x61: {  	_ =	shalt  }
0x62: {  	_ =	shalt  }
0x63: {  	_ =	shalt  }
0x64: {  	_ =	shalt  }
0x65: {  	_ =	shalt  }
0x66: {  	_ =	shalt  }
0x67: {  	_ =	shalt  }
0x68: {  	_ =	shalt  }
0x69: {  	_ =	shalt  }
0x6a: {  	_ =	shalt  }
0x6b: {  	_ =	shalt  }
0x6c: {  	_ =	shalt  }
0x6d: {  	_ =	shalt  }
0x6e: {  	_ =	shalt  }
0x6f: {  	_ =	shalt  }
0x70: {  	_ =	shalt  }
0x71: {  	_ =	shalt  }
0x72: {  	_ =	shalt  }
0x73: {  	_ =	shalt  }
0x74: {  	_ =	shalt  }
0x75: {  	_ =	shalt  }
0x76: {  	_ =	shalt  }
0x77: {  	_ =	shalt  }
0x78: {  	_ =	shalt  }
0x79: {  	_ =	shalt  }
0x7a: {  	_ =	shalt  }
0x7b: {  	_ =	shalt  }
0x7c: {  	_ =	shalt  }
0x7d: {  	_ =	shalt  }
0x7e: {  	_ =	shalt  }
0x7f: {  	_ =	shalt  }
0x80: {  	_ =	shalt  }
0x81: {  	_ =	shalt  }
0x82: {  	_ =	shalt  }
0x83: {  	_ =	shalt  }
0x84: {  	_ =	shalt  }
0x85: {  	_ =	shalt  }
0x86: {  	_ =	shalt  }
0x87: {  	_ =	shalt  }
.Lfunc_end0:
.L_simem_size_0:
called_computation_lowered:
.L_overlay_start_0:
0x88: {  	s2 =	sld [smem:$0x3FD9]  }
0x89: {  	s3 =	sld [smem:$0x3FFE];
	_ =	sdelay $0x1  }
0x8a: {  	s1 =	srdreg.scid  }
0x8b: {  	s0 =	sand.u32 $0x1, s1  }
0x8c: {  	s17 =	sshll.u32 s0, $0xA;
	s2 =	sadd.s32 s3, s2  }
0x8d: {  	s2 =	sadd.s32 s2, s17  }
0x8e: {  	[smem:$0x3FC5] =	sst s2  }
0x8f: {  	_ = 	snop  }
0x90: {  	s2 =	sld [smem:$0x3FC8];
	(tm) =	ssettm $0x1  }
0x91: {  	s18 =	sld [smem:$0x3FFB];
	_ =	sdelay $0x3  }
0x92: {  	_ =	strace s18  }
0x93: {  	s3 =	sld [smem:$0x3FFC];
	_ =	sdelay $0x3  }
0x94: {  	_ =	strace s3  }
0x95: {  	s3 =	sld [smem:$0x3FFD];
	_ =	sdelay $0x3  }
0x96: {  	_ =	strace s3  }
0x97: {  	_ =	strace $0x8FFFFFFF  }
0x98: {  	s19 =	sld [smem:$0x3FDB];
	_ =	sdelay $0x1  }
0x99: {  	s4 =	simm.s32 $_scs_section_size  }
0x9a: {  	s5 =	simm.s32 $_size__tile_overlayer_lowered;
	s6 =	simm.s32 $_tile_overlayer_lowered  }
0x9b: {  	s22 =	simm.s32 $0x1BFF;
	s21 =	sshll.u32 s6, $0x1;
	s3 =	sadd.s32 s4, s19  }
0x9c: {  	s7 =	simm.s32 $0x0;
	s20 =	sshll.u32 s5, $0x1;
	s5 =	sadd.s32 s21, s3  }
0x9d: {  	[timem:s7], [sflag:s22] =	dma.local [hbm:s5], s20  }
0x9e: {  	_ =	swait.ge [sflag:s22], s20  }
0x9f: {  	s4 =	ssub.s32 $0x0, s20;
	[sflag:s22] =	ssyncset.done $0x0  }
0xa0: {  	[sflag:s22] =	ssyncadd.s32 s4;
	_ =	sdelay $0x1  }
0xa1: {  	s23 =	simm.s32 $0x1B8B  }
0xa2: {  	_ =	swait.ge [sflag:s23], $0x1  }
0xa3: {  	[sflag:s23] =	ssyncset.done $0x0  }
0xa4: {  	s25 =	simm.s32 $0x1B8E;
	s24 =	sld [smem:$0x3FFE];
	[sflag:s23] =	ssyncadd.s32 $0xFFFFFFFF  }
0xa5: {  	s26 =	simm.s32 $execute0_lowered;
	[smem:$0x3FD2] =	sst s25  }
0xa6: {  	s5 =	sshll.u32 s26, $0x1;
	_ =	strace $0x80000046;
	[dreg:$0x1] =	wrdreg $0xFFFFFFFF  }
0xa7: {  	s28 =	simm.s32 $_size_execute0_lowered;
	s3 =	sadd.s32 s3, s5;
	[dreg:$0x0] =	wrdreg $0x0  }
0xa8: {  	s5 =	sshll.u32 s28, $0x1;
	[dreg:$0x2] =	wrdreg s3  }
0xa9: {  	[dreg:$0x3] =	wrdreg s5  }
0xaa: {  	[dreg:$0x4] =	wrdreg $0xC0  }
0xab: {  	_ =	task [dreg:s7], $0x5FFFF  }
0xac: {  	[dreg:$0x1] =	wrdreg $0xFFFFFFFF  }
0xad: {  	[dreg:$0x0] =	wrdreg $0x60  }
0xae: {  	[dreg:$0x2] =	wrdreg s2  }
0xaf: {  	[dreg:$0x3] =	wrdreg s24  }
0xb0: {  	[dreg:$0x4] =	wrdreg $0x9  }
0xb1: {  	_ =	task.clear_ibuf [dreg:s7], $0x5FFFF;
	_ =	strace $0x90000046  }
0xb2: {  	s29 =	simm.s32 $0x9;
	_ =	strace $0x80000048  }
0xb3: {  	_ =	swait.ge [sflag:s29], $0x1  }
0xb4: {  	[sflag:s29] =	ssyncadd.s32 $0xFFFFFFFF  }
0xb5: {  	_ =	strace $0x90000048  }
0xb6: {  	_ =	sfence  }
0xb7: {  	s30 =	sld [smem:$0x0];
	_ =	sdelay $0x2  }
0xb8: {  	s31 =	sshll.u32 s1, $0xD;
	s1 =	sshrl.u32 s1, $0x2  }
0xb9: {  	s3 =	sand.u32 $0x4000, s31;
	s1 =	sadd.s32 s1, s30  }
0xba: {  	s0 =	sor.u32 s3, s0;
	s1 =	sshll.u32 s1, $0x11  }
0xbb: {  	s0 =	sor.u32 s1, s0  }
0xbc: {  	s0 =	sadd.s32 $0x8F2B, s0  }
0xbd: {  	[sflag:s0] =	ssyncadd.remote.s32 $0x1  }
0xbe: {  	_ =	sfence.sel $0xFFFF  }
0xbf: {  	[dreg:$0x0] =	wrdreg $0xFFFFFFFF;
	(pc) =	sbr.abs _section_cstart, $3  }
0xc0: {  	[dreg:$0x1] =	wrdreg $0xFFFFFFFF  }
0xc1: {  	_ =	task.clear_ibuf [dreg:s7], $0x2FFFF;
	_ =	strace $0x9FFFFFFF  }
0xc2: {  	(tm) =	ssettm $0x7FFFFFFF  }
0xc3: {  	_ =	shalt  }
tec
execute0_lowered:
.L_overlay_start_1:
0x0: {  	(tag) =	ssettag $0x1  }
0x1: {  	s4 =	rddreg [dreg:$0x0]  }
0x2: {  	s5 =	rddreg [dreg:$0x1]  }
0x3: {  	s0 =	rddreg [dreg:$0x2];
	s3 =	srdreg.scid  }
0x4: {  	s1 =	stileid.u32;
	s2 =	simm.s32 $0x0;
	s11 =	simm.s32 $0x400  }
0x5: {  	s12 =	simm.s32 $0x1;
	s13 =	simm.s32 $0xC400;
	s14 =	simm.s32 $0x0  }
0x6: {  	s6 =	sand.u32 $0x1, s3;
	s30 =	sshll.u32 s1, $0x1;
	[smem:$0x7FF] =	sst s2  }
0x7: {  	s3 =	sadd.s32 $0x20600, s5;
	s7 =	sor.u32 s6, s30;
	_ =	strace $0x80000047  }
0x8: {  	s6 =	ssub.s32 $0x2, s6;
	s8 =	sshll.u32 s7, $0xC;
	s9 =	sshll.u32 s7, $0x1  }
0x9: {  	s31 =	sshrl.u32 s6, $0x1;
	s7 =	sshll.u32 s7, $0x6;
	s8 =	sadd.s32 s8, s5  }
0xa: {  	s9 =	sadd.s32 s9, s5;
	s10 =	ssub.s32 s6, s31;
	s4 =	sadd.s32 s4, s7  }
0xb: {  	s5 =	sadd.s32 $0x600, s8;
	s6 =	sadd.s32 $0x88600, s9;
	s7 =	smax.u32 s10, $0x1  }
0xc: {  	v0 =	vimm.s32 $0x0;
	s8 =	simm.s32 $0x2;
	s9 =	simm.s32 $0x4400;
	s10 =	simm.s32 $0x200  }
.LBB2_1:
0xd: {  	[tilespmem:s2], [sflag:$0x2] =	stream.linear.gather [hbm4b:s4+s2], $0x200, $0x38;
	[tilespmem:$0xC410] =	vst v63  }
0xe: {  	_ =	swait.ge [sflag:s8], $0x200  }
0xf: {  	[sflag:s8] =	ssyncset.done $0x0  }
0x10: {  	[sflag:s8] =	ssyncadd.s32 $0xFFFFFE00  }
0x11: {  	[tilespmem:s9], [sflag:$0x2] =	stream.linear.gather [hbm4b:s5+s2], $0x8000, $0x38;
	[tilespmem:$0xC410] =	vst v63  }
0x12: {  	_ =	swait.ge [sflag:s8], $0x8000  }
0x13: {  	[sflag:s8] =	ssyncset.done $0x0  }
0x14: {  	[sflag:s8] =	ssyncadd.s32 $0xFFFF8000  }
0x15: {  	v1 =	vld [tilespmem:$0x0]  }
0x16: {  	v2 =	vld [tilespmem:$0x10]  }
0x17: {  	v5 =	vld [tilespmem:$0x20]  }
0x18: {  	v8 =	vld [tilespmem:$0x30];
	_ =	sdelay $0x1  }
0x19: {  	v11 =	vld [tilespmem:$0x50];
	vm0 =	vgt.s32 v1, $0x67FF;
	vm1 =	vgt.s32 v1, $0xCFFF;
	vm6 =	vgt.s32 v1, $0x137FF  }
0x1a: {  	v14 =	vld [tilespmem:$0x70];
	vm7 =	vgt.s32 v2, $0x67FF;
	vm8 =	vgt.s32 v2, $0xCFFF;
	vm9 =	vgt.s32 v2, $0x137FF  }
0x1b: {  	v15 =	vld [tilespmem:$0x90];
	vm10 =	vgt.s32 v5, $0x67FF;
	vm11 =	vgt.s32 v5, $0xCFFF;
	vm12 =	vgt.s32 v5, $0x137FF  }
0x1c: {  	v18 =	vld [tilespmem:$0xB0];
	vm13 =	vgt.s32 v8, $0x67FF;
	vm14 =	vgt.s32 v8, $0xCFFF;
	vm15 =	vgt.s32 v8, $0x137FF  }
0x1d: {  	v3 =	vsel vm0, $0x1, v0;
	v4 =	vsel vm1, $0x1, v0;
	v7 =	vsel vm8, $0x1, v0  }
0x1e: {  	v10 =	vsel vm14, $0x1, v0;
	v47 =	vsel vm15, $0x1, v0;
	vm8 =	vgt.s32 v11, $0xCFFF  }
0x1f: {  	v19 =	vld [tilespmem:$0xD0];
	vm14 =	vgt.s32 v14, $0xCFFF;
	vm15 =	vgt.s32 v14, $0x137FF;
	v3 =	vadd.s32 v4, v3  }
0x20: {  	v4 =	vsel vm6, $0x1, v0;
	v12 =	vsel vm8, $0x1, v0;
	v55 =	vsel vm14, $0x1, v0  }
0x21: {  	v56 =	vsel vm15, $0x1, v0;
	vm8 =	vgt.s32 v15, $0xCFFF;
	vm14 =	vgt.s32 v18, $0xCFFF  }
0x22: {  	vm15 =	vgt.s32 v18, $0x137FF;
	v3 =	vadd.s32 v4, v3;
	v4 =	vsel vm7, $0x1, v0  }
0x23: {  	vm7 =	vgt.s32 v11, $0x67FF;
	v16 =	vsel vm8, $0x1, v0;
	v28 =	vsel vm14, $0x1, v0  }
0x24: {  	v29 =	vsel vm15, $0x1, v0;
	vm8 =	vgt.s32 v19, $0xCFFF;
	v6 =	vmul.u32 $0x3FFF9800, v3  }
0x25: {  	v48 =	vld [tilespmem:$0x60];
	v4 =	vadd.s32 v7, v4;
	v7 =	vsel vm9, $0x1, v0;
	vm9 =	vgt.s32 v11, $0x137FF  }
0x26: {  	v20 =	vsel vm8, $0x1, v0;
	v4 =	vadd.s32 v7, v4;
	v13 =	vsel vm9, $0x1, v0  }
0x27: {  	v60 =	vld [tilespmem:$0xA0];
	vm9 =	vgt.s32 v15, $0x137FF;
	v1 =	vadd.s32 v1, v6;
	v6 =	vmul.u32 $0x3FFF9800, v4  }
0x28: {  	v17 =	vsel vm9, $0x1, v0;
	vm9 =	vgt.s32 v19, $0x137FF;
	v1 =	vshll.u32 v1, $0x2  }
0x29: {  	v7 =	vld [tilespmem:$0x40];
	v1 =	vadd.s32 v3, v1;
	v3 =	vsel vm10, $0x1, v0;
	v2 =	vadd.s32 v2, v6  }
0x2a: {  	v6 =	vsel vm11, $0x1, v0;
	vm10 =	vgt.s32 v48, $0x67FF;
	vm11 =	vgt.s32 v48, $0xCFFF  }
0x2b: {  	v35 =	vld [tilespmem:$0xE0];
	v3 =	vadd.s32 v6, v3;
	v6 =	vsel vm12, $0x1, v0;
	v2 =	vshll.u32 v2, $0x2  }
0x2c: {  	v50 =	vsel vm11, $0x1, v0;
	vm12 =	vgt.s32 v48, $0x137FF;
	vm11 =	vgt.s32 v60, $0xCFFF  }
0x2d: {  	v3 =	vadd.s32 v6, v3;
	v6 =	vsel vm13, $0x1, v0;
	v2 =	vadd.s32 v4, v2  }
0x2e: {  	vm4 =	vgt.s32 v7, $0x67FF;
	vm5 =	vgt.s32 v7, $0xCFFF;
	vm6 =	vgt.s32 v7, $0x137FF  }
0x2f: {  	v51 =	vsel vm12, $0x1, v0;
	vm13 =	vgt.s32 v14, $0x67FF;
	v23 =	vsel vm11, $0x1, v0  }
0x30: {  	vm12 =	vgt.s32 v60, $0x137FF;
	vm11 =	vgt.s32 v35, $0xCFFF;
	v9 =	vmul.u32 $0x3FFF9800, v3  }
0x31: {  	v52 =	vld [tilespmem:$0x80];
	v6 =	vadd.s32 v10, v6;
	v53 =	vsel vm13, $0x1, v0;
	v24 =	vsel vm12, $0x1, v0  }
0x32: {  	vm13 =	vgt.s32 v18, $0x67FF;
	v42 =	vsel vm11, $0x1, v0;
	vm12 =	vgt.s32 v35, $0x137FF  }
0x33: {  	v10 =	vadd.s32 v55, v53;
	v26 =	vsel vm13, $0x1, v0;
	v43 =	vsel vm12, $0x1, v0  }
0x34: {  	v4 =	vadd.s32 v5, v9;
	v5 =	vadd.s32 v47, v6;
	v57 =	vadd.s32 v56, v10  }
0x35: {  	v4 =	vshll.u32 v4, $0x2;
	v6 =	vmul.u32 $0x3FFF9800, v5;
	v10 =	vmul.u32 $0x3FFF9800, v57  }
0x36: {  	v25 =	vld [tilespmem:$0xC0];
	v3 =	vadd.s32 v3, v4;
	v4 =	vsel vm4, $0x1, v0;
	vm4 =	vgt.s32 v52, $0x67FF  }
0x37: {  	v6 =	vadd.s32 v8, v6;
	v8 =	vsel vm5, $0x1, v0;
	vm5 =	vgt.s32 v52, $0xCFFF  }
0x38: {  	v10 =	vadd.s32 v14, v10;
	v14 =	vadd.s32 v28, v26;
	v4 =	vadd.s32 v8, v4  }
0x39: {  	v8 =	vsel vm6, $0x1, v0;
	v6 =	vshll.u32 v6, $0x2;
	v58 =	vsel vm5, $0x1, v0  }
0x3a: {  	vm6 =	vgt.s32 v52, $0x137FF;
	v10 =	vshll.u32 v10, $0x2;
	v8 =	vadd.s32 v8, v4  }
0x3b: {  	v31 =	vadd.s32 v29, v14;
	vm5 =	vgt.s32 v25, $0xCFFF;
	v49 =	vmul.u32 $0x3FFF9800, v8  }
0x3c: {  	v44 =	vld [tilespmem:$0x100];
	v4 =	vsel vm7, $0x1, v0;
	v59 =	vsel vm6, $0x1, v0;
	vm7 =	vgt.s32 v15, $0x67FF  }
0x3d: {  	v12 =	vadd.s32 v12, v4;
	v4 =	vadd.s32 v5, v6;
	v5 =	vadd.s32 v7, v49  }
0x3e: {  	v14 =	vmul.u32 $0x3FFF9800, v31;
	v33 =	vsel vm5, $0x1, v0;
	v5 =	vshll.u32 v5, $0x2  }
0x3f: {  	v6 =	vadd.s32 v13, v12;
	v5 =	vadd.s32 v8, v5;
	v8 =	vsel vm10, $0x1, v0  }
0x40: {  	vm6 =	vgt.s32 v25, $0x137FF;
	v7 =	vmul.u32 $0x3FFF9800, v6;
	v8 =	vadd.s32 v50, v8  }
0x41: {  	vm5 =	vgt.s32 v44, $0xCFFF;
	v34 =	vsel vm6, $0x1, v0;
	v8 =	vadd.s32 v51, v8  }
0x42: {  	vm6 =	vgt.s32 v44, $0x137FF;
	v7 =	vadd.s32 v11, v7;
	v54 =	vmul.u32 $0x3FFF9800, v8  }
0x43: {  	v14 =	vadd.s32 v18, v14;
	v53 =	vsel vm6, $0x1, v0;
	v7 =	vshll.u32 v7, $0x2  }
0x44: {  	vm10 =	vgt.s32 v60, $0x67FF;
	v6 =	vadd.s32 v6, v7;
	v7 =	vadd.s32 v48, v54  }
0x45: {  	v14 =	vshll.u32 v14, $0x2;
	v22 =	vsel vm10, $0x1, v0;
	v7 =	vshll.u32 v7, $0x2  }
0x46: {  	vm10 =	vgt.s32 v35, $0x67FF;
	v7 =	vadd.s32 v8, v7;
	v8 =	vsel vm4, $0x1, v0  }
0x47: {  	v41 =	vsel vm10, $0x1, v0;
	v54 =	vld [tilespmem:$0x120];
	vm4 =	vgt.s32 v25, $0x67FF;
	v8 =	vadd.s32 v58, v8  }
0x48: {  	v32 =	vsel vm4, $0x1, v0;
	vm4 =	vgt.s32 v44, $0x67FF;
	v12 =	vadd.s32 v59, v8  }
0x49: {  	v8 =	vsel vm7, $0x1, v0;
	vm7 =	vgt.s32 v19, $0x67FF;
	v61 =	vmul.u32 $0x3FFF9800, v12  }
0x4a: {  	v51 =	vsel vm4, $0x1, v0;
	v16 =	vadd.s32 v16, v8;
	v8 =	vadd.s32 v57, v10  }
0x4b: {  	v36 =	vsel vm7, $0x1, v0;
	v63 =	vadd.s32 v17, v16;
	v62 =	vadd.s32 v52, v61  }
0x4c: {  	vm10 =	vgt.s32 v54, $0x67FF;
	v21 =	vmul.u32 $0x3FFF9800, v63;
	v9 =	vshll.u32 v62, $0x2  }
0x4d: {  	vm11 =	vgt.s32 v54, $0xCFFF;
	v20 =	vadd.s32 v20, v36;
	v9 =	vadd.s32 v12, v9  }
0x4e: {  	v11 =	vadd.s32 v15, v21;
	v12 =	vadd.s32 v23, v22;
	v21 =	vsel vm9, $0x1, v0;
	v22 =	vld [tilespmem:$0xF0]  }
0x4f: {  	vm12 =	vgt.s32 v54, $0x137FF;
	v12 =	vadd.s32 v24, v12;
	v39 =	vadd.s32 v21, v20  }
0x50: {  	v52 =	vsel vm5, $0x1, v0;
	v23 =	vld [tilespmem:$0x110];
	v27 =	vmul.u32 $0x3FFF9800, v12;
	v40 =	vmul.u32 $0x3FFF9800, v39  }
0x51: {  	v61 =	vsel vm11, $0x1, v0;
	v62 =	vsel vm12, $0x1, v0;
	v11 =	vshll.u32 v11, $0x2  }
0x52: {  	v10 =	vadd.s32 v63, v11;
	v30 =	vadd.s32 v60, v27;
	v15 =	vadd.s32 v19, v40  }
0x53: {  	v26 =	vld [tilespmem:$0x130];
	v60 =	vsel vm10, $0x1, v0;
	v11 =	vshll.u32 v30, $0x2;
	vm13 =	vgt.s32 v22, $0x67FF  }
0x54: {  	vm14 =	vgt.s32 v22, $0xCFFF;
	vm15 =	vgt.s32 v22, $0x137FF;
	v15 =	vshll.u32 v15, $0x2  }
0x55: {  	vm7 =	vgt.s32 v23, $0x67FF;
	vm8 =	vgt.s32 v23, $0xCFFF;
	vm9 =	vgt.s32 v23, $0x137FF  }
0x56: {  	v63 =	vld [tilespmem:$0x140];
	v11 =	vadd.s32 v12, v11;
	v12 =	vadd.s32 v33, v32;
	v45 =	vsel vm13, $0x1, v0  }
0x57: {  	v29 =	vld [tilespmem:$0x170];
	v47 =	vsel vm14, $0x1, v0;
	v48 =	vsel vm15, $0x1, v0;
	v55 =	vsel vm7, $0x1, v0  }
0x58: {  	v24 =	vsel vm8, $0x1, v0;
	vm13 =	vgt.s32 v26, $0x67FF;
	vm14 =	vgt.s32 v26, $0xCFFF  }
0x59: {  	vm15 =	vgt.s32 v26, $0x137FF;
	v16 =	vadd.s32 v34, v12;
	v12 =	vadd.s32 v31, v14  }
0x5a: {  	v27 =	vld [tilespmem:$0x150];
	v18 =	vadd.s32 v47, v45;
	v14 =	vadd.s32 v39, v15;
	v24 =	vadd.s32 v24, v55  }
0x5b: {  	v32 =	vsel vm13, $0x1, v0;
	v34 =	vsel vm14, $0x1, v0;
	vm4 =	vgt.s32 v63, $0x67FF  }
0x5c: {  	vm5 =	vgt.s32 v63, $0xCFFF;
	vm6 =	vgt.s32 v63, $0x137FF;
	vm13 =	vgt.s32 v29, $0x67FF  }
0x5d: {  	vm14 =	vgt.s32 v29, $0xCFFF;
	v37 =	vmul.u32 $0x3FFF9800, v16;
	v50 =	vadd.s32 v48, v18  }
0x5e: {  	v39 =	vsel vm5, $0x1, v0;
	v40 =	vsel vm6, $0x1, v0;
	v30 =	vsel vm14, $0x1, v0  }
0x5f: {  	v18 =	vmul.u32 $0x3FFF9800, v50;
	vm7 =	vgt.s32 v27, $0x67FF;
	vm8 =	vgt.s32 v27, $0xCFFF  }
0x60: {  	v31 =	vld [tilespmem:$0x190];
	v38 =	vadd.s32 v25, v37;
	v25 =	vsel vm9, $0x1, v0;
	v28 =	vsel vm8, $0x1, v0  }
0x61: {  	vm9 =	vgt.s32 v27, $0x137FF;
	v13 =	vshll.u32 v38, $0x2;
	v18 =	vadd.s32 v22, v18  }
0x62: {  	v58 =	vadd.s32 v25, v24;
	v22 =	vadd.s32 v34, v32;
	v38 =	vsel vm4, $0x1, v0  }
0x63: {  	v13 =	vadd.s32 v16, v13;
	v16 =	vadd.s32 v42, v41;
	v59 =	vmul.u32 $0x3FFF9800, v58;
	v41 =	vld [tilespmem:$0x160]  }
0x64: {  	v18 =	vshll.u32 v18, $0x2;
	v42 =	vsel vm7, $0x1, v0;
	v16 =	vadd.s32 v43, v16  }
0x65: {  	vm7 =	vgt.s32 v31, $0x67FF;
	v46 =	vmul.u32 $0x3FFF9800, v16;
	v19 =	vadd.s32 v23, v59  }
0x66: {  	vm8 =	vgt.s32 v31, $0xCFFF;
	v24 =	vadd.s32 v28, v42;
	v19 =	vshll.u32 v19, $0x2  }
0x67: {  	v49 =	vadd.s32 v35, v46;
	v35 =	vsel vm15, $0x1, v0;
	vm15 =	vgt.s32 v29, $0x137FF  }
0x68: {  	v15 =	vshll.u32 v49, $0x2;
	v37 =	vadd.s32 v35, v22;
	vm10 =	vgt.s32 v41, $0x67FF  }
0x69: {  	v59 =	vld [tilespmem:$0x1A0];
	vm11 =	vgt.s32 v41, $0xCFFF;
	v15 =	vadd.s32 v16, v15;
	v16 =	vadd.s32 v52, v51  }
0x6a: {  	vm12 =	vgt.s32 v41, $0x137FF;
	v22 =	vmul.u32 $0x3FFF9800, v37;
	v20 =	vadd.s32 v53, v16  }
0x6b: {  	v47 =	vsel vm10, $0x1, v0;
	v48 =	vsel vm11, $0x1, v0;
	v56 =	vmul.u32 $0x3FFF9800, v20  }
0x6c: {  	v49 =	vsel vm12, $0x1, v0;
	v51 =	vsel vm13, $0x1, v0;
	v16 =	vadd.s32 v50, v18  }
0x6d: {  	v18 =	vadd.s32 v58, v19;
	v53 =	vsel vm15, $0x1, v0;
	v57 =	vadd.s32 v44, v56  }
0x6e: {  	vm10 =	vgt.s32 v59, $0x67FF;
	vm11 =	vgt.s32 v59, $0xCFFF;
	v17 =	vshll.u32 v57, $0x2  }
0x6f: {  	vm12 =	vgt.s32 v59, $0x137FF;
	v17 =	vadd.s32 v20, v17;
	v20 =	vadd.s32 v61, v60  }
0x70: {  	v50 =	vld [tilespmem:$0x180];
	v22 =	vadd.s32 v26, v22;
	v26 =	vadd.s32 v30, v51;
	v20 =	vadd.s32 v62, v20  }
0x71: {  	[tilespmem:$0x250] =	vst v6;
	v6 =	vsel vm11, $0x1, v0;
	v22 =	vshll.u32 v22, $0x2;
	v33 =	vmul.u32 $0x3FFF9800, v20  }
0x72: {  	v55 =	vadd.s32 v53, v26;
	v44 =	vsel vm9, $0x1, v0;
	v21 =	vadd.s32 v37, v22  }
0x73: {  	v32 =	vld [tilespmem:$0x1D0];
	v26 =	vmul.u32 $0x3FFF9800, v55;
	v46 =	vadd.s32 v44, v24;
	v36 =	vadd.s32 v54, v33  }
0x74: {  	vm9 =	vgt.s32 v31, $0x137FF;
	v24 =	vmul.u32 $0x3FFF9800, v46;
	v19 =	vshll.u32 v36, $0x2  }
0x75: {  	vm4 =	vgt.s32 v50, $0x67FF;
	v19 =	vadd.s32 v20, v19;
	v20 =	vadd.s32 v39, v38  }
0x76: {  	vm5 =	vgt.s32 v50, $0xCFFF;
	v26 =	vadd.s32 v29, v26;
	v20 =	vadd.s32 v40, v20  }
0x77: {  	[tilespmem:$0x260] =	vst v7;
	v7 =	vld [tilespmem:$0x1C0];
	vm6 =	vgt.s32 v50, $0x137FF;
	v60 =	vsel vm7, $0x1, v0;
	v43 =	vmul.u32 $0x3FFF9800, v20  }
0x78: {  	v61 =	vsel vm8, $0x1, v0;
	vm7 =	vgt.s32 v32, $0x67FF;
	vm8 =	vgt.s32 v32, $0xCFFF  }
0x79: {  	v56 =	vsel vm4, $0x1, v0;
	v57 =	vsel vm5, $0x1, v0;
	v45 =	vadd.s32 v63, v43  }
0x7a: {  	[tilespmem:$0x220] =	vst v3;
	v58 =	vsel vm6, $0x1, v0;
	v3 =	vshll.u32 v26, $0x2;
	v22 =	vshll.u32 v45, $0x2  }
0x7b: {  	v62 =	vsel vm9, $0x1, v0;
	v20 =	vadd.s32 v20, v22;
	v22 =	vadd.s32 v48, v47  }
0x7c: {  	vm4 =	vgt.s32 v7, $0x67FF;
	vm5 =	vgt.s32 v7, $0xCFFF;
	v33 =	vld [tilespmem:$0x1E0];
	v22 =	vadd.s32 v49, v22  }
0x7d: {  	vm6 =	vgt.s32 v7, $0x137FF;
	v37 =	vsel vm8, $0x1, v0;
	v63 =	vld [tilespmem:$0x1B0];
	v52 =	vmul.u32 $0x3FFF9800, v22  }
0x7e: {  	[tilespmem:$0x200] =	vst v1;
	vm9 =	vgt.s32 v32, $0x137FF;
	v24 =	vadd.s32 v27, v24;
	v3 =	vadd.s32 v55, v3  }
0x7f: {  	[tilespmem:$0x210] =	vst v2;
	v34 =	vsel vm5, $0x1, v0;
	v24 =	vshll.u32 v24, $0x2;
	v54 =	vadd.s32 v41, v52  }
0x80: {  	[tilespmem:$0x230] =	vst v4;
	v35 =	vsel vm6, $0x1, v0;
	v23 =	vadd.s32 v46, v24;
	v36 =	vld [tilespmem:$0x1F0];
	v24 =	vshll.u32 v54, $0x2  }
0x81: {  	[tilespmem:$0x240] =	vst v5;
	v38 =	vsel vm9, $0x1, v0;
	v22 =	vadd.s32 v22, v24;
	v24 =	vadd.s32 v57, v56  }
0x82: {  	[tilespmem:$0x270] =	vst v8;
	vm11 =	vgt.s32 v33, $0xCFFF;
	vm13 =	vgt.s32 v63, $0x67FF;
	v1 =	vadd.s32 v58, v24  }
0x83: {  	[tilespmem:$0x280] =	vst v9;
	vm14 =	vgt.s32 v63, $0xCFFF;
	v24 =	vadd.s32 v61, v60;
	v2 =	vmul.u32 $0x3FFF9800, v1  }
0x84: {  	[tilespmem:$0x290] =	vst v10;
	vm15 =	vgt.s32 v63, $0x137FF;
	v30 =	vsel vm14, $0x1, v0;
	v4 =	vadd.s32 v62, v24  }
0x85: {  	[tilespmem:$0x2A0] =	vst v11;
	vm14 =	vgt.s32 v36, $0xCFFF;
	v5 =	vmul.u32 $0x3FFF9800, v4;
	v2 =	vadd.s32 v50, v2  }
0x86: {  	[tilespmem:$0x2B0] =	vst v12;
	v41 =	vsel vm11, $0x1, v0;
	v44 =	vsel vm14, $0x1, v0;
	v2 =	vshll.u32 v2, $0x2  }
0x87: {  	[tilespmem:$0x2D0] =	vst v14;
	v5 =	vadd.s32 v31, v5;
	v1 =	vadd.s32 v1, v2;
	v2 =	vsel vm10, $0x1, v0  }
0x88: {  	[tilespmem:$0x2C0] =	vst v13;
	v31 =	vsel vm15, $0x1, v0;
	v2 =	vadd.s32 v6, v2;
	v6 =	vsel vm12, $0x1, v0  }
0x89: {  	[tilespmem:$0x2E0] =	vst v15;
	vm15 =	vgt.s32 v36, $0x137FF;
	v2 =	vadd.s32 v6, v2;
	v6 =	vsel vm13, $0x1, v0  }
0x8a: {  	[tilespmem:$0x2F0] =	vst v16;
	v5 =	vshll.u32 v5, $0x2;
	v8 =	vmul.u32 $0x3FFF9800, v2;
	v6 =	vadd.s32 v30, v6  }
0x8b: {  	[tilespmem:$0x310] =	vst v18;
	vm10 =	vgt.s32 v33, $0x67FF;
	v4 =	vadd.s32 v4, v5;
	v6 =	vadd.s32 v31, v6  }
0x8c: {  	[tilespmem:$0x330] =	vst v21;
	vm12 =	vgt.s32 v33, $0x137FF;
	v5 =	vadd.s32 v59, v8;
	v8 =	vmul.u32 $0x3FFF9800, v6  }
0x8d: {  	[tilespmem:$0x300] =	vst v17;
	v46 =	vsel vm15, $0x1, v0;
	v40 =	vsel vm10, $0x1, v0;
	v42 =	vsel vm12, $0x1, v0  }
0x8e: {  	[tilespmem:$0x370] =	vst v3;
	vm13 =	vgt.s32 v36, $0x67FF;
	v5 =	vshll.u32 v5, $0x2;
	v8 =	vadd.s32 v63, v8  }
0x8f: {  	[tilespmem:$0x350] =	vst v23;
	v2 =	vadd.s32 v2, v5;
	v5 =	vsel vm4, $0x1, v0;
	v8 =	vshll.u32 v8, $0x2  }
0x90: {  	[tilespmem:$0x320] =	vst v19;
	v5 =	vadd.s32 v34, v5;
	v6 =	vadd.s32 v6, v8;
	v8 =	vsel vm7, $0x1, v0  }
0x91: {  	[tilespmem:$0x340] =	vst v20;
	v11 =	vadd.s32 v41, v40;
	v5 =	vadd.s32 v35, v5;
	v8 =	vadd.s32 v37, v8  }
0x92: {  	[tilespmem:$0x360] =	vst v22;
	v43 =	vsel vm13, $0x1, v0;
	v39 =	vmul.u32 $0x3FFF9800, v5;
	v8 =	vadd.s32 v38, v8  }
0x93: {  	[tilespmem:$0x380] =	vst v1;
	v3 =	vadd.s32 v42, v11;
	v1 =	vadd.s32 v44, v43;
	v45 =	vmul.u32 $0x3FFF9800, v8  }
0x94: {  	[tilespmem:$0x390] =	vst v4;
	v1 =	vadd.s32 v46, v1;
	v4 =	vadd.s32 v7, v39;
	v7 =	vmul.u32 $0x3FFF9800, v3  }
0x95: {  	v47 =	vmul.u32 $0x3FFF9800, v1;
	[tilespmem:$0x3A0] =	vst v2;
	v2 =	vshll.u32 v4, $0x2;
	v4 =	vadd.s32 v32, v45  }
0x96: {  	[tilespmem:$0x3B0] =	vst v6;
	v2 =	vadd.s32 v5, v2;
	v5 =	vadd.s32 v33, v7;
	v4 =	vshll.u32 v4, $0x2  }
0x97: {  	[tilespmem:$0x3C0] =	vst v2;
	v2 =	vadd.s32 v8, v4;
	v4 =	vshll.u32 v5, $0x2;
	v5 =	vadd.s32 v36, v47  }
0x98: {  	[tilespmem:$0x3D0] =	vst v2;
	v2 =	vadd.s32 v3, v4;
	v3 =	vshll.u32 v5, $0x2  }
0x99: {  	[tilespmem:$0x3E0] =	vst v2;
	v1 =	vadd.s32 v1, v3  }
0x9a: {  	[tilespmem:$0x3F0] =	vst v1  }
0x9b: {  	[tilespmem:s11], [sflag:$0x1] =	stream.indirect.gather [hbm4b:s3+s10], $0x20, s10, s10, $0xb8;
	[tilespmem:$0xC410] =	vst v63  }
0x9c: {  	_ =	swait.ge [sflag:s12], $0x4000  }
0x9d: {  	s20 =	sand.u32 $0x7800, s2;
	s15 =	simm.s32 $0x0;
	[sflag:s12] =	ssyncset.done $0x0  }
0x9e: {  	s18 =	sand.u32 $0x40, s2;
	s21 =	sadd.s32 $0x4400, s20;
	[sflag:s12] =	ssyncadd.s32 $0xFFFFC000  }
0x9f: {  	s16 =	sor.u32 s18, s21;
	v1 =	vld [tilespmem:s15+$0x400]  }
0xa0: {  	s17 =	sor.u32 $0x20, s18;
	v2 =	vld [tilespmem:s16+$0x0]  }
0xa1: {  	s22 =	sor.u32 s17, s21  }
0xa2: {  	v3 =	vld [tilespmem:s22+$0x0];
	s16 =	sor.u32 $0x10, s18  }
0xa3: {  	v4 =	vld [tilespmem:s15+$0x410];
	s19 =	sor.u32 s16, s21  }
0xa4: {  	v6 =	vld [tilespmem:s19+$0x0];
	s19 =	sor.u32 $0x30, s18;
	v5 =	vshll.u32 v1, $0x10  }
0xa5: {  	s21 =	sor.u32 s19, s21;
	v2 =	vsub.f32 v2, v5  }
0xa6: {  	s23 =	sadd.s32 $0x4480, s20;
	v1 =	vand.u32 $0xFFFF0000, v1;
	v5 =	vld [tilespmem:s21+$0x0]  }
0xa7: {  	s22 =	sor.u32 s18, s23;
	v1 =	vsub.f32 v3, v1;
	v3 =	vld [tilespmem:s15+$0x420];
	v2 =	vmul.f32 v2, v2  }
0xa8: {  	v7 =	vimm.f32 $0.0e+00;
	v48 =	vld [tilespmem:s22+$0x0];
	v8 =	vshll.u32 v4, $0x10  }
0xa9: {  	s24 =	sor.u32 s17, s23;
	v6 =	vsub.f32 v6, v8;
	v1 =	vmul.f32 v1, v1;
	v2 =	vadd.f32 v2, v7  }
0xaa: {  	v4 =	vand.u32 $0xFFFF0000, v4;
	v7 =	vld [tilespmem:s24+$0x0]  }
0xab: {  	s25 =	sor.u32 s16, s23;
	v1 =	vadd.f32 v2, v1;
	v2 =	vsub.f32 v5, v4;
	v4 =	vmul.f32 v6, v6;
	v5 =	vld [tilespmem:s15+$0x430]  }
0xac: {  	v8 =	vld [tilespmem:s25+$0x0];
	v6 =	vshll.u32 v3, $0x10  }
0xad: {  	s21 =	sor.u32 s19, s23;
	v1 =	vadd.f32 v4, v1;
	v2 =	vmul.f32 v2, v2;
	v4 =	vsub.f32 v48, v6  }
0xae: {  	s26 =	sadd.s32 $0x4500, s20;
	v3 =	vand.u32 $0xFFFF0000, v3;
	v6 =	vld [tilespmem:s21+$0x0]  }
0xaf: {  	s28 =	sor.u32 s18, s26;
	v1 =	vadd.f32 v1, v2;
	v2 =	vsub.f32 v7, v3;
	v3 =	vmul.f32 v4, v4;
	v4 =	vld [tilespmem:s15+$0x440]  }
0xb0: {  	v49 =	vld [tilespmem:s28+$0x0];
	v7 =	vshll.u32 v5, $0x10  }
0xb1: {  	s29 =	sor.u32 s17, s26;
	v1 =	vadd.f32 v3, v1;
	v2 =	vmul.f32 v2, v2;
	v3 =	vsub.f32 v8, v7  }
0xb2: {  	v5 =	vand.u32 $0xFFFF0000, v5;
	v7 =	vld [tilespmem:s29+$0x0]  }
0xb3: {  	s30 =	sor.u32 s16, s26;
	v1 =	vadd.f32 v1, v2;
	v2 =	vsub.f32 v6, v5;
	v3 =	vmul.f32 v3, v3;
	v5 =	vld [tilespmem:s15+$0x450]  }
0xb4: {  	v8 =	vld [tilespmem:s30+$0x0];
	v6 =	vshll.u32 v4, $0x10  }
0xb5: {  	s21 =	sor.u32 s19, s26;
	v1 =	vadd.f32 v3, v1;
	v2 =	vmul.f32 v2, v2;
	v3 =	vsub.f32 v49, v6  }
0xb6: {  	s31 =	sadd.s32 $0x4580, s20;
	v4 =	vand.u32 $0xFFFF0000, v4;
	v6 =	vld [tilespmem:s21+$0x0]  }
0xb7: {  	s23 =	sor.u32 s18, s31;
	v1 =	vadd.f32 v1, v2;
	v2 =	vsub.f32 v7, v4;
	v3 =	vmul.f32 v3, v3;
	v4 =	vld [tilespmem:s15+$0x460]  }
0xb8: {  	v50 =	vld [tilespmem:s23+$0x0];
	v7 =	vshll.u32 v5, $0x10  }
0xb9: {  	s24 =	sor.u32 s17, s31;
	v1 =	vadd.f32 v3, v1;
	v2 =	vmul.f32 v2, v2;
	v3 =	vsub.f32 v8, v7  }
0xba: {  	v5 =	vand.u32 $0xFFFF0000, v5;
	v7 =	vld [tilespmem:s24+$0x0]  }
0xbb: {  	s25 =	sor.u32 s16, s31;
	v1 =	vadd.f32 v1, v2;
	v2 =	vsub.f32 v6, v5;
	v3 =	vmul.f32 v3, v3;
	v5 =	vld [tilespmem:s15+$0x470]  }
0xbc: {  	v8 =	vld [tilespmem:s25+$0x0];
	v6 =	vshll.u32 v4, $0x10  }
0xbd: {  	s21 =	sor.u32 s19, s31;
	v1 =	vadd.f32 v3, v1;
	v2 =	vmul.f32 v2, v2;
	v3 =	vsub.f32 v50, v6  }
0xbe: {  	s26 =	sadd.s32 $0x4600, s20;
	v4 =	vand.u32 $0xFFFF0000, v4;
	v6 =	vld [tilespmem:s21+$0x0]  }
0xbf: {  	s28 =	sor.u32 s18, s26;
	v1 =	vadd.f32 v1, v2;
	v2 =	vsub.f32 v7, v4;
	v3 =	vmul.f32 v3, v3;
	v4 =	vld [tilespmem:s15+$0x480]  }
0xc0: {  	v51 =	vld [tilespmem:s28+$0x0];
	v7 =	vshll.u32 v5, $0x10  }
0xc1: {  	s29 =	sor.u32 s17, s26;
	v1 =	vadd.f32 v3, v1;
	v2 =	vmul.f32 v2, v2;
	v3 =	vsub.f32 v8, v7  }
0xc2: {  	v5 =	vand.u32 $0xFFFF0000, v5;
	v7 =	vld [tilespmem:s29+$0x0]  }
0xc3: {  	s30 =	sor.u32 s16, s26;
	v1 =	vadd.f32 v1, v2;
	v2 =	vsub.f32 v6, v5;
	v3 =	vmul.f32 v3, v3;
	v5 =	vld [tilespmem:s15+$0x490]  }
0xc4: {  	v8 =	vld [tilespmem:s30+$0x0];
	v6 =	vshll.u32 v4, $0x10  }
0xc5: {  	s21 =	sor.u32 s19, s26;
	v1 =	vadd.f32 v3, v1;
	v2 =	vmul.f32 v2, v2;
	v3 =	vsub.f32 v51, v6  }
0xc6: {  	s31 =	sadd.s32 $0x4680, s20;
	v4 =	vand.u32 $0xFFFF0000, v4;
	v6 =	vld [tilespmem:s21+$0x0]  }
0xc7: {  	s23 =	sor.u32 s18, s31;
	v1 =	vadd.f32 v1, v2;
	v2 =	vsub.f32 v7, v4;
	v3 =	vmul.f32 v3, v3;
	v4 =	vld [tilespmem:s15+$0x4A0]  }
0xc8: {  	v52 =	vld [tilespmem:s23+$0x0];
	v7 =	vshll.u32 v5, $0x10  }
0xc9: {  	s24 =	sor.u32 s17, s31;
	v1 =	vadd.f32 v3, v1;
	v2 =	vmul.f32 v2, v2;
	v3 =	vsub.f32 v8, v7  }
0xca: {  	v5 =	vand.u32 $0xFFFF0000, v5;
	v7 =	vld [tilespmem:s24+$0x0]  }
0xcb: {  	s25 =	sor.u32 s16, s31;
	v1 =	vadd.f32 v1, v2;
	v2 =	vsub.f32 v6, v5;
	v3 =	vmul.f32 v3, v3;
	v5 =	vld [tilespmem:s15+$0x4B0]  }
0xcc: {  	v8 =	vld [tilespmem:s25+$0x0];
	v6 =	vshll.u32 v4, $0x10  }
0xcd: {  	s21 =	sor.u32 s19, s31;
	v1 =	vadd.f32 v3, v1;
	v2 =	vmul.f32 v2, v2;
	v3 =	vsub.f32 v52, v6  }
0xce: {  	s26 =	sadd.s32 $0x4700, s20;
	v4 =	vand.u32 $0xFFFF0000, v4;
	v6 =	vld [tilespmem:s21+$0x0]  }
0xcf: {  	s28 =	sor.u32 s18, s26;
	v1 =	vadd.f32 v1, v2;
	v2 =	vsub.f32 v7, v4;
	v3 =	vmul.f32 v3, v3;
	v4 =	vld [tilespmem:s15+$0x4C0]  }
0xd0: {  	v53 =	vld [tilespmem:s28+$0x0];
	v7 =	vshll.u32 v5, $0x10  }
0xd1: {  	s29 =	sor.u32 s17, s26;
	v1 =	vadd.f32 v3, v1;
	v2 =	vmul.f32 v2, v2;
	v3 =	vsub.f32 v8, v7  }
0xd2: {  	v5 =	vand.u32 $0xFFFF0000, v5;
	v7 =	vld [tilespmem:s29+$0x0]  }
0xd3: {  	s30 =	sor.u32 s16, s26;
	v1 =	vadd.f32 v1, v2;
	v2 =	vsub.f32 v6, v5;
	v3 =	vmul.f32 v3, v3;
	v5 =	vld [tilespmem:s15+$0x4D0]  }
0xd4: {  	v8 =	vld [tilespmem:s30+$0x0];
	v6 =	vshll.u32 v4, $0x10  }
0xd5: {  	s21 =	sor.u32 s19, s26;
	v1 =	vadd.f32 v3, v1;
	v2 =	vmul.f32 v2, v2;
	v3 =	vsub.f32 v53, v6  }
0xd6: {  	s31 =	sadd.s32 $0x4780, s20;
	v4 =	vand.u32 $0xFFFF0000, v4;
	v6 =	vld [tilespmem:s21+$0x0]  }
0xd7: {  	s23 =	sor.u32 s18, s31;
	v1 =	vadd.f32 v1, v2;
	v2 =	vsub.f32 v7, v4;
	v3 =	vmul.f32 v3, v3;
	v4 =	vld [tilespmem:s15+$0x4E0]  }
0xd8: {  	v54 =	vld [tilespmem:s23+$0x0];
	v7 =	vshll.u32 v5, $0x10  }
0xd9: {  	s24 =	sor.u32 s17, s31;
	v1 =	vadd.f32 v3, v1;
	v2 =	vmul.f32 v2, v2;
	v3 =	vsub.f32 v8, v7  }
0xda: {  	v5 =	vand.u32 $0xFFFF0000, v5;
	v7 =	vld [tilespmem:s24+$0x0]  }
0xdb: {  	s25 =	sor.u32 s16, s31;
	v1 =	vadd.f32 v1, v2;
	v2 =	vsub.f32 v6, v5;
	v3 =	vmul.f32 v3, v3;
	v5 =	vld [tilespmem:s15+$0x4F0]  }
0xdc: {  	v8 =	vld [tilespmem:s25+$0x0];
	v6 =	vshll.u32 v4, $0x10  }
0xdd: {  	s21 =	sor.u32 s19, s31;
	v1 =	vadd.f32 v3, v1;
	v2 =	vmul.f32 v2, v2;
	v3 =	vsub.f32 v54, v6  }
0xde: {  	s26 =	sadd.s32 $0x4800, s20;
	v4 =	vand.u32 $0xFFFF0000, v4;
	v6 =	vld [tilespmem:s21+$0x0]  }
0xdf: {  	s28 =	sor.u32 s18, s26;
	v1 =	vadd.f32 v1, v2;
	v2 =	vsub.f32 v7, v4;
	v3 =	vmul.f32 v3, v3;
	v4 =	vld [tilespmem:s15+$0x500]  }
0xe0: {  	v55 =	vld [tilespmem:s28+$0x0];
	v7 =	vshll.u32 v5, $0x10  }
0xe1: {  	s29 =	sor.u32 s17, s26;
	v1 =	vadd.f32 v3, v1;
	v2 =	vmul.f32 v2, v2;
	v3 =	vsub.f32 v8, v7  }
0xe2: {  	v5 =	vand.u32 $0xFFFF0000, v5;
	v7 =	vld [tilespmem:s29+$0x0]  }
0xe3: {  	s30 =	sor.u32 s16, s26;
	v1 =	vadd.f32 v1, v2;
	v2 =	vsub.f32 v6, v5;
	v3 =	vmul.f32 v3, v3;
	v5 =	vld [tilespmem:s15+$0x510]  }
0xe4: {  	v8 =	vld [tilespmem:s30+$0x0];
	v6 =	vshll.u32 v4, $0x10  }
0xe5: {  	s21 =	sor.u32 s19, s26;
	v1 =	vadd.f32 v3, v1;
	v2 =	vmul.f32 v2, v2;
	v3 =	vsub.f32 v55, v6  }
0xe6: {  	s31 =	sadd.s32 $0x4880, s20;
	v4 =	vand.u32 $0xFFFF0000, v4;
	v6 =	vld [tilespmem:s21+$0x0]  }
0xe7: {  	s23 =	sor.u32 s18, s31;
	v1 =	vadd.f32 v1, v2;
	v2 =	vsub.f32 v7, v4;
	v3 =	vmul.f32 v3, v3;
	v4 =	vld [tilespmem:s15+$0x520]  }
0xe8: {  	v56 =	vld [tilespmem:s23+$0x0];
	v7 =	vshll.u32 v5, $0x10  }
0xe9: {  	s24 =	sor.u32 s17, s31;
	v1 =	vadd.f32 v3, v1;
	v2 =	vmul.f32 v2, v2;
	v3 =	vsub.f32 v8, v7  }
0xea: {  	v5 =	vand.u32 $0xFFFF0000, v5;
	v7 =	vld [tilespmem:s24+$0x0]  }
0xeb: {  	s25 =	sor.u32 s16, s31;
	v1 =	vadd.f32 v1, v2;
	v2 =	vsub.f32 v6, v5;
	v3 =	vmul.f32 v3, v3;
	v5 =	vld [tilespmem:s15+$0x530]  }
0xec: {  	v8 =	vld [tilespmem:s25+$0x0];
	v6 =	vshll.u32 v4, $0x10  }
0xed: {  	s21 =	sor.u32 s19, s31;
	v1 =	vadd.f32 v3, v1;
	v2 =	vmul.f32 v2, v2;
	v3 =	vsub.f32 v56, v6  }
0xee: {  	s26 =	sadd.s32 $0x4900, s20;
	v4 =	vand.u32 $0xFFFF0000, v4;
	v6 =	vld [tilespmem:s21+$0x0]  }
0xef: {  	s28 =	sor.u32 s18, s26;
	v1 =	vadd.f32 v1, v2;
	v2 =	vsub.f32 v7, v4;
	v3 =	vmul.f32 v3, v3;
	v4 =	vld [tilespmem:s15+$0x540]  }
0xf0: {  	v57 =	vld [tilespmem:s28+$0x0];
	v7 =	vshll.u32 v5, $0x10  }
0xf1: {  	s29 =	sor.u32 s17, s26;
	v1 =	vadd.f32 v3, v1;
	v2 =	vmul.f32 v2, v2;
	v3 =	vsub.f32 v8, v7  }
0xf2: {  	v5 =	vand.u32 $0xFFFF0000, v5;
	v7 =	vld [tilespmem:s29+$0x0]  }
0xf3: {  	s30 =	sor.u32 s16, s26;
	v1 =	vadd.f32 v1, v2;
	v2 =	vsub.f32 v6, v5;
	v3 =	vmul.f32 v3, v3;
	v5 =	vld [tilespmem:s15+$0x550]  }
0xf4: {  	v8 =	vld [tilespmem:s30+$0x0];
	v6 =	vshll.u32 v4, $0x10  }
0xf5: {  	s21 =	sor.u32 s19, s26;
	v1 =	vadd.f32 v3, v1;
	v2 =	vmul.f32 v2, v2;
	v3 =	vsub.f32 v57, v6  }
0xf6: {  	s31 =	sadd.s32 $0x4980, s20;
	v4 =	vand.u32 $0xFFFF0000, v4;
	v6 =	vld [tilespmem:s21+$0x0]  }
0xf7: {  	s23 =	sor.u32 s18, s31;
	v1 =	vadd.f32 v1, v2;
	v2 =	vsub.f32 v7, v4;
	v3 =	vmul.f32 v3, v3;
	v4 =	vld [tilespmem:s15+$0x560]  }
0xf8: {  	v58 =	vld [tilespmem:s23+$0x0];
	v7 =	vshll.u32 v5, $0x10  }
0xf9: {  	s24 =	sor.u32 s17, s31;
	v1 =	vadd.f32 v3, v1;
	v2 =	vmul.f32 v2, v2;
	v3 =	vsub.f32 v8, v7  }
0xfa: {  	v5 =	vand.u32 $0xFFFF0000, v5;
	v7 =	vld [tilespmem:s24+$0x0]  }
0xfb: {  	s25 =	sor.u32 s16, s31;
	v1 =	vadd.f32 v1, v2;
	v2 =	vsub.f32 v6, v5;
	v3 =	vmul.f32 v3, v3;
	v5 =	vld [tilespmem:s15+$0x570]  }
0xfc: {  	v8 =	vld [tilespmem:s25+$0x0];
	v6 =	vshll.u32 v4, $0x10  }
0xfd: {  	s21 =	sor.u32 s19, s31;
	v1 =	vadd.f32 v3, v1;
	v2 =	vmul.f32 v2, v2;
	v3 =	vsub.f32 v58, v6  }
0xfe: {  	s26 =	sadd.s32 $0x4A00, s20;
	v4 =	vand.u32 $0xFFFF0000, v4;
	v6 =	vld [tilespmem:s21+$0x0]  }
0xff: {  	s28 =	sor.u32 s18, s26;
	v1 =	vadd.f32 v1, v2;
	v2 =	vsub.f32 v7, v4;
	v3 =	vmul.f32 v3, v3;
	v4 =	vld [tilespmem:s15+$0x580]  }
0x100: {  	v59 =	vld [tilespmem:s28+$0x0];
	v7 =	vshll.u32 v5, $0x10  }
0x101: {  	s29 =	sor.u32 s17, s26;
	v1 =	vadd.f32 v3, v1;
	v2 =	vmul.f32 v2, v2;
	v3 =	vsub.f32 v8, v7  }
0x102: {  	v5 =	vand.u32 $0xFFFF0000, v5;
	v7 =	vld [tilespmem:s29+$0x0]  }
0x103: {  	s30 =	sor.u32 s16, s26;
	v1 =	vadd.f32 v1, v2;
	v2 =	vsub.f32 v6, v5;
	v3 =	vmul.f32 v3, v3;
	v5 =	vld [tilespmem:s15+$0x590]  }
0x104: {  	v8 =	vld [tilespmem:s30+$0x0];
	v6 =	vshll.u32 v4, $0x10  }
0x105: {  	s21 =	sor.u32 s19, s26;
	v1 =	vadd.f32 v3, v1;
	v2 =	vmul.f32 v2, v2;
	v3 =	vsub.f32 v59, v6  }
0x106: {  	s31 =	sadd.s32 $0x4A80, s20;
	v4 =	vand.u32 $0xFFFF0000, v4;
	v6 =	vld [tilespmem:s21+$0x0]  }
0x107: {  	s23 =	sor.u32 s18, s31;
	v1 =	vadd.f32 v1, v2;
	v2 =	vsub.f32 v7, v4;
	v3 =	vmul.f32 v3, v3;
	v4 =	vld [tilespmem:s15+$0x5A0]  }
0x108: {  	v60 =	vld [tilespmem:s23+$0x0];
	v7 =	vshll.u32 v5, $0x10  }
0x109: {  	s24 =	sor.u32 s17, s31;
	v1 =	vadd.f32 v3, v1;
	v2 =	vmul.f32 v2, v2;
	v3 =	vsub.f32 v8, v7  }
0x10a: {  	v5 =	vand.u32 $0xFFFF0000, v5;
	v7 =	vld [tilespmem:s24+$0x0]  }
0x10b: {  	s25 =	sor.u32 s16, s31;
	v1 =	vadd.f32 v1, v2;
	v2 =	vsub.f32 v6, v5;
	v3 =	vmul.f32 v3, v3;
	v5 =	vld [tilespmem:s15+$0x5B0]  }
0x10c: {  	v8 =	vld [tilespmem:s25+$0x0];
	v6 =	vshll.u32 v4, $0x10  }
0x10d: {  	s21 =	sor.u32 s19, s31;
	v1 =	vadd.f32 v3, v1;
	v2 =	vmul.f32 v2, v2;
	v3 =	vsub.f32 v60, v6  }
0x10e: {  	s26 =	sadd.s32 $0x4B00, s20;
	v4 =	vand.u32 $0xFFFF0000, v4;
	v6 =	vld [tilespmem:s21+$0x0]  }
0x10f: {  	s28 =	sor.u32 s18, s26;
	v1 =	vadd.f32 v1, v2;
	v2 =	vsub.f32 v7, v4;
	v3 =	vmul.f32 v3, v3;
	v4 =	vld [tilespmem:s15+$0x5C0]  }
0x110: {  	v61 =	vld [tilespmem:s28+$0x0];
	v7 =	vshll.u32 v5, $0x10  }
0x111: {  	s29 =	sor.u32 s17, s26;
	v1 =	vadd.f32 v3, v1;
	v2 =	vmul.f32 v2, v2;
	v3 =	vsub.f32 v8, v7  }
0x112: {  	v5 =	vand.u32 $0xFFFF0000, v5;
	v7 =	vld [tilespmem:s29+$0x0]  }
0x113: {  	s30 =	sor.u32 s16, s26;
	v1 =	vadd.f32 v1, v2;
	v2 =	vsub.f32 v6, v5;
	v3 =	vmul.f32 v3, v3;
	v5 =	vld [tilespmem:s15+$0x5D0]  }
0x114: {  	v8 =	vld [tilespmem:s30+$0x0];
	v6 =	vshll.u32 v4, $0x10  }
0x115: {  	s21 =	sor.u32 s19, s26;
	v1 =	vadd.f32 v3, v1;
	v2 =	vmul.f32 v2, v2;
	v3 =	vsub.f32 v61, v6  }
0x116: {  	s20 =	sadd.s32 $0x4B80, s20;
	v4 =	vand.u32 $0xFFFF0000, v4;
	v6 =	vld [tilespmem:s21+$0x0]  }
0x117: {  	s18 =	sor.u32 s18, s20;
	v4 =	vsub.f32 v7, v4;
	v1 =	vadd.f32 v1, v2;
	v3 =	vmul.f32 v3, v3;
	v2 =	vld [tilespmem:s15+$0x5E0]  }
0x118: {  	v62 =	vld [tilespmem:s18+$0x0];
	v7 =	vshll.u32 v5, $0x10  }
0x119: {  	s17 =	sor.u32 s17, s20;
	v4 =	vmul.f32 v4, v4;
	v1 =	vadd.f32 v3, v1;
	v7 =	vsub.f32 v8, v7  }
0x11a: {  	v5 =	vand.u32 $0xFFFF0000, v5;
	v3 =	vld [tilespmem:s17+$0x0]  }
0x11b: {  	s16 =	sor.u32 s16, s20;
	v6 =	vsub.f32 v6, v5;
	v8 =	vadd.f32 v1, v4;
	v5 =	vmul.f32 v7, v7;
	v1 =	vld [tilespmem:s15+$0x5F0]  }
0x11c: {  	s18 =	simm.s32 $0x1000;
	s20 =	sor.u32 s19, s20;
	s31 =	simm.s32 $0x800;
	v4 =	vld [tilespmem:s16+$0x0];
	v63 =	vshll.u32 v2, $0x10  }
0x11d: {  	s17 =	simm.s32 $0x4;
	s15 =	simm.s32 $0x200;
	s16 =	sand.u32 $0x7800, s31;
	v7 =	vmul.f32 v6, v6;
	v5 =	vadd.f32 v5, v8;
	v6 =	vsub.f32 v62, v63  }
.LBB2_2:
0x11e: {  	p0 =	sne.s32 s18, $0xF800;
	s19 =	sand.u32 $0x40, s17;
	s23 =	sadd.s32 $0x4400, s16;
	v2 =	vand.u32 $0xFFFF0000, v2;
	v8 =	vld [tilespmem:s20+$0x0]  }
0x11f: {  	v9 =	vld [tilespmem:s15+$0x400];
	s20 =	sor.u32 s19, s23;
	v5 =	vadd.f32 v5, v7;
	v2 =	vsub.f32 v3, v2;
	v3 =	vmul.f32 v6, v6  }
0x120: {  	s21 =	sor.u32 $0x20, s19;
	v6 =	vld [tilespmem:s20+$0x0];
	v7 =	vshll.u32 v1, $0x10  }
0x121: {  	s20 =	sor.u32 s21, s23;
	v3 =	vadd.f32 v3, v5;
	v2 =	vmul.f32 v2, v2;
	v4 =	vsub.f32 v4, v7  }
0x122: {  	s22 =	sor.u32 $0x10, s19;
	v1 =	vand.u32 $0xFFFF0000, v1;
	v5 =	vld [tilespmem:s20+$0x0]  }
0x123: {  	s20 =	sor.u32 s22, s23;
	v7 =	vld [tilespmem:s15+$0x410];
	v2 =	vadd.f32 v3, v2;
	v1 =	vsub.f32 v8, v1;
	v3 =	vmul.f32 v4, v4  }
0x124: {  	v4 =	vshll.u32 v9, $0x10;
	v8 =	vld [tilespmem:s20+$0x0];
	s20 =	sor.u32 $0x30, s19  }
0x125: {  	v4 =	vsub.f32 v6, v4;
	s23 =	sor.u32 s20, s23;
	v2 =	vadd.f32 v3, v2;
	v1 =	vmul.f32 v1, v1  }
0x126: {  	v3 =	vand.u32 $0xFFFF0000, v9;
	v6 =	vld [tilespmem:s23+$0x0];
	s23 =	sadd.s32 $0x4480, s16  }
0x127: {  	v3 =	vsub.f32 v5, v3;
	v4 =	vmul.f32 v4, v4;
	v5 =	vld [tilespmem:s15+$0x420];
	s24 =	sor.u32 s19, s23;
	v1 =	vadd.f32 v2, v1  }
0x128: {  	v2 =	vshll.u32 v7, $0x10;
	v9 =	vld [tilespmem:s24+$0x0]  }
0x129: {  	s24 =	sor.u32 s21, s23;
	v1 =	vadd.f32 v4, v1;
	v3 =	vmul.f32 v3, v3;
	v2 =	vsub.f32 v8, v2  }
0x12a: {  	v4 =	vand.u32 $0xFFFF0000, v7;
	v7 =	vld [tilespmem:s24+$0x0]  }
0x12b: {  	s24 =	sor.u32 s22, s23;
	v1 =	vadd.f32 v1, v3;
	v3 =	vsub.f32 v6, v4;
	v2 =	vmul.f32 v2, v2;
	v4 =	vld [tilespmem:s15+$0x430]  }
0x12c: {  	v6 =	vshll.u32 v5, $0x10;
	v8 =	vld [tilespmem:s24+$0x0]  }
0x12d: {  	s23 =	sor.u32 s20, s23;
	v1 =	vadd.f32 v2, v1;
	v2 =	vmul.f32 v3, v3;
	v3 =	vsub.f32 v9, v6  }
0x12e: {  	v5 =	vand.u32 $0xFFFF0000, v5;
	v6 =	vld [tilespmem:s23+$0x0];
	s23 =	sadd.s32 $0x4500, s16  }
0x12f: {  	v1 =	vadd.f32 v1, v2;
	v2 =	vsub.f32 v7, v5;
	v3 =	vmul.f32 v3, v3;
	v5 =	vld [tilespmem:s15+$0x440];
	s24 =	sor.u32 s19, s23  }
0x130: {  	v7 =	vshll.u32 v4, $0x10;
	v9 =	vld [tilespmem:s24+$0x0]  }
0x131: {  	s24 =	sor.u32 s21, s23;
	v1 =	vadd.f32 v3, v1;
	v2 =	vmul.f32 v2, v2;
	v3 =	vsub.f32 v8, v7  }
0x132: {  	v4 =	vand.u32 $0xFFFF0000, v4;
	v7 =	vld [tilespmem:s24+$0x0]  }
0x133: {  	s24 =	sor.u32 s22, s23;
	v1 =	vadd.f32 v1, v2;
	v2 =	vsub.f32 v6, v4;
	v3 =	vmul.f32 v3, v3;
	v4 =	vld [tilespmem:s15+$0x450]  }
0x134: {  	v6 =	vshll.u32 v5, $0x10;
	v8 =	vld [tilespmem:s24+$0x0]  }
0x135: {  	s23 =	sor.u32 s20, s23;
	v1 =	vadd.f32 v3, v1;
	v2 =	vmul.f32 v2, v2;
	v3 =	vsub.f32 v9, v6  }
0x136: {  	v5 =	vand.u32 $0xFFFF0000, v5;
	v6 =	vld [tilespmem:s23+$0x0];
	s23 =	sadd.s32 $0x4580, s16  }
0x137: {  	v1 =	vadd.f32 v1, v2;
	v2 =	vsub.f32 v7, v5;
	v3 =	vmul.f32 v3, v3;
	v5 =	vld [tilespmem:s15+$0x460];
	s24 =	sor.u32 s19, s23  }
0x138: {  	v7 =	vshll.u32 v4, $0x10;
	v9 =	vld [tilespmem:s24+$0x0]  }
0x139: {  	s24 =	sor.u32 s21, s23;
	v1 =	vadd.f32 v3, v1;
	v2 =	vmul.f32 v2, v2;
	v3 =	vsub.f32 v8, v7  }
0x13a: {  	v4 =	vand.u32 $0xFFFF0000, v4;
	v7 =	vld [tilespmem:s24+$0x0]  }
0x13b: {  	s24 =	sor.u32 s22, s23;
	v1 =	vadd.f32 v1, v2;
	v2 =	vsub.f32 v6, v4;
	v3 =	vmul.f32 v3, v3;
	v4 =	vld [tilespmem:s15+$0x470]  }
0x13c: {  	v6 =	vshll.u32 v5, $0x10;
	v8 =	vld [tilespmem:s24+$0x0]  }
0x13d: {  	s23 =	sor.u32 s20, s23;
	v1 =	vadd.f32 v3, v1;
	v2 =	vmul.f32 v2, v2;
	v3 =	vsub.f32 v9, v6  }
0x13e: {  	v5 =	vand.u32 $0xFFFF0000, v5;
	v6 =	vld [tilespmem:s23+$0x0];
	s23 =	sadd.s32 $0x4600, s16  }
0x13f: {  	v1 =	vadd.f32 v1, v2;
	v2 =	vsub.f32 v7, v5;
	v3 =	vmul.f32 v3, v3;
	v5 =	vld [tilespmem:s15+$0x480];
	s24 =	sor.u32 s19, s23  }
0x140: {  	v7 =	vshll.u32 v4, $0x10;
	v9 =	vld [tilespmem:s24+$0x0]  }
0x141: {  	s24 =	sor.u32 s21, s23;
	v1 =	vadd.f32 v3, v1;
	v2 =	vmul.f32 v2, v2;
	v3 =	vsub.f32 v8, v7  }
0x142: {  	v4 =	vand.u32 $0xFFFF0000, v4;
	v7 =	vld [tilespmem:s24+$0x0]  }
0x143: {  	s24 =	sor.u32 s22, s23;
	v1 =	vadd.f32 v1, v2;
	v2 =	vsub.f32 v6, v4;
	v3 =	vmul.f32 v3, v3;
	v4 =	vld [tilespmem:s15+$0x490]  }
0x144: {  	v6 =	vshll.u32 v5, $0x10;
	v8 =	vld [tilespmem:s24+$0x0]  }
0x145: {  	s23 =	sor.u32 s20, s23;
	v1 =	vadd.f32 v3, v1;
	v2 =	vmul.f32 v2, v2;
	v3 =	vsub.f32 v9, v6  }
0x146: {  	v5 =	vand.u32 $0xFFFF0000, v5;
	v6 =	vld [tilespmem:s23+$0x0];
	s23 =	sadd.s32 $0x4680, s16  }
0x147: {  	v1 =	vadd.f32 v1, v2;
	v2 =	vsub.f32 v7, v5;
	v3 =	vmul.f32 v3, v3;
	v5 =	vld [tilespmem:s15+$0x4A0];
	s24 =	sor.u32 s19, s23  }
0x148: {  	v7 =	vshll.u32 v4, $0x10;
	v9 =	vld [tilespmem:s24+$0x0]  }
0x149: {  	s24 =	sor.u32 s21, s23;
	v1 =	vadd.f32 v3, v1;
	v2 =	vmul.f32 v2, v2;
	v3 =	vsub.f32 v8, v7  }
0x14a: {  	v4 =	vand.u32 $0xFFFF0000, v4;
	v7 =	vld [tilespmem:s24+$0x0]  }
0x14b: {  	s24 =	sor.u32 s22, s23;
	v1 =	vadd.f32 v1, v2;
	v2 =	vsub.f32 v6, v4;
	v3 =	vmul.f32 v3, v3;
	v4 =	vld [tilespmem:s15+$0x4B0]  }
0x14c: {  	v6 =	vshll.u32 v5, $0x10;
	v8 =	vld [tilespmem:s24+$0x0]  }
0x14d: {  	s23 =	sor.u32 s20, s23;
	v1 =	vadd.f32 v3, v1;
	v2 =	vmul.f32 v2, v2;
	v3 =	vsub.f32 v9, v6  }
0x14e: {  	v5 =	vand.u32 $0xFFFF0000, v5;
	v6 =	vld [tilespmem:s23+$0x0];
	s23 =	sadd.s32 $0x4700, s16  }
0x14f: {  	v1 =	vadd.f32 v1, v2;
	v2 =	vsub.f32 v7, v5;
	v3 =	vmul.f32 v3, v3;
	v5 =	vld [tilespmem:s15+$0x4C0];
	s24 =	sor.u32 s19, s23  }
0x150: {  	v7 =	vshll.u32 v4, $0x10;
	v9 =	vld [tilespmem:s24+$0x0]  }
0x151: {  	s24 =	sor.u32 s21, s23;
	v1 =	vadd.f32 v3, v1;
	v2 =	vmul.f32 v2, v2;
	v3 =	vsub.f32 v8, v7  }
0x152: {  	v4 =	vand.u32 $0xFFFF0000, v4;
	v7 =	vld [tilespmem:s24+$0x0]  }
0x153: {  	s24 =	sor.u32 s22, s23;
	v1 =	vadd.f32 v1, v2;
	v2 =	vsub.f32 v6, v4;
	v3 =	vmul.f32 v3, v3;
	v4 =	vld [tilespmem:s15+$0x4D0]  }
0x154: {  	v6 =	vshll.u32 v5, $0x10;
	v8 =	vld [tilespmem:s24+$0x0]  }
0x155: {  	s23 =	sor.u32 s20, s23;
	v1 =	vadd.f32 v3, v1;
	v2 =	vmul.f32 v2, v2;
	v3 =	vsub.f32 v9, v6  }
0x156: {  	v5 =	vand.u32 $0xFFFF0000, v5;
	v6 =	vld [tilespmem:s23+$0x0];
	s23 =	sadd.s32 $0x4780, s16  }
0x157: {  	v1 =	vadd.f32 v1, v2;
	v2 =	vsub.f32 v7, v5;
	v3 =	vmul.f32 v3, v3;
	v5 =	vld [tilespmem:s15+$0x4E0];
	s24 =	sor.u32 s19, s23  }
0x158: {  	v7 =	vshll.u32 v4, $0x10;
	v9 =	vld [tilespmem:s24+$0x0]  }
0x159: {  	s24 =	sor.u32 s21, s23;
	v1 =	vadd.f32 v3, v1;
	v2 =	vmul.f32 v2, v2;
	v3 =	vsub.f32 v8, v7  }
0x15a: {  	v4 =	vand.u32 $0xFFFF0000, v4;
	v7 =	vld [tilespmem:s24+$0x0]  }
0x15b: {  	s24 =	sor.u32 s22, s23;
	v1 =	vadd.f32 v1, v2;
	v2 =	vsub.f32 v6, v4;
	v3 =	vmul.f32 v3, v3;
	v4 =	vld [tilespmem:s15+$0x4F0]  }
0x15c: {  	v6 =	vshll.u32 v5, $0x10;
	v8 =	vld [tilespmem:s24+$0x0]  }
0x15d: {  	s23 =	sor.u32 s20, s23;
	v1 =	vadd.f32 v3, v1;
	v2 =	vmul.f32 v2, v2;
	v3 =	vsub.f32 v9, v6  }
0x15e: {  	v5 =	vand.u32 $0xFFFF0000, v5;
	v6 =	vld [tilespmem:s23+$0x0];
	s23 =	sadd.s32 $0x4800, s16  }
0x15f: {  	v1 =	vadd.f32 v1, v2;
	v2 =	vsub.f32 v7, v5;
	v3 =	vmul.f32 v3, v3;
	v5 =	vld [tilespmem:s15+$0x500];
	s24 =	sor.u32 s19, s23  }
0x160: {  	v7 =	vshll.u32 v4, $0x10;
	v9 =	vld [tilespmem:s24+$0x0]  }
0x161: {  	s24 =	sor.u32 s21, s23;
	v1 =	vadd.f32 v3, v1;
	v2 =	vmul.f32 v2, v2;
	v3 =	vsub.f32 v8, v7  }
0x162: {  	v4 =	vand.u32 $0xFFFF0000, v4;
	v7 =	vld [tilespmem:s24+$0x0]  }
0x163: {  	s24 =	sor.u32 s22, s23;
	v1 =	vadd.f32 v1, v2;
	v2 =	vsub.f32 v6, v4;
	v3 =	vmul.f32 v3, v3;
	v4 =	vld [tilespmem:s15+$0x510]  }
0x164: {  	v6 =	vshll.u32 v5, $0x10;
	v8 =	vld [tilespmem:s24+$0x0]  }
0x165: {  	s23 =	sor.u32 s20, s23;
	v1 =	vadd.f32 v3, v1;
	v2 =	vmul.f32 v2, v2;
	v3 =	vsub.f32 v9, v6  }
0x166: {  	v5 =	vand.u32 $0xFFFF0000, v5;
	v6 =	vld [tilespmem:s23+$0x0];
	s23 =	sadd.s32 $0x4880, s16  }
0x167: {  	v1 =	vadd.f32 v1, v2;
	v2 =	vsub.f32 v7, v5;
	v3 =	vmul.f32 v3, v3;
	v5 =	vld [tilespmem:s15+$0x520];
	s24 =	sor.u32 s19, s23  }
0x168: {  	v7 =	vshll.u32 v4, $0x10;
	v9 =	vld [tilespmem:s24+$0x0]  }
0x169: {  	s24 =	sor.u32 s21, s23;
	v1 =	vadd.f32 v3, v1;
	v2 =	vmul.f32 v2, v2;
	v3 =	vsub.f32 v8, v7  }
0x16a: {  	v4 =	vand.u32 $0xFFFF0000, v4;
	v7 =	vld [tilespmem:s24+$0x0]  }
0x16b: {  	s24 =	sor.u32 s22, s23;
	v1 =	vadd.f32 v1, v2;
	v2 =	vsub.f32 v6, v4;
	v3 =	vmul.f32 v3, v3;
	v4 =	vld [tilespmem:s15+$0x530]  }
0x16c: {  	v6 =	vshll.u32 v5, $0x10;
	v8 =	vld [tilespmem:s24+$0x0]  }
0x16d: {  	s23 =	sor.u32 s20, s23;
	v1 =	vadd.f32 v3, v1;
	v2 =	vmul.f32 v2, v2;
	v3 =	vsub.f32 v9, v6  }
0x16e: {  	v5 =	vand.u32 $0xFFFF0000, v5;
	v6 =	vld [tilespmem:s23+$0x0];
	s23 =	sadd.s32 $0x4900, s16  }
0x16f: {  	v1 =	vadd.f32 v1, v2;
	v2 =	vsub.f32 v7, v5;
	v3 =	vmul.f32 v3, v3;
	v5 =	vld [tilespmem:s15+$0x540];
	s24 =	sor.u32 s19, s23  }
0x170: {  	v7 =	vshll.u32 v4, $0x10;
	v9 =	vld [tilespmem:s24+$0x0]  }
0x171: {  	s24 =	sor.u32 s21, s23;
	v1 =	vadd.f32 v3, v1;
	v2 =	vmul.f32 v2, v2;
	v3 =	vsub.f32 v8, v7  }
0x172: {  	v4 =	vand.u32 $0xFFFF0000, v4;
	v7 =	vld [tilespmem:s24+$0x0]  }
0x173: {  	s24 =	sor.u32 s22, s23;
	v1 =	vadd.f32 v1, v2;
	v2 =	vsub.f32 v6, v4;
	v3 =	vmul.f32 v3, v3;
	v4 =	vld [tilespmem:s15+$0x550]  }
0x174: {  	v6 =	vshll.u32 v5, $0x10;
	v8 =	vld [tilespmem:s24+$0x0]  }
0x175: {  	s23 =	sor.u32 s20, s23;
	v1 =	vadd.f32 v3, v1;
	v2 =	vmul.f32 v2, v2;
	v3 =	vsub.f32 v9, v6  }
0x176: {  	v5 =	vand.u32 $0xFFFF0000, v5;
	v6 =	vld [tilespmem:s23+$0x0];
	s23 =	sadd.s32 $0x4980, s16  }
0x177: {  	v1 =	vadd.f32 v1, v2;
	v2 =	vsub.f32 v7, v5;
	v3 =	vmul.f32 v3, v3;
	v5 =	vld [tilespmem:s15+$0x560];
	s24 =	sor.u32 s19, s23  }
0x178: {  	v7 =	vshll.u32 v4, $0x10;
	v9 =	vld [tilespmem:s24+$0x0]  }
0x179: {  	s24 =	sor.u32 s21, s23;
	v1 =	vadd.f32 v3, v1;
	v2 =	vmul.f32 v2, v2;
	v3 =	vsub.f32 v8, v7  }
0x17a: {  	v4 =	vand.u32 $0xFFFF0000, v4;
	v7 =	vld [tilespmem:s24+$0x0]  }
0x17b: {  	s24 =	sor.u32 s22, s23;
	v1 =	vadd.f32 v1, v2;
	v2 =	vsub.f32 v6, v4;
	v3 =	vmul.f32 v3, v3;
	v4 =	vld [tilespmem:s15+$0x570]  }
0x17c: {  	v6 =	vshll.u32 v5, $0x10;
	v8 =	vld [tilespmem:s24+$0x0]  }
0x17d: {  	s23 =	sor.u32 s20, s23;
	v1 =	vadd.f32 v3, v1;
	v2 =	vmul.f32 v2, v2;
	v3 =	vsub.f32 v9, v6  }
0x17e: {  	v5 =	vand.u32 $0xFFFF0000, v5;
	v6 =	vld [tilespmem:s23+$0x0];
	s23 =	sadd.s32 $0x4A00, s16  }
0x17f: {  	v1 =	vadd.f32 v1, v2;
	v2 =	vsub.f32 v7, v5;
	v3 =	vmul.f32 v3, v3;
	v5 =	vld [tilespmem:s15+$0x580];
	s24 =	sor.u32 s19, s23  }
0x180: {  	v7 =	vshll.u32 v4, $0x10;
	v9 =	vld [tilespmem:s24+$0x0]  }
0x181: {  	s24 =	sor.u32 s21, s23;
	v1 =	vadd.f32 v3, v1;
	v2 =	vmul.f32 v2, v2;
	v3 =	vsub.f32 v8, v7  }
0x182: {  	v4 =	vand.u32 $0xFFFF0000, v4;
	v7 =	vld [tilespmem:s24+$0x0]  }
0x183: {  	s24 =	sor.u32 s22, s23;
	v1 =	vadd.f32 v1, v2;
	v2 =	vsub.f32 v6, v4;
	v3 =	vmul.f32 v3, v3;
	v4 =	vld [tilespmem:s15+$0x590]  }
0x184: {  	v6 =	vshll.u32 v5, $0x10;
	v8 =	vld [tilespmem:s24+$0x0]  }
0x185: {  	s23 =	sor.u32 s20, s23;
	v1 =	vadd.f32 v3, v1;
	v2 =	vmul.f32 v2, v2;
	v3 =	vsub.f32 v9, v6  }
0x186: {  	v5 =	vand.u32 $0xFFFF0000, v5;
	v6 =	vld [tilespmem:s23+$0x0];
	s23 =	sadd.s32 $0x4A80, s16  }
0x187: {  	v1 =	vadd.f32 v1, v2;
	v2 =	vsub.f32 v7, v5;
	v3 =	vmul.f32 v3, v3;
	v5 =	vld [tilespmem:s15+$0x5A0];
	s24 =	sor.u32 s19, s23  }
0x188: {  	v7 =	vshll.u32 v4, $0x10;
	v9 =	vld [tilespmem:s24+$0x0]  }
0x189: {  	s24 =	sor.u32 s21, s23;
	v1 =	vadd.f32 v3, v1;
	v2 =	vmul.f32 v2, v2;
	v3 =	vsub.f32 v8, v7  }
0x18a: {  	v4 =	vand.u32 $0xFFFF0000, v4;
	v7 =	vld [tilespmem:s24+$0x0]  }
0x18b: {  	s24 =	sor.u32 s22, s23;
	v1 =	vadd.f32 v1, v2;
	v2 =	vsub.f32 v6, v4;
	v3 =	vmul.f32 v3, v3;
	v4 =	vld [tilespmem:s15+$0x5B0]  }
0x18c: {  	v6 =	vshll.u32 v5, $0x10;
	v8 =	vld [tilespmem:s24+$0x0]  }
0x18d: {  	s23 =	sor.u32 s20, s23;
	v1 =	vadd.f32 v3, v1;
	v2 =	vmul.f32 v2, v2;
	v3 =	vsub.f32 v9, v6  }
0x18e: {  	v5 =	vand.u32 $0xFFFF0000, v5;
	v6 =	vld [tilespmem:s23+$0x0];
	s23 =	sadd.s32 $0x4B00, s16  }
0x18f: {  	v1 =	vadd.f32 v1, v2;
	v2 =	vsub.f32 v7, v5;
	v3 =	vmul.f32 v3, v3;
	v5 =	vld [tilespmem:s15+$0x5C0];
	s24 =	sor.u32 s19, s23  }
0x190: {  	v7 =	vshll.u32 v4, $0x10;
	v9 =	vld [tilespmem:s24+$0x0]  }
0x191: {  	s24 =	sor.u32 s21, s23;
	v1 =	vadd.f32 v3, v1;
	v2 =	vmul.f32 v2, v2;
	v3 =	vsub.f32 v8, v7  }
0x192: {  	v4 =	vand.u32 $0xFFFF0000, v4;
	v7 =	vld [tilespmem:s24+$0x0]  }
0x193: {  	s24 =	sor.u32 s22, s23;
	v1 =	vadd.f32 v1, v2;
	v2 =	vsub.f32 v6, v4;
	v3 =	vmul.f32 v3, v3;
	v4 =	vld [tilespmem:s15+$0x5D0]  }
0x194: {  	v6 =	vshll.u32 v5, $0x10;
	v8 =	vld [tilespmem:s24+$0x0]  }
0x195: {  	s23 =	sor.u32 s20, s23;
	v1 =	vadd.f32 v3, v1;
	v2 =	vmul.f32 v2, v2;
	v3 =	vsub.f32 v9, v6  }
0x196: {  	v5 =	vand.u32 $0xFFFF0000, v5;
	v6 =	vld [tilespmem:s23+$0x0];
	s23 =	sadd.s32 $0x4B80, s16  }
0x197: {  	v1 =	vadd.f32 v1, v2;
	v5 =	vsub.f32 v7, v5;
	v3 =	vmul.f32 v3, v3;
	v2 =	vld [tilespmem:s15+$0x5E0];
	s16 =	sor.u32 s19, s23  }
0x198: {  	v7 =	vshll.u32 v4, $0x10;
	v9 =	vld [tilespmem:s16+$0x0]  }
.Ltmp0:
0x199: {  	s16 =	sor.u32 s21, s23;
	v1 =	vadd.f32 v3, v1;
	v5 =	vmul.f32 v5, v5;
	v7 =	vsub.f32 v8, v7;
	(pc) =	sbr.rel @p0 .LBB2_2-.Ltmp0, $4  }
0x19a: {  	v4 =	vand.u32 $0xFFFF0000, v4;
	v3 =	vld [tilespmem:s16+$0x0]  }
0x19b: {  	s16 =	sor.u32 s22, s23;
	v5 =	vadd.f32 v1, v5;
	v6 =	vsub.f32 v6, v4;
	v7 =	vmul.f32 v7, v7;
	v1 =	vld [tilespmem:s15+$0x5F0]  }
0x19c: {  	s17 =	sadd.s32 $0x4, s17;
	s15 =	sshra.s32 s18, $0x2;
	v8 =	vshll.u32 v2, $0x10;
	v4 =	vld [tilespmem:s16+$0x0]  }
0x19d: {  	s20 =	sor.u32 s20, s23;
	s16 =	sand.u32 $0x7800, s18;
	s18 =	sadd.s32 $0x800, s18;
	v5 =	vadd.f32 v7, v5;
	v7 =	vmul.f32 v6, v6;
	v6 =	vsub.f32 v9, v8  }
0x19e: {  	s17 =	sand.u32 $0x40, s17;
	s21 =	sadd.s32 $0x4400, s16;
	v2 =	vand.u32 $0xFFFF0000, v2;
	v8 =	vld [tilespmem:s20+$0x0]  }
0x19f: {  	v9 =	vld [tilespmem:s15+$0x400];
	s18 =	sor.u32 s17, s21;
	v5 =	vadd.f32 v5, v7;
	v2 =	vsub.f32 v3, v2;
	v3 =	vmul.f32 v6, v6  }
0x1a0: {  	v40 =	vld [tilespmem:s18+$0x0];
	s18 =	sor.u32 $0x20, s17;
	v41 =	vshll.u32 v1, $0x10  }
0x1a1: {  	s19 =	sor.u32 s18, s21;
	v3 =	vadd.f32 v3, v5;
	v2 =	vmul.f32 v2, v2;
	v4 =	vsub.f32 v4, v41  }
0x1a2: {  	v1 =	vand.u32 $0xFFFF0000, v1;
	v42 =	vld [tilespmem:s19+$0x0];
	s19 =	sor.u32 $0x10, s17  }
0x1a3: {  	v43 =	vld [tilespmem:s15+$0x410];
	s28 =	sor.u32 s19, s21;
	v2 =	vadd.f32 v3, v2;
	v1 =	vsub.f32 v8, v1;
	v3 =	vmul.f32 v4, v4  }
0x1a4: {  	s20 =	sor.u32 $0x30, s17;
	v44 =	vshll.u32 v9, $0x10;
	v45 =	vld [tilespmem:s28+$0x0]  }
0x1a5: {  	s21 =	sor.u32 s20, s21;
	v4 =	vsub.f32 v40, v44;
	v2 =	vadd.f32 v3, v2;
	v1 =	vmul.f32 v1, v1  }
0x1a6: {  	s29 =	sadd.s32 $0x4480, s16;
	v46 =	vld [tilespmem:s21+$0x0];
	v3 =	vand.u32 $0xFFFF0000, v9  }
0x1a7: {  	v47 =	vld [tilespmem:s15+$0x420];
	s22 =	sor.u32 s17, s29;
	v3 =	vsub.f32 v42, v3;
	v4 =	vmul.f32 v4, v4;
	v1 =	vadd.f32 v2, v1  }
0x1a8: {  	v48 =	vld [tilespmem:s22+$0x0];
	v2 =	vshll.u32 v43, $0x10  }
0x1a9: {  	s30 =	sor.u32 s18, s29;
	v1 =	vadd.f32 v4, v1;
	v3 =	vmul.f32 v3, v3;
	v2 =	vsub.f32 v45, v2  }
0x1aa: {  	v50 =	vld [tilespmem:s30+$0x0];
	v49 =	vand.u32 $0xFFFF0000, v43  }
0x1ab: {  	v51 =	vld [tilespmem:s15+$0x430];
	s31 =	sor.u32 s19, s29;
	v1 =	vadd.f32 v1, v3;
	v3 =	vsub.f32 v46, v49;
	v2 =	vmul.f32 v2, v2  }
0x1ac: {  	v52 =	vshll.u32 v47, $0x10;
	v53 =	vld [tilespmem:s31+$0x0]  }
0x1ad: {  	s21 =	sor.u32 s20, s29;
	v1 =	vadd.f32 v2, v1;
	v2 =	vmul.f32 v3, v3;
	v3 =	vsub.f32 v48, v52  }
0x1ae: {  	s23 =	sadd.s32 $0x4500, s16;
	v5 =	vand.u32 $0xFFFF0000, v47;
	v54 =	vld [tilespmem:s21+$0x0]  }
0x1af: {  	v55 =	vld [tilespmem:s15+$0x440];
	s24 =	sor.u32 s17, s23;
	v1 =	vadd.f32 v1, v2;
	v2 =	vsub.f32 v50, v5;
	v3 =	vmul.f32 v3, v3  }
0x1b0: {  	v57 =	vld [tilespmem:s24+$0x0];
	v56 =	vshll.u32 v51, $0x10  }
0x1b1: {  	s25 =	sor.u32 s18, s23;
	v1 =	vadd.f32 v3, v1;
	v2 =	vmul.f32 v2, v2;
	v3 =	vsub.f32 v53, v56  }
0x1b2: {  	v58 =	vld [tilespmem:s25+$0x0];
	v4 =	vand.u32 $0xFFFF0000, v51  }
0x1b3: {  	v59 =	vld [tilespmem:s15+$0x450];
	s26 =	sor.u32 s19, s23;
	v1 =	vadd.f32 v1, v2;
	v2 =	vsub.f32 v54, v4;
	v3 =	vmul.f32 v3, v3  }
0x1b4: {  	v60 =	vshll.u32 v55, $0x10;
	v61 =	vld [tilespmem:s26+$0x0]  }
0x1b5: {  	s21 =	sor.u32 s20, s23;
	v1 =	vadd.f32 v3, v1;
	v2 =	vmul.f32 v2, v2;
	v3 =	vsub.f32 v57, v60  }
0x1b6: {  	s28 =	sadd.s32 $0x4580, s16;
	v62 =	vld [tilespmem:s21+$0x0];
	v5 =	vand.u32 $0xFFFF0000, v55  }
0x1b7: {  	v63 =	vld [tilespmem:s15+$0x460];
	s29 =	sor.u32 s17, s28;
	v1 =	vadd.f32 v1, v2;
	v2 =	vsub.f32 v58, v5;
	v3 =	vmul.f32 v3, v3  }
0x1b8: {  	v12 =	vshll.u32 v59, $0x10;
	v13 =	vld [tilespmem:s29+$0x0]  }
0x1b9: {  	s30 =	sor.u32 s18, s28;
	v1 =	vadd.f32 v3, v1;
	v2 =	vmul.f32 v2, v2;
	v3 =	vsub.f32 v61, v12  }
0x1ba: {  	v14 =	vld [tilespmem:s30+$0x0];
	v4 =	vand.u32 $0xFFFF0000, v59  }
0x1bb: {  	v15 =	vld [tilespmem:s15+$0x470];
	s31 =	sor.u32 s19, s28;
	v1 =	vadd.f32 v1, v2;
	v2 =	vsub.f32 v62, v4;
	v3 =	vmul.f32 v3, v3  }
0x1bc: {  	v16 =	vshll.u32 v63, $0x10;
	v17 =	vld [tilespmem:s31+$0x0]  }
0x1bd: {  	s21 =	sor.u32 s20, s28;
	v1 =	vadd.f32 v3, v1;
	v2 =	vmul.f32 v2, v2;
	v3 =	vsub.f32 v13, v16  }
0x1be: {  	s23 =	sadd.s32 $0x4600, s16;
	v18 =	vld [tilespmem:s21+$0x0];
	v5 =	vand.u32 $0xFFFF0000, v63  }
0x1bf: {  	v19 =	vld [tilespmem:s15+$0x480];
	s24 =	sor.u32 s17, s23;
	v1 =	vadd.f32 v1, v2;
	v2 =	vsub.f32 v14, v5;
	v3 =	vmul.f32 v3, v3  }
0x1c0: {  	v20 =	vshll.u32 v15, $0x10;
	v21 =	vld [tilespmem:s24+$0x0]  }
0x1c1: {  	s25 =	sor.u32 s18, s23;
	v1 =	vadd.f32 v3, v1;
	v2 =	vmul.f32 v2, v2;
	v3 =	vsub.f32 v17, v20  }
0x1c2: {  	v22 =	vld [tilespmem:s25+$0x0];
	v4 =	vand.u32 $0xFFFF0000, v15  }
0x1c3: {  	v23 =	vld [tilespmem:s15+$0x490];
	s26 =	sor.u32 s19, s23;
	v1 =	vadd.f32 v1, v2;
	v2 =	vsub.f32 v18, v4;
	v3 =	vmul.f32 v3, v3  }
0x1c4: {  	v24 =	vshll.u32 v19, $0x10;
	v25 =	vld [tilespmem:s26+$0x0]  }
0x1c5: {  	s21 =	sor.u32 s20, s23;
	v1 =	vadd.f32 v3, v1;
	v2 =	vmul.f32 v2, v2;
	v3 =	vsub.f32 v21, v24  }
0x1c6: {  	s28 =	sadd.s32 $0x4680, s16;
	v26 =	vld [tilespmem:s21+$0x0];
	v5 =	vand.u32 $0xFFFF0000, v19  }
0x1c7: {  	v27 =	vld [tilespmem:s15+$0x4A0];
	s29 =	sor.u32 s17, s28;
	v1 =	vadd.f32 v1, v2;
	v2 =	vsub.f32 v22, v5;
	v3 =	vmul.f32 v3, v3  }
0x1c8: {  	v28 =	vshll.u32 v23, $0x10;
	v29 =	vld [tilespmem:s29+$0x0]  }
0x1c9: {  	s30 =	sor.u32 s18, s28;
	v1 =	vadd.f32 v3, v1;
	v2 =	vmul.f32 v2, v2;
	v3 =	vsub.f32 v25, v28  }
0x1ca: {  	v30 =	vld [tilespmem:s30+$0x0];
	v4 =	vand.u32 $0xFFFF0000, v23  }
0x1cb: {  	v31 =	vld [tilespmem:s15+$0x4B0];
	s31 =	sor.u32 s19, s28;
	v1 =	vadd.f32 v1, v2;
	v2 =	vsub.f32 v26, v4;
	v3 =	vmul.f32 v3, v3  }
0x1cc: {  	v32 =	vshll.u32 v27, $0x10;
	v33 =	vld [tilespmem:s31+$0x0]  }
0x1cd: {  	s21 =	sor.u32 s20, s28;
	v1 =	vadd.f32 v3, v1;
	v2 =	vmul.f32 v2, v2;
	v3 =	vsub.f32 v29, v32  }
0x1ce: {  	s23 =	sadd.s32 $0x4700, s16;
	v34 =	vld [tilespmem:s21+$0x0];
	v5 =	vand.u32 $0xFFFF0000, v27  }
0x1cf: {  	v35 =	vld [tilespmem:s15+$0x4C0];
	s24 =	sor.u32 s17, s23;
	v1 =	vadd.f32 v1, v2;
	v2 =	vsub.f32 v30, v5;
	v3 =	vmul.f32 v3, v3  }
0x1d0: {  	v36 =	vshll.u32 v31, $0x10;
	v37 =	vld [tilespmem:s24+$0x0]  }
0x1d1: {  	s25 =	sor.u32 s18, s23;
	v1 =	vadd.f32 v3, v1;
	v2 =	vmul.f32 v2, v2;
	v3 =	vsub.f32 v33, v36  }
0x1d2: {  	v38 =	vld [tilespmem:s25+$0x0];
	v4 =	vand.u32 $0xFFFF0000, v31  }
0x1d3: {  	v39 =	vld [tilespmem:s15+$0x4D0];
	s26 =	sor.u32 s19, s23;
	v1 =	vadd.f32 v1, v2;
	v2 =	vsub.f32 v34, v4;
	v3 =	vmul.f32 v3, v3  }
0x1d4: {  	v40 =	vshll.u32 v35, $0x10;
	v41 =	vld [tilespmem:s26+$0x0]  }
0x1d5: {  	s21 =	sor.u32 s20, s23;
	v1 =	vadd.f32 v3, v1;
	v2 =	vmul.f32 v2, v2;
	v3 =	vsub.f32 v37, v40  }
0x1d6: {  	s28 =	sadd.s32 $0x4780, s16;
	v42 =	vld [tilespmem:s21+$0x0];
	v5 =	vand.u32 $0xFFFF0000, v35  }
0x1d7: {  	v43 =	vld [tilespmem:s15+$0x4E0];
	s29 =	sor.u32 s17, s28;
	v1 =	vadd.f32 v1, v2;
	v2 =	vsub.f32 v38, v5;
	v3 =	vmul.f32 v3, v3  }
0x1d8: {  	v44 =	vshll.u32 v39, $0x10;
	v45 =	vld [tilespmem:s29+$0x0]  }
0x1d9: {  	s30 =	sor.u32 s18, s28;
	v1 =	vadd.f32 v3, v1;
	v2 =	vmul.f32 v2, v2;
	v3 =	vsub.f32 v41, v44  }
0x1da: {  	v46 =	vld [tilespmem:s30+$0x0];
	v4 =	vand.u32 $0xFFFF0000, v39  }
0x1db: {  	v47 =	vld [tilespmem:s15+$0x4F0];
	s31 =	sor.u32 s19, s28;
	v1 =	vadd.f32 v1, v2;
	v2 =	vsub.f32 v42, v4;
	v3 =	vmul.f32 v3, v3  }
0x1dc: {  	v49 =	vld [tilespmem:s31+$0x0];
	v48 =	vshll.u32 v43, $0x10  }
0x1dd: {  	s21 =	sor.u32 s20, s28;
	v1 =	vadd.f32 v3, v1;
	v2 =	vmul.f32 v2, v2;
	v3 =	vsub.f32 v45, v48  }
0x1de: {  	s23 =	sadd.s32 $0x4800, s16;
	v50 =	vld [tilespmem:s21+$0x0];
	v5 =	vand.u32 $0xFFFF0000, v43  }
0x1df: {  	v51 =	vld [tilespmem:s15+$0x500];
	s24 =	sor.u32 s17, s23;
	v1 =	vadd.f32 v1, v2;
	v2 =	vsub.f32 v46, v5;
	v3 =	vmul.f32 v3, v3  }
0x1e0: {  	v52 =	vshll.u32 v47, $0x10;
	v53 =	vld [tilespmem:s24+$0x0]  }
0x1e1: {  	s25 =	sor.u32 s18, s23;
	v1 =	vadd.f32 v3, v1;
	v2 =	vmul.f32 v2, v2;
	v3 =	vsub.f32 v49, v52  }
0x1e2: {  	v54 =	vld [tilespmem:s25+$0x0];
	v4 =	vand.u32 $0xFFFF0000, v47  }
0x1e3: {  	s26 =	sor.u32 s19, s23;
	v55 =	vld [tilespmem:s15+$0x510];
	v1 =	vadd.f32 v1, v2;
	v2 =	vsub.f32 v50, v4;
	v3 =	vmul.f32 v3, v3  }
0x1e4: {  	v56 =	vshll.u32 v51, $0x10;
	v57 =	vld [tilespmem:s26+$0x0]  }
0x1e5: {  	s21 =	sor.u32 s20, s23;
	v1 =	vadd.f32 v3, v1;
	v2 =	vmul.f32 v2, v2;
	v3 =	vsub.f32 v53, v56  }
0x1e6: {  	s28 =	sadd.s32 $0x4880, s16;
	v58 =	vld [tilespmem:s21+$0x0];
	v5 =	vand.u32 $0xFFFF0000, v51  }
0x1e7: {  	s29 =	sor.u32 s17, s28;
	v59 =	vld [tilespmem:s15+$0x520];
	v1 =	vadd.f32 v1, v2;
	v2 =	vsub.f32 v54, v5;
	v3 =	vmul.f32 v3, v3  }
0x1e8: {  	v60 =	vshll.u32 v55, $0x10;
	v61 =	vld [tilespmem:s29+$0x0]  }
0x1e9: {  	s30 =	sor.u32 s18, s28;
	v1 =	vadd.f32 v3, v1;
	v2 =	vmul.f32 v2, v2;
	v3 =	vsub.f32 v57, v60  }
0x1ea: {  	v62 =	vld [tilespmem:s30+$0x0];
	v4 =	vand.u32 $0xFFFF0000, v55  }
0x1eb: {  	s31 =	sor.u32 s19, s28;
	v63 =	vld [tilespmem:s15+$0x530];
	v1 =	vadd.f32 v1, v2;
	v2 =	vsub.f32 v58, v4;
	v3 =	vmul.f32 v3, v3  }
0x1ec: {  	v12 =	vshll.u32 v59, $0x10;
	v13 =	vld [tilespmem:s31+$0x0]  }
0x1ed: {  	s21 =	sor.u32 s20, s28;
	v1 =	vadd.f32 v3, v1;
	v2 =	vmul.f32 v2, v2;
	v3 =	vsub.f32 v61, v12  }
0x1ee: {  	s23 =	sadd.s32 $0x4900, s16;
	v14 =	vld [tilespmem:s21+$0x0];
	v5 =	vand.u32 $0xFFFF0000, v59  }
0x1ef: {  	s24 =	sor.u32 s17, s23;
	v15 =	vld [tilespmem:s15+$0x540];
	v1 =	vadd.f32 v1, v2;
	v2 =	vsub.f32 v62, v5;
	v3 =	vmul.f32 v3, v3  }
0x1f0: {  	v16 =	vshll.u32 v63, $0x10;
	v17 =	vld [tilespmem:s24+$0x0]  }
0x1f1: {  	s25 =	sor.u32 s18, s23;
	v1 =	vadd.f32 v3, v1;
	v2 =	vmul.f32 v2, v2;
	v3 =	vsub.f32 v13, v16  }
0x1f2: {  	v18 =	vld [tilespmem:s25+$0x0];
	v4 =	vand.u32 $0xFFFF0000, v63  }
0x1f3: {  	s26 =	sor.u32 s19, s23;
	v19 =	vld [tilespmem:s15+$0x550];
	v1 =	vadd.f32 v1, v2;
	v2 =	vsub.f32 v14, v4;
	v3 =	vmul.f32 v3, v3  }
0x1f4: {  	v20 =	vshll.u32 v15, $0x10;
	v21 =	vld [tilespmem:s26+$0x0]  }
0x1f5: {  	s21 =	sor.u32 s20, s23;
	v1 =	vadd.f32 v3, v1;
	v2 =	vmul.f32 v2, v2;
	v3 =	vsub.f32 v17, v20  }
0x1f6: {  	s28 =	sadd.s32 $0x4980, s16;
	v22 =	vld [tilespmem:s21+$0x0];
	v5 =	vand.u32 $0xFFFF0000, v15  }
0x1f7: {  	s29 =	sor.u32 s17, s28;
	v23 =	vld [tilespmem:s15+$0x560];
	v1 =	vadd.f32 v1, v2;
	v2 =	vsub.f32 v18, v5;
	v3 =	vmul.f32 v3, v3  }
0x1f8: {  	v24 =	vshll.u32 v19, $0x10;
	v25 =	vld [tilespmem:s29+$0x0]  }
0x1f9: {  	s30 =	sor.u32 s18, s28;
	v1 =	vadd.f32 v3, v1;
	v2 =	vmul.f32 v2, v2;
	v3 =	vsub.f32 v21, v24  }
0x1fa: {  	v26 =	vld [tilespmem:s30+$0x0];
	v4 =	vand.u32 $0xFFFF0000, v19  }
0x1fb: {  	s31 =	sor.u32 s19, s28;
	v27 =	vld [tilespmem:s15+$0x570];
	v1 =	vadd.f32 v1, v2;
	v2 =	vsub.f32 v22, v4;
	v3 =	vmul.f32 v3, v3  }
0x1fc: {  	v28 =	vshll.u32 v23, $0x10;
	v29 =	vld [tilespmem:s31+$0x0]  }
0x1fd: {  	s21 =	sor.u32 s20, s28;
	v1 =	vadd.f32 v3, v1;
	v2 =	vmul.f32 v2, v2;
	v3 =	vsub.f32 v25, v28  }
0x1fe: {  	s23 =	sadd.s32 $0x4A00, s16;
	v30 =	vld [tilespmem:s21+$0x0];
	v5 =	vand.u32 $0xFFFF0000, v23  }
0x1ff: {  	s24 =	sor.u32 s17, s23;
	v31 =	vld [tilespmem:s15+$0x580];
	v1 =	vadd.f32 v1, v2;
	v2 =	vsub.f32 v26, v5;
	v3 =	vmul.f32 v3, v3  }
0x200: {  	v32 =	vshll.u32 v27, $0x10;
	v33 =	vld [tilespmem:s24+$0x0]  }
0x201: {  	s25 =	sor.u32 s18, s23;
	v1 =	vadd.f32 v3, v1;
	v2 =	vmul.f32 v2, v2;
	v3 =	vsub.f32 v29, v32  }
0x202: {  	v34 =	vld [tilespmem:s25+$0x0];
	v4 =	vand.u32 $0xFFFF0000, v27  }
0x203: {  	s26 =	sor.u32 s19, s23;
	v35 =	vld [tilespmem:s15+$0x590];
	v1 =	vadd.f32 v1, v2;
	v2 =	vsub.f32 v30, v4;
	v3 =	vmul.f32 v3, v3  }
0x204: {  	v36 =	vshll.u32 v31, $0x10;
	v37 =	vld [tilespmem:s26+$0x0]  }
0x205: {  	s21 =	sor.u32 s20, s23;
	v1 =	vadd.f32 v3, v1;
	v2 =	vmul.f32 v2, v2;
	v3 =	vsub.f32 v33, v36  }
0x206: {  	s28 =	sadd.s32 $0x4A80, s16;
	v38 =	vld [tilespmem:s21+$0x0];
	v5 =	vand.u32 $0xFFFF0000, v31  }
0x207: {  	s29 =	sor.u32 s17, s28;
	v39 =	vld [tilespmem:s15+$0x5A0];
	v1 =	vadd.f32 v1, v2;
	v2 =	vsub.f32 v34, v5;
	v3 =	vmul.f32 v3, v3  }
0x208: {  	v40 =	vshll.u32 v35, $0x10;
	v41 =	vld [tilespmem:s29+$0x0]  }
0x209: {  	s30 =	sor.u32 s18, s28;
	v1 =	vadd.f32 v3, v1;
	v2 =	vmul.f32 v2, v2;
	v3 =	vsub.f32 v37, v40  }
0x20a: {  	v42 =	vld [tilespmem:s30+$0x0];
	v4 =	vand.u32 $0xFFFF0000, v35  }
0x20b: {  	s31 =	sor.u32 s19, s28;
	v43 =	vld [tilespmem:s15+$0x5B0];
	v1 =	vadd.f32 v1, v2;
	v2 =	vsub.f32 v38, v4;
	v3 =	vmul.f32 v3, v3  }
0x20c: {  	v44 =	vshll.u32 v39, $0x10;
	v45 =	vld [tilespmem:s31+$0x0]  }
0x20d: {  	s21 =	sor.u32 s20, s28;
	v1 =	vadd.f32 v3, v1;
	v2 =	vmul.f32 v2, v2;
	v3 =	vsub.f32 v41, v44  }
0x20e: {  	s23 =	sadd.s32 $0x4B00, s16;
	v46 =	vld [tilespmem:s21+$0x0];
	v5 =	vand.u32 $0xFFFF0000, v39  }
0x20f: {  	s24 =	sor.u32 s17, s23;
	v47 =	vld [tilespmem:s15+$0x5C0];
	v1 =	vadd.f32 v1, v2;
	v2 =	vsub.f32 v42, v5;
	v3 =	vmul.f32 v3, v3  }
0x210: {  	v48 =	vshll.u32 v43, $0x10;
	v49 =	vld [tilespmem:s24+$0x0]  }
0x211: {  	s25 =	sor.u32 s18, s23;
	v1 =	vadd.f32 v3, v1;
	v2 =	vmul.f32 v2, v2;
	v3 =	vsub.f32 v45, v48  }
0x212: {  	v50 =	vld [tilespmem:s25+$0x0];
	v4 =	vand.u32 $0xFFFF0000, v43  }
0x213: {  	s26 =	sor.u32 s19, s23;
	v51 =	vld [tilespmem:s15+$0x5D0];
	v1 =	vadd.f32 v1, v2;
	v2 =	vsub.f32 v46, v4;
	v3 =	vmul.f32 v3, v3  }
0x214: {  	v52 =	vshll.u32 v47, $0x10;
	v53 =	vld [tilespmem:s26+$0x0]  }
0x215: {  	s21 =	sor.u32 s20, s23;
	v1 =	vadd.f32 v3, v1;
	v2 =	vmul.f32 v2, v2;
	v3 =	vsub.f32 v49, v52  }
0x216: {  	s28 =	sadd.s32 $0x4B80, s16;
	v54 =	vld [tilespmem:s21+$0x0];
	v5 =	vand.u32 $0xFFFF0000, v47  }
0x217: {  	s17 =	sor.u32 s17, s28;
	v55 =	vld [tilespmem:s15+$0x5E0];
	v1 =	vadd.f32 v1, v2;
	v2 =	vsub.f32 v50, v5;
	v3 =	vmul.f32 v3, v3  }
0x218: {  	v56 =	vshll.u32 v51, $0x10;
	v57 =	vld [tilespmem:s17+$0x0]  }
0x219: {  	s29 =	sor.u32 s18, s28;
	v1 =	vadd.f32 v3, v1;
	v2 =	vmul.f32 v2, v2;
	v3 =	vsub.f32 v53, v56  }
0x21a: {  	v58 =	vld [tilespmem:s29+$0x0];
	v4 =	vand.u32 $0xFFFF0000, v51  }
0x21b: {  	s30 =	sor.u32 s19, s28;
	v59 =	vld [tilespmem:s15+$0x5F0];
	v1 =	vadd.f32 v1, v2;
	v2 =	vsub.f32 v54, v4;
	v3 =	vmul.f32 v3, v3  }
0x21c: {  	v60 =	vshll.u32 v55, $0x10;
	v61 =	vld [tilespmem:s30+$0x0]  }
0x21d: {  	s31 =	sor.u32 s20, s28;
	v1 =	vadd.f32 v3, v1;
	v2 =	vmul.f32 v2, v2;
	v3 =	vsub.f32 v57, v60  }
0x21e: {  	v62 =	vld [tilespmem:s31+$0x0];
	v5 =	vand.u32 $0xFFFF0000, v55  }
0x21f: {  	v1 =	vadd.f32 v1, v2;
	v2 =	vsub.f32 v58, v5;
	v3 =	vmul.f32 v3, v3  }
0x220: {  	v63 =	vshll.u32 v59, $0x10  }
0x221: {  	v1 =	vadd.f32 v3, v1;
	v2 =	vmul.f32 v2, v2;
	v3 =	vsub.f32 v61, v63  }
0x222: {  	v4 =	vand.u32 $0xFFFF0000, v59  }
0x223: {  	v1 =	vadd.f32 v1, v2;
	v2 =	vsub.f32 v62, v4;
	v3 =	vmul.f32 v3, v3;
	_ =	sdelay $0x1  }
0x224: {  	v1 =	vadd.f32 v3, v1;
	v2 =	vmul.f32 v2, v2;
	_ =	sdelay $0x1  }
0x225: {  	s14 =	sadd.s32 $0x1, s14;
	v1 =	vadd.f32 v1, v2  }
0x226: {  	p0 =	sne.s32 s14, s7  }
.Ltmp1:
0x227: {  	[tilespmem:$0xC400] =	vst v1;
	(pc) =	sbr.rel @p0 .LBB2_1-.Ltmp1, $4  }
0x228: {  	[hbm4b:s6+s2] =	stream.linear.scatter [tilespmem:s13], [sflag:$0x2], $0x10, $0x38;
	[tilespmem:$0xC410] =	vst v63  }
0x229: {  	_ =	swait.ge [sflag:s8], $0x10  }
0x22a: {  	[sflag:s8] =	ssyncset.done $0x0  }
0x22b: {  	[sflag:s8] =	ssyncadd.s32 $0xFFFFFFF0  }
0x22c: {  	_ =	sfence.sel $0x180000  }
0x22d: {  	[bflag:$0x0] =	sbarrier.arrive $0xFFFF  }
0x22e: {  	p0 =	sne.s32 s1, $0x0;
	_ =	strace $0x90000047  }
0x22f: {  	s0 =	sadd.s32 @!p0 $0x100000, s0;
	[bflag:$0x2] =	sbarrier.arrive $0xFFFF  }
0x230: {  	[sflag:s0] =	ssyncadd.tile.s32 @!p0 $0x1;
	_ =	shalt  }
.Lfunc_end2:
_tile_overlayer_lowered:
.L_overlay_start_2:
0x231: {  	(tag) =	ssettag $0x2  }
0x232: {  	s0 =	rddreg [dreg:$0x0];
	s2 =	stileid.u32  }
0x233: {  	s1 =	rddreg [dreg:$0x1];
	p0 =	sne.s32 s2, $0x0  }
0x234: {  	s3 =	rddreg [dreg:$0x2];
	[bflag:$0x3] =	sbarrier.arrive $0xFFFF;
	s2 =	simm.s32 @!p0 $0x1C02  }
0x235: {  	[timem:s3], [sflag:s2] =	dma.local @!p0 [hbm:s0], s1  }
0x236: {  	s0 =	simm.s32 @!p0 $0x2  }
0x237: {  	_ =	swait.ge @!p0 [sflag:s0], s1  }
0x238: {  	s1 =	ssub.s32 @!p0 $0x0, s1;
	[sflag:s0] =	ssyncset.done @!p0 $0x0  }
0x239: {  	[sflag:s0] =	ssyncadd.s32 @!p0 s1  }
0x23a: {  	[bflag:$0x3] =	sbarrier.arrive $0xFFFF  }
0x23b: {  	_ =	shalt  }

</sc_bundles>
